<compile_context>
chip_gen: v7x
topology: tpu7x:2x2x1
jax: 0.10.2.dev20260603
libtpu: 0.0.44.dev20260713+nightly
codegen_flags: <defaults>
</compile_context>

<pallas_src>
import functools

import jax
import jax.numpy as jnp
from jax import lax
from jax.experimental import pallas as pl
from jax.experimental.pallas import tpu as pltpu
from jax.experimental.pallas import tpu_sc as plsc


@functools.lru_cache(maxsize=None)
def _make_gather(B, H, D, R):
    info = plsc.get_sparse_core_info()
    NC = info.num_cores
    NW = NC * info.num_subcores
    assert B % (NW * R) == 0
    rows_per_w = B // NW
    n_chunks = rows_per_w // R
    assert n_chunks >= 2 and n_chunks % 2 == 0
    mesh = plsc.VectorSubcoreMesh(core_axis_name="c", subcore_axis_name="s")

    @functools.partial(
        pl.kernel,
        mesh=mesh,
        out_type=jax.ShapeDtypeStruct((B, H, D), jnp.float32),
        scratch_types=[
            pltpu.VMEM((2, R, H), jnp.int32),
            pltpu.VMEM((2, R, H, D), jnp.float32),
            pltpu.SemaphoreType.DMA,
            pltpu.SemaphoreType.DMA,
            pltpu.SemaphoreType.DMA,
            pltpu.SemaphoreType.DMA,
        ],
        compiler_params=pltpu.CompilerParams(use_tc_tiling_on_sc=False),
    )
    def gather_kernel(idx_hbm, table_hbm, out_hbm, idx_v, rows_v,
                      gsem0, gsem1, ssem0, ssem1):
        gsems = (gsem0, gsem1)
        ssems = (ssem0, ssem1)
        wid = lax.axis_index("s") * NC + lax.axis_index("c")
        base = wid * rows_per_w

        def stage_idx(g, b):
            pltpu.sync_copy(idx_hbm.at[pl.ds(base + g * R, R)], idx_v.at[b])

        def row_gather(b, i):
            return pltpu.make_async_copy(
                table_hbm.at[idx_v.at[b, i]], rows_v.at[b, i], gsems[b])

        def start_gathers(b):
            for i in range(R):
                row_gather(b, i).start()

        def wait_gathers(b):
            for i in range(R):
                row_gather(b, i).wait()

        def store(g, b):
            return pltpu.make_async_copy(
                rows_v.at[b], out_hbm.at[pl.ds(base + g * R, R)], ssems[b])

        for b in range(2):
            stage_idx(b, b)
            start_gathers(b)

        @pl.loop(0, n_chunks - 2, step=2)
        def _chunks(g0):
            for b in range(2):
                g = g0 + b
                wait_gathers(b)
                store(g, b).start()
                store(g, b).wait()
                stage_idx(g + 2, b)
                start_gathers(b)

        for b in range(2):
            g = n_chunks - 2 + b
            wait_gathers(b)
            store(g, b).start()
        for b in range(2):
            store(n_chunks - 2 + b, b).wait()

    return gather_kernel


def kernel(indices, table):
    B, H = indices.shape
    V, D = table.shape
    table_r = jnp.pad(table, ((0, 0), (0, 128 - D))).reshape(4 * V, D)
    idx4 = indices.astype(jnp.int32) * 4
    return _make_gather(B, H, D, 16)(idx4, table_r)

# --- scband reference (transcript-rebuilt; emitter-appended) ---
"""Pipeline reference for scband-word-encoder-6408091206133 (READ-ONLY COPY).

The authoritative reference and input builder live on the scoring server;
editing this copy changes nothing except your own understanding.
"""

import jax, jax.numpy as jnp
import numpy as np

VOCAB = 1000000
DIM = 32
PAD_ID = 0
BATCH = 16384
HIST = 50


def setup_inputs(seed: int = 0) -> dict:
    key = jax.random.key(seed)
    k1, k2 = jax.random.split(key)
    table = jax.random.normal(k1, (VOCAB, DIM), dtype=jnp.float32)
    # padding_idx row is initialized to zeros in nn.Embedding
    table = table.at[PAD_ID].set(0.0)
    indices = jax.random.randint(k2, (BATCH, HIST), 0, VOCAB, dtype=jnp.int64 if jax.config.jax_enable_x64 else jnp.int32)
    return {"indices": indices, "table": table}


def reference(indices, table):
    # WordEncoder forward: spm_embedding lookup (nn.Embedding with padding_idx)
    # forward is a plain gather; padding row is zero in the table.
    return jnp.take(table, indices, axis=0)

if __name__ == "__main__":
    import jax
    _d = setup_inputs()
    print(jax.jit(kernel)(*tuple(_d.values())))

</pallas_src>

<mosaic_0001>
#map = affine_map<(d0, d1) -> (0, 0)>
#map1 = affine_map<(d0, d1) -> (0, 0, 0)>
module attributes {stable_mosaic.version = 14 : i64} {
  func.func @gather_kernel(%arg0: i32, %arg1: i32, %arg2: memref<16384x50xi32, #tpu.memory_space<hbm>>, %arg3: memref<4000000x32xf32, #tpu.memory_space<hbm>>, %arg4: memref<16384x50x32xf32, #tpu.memory_space<hbm>>, %arg5: memref<2x16x50xi32, #tpu.memory_space<vmem>>, %arg6: memref<2x16x50x32xf32, #tpu.memory_space<vmem>>, %arg7: memref<!tpu.dma_semaphore, #tpu.memory_space<semaphore_mem>>, %arg8: memref<!tpu.dma_semaphore, #tpu.memory_space<semaphore_mem>>, %arg9: memref<!tpu.dma_semaphore, #tpu.memory_space<semaphore_mem>>, %arg10: memref<!tpu.dma_semaphore, #tpu.memory_space<semaphore_mem>>) attributes {dimension_semantics = [#tpu.dimension_semantics<core_parallel>, #tpu.dimension_semantics<subcore_parallel>], iteration_bounds = array<i64: 2, 16>, scalar_prefetch = 0 : i64, scratch_operands = 6 : i64, tpu.core_type = #tpu.core_type<sc_vector_subcore>, window_params = [{transform_indices = #map}, {transform_indices = #map}, {transform_indices = #map1}]} {
    %mul3A = arith.constant 2 : i32
    %mul3A_0 = arith.muli %arg1, %mul3A : i32
    %add3A = arith.addi %mul3A_0, %arg0 : i32
    %mul3A_1 = arith.constant 512 : i32
    %mul3A_2 = arith.muli %add3A, %mul3A_1 : i32
    %add3A_3 = arith.constant 0 : i32
    %add3A_4 = arith.addi %mul3A_2, %add3A_3 : i32
    %run_scoped3A = arith.constant 0 : i32
    "tpu.region"() ({
      %run_scoped3A_982 = tpu.sem_alloc : memref<!tpu.dma_semaphore, #tpu.memory_space<semaphore_mem>>
      %dma_start3A_983 = arith.constant 0 : i32
      %dma_start3A_984 = arith.constant 0 : i32
      %dma_start3A_985 = tpu.memref_slice %arg5[%run_scoped3A, %dma_start3A_983, %dma_start3A_984] : memref<2x16x50xi32, #tpu.memory_space<vmem>> -> memref<1x16x50xi32, #tpu.memory_space<vmem>>
      %dma_start3A_986 = tpu.memref_squeeze %dma_start3A_985 : memref<1x16x50xi32, #tpu.memory_space<vmem>> -> memref<16x50xi32, #tpu.memory_space<vmem>>
      %dma_start3A_987 = arith.constant 0 : i32
      %dma_start3A_988 = tpu.memref_slice %arg2[%add3A_4, %dma_start3A_987] : memref<16384x50xi32, #tpu.memory_space<hbm>> -> memref<16x50xi32, #tpu.memory_space<hbm>>
      %dma_start3A_989 = arith.constant 0 : i32
      %dma_start3A_990 = arith.constant 0 : i32
      %dma_start3A_991 = tpu.memref_slice %arg5[%run_scoped3A, %dma_start3A_989, %dma_start3A_990] : memref<2x16x50xi32, #tpu.memory_space<vmem>> -> memref<1x16x50xi32, #tpu.memory_space<vmem>>
      %dma_start3A_992 = tpu.memref_squeeze %dma_start3A_991 : memref<1x16x50xi32, #tpu.memory_space<vmem>> -> memref<16x50xi32, #tpu.memory_space<vmem>>
      %dma_start3A_993 = arith.constant 0 : i32
      %dma_start3A_994 = tpu.memref_slice %arg2[%add3A_4, %dma_start3A_993] : memref<16384x50xi32, #tpu.memory_space<hbm>> -> memref<16x50xi32, #tpu.memory_space<hbm>>
      tpu.enqueue_dma source(%dma_start3A_994 : memref<16x50xi32, #tpu.memory_space<hbm>>) target(%dma_start3A_992 : memref<16x50xi32, #tpu.memory_space<vmem>>) target_semaphore(%run_scoped3A_982 : memref<!tpu.dma_semaphore, #tpu.memory_space<semaphore_mem>>)
      %dma_wait3A_995 = arith.constant 0 : i32
      %dma_wait3A_996 = arith.constant 0 : i32
      %dma_wait3A_997 = tpu.memref_slice %arg5[%run_scoped3A, %dma_wait3A_995, %dma_wait3A_996] : memref<2x16x50xi32, #tpu.memory_space<vmem>> -> memref<1x16x50xi32, #tpu.memory_space<vmem>>
      %dma_wait3A_998 = tpu.memref_squeeze %dma_wait3A_997 : memref<1x16x50xi32, #tpu.memory_space<vmem>> -> memref<16x50xi32, #tpu.memory_space<vmem>>
      %dma_wait3A_999 = arith.constant 0 : i32
      %dma_wait3A_1000 = tpu.memref_slice %arg2[%add3A_4, %dma_wait3A_999] : memref<16384x50xi32, #tpu.memory_space<hbm>> -> memref<16x50xi32, #tpu.memory_space<hbm>>
      %dma_wait3A_1001 = arith.constant 0 : i32
      %dma_wait3A_1002 = arith.constant 0 : i32
      %dma_wait3A_1003 = tpu.memref_slice %arg5[%run_scoped3A, %dma_wait3A_1001, %dma_wait3A_1002] : memref<2x16x50xi32, #tpu.memory_space<vmem>> -> memref<1x16x50xi32, #tpu.memory_space<vmem>>
      %dma_wait3A_1004 = tpu.memref_squeeze %dma_wait3A_1003 : memref<1x16x50xi32, #tpu.memory_space<vmem>> -> memref<16x50xi32, #tpu.memory_space<vmem>>
      %dma_wait3A_1005 = arith.constant 0 : i32
      %dma_wait3A_1006 = tpu.memref_slice %arg2[%add3A_4, %dma_wait3A_1005] : memref<16384x50xi32, #tpu.memory_space<hbm>> -> memref<16x50xi32, #tpu.memory_space<hbm>>
      tpu.wait_dma2 semaphore(%run_scoped3A_982 : memref<!tpu.dma_semaphore, #tpu.memory_space<semaphore_mem>>) src(%dma_wait3A_1006 : memref<16x50xi32, #tpu.memory_space<hbm>>) dst(%dma_wait3A_1004 : memref<16x50xi32, #tpu.memory_space<vmem>>)
      tpu.yield
    }) : () -> ()
    %dma_start3A = arith.constant 0 : i32
    %dma_start3A_5 = arith.constant 0 : i32
    %dma_start3A_6 = arith.constant 0 : i32
    %dma_start3A_7 = arith.constant 0 : i32
    %dma_start3A_8 = arith.constant 0 : i32
    %dma_start3A_9 = arith.constant 0 : i32
    %dma_start3A_10 = tpu.memref_slice %arg6[%dma_start3A_6, %dma_start3A_7, %dma_start3A_8, %dma_start3A_9] : memref<2x16x50x32xf32, #tpu.memory_space<vmem>> -> memref<1x1x50x32xf32, #tpu.memory_space<vmem>>
    %dma_start3A_11 = tpu.memref_squeeze %dma_start3A_10 : memref<1x1x50x32xf32, #tpu.memory_space<vmem>> -> memref<50x32xf32, #tpu.memory_space<vmem>>
    %dma_start3A_12 = arith.constant 0 : i32
    %dma_start3A_13 = tpu.memref_slice %arg5[%dma_start3A, %dma_start3A_5, %dma_start3A_12] : memref<2x16x50xi32, #tpu.memory_space<vmem>> -> memref<1x1x50xi32, #tpu.memory_space<vmem>>
    %dma_start3A_14 = tpu.memref_squeeze %dma_start3A_13 : memref<1x1x50xi32, #tpu.memory_space<vmem>> -> memref<50xi32, #tpu.memory_space<vmem>>
    %dma_start3A_15 = arith.constant 0 : i32
    %dma_start3A_16 = arith.constant 0 : i32
    %dma_start3A_17 = tpu.memref_slice %arg3[%dma_start3A_15, %dma_start3A_16] : memref<4000000x32xf32, #tpu.memory_space<hbm>> -> memref<4000000x32xf32, #tpu.memory_space<hbm>>
    tpu.enqueue_indirect_dma source(%dma_start3A_17 : memref<4000000x32xf32, #tpu.memory_space<hbm>>) target(%dma_start3A_11 : memref<50x32xf32, #tpu.memory_space<vmem>>) offsets(%dma_start3A_14 : memref<50xi32, #tpu.memory_space<vmem>>) semaphore(%arg7 : memref<!tpu.dma_semaphore, #tpu.memory_space<semaphore_mem>>)
    %dma_start3A_18 = arith.constant 0 : i32
    %dma_start3A_19 = arith.constant 1 : i32
    %dma_start3A_20 = arith.constant 0 : i32
    %dma_start3A_21 = arith.constant 1 : i32
    %dma_start3A_22 = arith.constant 0 : i32
    %dma_start3A_23 = arith.constant 0 : i32
    %dma_start3A_24 = tpu.memref_slice %arg6[%dma_start3A_20, %dma_start3A_21, %dma_start3A_22, %dma_start3A_23] : memref<2x16x50x32xf32, #tpu.memory_space<vmem>> -> memref<1x1x50x32xf32, #tpu.memory_space<vmem>>
    %dma_start3A_25 = tpu.memref_squeeze %dma_start3A_24 : memref<1x1x50x32xf32, #tpu.memory_space<vmem>> -> memref<50x32xf32, #tpu.memory_space<vmem>>
    %dma_start3A_26 = arith.constant 0 : i32
    %dma_start3A_27 = tpu.memref_slice %arg5[%dma_start3A_18, %dma_start3A_19, %dma_start3A_26] : memref<2x16x50xi32, #tpu.memory_space<vmem>> -> memref<1x1x50xi32, #tpu.memory_space<vmem>>
    %dma_start3A_28 = tpu.memref_squeeze %dma_start3A_27 : memref<1x1x50xi32, #tpu.memory_space<vmem>> -> memref<50xi32, #tpu.memory_space<vmem>>
    %dma_start3A_29 = arith.constant 0 : i32
    %dma_start3A_30 = arith.constant 0 : i32
    %dma_start3A_31 = tpu.memref_slice %arg3[%dma_start3A_29, %dma_start3A_30] : memref<4000000x32xf32, #tpu.memory_space<hbm>> -> memref<4000000x32xf32, #tpu.memory_space<hbm>>
    tpu.enqueue_indirect_dma source(%dma_start3A_31 : memref<4000000x32xf32, #tpu.memory_space<hbm>>) target(%dma_start3A_25 : memref<50x32xf32, #tpu.memory_space<vmem>>) offsets(%dma_start3A_28 : memref<50xi32, #tpu.memory_space<vmem>>) semaphore(%arg7 : memref<!tpu.dma_semaphore, #tpu.memory_space<semaphore_mem>>)
    %dma_start3A_32 = arith.constant 0 : i32
    %dma_start3A_33 = arith.constant 2 : i32
    %dma_start3A_34 = arith.constant 0 : i32
    %dma_start3A_35 = arith.constant 2 : i32
    %dma_start3A_36 = arith.constant 0 : i32
    %dma_start3A_37 = arith.constant 0 : i32
    %dma_start3A_38 = tpu.memref_slice %arg6[%dma_start3A_34, %dma_start3A_35, %dma_start3A_36, %dma_start3A_37] : memref<2x16x50x32xf32, #tpu.memory_space<vmem>> -> memref<1x1x50x32xf32, #tpu.memory_space<vmem>>
    %dma_start3A_39 = tpu.memref_squeeze %dma_start3A_38 : memref<1x1x50x32xf32, #tpu.memory_space<vmem>> -> memref<50x32xf32, #tpu.memory_space<vmem>>
    %dma_start3A_40 = arith.constant 0 : i32
    %dma_start3A_41 = tpu.memref_slice %arg5[%dma_start3A_32, %dma_start3A_33, %dma_start3A_40] : memref<2x16x50xi32, #tpu.memory_space<vmem>> -> memref<1x1x50xi32, #tpu.memory_space<vmem>>
    %dma_start3A_42 = tpu.memref_squeeze %dma_start3A_41 : memref<1x1x50xi32, #tpu.memory_space<vmem>> -> memref<50xi32, #tpu.memory_space<vmem>>
    %dma_start3A_43 = arith.constant 0 : i32
    %dma_start3A_44 = arith.constant 0 : i32
    %dma_start3A_45 = tpu.memref_slice %arg3[%dma_start3A_43, %dma_start3A_44] : memref<4000000x32xf32, #tpu.memory_space<hbm>> -> memref<4000000x32xf32, #tpu.memory_space<hbm>>
    tpu.enqueue_indirect_dma source(%dma_start3A_45 : memref<4000000x32xf32, #tpu.memory_space<hbm>>) target(%dma_start3A_39 : memref<50x32xf32, #tpu.memory_space<vmem>>) offsets(%dma_start3A_42 : memref<50xi32, #tpu.memory_space<vmem>>) semaphore(%arg7 : memref<!tpu.dma_semaphore, #tpu.memory_space<semaphore_mem>>)
    %dma_start3A_46 = arith.constant 0 : i32
    %dma_start3A_47 = arith.constant 3 : i32
    %dma_start3A_48 = arith.constant 0 : i32
    %dma_start3A_49 = arith.constant 3 : i32
    %dma_start3A_50 = arith.constant 0 : i32
    %dma_start3A_51 = arith.constant 0 : i32
    %dma_start3A_52 = tpu.memref_slice %arg6[%dma_start3A_48, %dma_start3A_49, %dma_start3A_50, %dma_start3A_51] : memref<2x16x50x32xf32, #tpu.memory_space<vmem>> -> memref<1x1x50x32xf32, #tpu.memory_space<vmem>>
    %dma_start3A_53 = tpu.memref_squeeze %dma_start3A_52 : memref<1x1x50x32xf32, #tpu.memory_space<vmem>> -> memref<50x32xf32, #tpu.memory_space<vmem>>
    %dma_start3A_54 = arith.constant 0 : i32
    %dma_start3A_55 = tpu.memref_slice %arg5[%dma_start3A_46, %dma_start3A_47, %dma_start3A_54] : memref<2x16x50xi32, #tpu.memory_space<vmem>> -> memref<1x1x50xi32, #tpu.memory_space<vmem>>
    %dma_start3A_56 = tpu.memref_squeeze %dma_start3A_55 : memref<1x1x50xi32, #tpu.memory_space<vmem>> -> memref<50xi32, #tpu.memory_space<vmem>>
    %dma_start3A_57 = arith.constant 0 : i32
    %dma_start3A_58 = arith.constant 0 : i32
    %dma_start3A_59 = tpu.memref_slice %arg3[%dma_start3A_57, %dma_start3A_58] : memref<4000000x32xf32, #tpu.memory_space<hbm>> -> memref<4000000x32xf32, #tpu.memory_space<hbm>>
    tpu.enqueue_indirect_dma source(%dma_start3A_59 : memref<4000000x32xf32, #tpu.memory_space<hbm>>) target(%dma_start3A_53 : memref<50x32xf32, #tpu.memory_space<vmem>>) offsets(%dma_start3A_56 : memref<50xi32, #tpu.memory_space<vmem>>) semaphore(%arg7 : memref<!tpu.dma_semaphore, #tpu.memory_space<semaphore_mem>>)
    %dma_start3A_60 = arith.constant 0 : i32
    %dma_start3A_61 = arith.constant 4 : i32
    %dma_start3A_62 = arith.constant 0 : i32
    %dma_start3A_63 = arith.constant 4 : i32
    %dma_start3A_64 = arith.constant 0 : i32
    %dma_start3A_65 = arith.constant 0 : i32
    %dma_start3A_66 = tpu.memref_slice %arg6[%dma_start3A_62, %dma_start3A_63, %dma_start3A_64, %dma_start3A_65] : memref<2x16x50x32xf32, #tpu.memory_space<vmem>> -> memref<1x1x50x32xf32, #tpu.memory_space<vmem>>
    %dma_start3A_67 = tpu.memref_squeeze %dma_start3A_66 : memref<1x1x50x32xf32, #tpu.memory_space<vmem>> -> memref<50x32xf32, #tpu.memory_space<vmem>>
    %dma_start3A_68 = arith.constant 0 : i32
    %dma_start3A_69 = tpu.memref_slice %arg5[%dma_start3A_60, %dma_start3A_61, %dma_start3A_68] : memref<2x16x50xi32, #tpu.memory_space<vmem>> -> memref<1x1x50xi32, #tpu.memory_space<vmem>>
    %dma_start3A_70 = tpu.memref_squeeze %dma_start3A_69 : memref<1x1x50xi32, #tpu.memory_space<vmem>> -> memref<50xi32, #tpu.memory_space<vmem>>
    %dma_start3A_71 = arith.constant 0 : i32
    %dma_start3A_72 = arith.constant 0 : i32
    %dma_start3A_73 = tpu.memref_slice %arg3[%dma_start3A_71, %dma_start3A_72] : memref<4000000x32xf32, #tpu.memory_space<hbm>> -> memref<4000000x32xf32, #tpu.memory_space<hbm>>
    tpu.enqueue_indirect_dma source(%dma_start3A_73 : memref<4000000x32xf32, #tpu.memory_space<hbm>>) target(%dma_start3A_67 : memref<50x32xf32, #tpu.memory_space<vmem>>) offsets(%dma_start3A_70 : memref<50xi32, #tpu.memory_space<vmem>>) semaphore(%arg7 : memref<!tpu.dma_semaphore, #tpu.memory_space<semaphore_mem>>)
    %dma_start3A_74 = arith.constant 0 : i32
    %dma_start3A_75 = arith.constant 5 : i32
    %dma_start3A_76 = arith.constant 0 : i32
    %dma_start3A_77 = arith.constant 5 : i32
    %dma_start3A_78 = arith.constant 0 : i32
    %dma_start3A_79 = arith.constant 0 : i32
    %dma_start3A_80 = tpu.memref_slice %arg6[%dma_start3A_76, %dma_start3A_77, %dma_start3A_78, %dma_start3A_79] : memref<2x16x50x32xf32, #tpu.memory_space<vmem>> -> memref<1x1x50x32xf32, #tpu.memory_space<vmem>>
    %dma_start3A_81 = tpu.memref_squeeze %dma_start3A_80 : memref<1x1x50x32xf32, #tpu.memory_space<vmem>> -> memref<50x32xf32, #tpu.memory_space<vmem>>
    %dma_start3A_82 = arith.constant 0 : i32
    %dma_start3A_83 = tpu.memref_slice %arg5[%dma_start3A_74, %dma_start3A_75, %dma_start3A_82] : memref<2x16x50xi32, #tpu.memory_space<vmem>> -> memref<1x1x50xi32, #tpu.memory_space<vmem>>
    %dma_start3A_84 = tpu.memref_squeeze %dma_start3A_83 : memref<1x1x50xi32, #tpu.memory_space<vmem>> -> memref<50xi32, #tpu.memory_space<vmem>>
    %dma_start3A_85 = arith.constant 0 : i32
    %dma_start3A_86 = arith.constant 0 : i32
    %dma_start3A_87 = tpu.memref_slice %arg3[%dma_start3A_85, %dma_start3A_86] : memref<4000000x32xf32, #tpu.memory_space<hbm>> -> memref<4000000x32xf32, #tpu.memory_space<hbm>>
    tpu.enqueue_indirect_dma source(%dma_start3A_87 : memref<4000000x32xf32, #tpu.memory_space<hbm>>) target(%dma_start3A_81 : memref<50x32xf32, #tpu.memory_space<vmem>>) offsets(%dma_start3A_84 : memref<50xi32, #tpu.memory_space<vmem>>) semaphore(%arg7 : memref<!tpu.dma_semaphore, #tpu.memory_space<semaphore_mem>>)
    %dma_start3A_88 = arith.constant 0 : i32
    %dma_start3A_89 = arith.constant 6 : i32
    %dma_start3A_90 = arith.constant 0 : i32
    %dma_start3A_91 = arith.constant 6 : i32
    %dma_start3A_92 = arith.constant 0 : i32
    %dma_start3A_93 = arith.constant 0 : i32
    %dma_start3A_94 = tpu.memref_slice %arg6[%dma_start3A_90, %dma_start3A_91, %dma_start3A_92, %dma_start3A_93] : memref<2x16x50x32xf32, #tpu.memory_space<vmem>> -> memref<1x1x50x32xf32, #tpu.memory_space<vmem>>
    %dma_start3A_95 = tpu.memref_squeeze %dma_start3A_94 : memref<1x1x50x32xf32, #tpu.memory_space<vmem>> -> memref<50x32xf32, #tpu.memory_space<vmem>>
    %dma_start3A_96 = arith.constant 0 : i32
    %dma_start3A_97 = tpu.memref_slice %arg5[%dma_start3A_88, %dma_start3A_89, %dma_start3A_96] : memref<2x16x50xi32, #tpu.memory_space<vmem>> -> memref<1x1x50xi32, #tpu.memory_space<vmem>>
    %dma_start3A_98 = tpu.memref_squeeze %dma_start3A_97 : memref<1x1x50xi32, #tpu.memory_space<vmem>> -> memref<50xi32, #tpu.memory_space<vmem>>
    %dma_start3A_99 = arith.constant 0 : i32
    %dma_start3A_100 = arith.constant 0 : i32
    %dma_start3A_101 = tpu.memref_slice %arg3[%dma_start3A_99, %dma_start3A_100] : memref<4000000x32xf32, #tpu.memory_space<hbm>> -> memref<4000000x32xf32, #tpu.memory_space<hbm>>
    tpu.enqueue_indirect_dma source(%dma_start3A_101 : memref<4000000x32xf32, #tpu.memory_space<hbm>>) target(%dma_start3A_95 : memref<50x32xf32, #tpu.memory_space<vmem>>) offsets(%dma_start3A_98 : memref<50xi32, #tpu.memory_space<vmem>>) semaphore(%arg7 : memref<!tpu.dma_semaphore, #tpu.memory_space<semaphore_mem>>)
    %dma_start3A_102 = arith.constant 0 : i32
    %dma_start3A_103 = arith.constant 7 : i32
    %dma_start3A_104 = arith.constant 0 : i32
    %dma_start3A_105 = arith.constant 7 : i32
    %dma_start3A_106 = arith.constant 0 : i32
    %dma_start3A_107 = arith.constant 0 : i32
    %dma_start3A_108 = tpu.memref_slice %arg6[%dma_start3A_104, %dma_start3A_105, %dma_start3A_106, %dma_start3A_107] : memref<2x16x50x32xf32, #tpu.memory_space<vmem>> -> memref<1x1x50x32xf32, #tpu.memory_space<vmem>>
    %dma_start3A_109 = tpu.memref_squeeze %dma_start3A_108 : memref<1x1x50x32xf32, #tpu.memory_space<vmem>> -> memref<50x32xf32, #tpu.memory_space<vmem>>
    %dma_start3A_110 = arith.constant 0 : i32
    %dma_start3A_111 = tpu.memref_slice %arg5[%dma_start3A_102, %dma_start3A_103, %dma_start3A_110] : memref<2x16x50xi32, #tpu.memory_space<vmem>> -> memref<1x1x50xi32, #tpu.memory_space<vmem>>
    %dma_start3A_112 = tpu.memref_squeeze %dma_start3A_111 : memref<1x1x50xi32, #tpu.memory_space<vmem>> -> memref<50xi32, #tpu.memory_space<vmem>>
    %dma_start3A_113 = arith.constant 0 : i32
    %dma_start3A_114 = arith.constant 0 : i32
    %dma_start3A_115 = tpu.memref_slice %arg3[%dma_start3A_113, %dma_start3A_114] : memref<4000000x32xf32, #tpu.memory_space<hbm>> -> memref<4000000x32xf32, #tpu.memory_space<hbm>>
    tpu.enqueue_indirect_dma source(%dma_start3A_115 : memref<4000000x32xf32, #tpu.memory_space<hbm>>) target(%dma_start3A_109 : memref<50x32xf32, #tpu.memory_space<vmem>>) offsets(%dma_start3A_112 : memref<50xi32, #tpu.memory_space<vmem>>) semaphore(%arg7 : memref<!tpu.dma_semaphore, #tpu.memory_space<semaphore_mem>>)
    %dma_start3A_116 = arith.constant 0 : i32
    %dma_start3A_117 = arith.constant 8 : i32
    %dma_start3A_118 = arith.constant 0 : i32
    %dma_start3A_119 = arith.constant 8 : i32
    %dma_start3A_120 = arith.constant 0 : i32
    %dma_start3A_121 = arith.constant 0 : i32
    %dma_start3A_122 = tpu.memref_slice %arg6[%dma_start3A_118, %dma_start3A_119, %dma_start3A_120, %dma_start3A_121] : memref<2x16x50x32xf32, #tpu.memory_space<vmem>> -> memref<1x1x50x32xf32, #tpu.memory_space<vmem>>
    %dma_start3A_123 = tpu.memref_squeeze %dma_start3A_122 : memref<1x1x50x32xf32, #tpu.memory_space<vmem>> -> memref<50x32xf32, #tpu.memory_space<vmem>>
    %dma_start3A_124 = arith.constant 0 : i32
    %dma_start3A_125 = tpu.memref_slice %arg5[%dma_start3A_116, %dma_start3A_117, %dma_start3A_124] : memref<2x16x50xi32, #tpu.memory_space<vmem>> -> memref<1x1x50xi32, #tpu.memory_space<vmem>>
    %dma_start3A_126 = tpu.memref_squeeze %dma_start3A_125 : memref<1x1x50xi32, #tpu.memory_space<vmem>> -> memref<50xi32, #tpu.memory_space<vmem>>
    %dma_start3A_127 = arith.constant 0 : i32
    %dma_start3A_128 = arith.constant 0 : i32
    %dma_start3A_129 = tpu.memref_slice %arg3[%dma_start3A_127, %dma_start3A_128] : memref<4000000x32xf32, #tpu.memory_space<hbm>> -> memref<4000000x32xf32, #tpu.memory_space<hbm>>
    tpu.enqueue_indirect_dma source(%dma_start3A_129 : memref<4000000x32xf32, #tpu.memory_space<hbm>>) target(%dma_start3A_123 : memref<50x32xf32, #tpu.memory_space<vmem>>) offsets(%dma_start3A_126 : memref<50xi32, #tpu.memory_space<vmem>>) semaphore(%arg7 : memref<!tpu.dma_semaphore, #tpu.memory_space<semaphore_mem>>)
    %dma_start3A_130 = arith.constant 0 : i32
    %dma_start3A_131 = arith.constant 9 : i32
    %dma_start3A_132 = arith.constant 0 : i32
    %dma_start3A_133 = arith.constant 9 : i32
    %dma_start3A_134 = arith.constant 0 : i32
    %dma_start3A_135 = arith.constant 0 : i32
    %dma_start3A_136 = tpu.memref_slice %arg6[%dma_start3A_132, %dma_start3A_133, %dma_start3A_134, %dma_start3A_135] : memref<2x16x50x32xf32, #tpu.memory_space<vmem>> -> memref<1x1x50x32xf32, #tpu.memory_space<vmem>>
    %dma_start3A_137 = tpu.memref_squeeze %dma_start3A_136 : memref<1x1x50x32xf32, #tpu.memory_space<vmem>> -> memref<50x32xf32, #tpu.memory_space<vmem>>
    %dma_start3A_138 = arith.constant 0 : i32
    %dma_start3A_139 = tpu.memref_slice %arg5[%dma_start3A_130, %dma_start3A_131, %dma_start3A_138] : memref<2x16x50xi32, #tpu.memory_space<vmem>> -> memref<1x1x50xi32, #tpu.memory_space<vmem>>
    %dma_start3A_140 = tpu.memref_squeeze %dma_start3A_139 : memref<1x1x50xi32, #tpu.memory_space<vmem>> -> memref<50xi32, #tpu.memory_space<vmem>>
    %dma_start3A_141 = arith.constant 0 : i32
    %dma_start3A_142 = arith.constant 0 : i32
    %dma_start3A_143 = tpu.memref_slice %arg3[%dma_start3A_141, %dma_start3A_142] : memref<4000000x32xf32, #tpu.memory_space<hbm>> -> memref<4000000x32xf32, #tpu.memory_space<hbm>>
    tpu.enqueue_indirect_dma source(%dma_start3A_143 : memref<4000000x32xf32, #tpu.memory_space<hbm>>) target(%dma_start3A_137 : memref<50x32xf32, #tpu.memory_space<vmem>>) offsets(%dma_start3A_140 : memref<50xi32, #tpu.memory_space<vmem>>) semaphore(%arg7 : memref<!tpu.dma_semaphore, #tpu.memory_space<semaphore_mem>>)
    %dma_start3A_144 = arith.constant 0 : i32
    %dma_start3A_145 = arith.constant 10 : i32
    %dma_start3A_146 = arith.constant 0 : i32
    %dma_start3A_147 = arith.constant 10 : i32
    %dma_start3A_148 = arith.constant 0 : i32
    %dma_start3A_149 = arith.constant 0 : i32
    %dma_start3A_150 = tpu.memref_slice %arg6[%dma_start3A_146, %dma_start3A_147, %dma_start3A_148, %dma_start3A_149] : memref<2x16x50x32xf32, #tpu.memory_space<vmem>> -> memref<1x1x50x32xf32, #tpu.memory_space<vmem>>
    %dma_start3A_151 = tpu.memref_squeeze %dma_start3A_150 : memref<1x1x50x32xf32, #tpu.memory_space<vmem>> -> memref<50x32xf32, #tpu.memory_space<vmem>>
    %dma_start3A_152 = arith.constant 0 : i32
    %dma_start3A_153 = tpu.memref_slice %arg5[%dma_start3A_144, %dma_start3A_145, %dma_start3A_152] : memref<2x16x50xi32, #tpu.memory_space<vmem>> -> memref<1x1x50xi32, #tpu.memory_space<vmem>>
    %dma_start3A_154 = tpu.memref_squeeze %dma_start3A_153 : memref<1x1x50xi32, #tpu.memory_space<vmem>> -> memref<50xi32, #tpu.memory_space<vmem>>
    %dma_start3A_155 = arith.constant 0 : i32
    %dma_start3A_156 = arith.constant 0 : i32
    %dma_start3A_157 = tpu.memref_slice %arg3[%dma_start3A_155, %dma_start3A_156] : memref<4000000x32xf32, #tpu.memory_space<hbm>> -> memref<4000000x32xf32, #tpu.memory_space<hbm>>
    tpu.enqueue_indirect_dma source(%dma_start3A_157 : memref<4000000x32xf32, #tpu.memory_space<hbm>>) target(%dma_start3A_151 : memref<50x32xf32, #tpu.memory_space<vmem>>) offsets(%dma_start3A_154 : memref<50xi32, #tpu.memory_space<vmem>>) semaphore(%arg7 : memref<!tpu.dma_semaphore, #tpu.memory_space<semaphore_mem>>)
    %dma_start3A_158 = arith.constant 0 : i32
    %dma_start3A_159 = arith.constant 11 : i32
    %dma_start3A_160 = arith.constant 0 : i32
    %dma_start3A_161 = arith.constant 11 : i32
    %dma_start3A_162 = arith.constant 0 : i32
    %dma_start3A_163 = arith.constant 0 : i32
    %dma_start3A_164 = tpu.memref_slice %arg6[%dma_start3A_160, %dma_start3A_161, %dma_start3A_162, %dma_start3A_163] : memref<2x16x50x32xf32, #tpu.memory_space<vmem>> -> memref<1x1x50x32xf32, #tpu.memory_space<vmem>>
    %dma_start3A_165 = tpu.memref_squeeze %dma_start3A_164 : memref<1x1x50x32xf32, #tpu.memory_space<vmem>> -> memref<50x32xf32, #tpu.memory_space<vmem>>
    %dma_start3A_166 = arith.constant 0 : i32
    %dma_start3A_167 = tpu.memref_slice %arg5[%dma_start3A_158, %dma_start3A_159, %dma_start3A_166] : memref<2x16x50xi32, #tpu.memory_space<vmem>> -> memref<1x1x50xi32, #tpu.memory_space<vmem>>
    %dma_start3A_168 = tpu.memref_squeeze %dma_start3A_167 : memref<1x1x50xi32, #tpu.memory_space<vmem>> -> memref<50xi32, #tpu.memory_space<vmem>>
    %dma_start3A_169 = arith.constant 0 : i32
    %dma_start3A_170 = arith.constant 0 : i32
    %dma_start3A_171 = tpu.memref_slice %arg3[%dma_start3A_169, %dma_start3A_170] : memref<4000000x32xf32, #tpu.memory_space<hbm>> -> memref<4000000x32xf32, #tpu.memory_space<hbm>>
    tpu.enqueue_indirect_dma source(%dma_start3A_171 : memref<4000000x32xf32, #tpu.memory_space<hbm>>) target(%dma_start3A_165 : memref<50x32xf32, #tpu.memory_space<vmem>>) offsets(%dma_start3A_168 : memref<50xi32, #tpu.memory_space<vmem>>) semaphore(%arg7 : memref<!tpu.dma_semaphore, #tpu.memory_space<semaphore_mem>>)
    %dma_start3A_172 = arith.constant 0 : i32
    %dma_start3A_173 = arith.constant 12 : i32
    %dma_start3A_174 = arith.constant 0 : i32
    %dma_start3A_175 = arith.constant 12 : i32
    %dma_start3A_176 = arith.constant 0 : i32
    %dma_start3A_177 = arith.constant 0 : i32
    %dma_start3A_178 = tpu.memref_slice %arg6[%dma_start3A_174, %dma_start3A_175, %dma_start3A_176, %dma_start3A_177] : memref<2x16x50x32xf32, #tpu.memory_space<vmem>> -> memref<1x1x50x32xf32, #tpu.memory_space<vmem>>
    %dma_start3A_179 = tpu.memref_squeeze %dma_start3A_178 : memref<1x1x50x32xf32, #tpu.memory_space<vmem>> -> memref<50x32xf32, #tpu.memory_space<vmem>>
    %dma_start3A_180 = arith.constant 0 : i32
    %dma_start3A_181 = tpu.memref_slice %arg5[%dma_start3A_172, %dma_start3A_173, %dma_start3A_180] : memref<2x16x50xi32, #tpu.memory_space<vmem>> -> memref<1x1x50xi32, #tpu.memory_space<vmem>>
    %dma_start3A_182 = tpu.memref_squeeze %dma_start3A_181 : memref<1x1x50xi32, #tpu.memory_space<vmem>> -> memref<50xi32, #tpu.memory_space<vmem>>
    %dma_start3A_183 = arith.constant 0 : i32
    %dma_start3A_184 = arith.constant 0 : i32
    %dma_start3A_185 = tpu.memref_slice %arg3[%dma_start3A_183, %dma_start3A_184] : memref<4000000x32xf32, #tpu.memory_space<hbm>> -> memref<4000000x32xf32, #tpu.memory_space<hbm>>
    tpu.enqueue_indirect_dma source(%dma_start3A_185 : memref<4000000x32xf32, #tpu.memory_space<hbm>>) target(%dma_start3A_179 : memref<50x32xf32, #tpu.memory_space<vmem>>) offsets(%dma_start3A_182 : memref<50xi32, #tpu.memory_space<vmem>>) semaphore(%arg7 : memref<!tpu.dma_semaphore, #tpu.memory_space<semaphore_mem>>)
    %dma_start3A_186 = arith.constant 0 : i32
    %dma_start3A_187 = arith.constant 13 : i32
    %dma_start3A_188 = arith.constant 0 : i32
    %dma_start3A_189 = arith.constant 13 : i32
    %dma_start3A_190 = arith.constant 0 : i32
    %dma_start3A_191 = arith.constant 0 : i32
    %dma_start3A_192 = tpu.memref_slice %arg6[%dma_start3A_188, %dma_start3A_189, %dma_start3A_190, %dma_start3A_191] : memref<2x16x50x32xf32, #tpu.memory_space<vmem>> -> memref<1x1x50x32xf32, #tpu.memory_space<vmem>>
    %dma_start3A_193 = tpu.memref_squeeze %dma_start3A_192 : memref<1x1x50x32xf32, #tpu.memory_space<vmem>> -> memref<50x32xf32, #tpu.memory_space<vmem>>
    %dma_start3A_194 = arith.constant 0 : i32
    %dma_start3A_195 = tpu.memref_slice %arg5[%dma_start3A_186, %dma_start3A_187, %dma_start3A_194] : memref<2x16x50xi32, #tpu.memory_space<vmem>> -> memref<1x1x50xi32, #tpu.memory_space<vmem>>
    %dma_start3A_196 = tpu.memref_squeeze %dma_start3A_195 : memref<1x1x50xi32, #tpu.memory_space<vmem>> -> memref<50xi32, #tpu.memory_space<vmem>>
    %dma_start3A_197 = arith.constant 0 : i32
    %dma_start3A_198 = arith.constant 0 : i32
    %dma_start3A_199 = tpu.memref_slice %arg3[%dma_start3A_197, %dma_start3A_198] : memref<4000000x32xf32, #tpu.memory_space<hbm>> -> memref<4000000x32xf32, #tpu.memory_space<hbm>>
    tpu.enqueue_indirect_dma source(%dma_start3A_199 : memref<4000000x32xf32, #tpu.memory_space<hbm>>) target(%dma_start3A_193 : memref<50x32xf32, #tpu.memory_space<vmem>>) offsets(%dma_start3A_196 : memref<50xi32, #tpu.memory_space<vmem>>) semaphore(%arg7 : memref<!tpu.dma_semaphore, #tpu.memory_space<semaphore_mem>>)
    %dma_start3A_200 = arith.constant 0 : i32
    %dma_start3A_201 = arith.constant 14 : i32
    %dma_start3A_202 = arith.constant 0 : i32
    %dma_start3A_203 = arith.constant 14 : i32
    %dma_start3A_204 = arith.constant 0 : i32
    %dma_start3A_205 = arith.constant 0 : i32
    %dma_start3A_206 = tpu.memref_slice %arg6[%dma_start3A_202, %dma_start3A_203, %dma_start3A_204, %dma_start3A_205] : memref<2x16x50x32xf32, #tpu.memory_space<vmem>> -> memref<1x1x50x32xf32, #tpu.memory_space<vmem>>
    %dma_start3A_207 = tpu.memref_squeeze %dma_start3A_206 : memref<1x1x50x32xf32, #tpu.memory_space<vmem>> -> memref<50x32xf32, #tpu.memory_space<vmem>>
    %dma_start3A_208 = arith.constant 0 : i32
    %dma_start3A_209 = tpu.memref_slice %arg5[%dma_start3A_200, %dma_start3A_201, %dma_start3A_208] : memref<2x16x50xi32, #tpu.memory_space<vmem>> -> memref<1x1x50xi32, #tpu.memory_space<vmem>>
    %dma_start3A_210 = tpu.memref_squeeze %dma_start3A_209 : memref<1x1x50xi32, #tpu.memory_space<vmem>> -> memref<50xi32, #tpu.memory_space<vmem>>
    %dma_start3A_211 = arith.constant 0 : i32
    %dma_start3A_212 = arith.constant 0 : i32
    %dma_start3A_213 = tpu.memref_slice %arg3[%dma_start3A_211, %dma_start3A_212] : memref<4000000x32xf32, #tpu.memory_space<hbm>> -> memref<4000000x32xf32, #tpu.memory_space<hbm>>
    tpu.enqueue_indirect_dma source(%dma_start3A_213 : memref<4000000x32xf32, #tpu.memory_space<hbm>>) target(%dma_start3A_207 : memref<50x32xf32, #tpu.memory_space<vmem>>) offsets(%dma_start3A_210 : memref<50xi32, #tpu.memory_space<vmem>>) semaphore(%arg7 : memref<!tpu.dma_semaphore, #tpu.memory_space<semaphore_mem>>)
    %dma_start3A_214 = arith.constant 0 : i32
    %dma_start3A_215 = arith.constant 15 : i32
    %dma_start3A_216 = arith.constant 0 : i32
    %dma_start3A_217 = arith.constant 15 : i32
    %dma_start3A_218 = arith.constant 0 : i32
    %dma_start3A_219 = arith.constant 0 : i32
    %dma_start3A_220 = tpu.memref_slice %arg6[%dma_start3A_216, %dma_start3A_217, %dma_start3A_218, %dma_start3A_219] : memref<2x16x50x32xf32, #tpu.memory_space<vmem>> -> memref<1x1x50x32xf32, #tpu.memory_space<vmem>>
    %dma_start3A_221 = tpu.memref_squeeze %dma_start3A_220 : memref<1x1x50x32xf32, #tpu.memory_space<vmem>> -> memref<50x32xf32, #tpu.memory_space<vmem>>
    %dma_start3A_222 = arith.constant 0 : i32
    %dma_start3A_223 = tpu.memref_slice %arg5[%dma_start3A_214, %dma_start3A_215, %dma_start3A_222] : memref<2x16x50xi32, #tpu.memory_space<vmem>> -> memref<1x1x50xi32, #tpu.memory_space<vmem>>
    %dma_start3A_224 = tpu.memref_squeeze %dma_start3A_223 : memref<1x1x50xi32, #tpu.memory_space<vmem>> -> memref<50xi32, #tpu.memory_space<vmem>>
    %dma_start3A_225 = arith.constant 0 : i32
    %dma_start3A_226 = arith.constant 0 : i32
    %dma_start3A_227 = tpu.memref_slice %arg3[%dma_start3A_225, %dma_start3A_226] : memref<4000000x32xf32, #tpu.memory_space<hbm>> -> memref<4000000x32xf32, #tpu.memory_space<hbm>>
    tpu.enqueue_indirect_dma source(%dma_start3A_227 : memref<4000000x32xf32, #tpu.memory_space<hbm>>) target(%dma_start3A_221 : memref<50x32xf32, #tpu.memory_space<vmem>>) offsets(%dma_start3A_224 : memref<50xi32, #tpu.memory_space<vmem>>) semaphore(%arg7 : memref<!tpu.dma_semaphore, #tpu.memory_space<semaphore_mem>>)
    %add3A_228 = arith.constant 16 : i32
    %add3A_229 = arith.addi %mul3A_2, %add3A_228 : i32
    %run_scoped3A_230 = arith.constant 1 : i32
    "tpu.region"() ({
      %run_scoped3A_982 = tpu.sem_alloc : memref<!tpu.dma_semaphore, #tpu.memory_space<semaphore_mem>>
      %dma_start3A_983 = arith.constant 0 : i32
      %dma_start3A_984 = arith.constant 0 : i32
      %dma_start3A_985 = tpu.memref_slice %arg5[%run_scoped3A_230, %dma_start3A_983, %dma_start3A_984] : memref<2x16x50xi32, #tpu.memory_space<vmem>> -> memref<1x16x50xi32, #tpu.memory_space<vmem>>
      %dma_start3A_986 = tpu.memref_squeeze %dma_start3A_985 : memref<1x16x50xi32, #tpu.memory_space<vmem>> -> memref<16x50xi32, #tpu.memory_space<vmem>>
      %dma_start3A_987 = arith.constant 0 : i32
      %dma_start3A_988 = tpu.memref_slice %arg2[%add3A_229, %dma_start3A_987] : memref<16384x50xi32, #tpu.memory_space<hbm>> -> memref<16x50xi32, #tpu.memory_space<hbm>>
      %dma_start3A_989 = arith.constant 0 : i32
      %dma_start3A_990 = arith.constant 0 : i32
      %dma_start3A_991 = tpu.memref_slice %arg5[%run_scoped3A_230, %dma_start3A_989, %dma_start3A_990] : memref<2x16x50xi32, #tpu.memory_space<vmem>> -> memref<1x16x50xi32, #tpu.memory_space<vmem>>
      %dma_start3A_992 = tpu.memref_squeeze %dma_start3A_991 : memref<1x16x50xi32, #tpu.memory_space<vmem>> -> memref<16x50xi32, #tpu.memory_space<vmem>>
      %dma_start3A_993 = arith.constant 0 : i32
      %dma_start3A_994 = tpu.memref_slice %arg2[%add3A_229, %dma_start3A_993] : memref<16384x50xi32, #tpu.memory_space<hbm>> -> memref<16x50xi32, #tpu.memory_space<hbm>>
      tpu.enqueue_dma source(%dma_start3A_994 : memref<16x50xi32, #tpu.memory_space<hbm>>) target(%dma_start3A_992 : memref<16x50xi32, #tpu.memory_space<vmem>>) target_semaphore(%run_scoped3A_982 : memref<!tpu.dma_semaphore, #tpu.memory_space<semaphore_mem>>)
      %dma_wait3A_995 = arith.constant 0 : i32
      %dma_wait3A_996 = arith.constant 0 : i32
      %dma_wait3A_997 = tpu.memref_slice %arg5[%run_scoped3A_230, %dma_wait3A_995, %dma_wait3A_996] : memref<2x16x50xi32, #tpu.memory_space<vmem>> -> memref<1x16x50xi32, #tpu.memory_space<vmem>>
      %dma_wait3A_998 = tpu.memref_squeeze %dma_wait3A_997 : memref<1x16x50xi32, #tpu.memory_space<vmem>> -> memref<16x50xi32, #tpu.memory_space<vmem>>
      %dma_wait3A_999 = arith.constant 0 : i32
      %dma_wait3A_1000 = tpu.memref_slice %arg2[%add3A_229, %dma_wait3A_999] : memref<16384x50xi32, #tpu.memory_space<hbm>> -> memref<16x50xi32, #tpu.memory_space<hbm>>
      %dma_wait3A_1001 = arith.constant 0 : i32
      %dma_wait3A_1002 = arith.constant 0 : i32
      %dma_wait3A_1003 = tpu.memref_slice %arg5[%run_scoped3A_230, %dma_wait3A_1001, %dma_wait3A_1002] : memref<2x16x50xi32, #tpu.memory_space<vmem>> -> memref<1x16x50xi32, #tpu.memory_space<vmem>>
      %dma_wait3A_1004 = tpu.memref_squeeze %dma_wait3A_1003 : memref<1x16x50xi32, #tpu.memory_space<vmem>> -> memref<16x50xi32, #tpu.memory_space<vmem>>
      %dma_wait3A_1005 = arith.constant 0 : i32
      %dma_wait3A_1006 = tpu.memref_slice %arg2[%add3A_229, %dma_wait3A_1005] : memref<16384x50xi32, #tpu.memory_space<hbm>> -> memref<16x50xi32, #tpu.memory_space<hbm>>
      tpu.wait_dma2 semaphore(%run_scoped3A_982 : memref<!tpu.dma_semaphore, #tpu.memory_space<semaphore_mem>>) src(%dma_wait3A_1006 : memref<16x50xi32, #tpu.memory_space<hbm>>) dst(%dma_wait3A_1004 : memref<16x50xi32, #tpu.memory_space<vmem>>)
      tpu.yield
    }) : () -> ()
    %dma_start3A_231 = arith.constant 1 : i32
    %dma_start3A_232 = arith.constant 0 : i32
    %dma_start3A_233 = arith.constant 1 : i32
    %dma_start3A_234 = arith.constant 0 : i32
    %dma_start3A_235 = arith.constant 0 : i32
    %dma_start3A_236 = arith.constant 0 : i32
    %dma_start3A_237 = tpu.memref_slice %arg6[%dma_start3A_233, %dma_start3A_234, %dma_start3A_235, %dma_start3A_236] : memref<2x16x50x32xf32, #tpu.memory_space<vmem>> -> memref<1x1x50x32xf32, #tpu.memory_space<vmem>>
    %dma_start3A_238 = tpu.memref_squeeze %dma_start3A_237 : memref<1x1x50x32xf32, #tpu.memory_space<vmem>> -> memref<50x32xf32, #tpu.memory_space<vmem>>
    %dma_start3A_239 = arith.constant 0 : i32
    %dma_start3A_240 = tpu.memref_slice %arg5[%dma_start3A_231, %dma_start3A_232, %dma_start3A_239] : memref<2x16x50xi32, #tpu.memory_space<vmem>> -> memref<1x1x50xi32, #tpu.memory_space<vmem>>
    %dma_start3A_241 = tpu.memref_squeeze %dma_start3A_240 : memref<1x1x50xi32, #tpu.memory_space<vmem>> -> memref<50xi32, #tpu.memory_space<vmem>>
    %dma_start3A_242 = arith.constant 0 : i32
    %dma_start3A_243 = arith.constant 0 : i32
    %dma_start3A_244 = tpu.memref_slice %arg3[%dma_start3A_242, %dma_start3A_243] : memref<4000000x32xf32, #tpu.memory_space<hbm>> -> memref<4000000x32xf32, #tpu.memory_space<hbm>>
    tpu.enqueue_indirect_dma source(%dma_start3A_244 : memref<4000000x32xf32, #tpu.memory_space<hbm>>) target(%dma_start3A_238 : memref<50x32xf32, #tpu.memory_space<vmem>>) offsets(%dma_start3A_241 : memref<50xi32, #tpu.memory_space<vmem>>) semaphore(%arg8 : memref<!tpu.dma_semaphore, #tpu.memory_space<semaphore_mem>>)
    %dma_start3A_245 = arith.constant 1 : i32
    %dma_start3A_246 = arith.constant 1 : i32
    %dma_start3A_247 = arith.constant 1 : i32
    %dma_start3A_248 = arith.constant 1 : i32
    %dma_start3A_249 = arith.constant 0 : i32
    %dma_start3A_250 = arith.constant 0 : i32
    %dma_start3A_251 = tpu.memref_slice %arg6[%dma_start3A_247, %dma_start3A_248, %dma_start3A_249, %dma_start3A_250] : memref<2x16x50x32xf32, #tpu.memory_space<vmem>> -> memref<1x1x50x32xf32, #tpu.memory_space<vmem>>
    %dma_start3A_252 = tpu.memref_squeeze %dma_start3A_251 : memref<1x1x50x32xf32, #tpu.memory_space<vmem>> -> memref<50x32xf32, #tpu.memory_space<vmem>>
    %dma_start3A_253 = arith.constant 0 : i32
    %dma_start3A_254 = tpu.memref_slice %arg5[%dma_start3A_245, %dma_start3A_246, %dma_start3A_253] : memref<2x16x50xi32, #tpu.memory_space<vmem>> -> memref<1x1x50xi32, #tpu.memory_space<vmem>>
    %dma_start3A_255 = tpu.memref_squeeze %dma_start3A_254 : memref<1x1x50xi32, #tpu.memory_space<vmem>> -> memref<50xi32, #tpu.memory_space<vmem>>
    %dma_start3A_256 = arith.constant 0 : i32
    %dma_start3A_257 = arith.constant 0 : i32
    %dma_start3A_258 = tpu.memref_slice %arg3[%dma_start3A_256, %dma_start3A_257] : memref<4000000x32xf32, #tpu.memory_space<hbm>> -> memref<4000000x32xf32, #tpu.memory_space<hbm>>
    tpu.enqueue_indirect_dma source(%dma_start3A_258 : memref<4000000x32xf32, #tpu.memory_space<hbm>>) target(%dma_start3A_252 : memref<50x32xf32, #tpu.memory_space<vmem>>) offsets(%dma_start3A_255 : memref<50xi32, #tpu.memory_space<vmem>>) semaphore(%arg8 : memref<!tpu.dma_semaphore, #tpu.memory_space<semaphore_mem>>)
    %dma_start3A_259 = arith.constant 1 : i32
    %dma_start3A_260 = arith.constant 2 : i32
    %dma_start3A_261 = arith.constant 1 : i32
    %dma_start3A_262 = arith.constant 2 : i32
    %dma_start3A_263 = arith.constant 0 : i32
    %dma_start3A_264 = arith.constant 0 : i32
    %dma_start3A_265 = tpu.memref_slice %arg6[%dma_start3A_261, %dma_start3A_262, %dma_start3A_263, %dma_start3A_264] : memref<2x16x50x32xf32, #tpu.memory_space<vmem>> -> memref<1x1x50x32xf32, #tpu.memory_space<vmem>>
    %dma_start3A_266 = tpu.memref_squeeze %dma_start3A_265 : memref<1x1x50x32xf32, #tpu.memory_space<vmem>> -> memref<50x32xf32, #tpu.memory_space<vmem>>
    %dma_start3A_267 = arith.constant 0 : i32
    %dma_start3A_268 = tpu.memref_slice %arg5[%dma_start3A_259, %dma_start3A_260, %dma_start3A_267] : memref<2x16x50xi32, #tpu.memory_space<vmem>> -> memref<1x1x50xi32, #tpu.memory_space<vmem>>
    %dma_start3A_269 = tpu.memref_squeeze %dma_start3A_268 : memref<1x1x50xi32, #tpu.memory_space<vmem>> -> memref<50xi32, #tpu.memory_space<vmem>>
    %dma_start3A_270 = arith.constant 0 : i32
    %dma_start3A_271 = arith.constant 0 : i32
    %dma_start3A_272 = tpu.memref_slice %arg3[%dma_start3A_270, %dma_start3A_271] : memref<4000000x32xf32, #tpu.memory_space<hbm>> -> memref<4000000x32xf32, #tpu.memory_space<hbm>>
    tpu.enqueue_indirect_dma source(%dma_start3A_272 : memref<4000000x32xf32, #tpu.memory_space<hbm>>) target(%dma_start3A_266 : memref<50x32xf32, #tpu.memory_space<vmem>>) offsets(%dma_start3A_269 : memref<50xi32, #tpu.memory_space<vmem>>) semaphore(%arg8 : memref<!tpu.dma_semaphore, #tpu.memory_space<semaphore_mem>>)
    %dma_start3A_273 = arith.constant 1 : i32
    %dma_start3A_274 = arith.constant 3 : i32
    %dma_start3A_275 = arith.constant 1 : i32
    %dma_start3A_276 = arith.constant 3 : i32
    %dma_start3A_277 = arith.constant 0 : i32
    %dma_start3A_278 = arith.constant 0 : i32
    %dma_start3A_279 = tpu.memref_slice %arg6[%dma_start3A_275, %dma_start3A_276, %dma_start3A_277, %dma_start3A_278] : memref<2x16x50x32xf32, #tpu.memory_space<vmem>> -> memref<1x1x50x32xf32, #tpu.memory_space<vmem>>
    %dma_start3A_280 = tpu.memref_squeeze %dma_start3A_279 : memref<1x1x50x32xf32, #tpu.memory_space<vmem>> -> memref<50x32xf32, #tpu.memory_space<vmem>>
    %dma_start3A_281 = arith.constant 0 : i32
    %dma_start3A_282 = tpu.memref_slice %arg5[%dma_start3A_273, %dma_start3A_274, %dma_start3A_281] : memref<2x16x50xi32, #tpu.memory_space<vmem>> -> memref<1x1x50xi32, #tpu.memory_space<vmem>>
    %dma_start3A_283 = tpu.memref_squeeze %dma_start3A_282 : memref<1x1x50xi32, #tpu.memory_space<vmem>> -> memref<50xi32, #tpu.memory_space<vmem>>
    %dma_start3A_284 = arith.constant 0 : i32
    %dma_start3A_285 = arith.constant 0 : i32
    %dma_start3A_286 = tpu.memref_slice %arg3[%dma_start3A_284, %dma_start3A_285] : memref<4000000x32xf32, #tpu.memory_space<hbm>> -> memref<4000000x32xf32, #tpu.memory_space<hbm>>
    tpu.enqueue_indirect_dma source(%dma_start3A_286 : memref<4000000x32xf32, #tpu.memory_space<hbm>>) target(%dma_start3A_280 : memref<50x32xf32, #tpu.memory_space<vmem>>) offsets(%dma_start3A_283 : memref<50xi32, #tpu.memory_space<vmem>>) semaphore(%arg8 : memref<!tpu.dma_semaphore, #tpu.memory_space<semaphore_mem>>)
    %dma_start3A_287 = arith.constant 1 : i32
    %dma_start3A_288 = arith.constant 4 : i32
    %dma_start3A_289 = arith.constant 1 : i32
    %dma_start3A_290 = arith.constant 4 : i32
    %dma_start3A_291 = arith.constant 0 : i32
    %dma_start3A_292 = arith.constant 0 : i32
    %dma_start3A_293 = tpu.memref_slice %arg6[%dma_start3A_289, %dma_start3A_290, %dma_start3A_291, %dma_start3A_292] : memref<2x16x50x32xf32, #tpu.memory_space<vmem>> -> memref<1x1x50x32xf32, #tpu.memory_space<vmem>>
    %dma_start3A_294 = tpu.memref_squeeze %dma_start3A_293 : memref<1x1x50x32xf32, #tpu.memory_space<vmem>> -> memref<50x32xf32, #tpu.memory_space<vmem>>
    %dma_start3A_295 = arith.constant 0 : i32
    %dma_start3A_296 = tpu.memref_slice %arg5[%dma_start3A_287, %dma_start3A_288, %dma_start3A_295] : memref<2x16x50xi32, #tpu.memory_space<vmem>> -> memref<1x1x50xi32, #tpu.memory_space<vmem>>
    %dma_start3A_297 = tpu.memref_squeeze %dma_start3A_296 : memref<1x1x50xi32, #tpu.memory_space<vmem>> -> memref<50xi32, #tpu.memory_space<vmem>>
    %dma_start3A_298 = arith.constant 0 : i32
    %dma_start3A_299 = arith.constant 0 : i32
    %dma_start3A_300 = tpu.memref_slice %arg3[%dma_start3A_298, %dma_start3A_299] : memref<4000000x32xf32, #tpu.memory_space<hbm>> -> memref<4000000x32xf32, #tpu.memory_space<hbm>>
    tpu.enqueue_indirect_dma source(%dma_start3A_300 : memref<4000000x32xf32, #tpu.memory_space<hbm>>) target(%dma_start3A_294 : memref<50x32xf32, #tpu.memory_space<vmem>>) offsets(%dma_start3A_297 : memref<50xi32, #tpu.memory_space<vmem>>) semaphore(%arg8 : memref<!tpu.dma_semaphore, #tpu.memory_space<semaphore_mem>>)
    %dma_start3A_301 = arith.constant 1 : i32
    %dma_start3A_302 = arith.constant 5 : i32
    %dma_start3A_303 = arith.constant 1 : i32
    %dma_start3A_304 = arith.constant 5 : i32
    %dma_start3A_305 = arith.constant 0 : i32
    %dma_start3A_306 = arith.constant 0 : i32
    %dma_start3A_307 = tpu.memref_slice %arg6[%dma_start3A_303, %dma_start3A_304, %dma_start3A_305, %dma_start3A_306] : memref<2x16x50x32xf32, #tpu.memory_space<vmem>> -> memref<1x1x50x32xf32, #tpu.memory_space<vmem>>
    %dma_start3A_308 = tpu.memref_squeeze %dma_start3A_307 : memref<1x1x50x32xf32, #tpu.memory_space<vmem>> -> memref<50x32xf32, #tpu.memory_space<vmem>>
    %dma_start3A_309 = arith.constant 0 : i32
    %dma_start3A_310 = tpu.memref_slice %arg5[%dma_start3A_301, %dma_start3A_302, %dma_start3A_309] : memref<2x16x50xi32, #tpu.memory_space<vmem>> -> memref<1x1x50xi32, #tpu.memory_space<vmem>>
    %dma_start3A_311 = tpu.memref_squeeze %dma_start3A_310 : memref<1x1x50xi32, #tpu.memory_space<vmem>> -> memref<50xi32, #tpu.memory_space<vmem>>
    %dma_start3A_312 = arith.constant 0 : i32
    %dma_start3A_313 = arith.constant 0 : i32
    %dma_start3A_314 = tpu.memref_slice %arg3[%dma_start3A_312, %dma_start3A_313] : memref<4000000x32xf32, #tpu.memory_space<hbm>> -> memref<4000000x32xf32, #tpu.memory_space<hbm>>
    tpu.enqueue_indirect_dma source(%dma_start3A_314 : memref<4000000x32xf32, #tpu.memory_space<hbm>>) target(%dma_start3A_308 : memref<50x32xf32, #tpu.memory_space<vmem>>) offsets(%dma_start3A_311 : memref<50xi32, #tpu.memory_space<vmem>>) semaphore(%arg8 : memref<!tpu.dma_semaphore, #tpu.memory_space<semaphore_mem>>)
    %dma_start3A_315 = arith.constant 1 : i32
    %dma_start3A_316 = arith.constant 6 : i32
    %dma_start3A_317 = arith.constant 1 : i32
    %dma_start3A_318 = arith.constant 6 : i32
    %dma_start3A_319 = arith.constant 0 : i32
    %dma_start3A_320 = arith.constant 0 : i32
    %dma_start3A_321 = tpu.memref_slice %arg6[%dma_start3A_317, %dma_start3A_318, %dma_start3A_319, %dma_start3A_320] : memref<2x16x50x32xf32, #tpu.memory_space<vmem>> -> memref<1x1x50x32xf32, #tpu.memory_space<vmem>>
    %dma_start3A_322 = tpu.memref_squeeze %dma_start3A_321 : memref<1x1x50x32xf32, #tpu.memory_space<vmem>> -> memref<50x32xf32, #tpu.memory_space<vmem>>
    %dma_start3A_323 = arith.constant 0 : i32
    %dma_start3A_324 = tpu.memref_slice %arg5[%dma_start3A_315, %dma_start3A_316, %dma_start3A_323] : memref<2x16x50xi32, #tpu.memory_space<vmem>> -> memref<1x1x50xi32, #tpu.memory_space<vmem>>
    %dma_start3A_325 = tpu.memref_squeeze %dma_start3A_324 : memref<1x1x50xi32, #tpu.memory_space<vmem>> -> memref<50xi32, #tpu.memory_space<vmem>>
    %dma_start3A_326 = arith.constant 0 : i32
    %dma_start3A_327 = arith.constant 0 : i32
    %dma_start3A_328 = tpu.memref_slice %arg3[%dma_start3A_326, %dma_start3A_327] : memref<4000000x32xf32, #tpu.memory_space<hbm>> -> memref<4000000x32xf32, #tpu.memory_space<hbm>>
    tpu.enqueue_indirect_dma source(%dma_start3A_328 : memref<4000000x32xf32, #tpu.memory_space<hbm>>) target(%dma_start3A_322 : memref<50x32xf32, #tpu.memory_space<vmem>>) offsets(%dma_start3A_325 : memref<50xi32, #tpu.memory_space<vmem>>) semaphore(%arg8 : memref<!tpu.dma_semaphore, #tpu.memory_space<semaphore_mem>>)
    %dma_start3A_329 = arith.constant 1 : i32
    %dma_start3A_330 = arith.constant 7 : i32
    %dma_start3A_331 = arith.constant 1 : i32
    %dma_start3A_332 = arith.constant 7 : i32
    %dma_start3A_333 = arith.constant 0 : i32
    %dma_start3A_334 = arith.constant 0 : i32
    %dma_start3A_335 = tpu.memref_slice %arg6[%dma_start3A_331, %dma_start3A_332, %dma_start3A_333, %dma_start3A_334] : memref<2x16x50x32xf32, #tpu.memory_space<vmem>> -> memref<1x1x50x32xf32, #tpu.memory_space<vmem>>
    %dma_start3A_336 = tpu.memref_squeeze %dma_start3A_335 : memref<1x1x50x32xf32, #tpu.memory_space<vmem>> -> memref<50x32xf32, #tpu.memory_space<vmem>>
    %dma_start3A_337 = arith.constant 0 : i32
    %dma_start3A_338 = tpu.memref_slice %arg5[%dma_start3A_329, %dma_start3A_330, %dma_start3A_337] : memref<2x16x50xi32, #tpu.memory_space<vmem>> -> memref<1x1x50xi32, #tpu.memory_space<vmem>>
    %dma_start3A_339 = tpu.memref_squeeze %dma_start3A_338 : memref<1x1x50xi32, #tpu.memory_space<vmem>> -> memref<50xi32, #tpu.memory_space<vmem>>
    %dma_start3A_340 = arith.constant 0 : i32
    %dma_start3A_341 = arith.constant 0 : i32
    %dma_start3A_342 = tpu.memref_slice %arg3[%dma_start3A_340, %dma_start3A_341] : memref<4000000x32xf32, #tpu.memory_space<hbm>> -> memref<4000000x32xf32, #tpu.memory_space<hbm>>
    tpu.enqueue_indirect_dma source(%dma_start3A_342 : memref<4000000x32xf32, #tpu.memory_space<hbm>>) target(%dma_start3A_336 : memref<50x32xf32, #tpu.memory_space<vmem>>) offsets(%dma_start3A_339 : memref<50xi32, #tpu.memory_space<vmem>>) semaphore(%arg8 : memref<!tpu.dma_semaphore, #tpu.memory_space<semaphore_mem>>)
    %dma_start3A_343 = arith.constant 1 : i32
    %dma_start3A_344 = arith.constant 8 : i32
    %dma_start3A_345 = arith.constant 1 : i32
    %dma_start3A_346 = arith.constant 8 : i32
    %dma_start3A_347 = arith.constant 0 : i32
    %dma_start3A_348 = arith.constant 0 : i32
    %dma_start3A_349 = tpu.memref_slice %arg6[%dma_start3A_345, %dma_start3A_346, %dma_start3A_347, %dma_start3A_348] : memref<2x16x50x32xf32, #tpu.memory_space<vmem>> -> memref<1x1x50x32xf32, #tpu.memory_space<vmem>>
    %dma_start3A_350 = tpu.memref_squeeze %dma_start3A_349 : memref<1x1x50x32xf32, #tpu.memory_space<vmem>> -> memref<50x32xf32, #tpu.memory_space<vmem>>
    %dma_start3A_351 = arith.constant 0 : i32
    %dma_start3A_352 = tpu.memref_slice %arg5[%dma_start3A_343, %dma_start3A_344, %dma_start3A_351] : memref<2x16x50xi32, #tpu.memory_space<vmem>> -> memref<1x1x50xi32, #tpu.memory_space<vmem>>
    %dma_start3A_353 = tpu.memref_squeeze %dma_start3A_352 : memref<1x1x50xi32, #tpu.memory_space<vmem>> -> memref<50xi32, #tpu.memory_space<vmem>>
    %dma_start3A_354 = arith.constant 0 : i32
    %dma_start3A_355 = arith.constant 0 : i32
    %dma_start3A_356 = tpu.memref_slice %arg3[%dma_start3A_354, %dma_start3A_355] : memref<4000000x32xf32, #tpu.memory_space<hbm>> -> memref<4000000x32xf32, #tpu.memory_space<hbm>>
    tpu.enqueue_indirect_dma source(%dma_start3A_356 : memref<4000000x32xf32, #tpu.memory_space<hbm>>) target(%dma_start3A_350 : memref<50x32xf32, #tpu.memory_space<vmem>>) offsets(%dma_start3A_353 : memref<50xi32, #tpu.memory_space<vmem>>) semaphore(%arg8 : memref<!tpu.dma_semaphore, #tpu.memory_space<semaphore_mem>>)
    %dma_start3A_357 = arith.constant 1 : i32
    %dma_start3A_358 = arith.constant 9 : i32
    %dma_start3A_359 = arith.constant 1 : i32
    %dma_start3A_360 = arith.constant 9 : i32
    %dma_start3A_361 = arith.constant 0 : i32
    %dma_start3A_362 = arith.constant 0 : i32
    %dma_start3A_363 = tpu.memref_slice %arg6[%dma_start3A_359, %dma_start3A_360, %dma_start3A_361, %dma_start3A_362] : memref<2x16x50x32xf32, #tpu.memory_space<vmem>> -> memref<1x1x50x32xf32, #tpu.memory_space<vmem>>
    %dma_start3A_364 = tpu.memref_squeeze %dma_start3A_363 : memref<1x1x50x32xf32, #tpu.memory_space<vmem>> -> memref<50x32xf32, #tpu.memory_space<vmem>>
    %dma_start3A_365 = arith.constant 0 : i32
    %dma_start3A_366 = tpu.memref_slice %arg5[%dma_start3A_357, %dma_start3A_358, %dma_start3A_365] : memref<2x16x50xi32, #tpu.memory_space<vmem>> -> memref<1x1x50xi32, #tpu.memory_space<vmem>>
    %dma_start3A_367 = tpu.memref_squeeze %dma_start3A_366 : memref<1x1x50xi32, #tpu.memory_space<vmem>> -> memref<50xi32, #tpu.memory_space<vmem>>
    %dma_start3A_368 = arith.constant 0 : i32
    %dma_start3A_369 = arith.constant 0 : i32
    %dma_start3A_370 = tpu.memref_slice %arg3[%dma_start3A_368, %dma_start3A_369] : memref<4000000x32xf32, #tpu.memory_space<hbm>> -> memref<4000000x32xf32, #tpu.memory_space<hbm>>
    tpu.enqueue_indirect_dma source(%dma_start3A_370 : memref<4000000x32xf32, #tpu.memory_space<hbm>>) target(%dma_start3A_364 : memref<50x32xf32, #tpu.memory_space<vmem>>) offsets(%dma_start3A_367 : memref<50xi32, #tpu.memory_space<vmem>>) semaphore(%arg8 : memref<!tpu.dma_semaphore, #tpu.memory_space<semaphore_mem>>)
    %dma_start3A_371 = arith.constant 1 : i32
    %dma_start3A_372 = arith.constant 10 : i32
    %dma_start3A_373 = arith.constant 1 : i32
    %dma_start3A_374 = arith.constant 10 : i32
    %dma_start3A_375 = arith.constant 0 : i32
    %dma_start3A_376 = arith.constant 0 : i32
    %dma_start3A_377 = tpu.memref_slice %arg6[%dma_start3A_373, %dma_start3A_374, %dma_start3A_375, %dma_start3A_376] : memref<2x16x50x32xf32, #tpu.memory_space<vmem>> -> memref<1x1x50x32xf32, #tpu.memory_space<vmem>>
    %dma_start3A_378 = tpu.memref_squeeze %dma_start3A_377 : memref<1x1x50x32xf32, #tpu.memory_space<vmem>> -> memref<50x32xf32, #tpu.memory_space<vmem>>
    %dma_start3A_379 = arith.constant 0 : i32
    %dma_start3A_380 = tpu.memref_slice %arg5[%dma_start3A_371, %dma_start3A_372, %dma_start3A_379] : memref<2x16x50xi32, #tpu.memory_space<vmem>> -> memref<1x1x50xi32, #tpu.memory_space<vmem>>
    %dma_start3A_381 = tpu.memref_squeeze %dma_start3A_380 : memref<1x1x50xi32, #tpu.memory_space<vmem>> -> memref<50xi32, #tpu.memory_space<vmem>>
    %dma_start3A_382 = arith.constant 0 : i32
    %dma_start3A_383 = arith.constant 0 : i32
    %dma_start3A_384 = tpu.memref_slice %arg3[%dma_start3A_382, %dma_start3A_383] : memref<4000000x32xf32, #tpu.memory_space<hbm>> -> memref<4000000x32xf32, #tpu.memory_space<hbm>>
    tpu.enqueue_indirect_dma source(%dma_start3A_384 : memref<4000000x32xf32, #tpu.memory_space<hbm>>) target(%dma_start3A_378 : memref<50x32xf32, #tpu.memory_space<vmem>>) offsets(%dma_start3A_381 : memref<50xi32, #tpu.memory_space<vmem>>) semaphore(%arg8 : memref<!tpu.dma_semaphore, #tpu.memory_space<semaphore_mem>>)
    %dma_start3A_385 = arith.constant 1 : i32
    %dma_start3A_386 = arith.constant 11 : i32
    %dma_start3A_387 = arith.constant 1 : i32
    %dma_start3A_388 = arith.constant 11 : i32
    %dma_start3A_389 = arith.constant 0 : i32
    %dma_start3A_390 = arith.constant 0 : i32
    %dma_start3A_391 = tpu.memref_slice %arg6[%dma_start3A_387, %dma_start3A_388, %dma_start3A_389, %dma_start3A_390] : memref<2x16x50x32xf32, #tpu.memory_space<vmem>> -> memref<1x1x50x32xf32, #tpu.memory_space<vmem>>
    %dma_start3A_392 = tpu.memref_squeeze %dma_start3A_391 : memref<1x1x50x32xf32, #tpu.memory_space<vmem>> -> memref<50x32xf32, #tpu.memory_space<vmem>>
    %dma_start3A_393 = arith.constant 0 : i32
    %dma_start3A_394 = tpu.memref_slice %arg5[%dma_start3A_385, %dma_start3A_386, %dma_start3A_393] : memref<2x16x50xi32, #tpu.memory_space<vmem>> -> memref<1x1x50xi32, #tpu.memory_space<vmem>>
    %dma_start3A_395 = tpu.memref_squeeze %dma_start3A_394 : memref<1x1x50xi32, #tpu.memory_space<vmem>> -> memref<50xi32, #tpu.memory_space<vmem>>
    %dma_start3A_396 = arith.constant 0 : i32
    %dma_start3A_397 = arith.constant 0 : i32
    %dma_start3A_398 = tpu.memref_slice %arg3[%dma_start3A_396, %dma_start3A_397] : memref<4000000x32xf32, #tpu.memory_space<hbm>> -> memref<4000000x32xf32, #tpu.memory_space<hbm>>
    tpu.enqueue_indirect_dma source(%dma_start3A_398 : memref<4000000x32xf32, #tpu.memory_space<hbm>>) target(%dma_start3A_392 : memref<50x32xf32, #tpu.memory_space<vmem>>) offsets(%dma_start3A_395 : memref<50xi32, #tpu.memory_space<vmem>>) semaphore(%arg8 : memref<!tpu.dma_semaphore, #tpu.memory_space<semaphore_mem>>)
    %dma_start3A_399 = arith.constant 1 : i32
    %dma_start3A_400 = arith.constant 12 : i32
    %dma_start3A_401 = arith.constant 1 : i32
    %dma_start3A_402 = arith.constant 12 : i32
    %dma_start3A_403 = arith.constant 0 : i32
    %dma_start3A_404 = arith.constant 0 : i32
    %dma_start3A_405 = tpu.memref_slice %arg6[%dma_start3A_401, %dma_start3A_402, %dma_start3A_403, %dma_start3A_404] : memref<2x16x50x32xf32, #tpu.memory_space<vmem>> -> memref<1x1x50x32xf32, #tpu.memory_space<vmem>>
    %dma_start3A_406 = tpu.memref_squeeze %dma_start3A_405 : memref<1x1x50x32xf32, #tpu.memory_space<vmem>> -> memref<50x32xf32, #tpu.memory_space<vmem>>
    %dma_start3A_407 = arith.constant 0 : i32
    %dma_start3A_408 = tpu.memref_slice %arg5[%dma_start3A_399, %dma_start3A_400, %dma_start3A_407] : memref<2x16x50xi32, #tpu.memory_space<vmem>> -> memref<1x1x50xi32, #tpu.memory_space<vmem>>
    %dma_start3A_409 = tpu.memref_squeeze %dma_start3A_408 : memref<1x1x50xi32, #tpu.memory_space<vmem>> -> memref<50xi32, #tpu.memory_space<vmem>>
    %dma_start3A_410 = arith.constant 0 : i32
    %dma_start3A_411 = arith.constant 0 : i32
    %dma_start3A_412 = tpu.memref_slice %arg3[%dma_start3A_410, %dma_start3A_411] : memref<4000000x32xf32, #tpu.memory_space<hbm>> -> memref<4000000x32xf32, #tpu.memory_space<hbm>>
    tpu.enqueue_indirect_dma source(%dma_start3A_412 : memref<4000000x32xf32, #tpu.memory_space<hbm>>) target(%dma_start3A_406 : memref<50x32xf32, #tpu.memory_space<vmem>>) offsets(%dma_start3A_409 : memref<50xi32, #tpu.memory_space<vmem>>) semaphore(%arg8 : memref<!tpu.dma_semaphore, #tpu.memory_space<semaphore_mem>>)
    %dma_start3A_413 = arith.constant 1 : i32
    %dma_start3A_414 = arith.constant 13 : i32
    %dma_start3A_415 = arith.constant 1 : i32
    %dma_start3A_416 = arith.constant 13 : i32
    %dma_start3A_417 = arith.constant 0 : i32
    %dma_start3A_418 = arith.constant 0 : i32
    %dma_start3A_419 = tpu.memref_slice %arg6[%dma_start3A_415, %dma_start3A_416, %dma_start3A_417, %dma_start3A_418] : memref<2x16x50x32xf32, #tpu.memory_space<vmem>> -> memref<1x1x50x32xf32, #tpu.memory_space<vmem>>
    %dma_start3A_420 = tpu.memref_squeeze %dma_start3A_419 : memref<1x1x50x32xf32, #tpu.memory_space<vmem>> -> memref<50x32xf32, #tpu.memory_space<vmem>>
    %dma_start3A_421 = arith.constant 0 : i32
    %dma_start3A_422 = tpu.memref_slice %arg5[%dma_start3A_413, %dma_start3A_414, %dma_start3A_421] : memref<2x16x50xi32, #tpu.memory_space<vmem>> -> memref<1x1x50xi32, #tpu.memory_space<vmem>>
    %dma_start3A_423 = tpu.memref_squeeze %dma_start3A_422 : memref<1x1x50xi32, #tpu.memory_space<vmem>> -> memref<50xi32, #tpu.memory_space<vmem>>
    %dma_start3A_424 = arith.constant 0 : i32
    %dma_start3A_425 = arith.constant 0 : i32
    %dma_start3A_426 = tpu.memref_slice %arg3[%dma_start3A_424, %dma_start3A_425] : memref<4000000x32xf32, #tpu.memory_space<hbm>> -> memref<4000000x32xf32, #tpu.memory_space<hbm>>
    tpu.enqueue_indirect_dma source(%dma_start3A_426 : memref<4000000x32xf32, #tpu.memory_space<hbm>>) target(%dma_start3A_420 : memref<50x32xf32, #tpu.memory_space<vmem>>) offsets(%dma_start3A_423 : memref<50xi32, #tpu.memory_space<vmem>>) semaphore(%arg8 : memref<!tpu.dma_semaphore, #tpu.memory_space<semaphore_mem>>)
    %dma_start3A_427 = arith.constant 1 : i32
    %dma_start3A_428 = arith.constant 14 : i32
    %dma_start3A_429 = arith.constant 1 : i32
    %dma_start3A_430 = arith.constant 14 : i32
    %dma_start3A_431 = arith.constant 0 : i32
    %dma_start3A_432 = arith.constant 0 : i32
    %dma_start3A_433 = tpu.memref_slice %arg6[%dma_start3A_429, %dma_start3A_430, %dma_start3A_431, %dma_start3A_432] : memref<2x16x50x32xf32, #tpu.memory_space<vmem>> -> memref<1x1x50x32xf32, #tpu.memory_space<vmem>>
    %dma_start3A_434 = tpu.memref_squeeze %dma_start3A_433 : memref<1x1x50x32xf32, #tpu.memory_space<vmem>> -> memref<50x32xf32, #tpu.memory_space<vmem>>
    %dma_start3A_435 = arith.constant 0 : i32
    %dma_start3A_436 = tpu.memref_slice %arg5[%dma_start3A_427, %dma_start3A_428, %dma_start3A_435] : memref<2x16x50xi32, #tpu.memory_space<vmem>> -> memref<1x1x50xi32, #tpu.memory_space<vmem>>
    %dma_start3A_437 = tpu.memref_squeeze %dma_start3A_436 : memref<1x1x50xi32, #tpu.memory_space<vmem>> -> memref<50xi32, #tpu.memory_space<vmem>>
    %dma_start3A_438 = arith.constant 0 : i32
    %dma_start3A_439 = arith.constant 0 : i32
    %dma_start3A_440 = tpu.memref_slice %arg3[%dma_start3A_438, %dma_start3A_439] : memref<4000000x32xf32, #tpu.memory_space<hbm>> -> memref<4000000x32xf32, #tpu.memory_space<hbm>>
    tpu.enqueue_indirect_dma source(%dma_start3A_440 : memref<4000000x32xf32, #tpu.memory_space<hbm>>) target(%dma_start3A_434 : memref<50x32xf32, #tpu.memory_space<vmem>>) offsets(%dma_start3A_437 : memref<50xi32, #tpu.memory_space<vmem>>) semaphore(%arg8 : memref<!tpu.dma_semaphore, #tpu.memory_space<semaphore_mem>>)
    %dma_start3A_441 = arith.constant 1 : i32
    %dma_start3A_442 = arith.constant 15 : i32
    %dma_start3A_443 = arith.constant 1 : i32
    %dma_start3A_444 = arith.constant 15 : i32
    %dma_start3A_445 = arith.constant 0 : i32
    %dma_start3A_446 = arith.constant 0 : i32
    %dma_start3A_447 = tpu.memref_slice %arg6[%dma_start3A_443, %dma_start3A_444, %dma_start3A_445, %dma_start3A_446] : memref<2x16x50x32xf32, #tpu.memory_space<vmem>> -> memref<1x1x50x32xf32, #tpu.memory_space<vmem>>
    %dma_start3A_448 = tpu.memref_squeeze %dma_start3A_447 : memref<1x1x50x32xf32, #tpu.memory_space<vmem>> -> memref<50x32xf32, #tpu.memory_space<vmem>>
    %dma_start3A_449 = arith.constant 0 : i32
    %dma_start3A_450 = tpu.memref_slice %arg5[%dma_start3A_441, %dma_start3A_442, %dma_start3A_449] : memref<2x16x50xi32, #tpu.memory_space<vmem>> -> memref<1x1x50xi32, #tpu.memory_space<vmem>>
    %dma_start3A_451 = tpu.memref_squeeze %dma_start3A_450 : memref<1x1x50xi32, #tpu.memory_space<vmem>> -> memref<50xi32, #tpu.memory_space<vmem>>
    %dma_start3A_452 = arith.constant 0 : i32
    %dma_start3A_453 = arith.constant 0 : i32
    %dma_start3A_454 = tpu.memref_slice %arg3[%dma_start3A_452, %dma_start3A_453] : memref<4000000x32xf32, #tpu.memory_space<hbm>> -> memref<4000000x32xf32, #tpu.memory_space<hbm>>
    tpu.enqueue_indirect_dma source(%dma_start3A_454 : memref<4000000x32xf32, #tpu.memory_space<hbm>>) target(%dma_start3A_448 : memref<50x32xf32, #tpu.memory_space<vmem>>) offsets(%dma_start3A_451 : memref<50xi32, #tpu.memory_space<vmem>>) semaphore(%arg8 : memref<!tpu.dma_semaphore, #tpu.memory_space<semaphore_mem>>)
    %scan3A = arith.constant 0 : i32
    %scan3A_455 = arith.constant 15 : i32
    %scan3A_456 = arith.addi %scan3A, %scan3A_455 : i32
    %scan3A_457 = arith.constant 1 : i32
    scf.for %scan3A_982 = %scan3A to %scan3A_456 step %scan3A_457  : i32 {
      %mul3A_983 = arith.constant 2 : i32
      %mul3A_984 = arith.muli %scan3A_982, %mul3A_983 : i32
      %add3A_985 = arith.constant 0 : i32
      %add3A_986 = arith.addi %add3A_985, %mul3A_984 : i32
      %add3A_987 = arith.constant 0 : i32
      %add3A_988 = arith.addi %add3A_986, %add3A_987 : i32
      %dma_wait3A_989 = arith.constant 0 : i32
      %dma_wait3A_990 = arith.constant 0 : i32
      %dma_wait3A_991 = arith.constant 0 : i32
      %dma_wait3A_992 = arith.constant 0 : i32
      %dma_wait3A_993 = arith.constant 0 : i32
      %dma_wait3A_994 = arith.constant 0 : i32
      %dma_wait3A_995 = tpu.memref_slice %arg6[%dma_wait3A_991, %dma_wait3A_992, %dma_wait3A_993, %dma_wait3A_994] : memref<2x16x50x32xf32, #tpu.memory_space<vmem>> -> memref<1x1x50x32xf32, #tpu.memory_space<vmem>>
      %dma_wait3A_996 = tpu.memref_squeeze %dma_wait3A_995 : memref<1x1x50x32xf32, #tpu.memory_space<vmem>> -> memref<50x32xf32, #tpu.memory_space<vmem>>
      %dma_wait3A_997 = arith.constant 0 : i32
      %dma_wait3A_998 = tpu.memref_slice %arg5[%dma_wait3A_989, %dma_wait3A_990, %dma_wait3A_997] : memref<2x16x50xi32, #tpu.memory_space<vmem>> -> memref<1x1x50xi32, #tpu.memory_space<vmem>>
      %dma_wait3A_999 = tpu.memref_squeeze %dma_wait3A_998 : memref<1x1x50xi32, #tpu.memory_space<vmem>> -> memref<50xi32, #tpu.memory_space<vmem>>
      %dma_wait3A_1000 = arith.constant 0 : i32
      %dma_wait3A_1001 = arith.constant 0 : i32
      %dma_wait3A_1002 = tpu.memref_slice %arg3[%dma_wait3A_1000, %dma_wait3A_1001] : memref<4000000x32xf32, #tpu.memory_space<hbm>> -> memref<4000000x32xf32, #tpu.memory_space<hbm>>
      tpu.wait_indirect_dma semaphore(%arg7 : memref<!tpu.dma_semaphore, #tpu.memory_space<semaphore_mem>>) src(%dma_wait3A_1002 : memref<4000000x32xf32, #tpu.memory_space<hbm>>) dst(%dma_wait3A_996 : memref<50x32xf32, #tpu.memory_space<vmem>>)
      %dma_wait3A_1003 = arith.constant 0 : i32
      %dma_wait3A_1004 = arith.constant 1 : i32
      %dma_wait3A_1005 = arith.constant 0 : i32
      %dma_wait3A_1006 = arith.constant 1 : i32
      %dma_wait3A_1007 = arith.constant 0 : i32
      %dma_wait3A_1008 = arith.constant 0 : i32
      %dma_wait3A_1009 = tpu.memref_slice %arg6[%dma_wait3A_1005, %dma_wait3A_1006, %dma_wait3A_1007, %dma_wait3A_1008] : memref<2x16x50x32xf32, #tpu.memory_space<vmem>> -> memref<1x1x50x32xf32, #tpu.memory_space<vmem>>
      %dma_wait3A_1010 = tpu.memref_squeeze %dma_wait3A_1009 : memref<1x1x50x32xf32, #tpu.memory_space<vmem>> -> memref<50x32xf32, #tpu.memory_space<vmem>>
      %dma_wait3A_1011 = arith.constant 0 : i32
      %dma_wait3A_1012 = tpu.memref_slice %arg5[%dma_wait3A_1003, %dma_wait3A_1004, %dma_wait3A_1011] : memref<2x16x50xi32, #tpu.memory_space<vmem>> -> memref<1x1x50xi32, #tpu.memory_space<vmem>>
      %dma_wait3A_1013 = tpu.memref_squeeze %dma_wait3A_1012 : memref<1x1x50xi32, #tpu.memory_space<vmem>> -> memref<50xi32, #tpu.memory_space<vmem>>
      %dma_wait3A_1014 = arith.constant 0 : i32
      %dma_wait3A_1015 = arith.constant 0 : i32
      %dma_wait3A_1016 = tpu.memref_slice %arg3[%dma_wait3A_1014, %dma_wait3A_1015] : memref<4000000x32xf32, #tpu.memory_space<hbm>> -> memref<4000000x32xf32, #tpu.memory_space<hbm>>
      tpu.wait_indirect_dma semaphore(%arg7 : memref<!tpu.dma_semaphore, #tpu.memory_space<semaphore_mem>>) src(%dma_wait3A_1016 : memref<4000000x32xf32, #tpu.memory_space<hbm>>) dst(%dma_wait3A_1010 : memref<50x32xf32, #tpu.memory_space<vmem>>)
      %dma_wait3A_1017 = arith.constant 0 : i32
      %dma_wait3A_1018 = arith.constant 2 : i32
      %dma_wait3A_1019 = arith.constant 0 : i32
      %dma_wait3A_1020 = arith.constant 2 : i32
      %dma_wait3A_1021 = arith.constant 0 : i32
      %dma_wait3A_1022 = arith.constant 0 : i32
      %dma_wait3A_1023 = tpu.memref_slice %arg6[%dma_wait3A_1019, %dma_wait3A_1020, %dma_wait3A_1021, %dma_wait3A_1022] : memref<2x16x50x32xf32, #tpu.memory_space<vmem>> -> memref<1x1x50x32xf32, #tpu.memory_space<vmem>>
      %dma_wait3A_1024 = tpu.memref_squeeze %dma_wait3A_1023 : memref<1x1x50x32xf32, #tpu.memory_space<vmem>> -> memref<50x32xf32, #tpu.memory_space<vmem>>
      %dma_wait3A_1025 = arith.constant 0 : i32
      %dma_wait3A_1026 = tpu.memref_slice %arg5[%dma_wait3A_1017, %dma_wait3A_1018, %dma_wait3A_1025] : memref<2x16x50xi32, #tpu.memory_space<vmem>> -> memref<1x1x50xi32, #tpu.memory_space<vmem>>
      %dma_wait3A_1027 = tpu.memref_squeeze %dma_wait3A_1026 : memref<1x1x50xi32, #tpu.memory_space<vmem>> -> memref<50xi32, #tpu.memory_space<vmem>>
      %dma_wait3A_1028 = arith.constant 0 : i32
      %dma_wait3A_1029 = arith.constant 0 : i32
      %dma_wait3A_1030 = tpu.memref_slice %arg3[%dma_wait3A_1028, %dma_wait3A_1029] : memref<4000000x32xf32, #tpu.memory_space<hbm>> -> memref<4000000x32xf32, #tpu.memory_space<hbm>>
      tpu.wait_indirect_dma semaphore(%arg7 : memref<!tpu.dma_semaphore, #tpu.memory_space<semaphore_mem>>) src(%dma_wait3A_1030 : memref<4000000x32xf32, #tpu.memory_space<hbm>>) dst(%dma_wait3A_1024 : memref<50x32xf32, #tpu.memory_space<vmem>>)
      %dma_wait3A_1031 = arith.constant 0 : i32
      %dma_wait3A_1032 = arith.constant 3 : i32
      %dma_wait3A_1033 = arith.constant 0 : i32
      %dma_wait3A_1034 = arith.constant 3 : i32
      %dma_wait3A_1035 = arith.constant 0 : i32
      %dma_wait3A_1036 = arith.constant 0 : i32
      %dma_wait3A_1037 = tpu.memref_slice %arg6[%dma_wait3A_1033, %dma_wait3A_1034, %dma_wait3A_1035, %dma_wait3A_1036] : memref<2x16x50x32xf32, #tpu.memory_space<vmem>> -> memref<1x1x50x32xf32, #tpu.memory_space<vmem>>
      %dma_wait3A_1038 = tpu.memref_squeeze %dma_wait3A_1037 : memref<1x1x50x32xf32, #tpu.memory_space<vmem>> -> memref<50x32xf32, #tpu.memory_space<vmem>>
      %dma_wait3A_1039 = arith.constant 0 : i32
      %dma_wait3A_1040 = tpu.memref_slice %arg5[%dma_wait3A_1031, %dma_wait3A_1032, %dma_wait3A_1039] : memref<2x16x50xi32, #tpu.memory_space<vmem>> -> memref<1x1x50xi32, #tpu.memory_space<vmem>>
      %dma_wait3A_1041 = tpu.memref_squeeze %dma_wait3A_1040 : memref<1x1x50xi32, #tpu.memory_space<vmem>> -> memref<50xi32, #tpu.memory_space<vmem>>
      %dma_wait3A_1042 = arith.constant 0 : i32
      %dma_wait3A_1043 = arith.constant 0 : i32
      %dma_wait3A_1044 = tpu.memref_slice %arg3[%dma_wait3A_1042, %dma_wait3A_1043] : memref<4000000x32xf32, #tpu.memory_space<hbm>> -> memref<4000000x32xf32, #tpu.memory_space<hbm>>
      tpu.wait_indirect_dma semaphore(%arg7 : memref<!tpu.dma_semaphore, #tpu.memory_space<semaphore_mem>>) src(%dma_wait3A_1044 : memref<4000000x32xf32, #tpu.memory_space<hbm>>) dst(%dma_wait3A_1038 : memref<50x32xf32, #tpu.memory_space<vmem>>)
      %dma_wait3A_1045 = arith.constant 0 : i32
      %dma_wait3A_1046 = arith.constant 4 : i32
      %dma_wait3A_1047 = arith.constant 0 : i32
      %dma_wait3A_1048 = arith.constant 4 : i32
      %dma_wait3A_1049 = arith.constant 0 : i32
      %dma_wait3A_1050 = arith.constant 0 : i32
      %dma_wait3A_1051 = tpu.memref_slice %arg6[%dma_wait3A_1047, %dma_wait3A_1048, %dma_wait3A_1049, %dma_wait3A_1050] : memref<2x16x50x32xf32, #tpu.memory_space<vmem>> -> memref<1x1x50x32xf32, #tpu.memory_space<vmem>>
      %dma_wait3A_1052 = tpu.memref_squeeze %dma_wait3A_1051 : memref<1x1x50x32xf32, #tpu.memory_space<vmem>> -> memref<50x32xf32, #tpu.memory_space<vmem>>
      %dma_wait3A_1053 = arith.constant 0 : i32
      %dma_wait3A_1054 = tpu.memref_slice %arg5[%dma_wait3A_1045, %dma_wait3A_1046, %dma_wait3A_1053] : memref<2x16x50xi32, #tpu.memory_space<vmem>> -> memref<1x1x50xi32, #tpu.memory_space<vmem>>
      %dma_wait3A_1055 = tpu.memref_squeeze %dma_wait3A_1054 : memref<1x1x50xi32, #tpu.memory_space<vmem>> -> memref<50xi32, #tpu.memory_space<vmem>>
      %dma_wait3A_1056 = arith.constant 0 : i32
      %dma_wait3A_1057 = arith.constant 0 : i32
      %dma_wait3A_1058 = tpu.memref_slice %arg3[%dma_wait3A_1056, %dma_wait3A_1057] : memref<4000000x32xf32, #tpu.memory_space<hbm>> -> memref<4000000x32xf32, #tpu.memory_space<hbm>>
      tpu.wait_indirect_dma semaphore(%arg7 : memref<!tpu.dma_semaphore, #tpu.memory_space<semaphore_mem>>) src(%dma_wait3A_1058 : memref<4000000x32xf32, #tpu.memory_space<hbm>>) dst(%dma_wait3A_1052 : memref<50x32xf32, #tpu.memory_space<vmem>>)
      %dma_wait3A_1059 = arith.constant 0 : i32
      %dma_wait3A_1060 = arith.constant 5 : i32
      %dma_wait3A_1061 = arith.constant 0 : i32
      %dma_wait3A_1062 = arith.constant 5 : i32
      %dma_wait3A_1063 = arith.constant 0 : i32
      %dma_wait3A_1064 = arith.constant 0 : i32
      %dma_wait3A_1065 = tpu.memref_slice %arg6[%dma_wait3A_1061, %dma_wait3A_1062, %dma_wait3A_1063, %dma_wait3A_1064] : memref<2x16x50x32xf32, #tpu.memory_space<vmem>> -> memref<1x1x50x32xf32, #tpu.memory_space<vmem>>
      %dma_wait3A_1066 = tpu.memref_squeeze %dma_wait3A_1065 : memref<1x1x50x32xf32, #tpu.memory_space<vmem>> -> memref<50x32xf32, #tpu.memory_space<vmem>>
      %dma_wait3A_1067 = arith.constant 0 : i32
      %dma_wait3A_1068 = tpu.memref_slice %arg5[%dma_wait3A_1059, %dma_wait3A_1060, %dma_wait3A_1067] : memref<2x16x50xi32, #tpu.memory_space<vmem>> -> memref<1x1x50xi32, #tpu.memory_space<vmem>>
      %dma_wait3A_1069 = tpu.memref_squeeze %dma_wait3A_1068 : memref<1x1x50xi32, #tpu.memory_space<vmem>> -> memref<50xi32, #tpu.memory_space<vmem>>
      %dma_wait3A_1070 = arith.constant 0 : i32
      %dma_wait3A_1071 = arith.constant 0 : i32
      %dma_wait3A_1072 = tpu.memref_slice %arg3[%dma_wait3A_1070, %dma_wait3A_1071] : memref<4000000x32xf32, #tpu.memory_space<hbm>> -> memref<4000000x32xf32, #tpu.memory_space<hbm>>
      tpu.wait_indirect_dma semaphore(%arg7 : memref<!tpu.dma_semaphore, #tpu.memory_space<semaphore_mem>>) src(%dma_wait3A_1072 : memref<4000000x32xf32, #tpu.memory_space<hbm>>) dst(%dma_wait3A_1066 : memref<50x32xf32, #tpu.memory_space<vmem>>)
      %dma_wait3A_1073 = arith.constant 0 : i32
      %dma_wait3A_1074 = arith.constant 6 : i32
      %dma_wait3A_1075 = arith.constant 0 : i32
      %dma_wait3A_1076 = arith.constant 6 : i32
      %dma_wait3A_1077 = arith.constant 0 : i32
      %dma_wait3A_1078 = arith.constant 0 : i32
      %dma_wait3A_1079 = tpu.memref_slice %arg6[%dma_wait3A_1075, %dma_wait3A_1076, %dma_wait3A_1077, %dma_wait3A_1078] : memref<2x16x50x32xf32, #tpu.memory_space<vmem>> -> memref<1x1x50x32xf32, #tpu.memory_space<vmem>>
      %dma_wait3A_1080 = tpu.memref_squeeze %dma_wait3A_1079 : memref<1x1x50x32xf32, #tpu.memory_space<vmem>> -> memref<50x32xf32, #tpu.memory_space<vmem>>
      %dma_wait3A_1081 = arith.constant 0 : i32
      %dma_wait3A_1082 = tpu.memref_slice %arg5[%dma_wait3A_1073, %dma_wait3A_1074, %dma_wait3A_1081] : memref<2x16x50xi32, #tpu.memory_space<vmem>> -> memref<1x1x50xi32, #tpu.memory_space<vmem>>
      %dma_wait3A_1083 = tpu.memref_squeeze %dma_wait3A_1082 : memref<1x1x50xi32, #tpu.memory_space<vmem>> -> memref<50xi32, #tpu.memory_space<vmem>>
      %dma_wait3A_1084 = arith.constant 0 : i32
      %dma_wait3A_1085 = arith.constant 0 : i32
      %dma_wait3A_1086 = tpu.memref_slice %arg3[%dma_wait3A_1084, %dma_wait3A_1085] : memref<4000000x32xf32, #tpu.memory_space<hbm>> -> memref<4000000x32xf32, #tpu.memory_space<hbm>>
      tpu.wait_indirect_dma semaphore(%arg7 : memref<!tpu.dma_semaphore, #tpu.memory_space<semaphore_mem>>) src(%dma_wait3A_1086 : memref<4000000x32xf32, #tpu.memory_space<hbm>>) dst(%dma_wait3A_1080 : memref<50x32xf32, #tpu.memory_space<vmem>>)
      %dma_wait3A_1087 = arith.constant 0 : i32
      %dma_wait3A_1088 = arith.constant 7 : i32
      %dma_wait3A_1089 = arith.constant 0 : i32
      %dma_wait3A_1090 = arith.constant 7 : i32
      %dma_wait3A_1091 = arith.constant 0 : i32
      %dma_wait3A_1092 = arith.constant 0 : i32
      %dma_wait3A_1093 = tpu.memref_slice %arg6[%dma_wait3A_1089, %dma_wait3A_1090, %dma_wait3A_1091, %dma_wait3A_1092] : memref<2x16x50x32xf32, #tpu.memory_space<vmem>> -> memref<1x1x50x32xf32, #tpu.memory_space<vmem>>
      %dma_wait3A_1094 = tpu.memref_squeeze %dma_wait3A_1093 : memref<1x1x50x32xf32, #tpu.memory_space<vmem>> -> memref<50x32xf32, #tpu.memory_space<vmem>>
      %dma_wait3A_1095 = arith.constant 0 : i32
      %dma_wait3A_1096 = tpu.memref_slice %arg5[%dma_wait3A_1087, %dma_wait3A_1088, %dma_wait3A_1095] : memref<2x16x50xi32, #tpu.memory_space<vmem>> -> memref<1x1x50xi32, #tpu.memory_space<vmem>>
      %dma_wait3A_1097 = tpu.memref_squeeze %dma_wait3A_1096 : memref<1x1x50xi32, #tpu.memory_space<vmem>> -> memref<50xi32, #tpu.memory_space<vmem>>
      %dma_wait3A_1098 = arith.constant 0 : i32
      %dma_wait3A_1099 = arith.constant 0 : i32
      %dma_wait3A_1100 = tpu.memref_slice %arg3[%dma_wait3A_1098, %dma_wait3A_1099] : memref<4000000x32xf32, #tpu.memory_space<hbm>> -> memref<4000000x32xf32, #tpu.memory_space<hbm>>
      tpu.wait_indirect_dma semaphore(%arg7 : memref<!tpu.dma_semaphore, #tpu.memory_space<semaphore_mem>>) src(%dma_wait3A_1100 : memref<4000000x32xf32, #tpu.memory_space<hbm>>) dst(%dma_wait3A_1094 : memref<50x32xf32, #tpu.memory_space<vmem>>)
      %dma_wait3A_1101 = arith.constant 0 : i32
      %dma_wait3A_1102 = arith.constant 8 : i32
      %dma_wait3A_1103 = arith.constant 0 : i32
      %dma_wait3A_1104 = arith.constant 8 : i32
      %dma_wait3A_1105 = arith.constant 0 : i32
      %dma_wait3A_1106 = arith.constant 0 : i32
      %dma_wait3A_1107 = tpu.memref_slice %arg6[%dma_wait3A_1103, %dma_wait3A_1104, %dma_wait3A_1105, %dma_wait3A_1106] : memref<2x16x50x32xf32, #tpu.memory_space<vmem>> -> memref<1x1x50x32xf32, #tpu.memory_space<vmem>>
      %dma_wait3A_1108 = tpu.memref_squeeze %dma_wait3A_1107 : memref<1x1x50x32xf32, #tpu.memory_space<vmem>> -> memref<50x32xf32, #tpu.memory_space<vmem>>
      %dma_wait3A_1109 = arith.constant 0 : i32
      %dma_wait3A_1110 = tpu.memref_slice %arg5[%dma_wait3A_1101, %dma_wait3A_1102, %dma_wait3A_1109] : memref<2x16x50xi32, #tpu.memory_space<vmem>> -> memref<1x1x50xi32, #tpu.memory_space<vmem>>
      %dma_wait3A_1111 = tpu.memref_squeeze %dma_wait3A_1110 : memref<1x1x50xi32, #tpu.memory_space<vmem>> -> memref<50xi32, #tpu.memory_space<vmem>>
      %dma_wait3A_1112 = arith.constant 0 : i32
      %dma_wait3A_1113 = arith.constant 0 : i32
      %dma_wait3A_1114 = tpu.memref_slice %arg3[%dma_wait3A_1112, %dma_wait3A_1113] : memref<4000000x32xf32, #tpu.memory_space<hbm>> -> memref<4000000x32xf32, #tpu.memory_space<hbm>>
      tpu.wait_indirect_dma semaphore(%arg7 : memref<!tpu.dma_semaphore, #tpu.memory_space<semaphore_mem>>) src(%dma_wait3A_1114 : memref<4000000x32xf32, #tpu.memory_space<hbm>>) dst(%dma_wait3A_1108 : memref<50x32xf32, #tpu.memory_space<vmem>>)
      %dma_wait3A_1115 = arith.constant 0 : i32
      %dma_wait3A_1116 = arith.constant 9 : i32
      %dma_wait3A_1117 = arith.constant 0 : i32
      %dma_wait3A_1118 = arith.constant 9 : i32
      %dma_wait3A_1119 = arith.constant 0 : i32
      %dma_wait3A_1120 = arith.constant 0 : i32
      %dma_wait3A_1121 = tpu.memref_slice %arg6[%dma_wait3A_1117, %dma_wait3A_1118, %dma_wait3A_1119, %dma_wait3A_1120] : memref<2x16x50x32xf32, #tpu.memory_space<vmem>> -> memref<1x1x50x32xf32, #tpu.memory_space<vmem>>
      %dma_wait3A_1122 = tpu.memref_squeeze %dma_wait3A_1121 : memref<1x1x50x32xf32, #tpu.memory_space<vmem>> -> memref<50x32xf32, #tpu.memory_space<vmem>>
      %dma_wait3A_1123 = arith.constant 0 : i32
      %dma_wait3A_1124 = tpu.memref_slice %arg5[%dma_wait3A_1115, %dma_wait3A_1116, %dma_wait3A_1123] : memref<2x16x50xi32, #tpu.memory_space<vmem>> -> memref<1x1x50xi32, #tpu.memory_space<vmem>>
      %dma_wait3A_1125 = tpu.memref_squeeze %dma_wait3A_1124 : memref<1x1x50xi32, #tpu.memory_space<vmem>> -> memref<50xi32, #tpu.memory_space<vmem>>
      %dma_wait3A_1126 = arith.constant 0 : i32
      %dma_wait3A_1127 = arith.constant 0 : i32
      %dma_wait3A_1128 = tpu.memref_slice %arg3[%dma_wait3A_1126, %dma_wait3A_1127] : memref<4000000x32xf32, #tpu.memory_space<hbm>> -> memref<4000000x32xf32, #tpu.memory_space<hbm>>
      tpu.wait_indirect_dma semaphore(%arg7 : memref<!tpu.dma_semaphore, #tpu.memory_space<semaphore_mem>>) src(%dma_wait3A_1128 : memref<4000000x32xf32, #tpu.memory_space<hbm>>) dst(%dma_wait3A_1122 : memref<50x32xf32, #tpu.memory_space<vmem>>)
      %dma_wait3A_1129 = arith.constant 0 : i32
      %dma_wait3A_1130 = arith.constant 10 : i32
      %dma_wait3A_1131 = arith.constant 0 : i32
      %dma_wait3A_1132 = arith.constant 10 : i32
      %dma_wait3A_1133 = arith.constant 0 : i32
      %dma_wait3A_1134 = arith.constant 0 : i32
      %dma_wait3A_1135 = tpu.memref_slice %arg6[%dma_wait3A_1131, %dma_wait3A_1132, %dma_wait3A_1133, %dma_wait3A_1134] : memref<2x16x50x32xf32, #tpu.memory_space<vmem>> -> memref<1x1x50x32xf32, #tpu.memory_space<vmem>>
      %dma_wait3A_1136 = tpu.memref_squeeze %dma_wait3A_1135 : memref<1x1x50x32xf32, #tpu.memory_space<vmem>> -> memref<50x32xf32, #tpu.memory_space<vmem>>
      %dma_wait3A_1137 = arith.constant 0 : i32
      %dma_wait3A_1138 = tpu.memref_slice %arg5[%dma_wait3A_1129, %dma_wait3A_1130, %dma_wait3A_1137] : memref<2x16x50xi32, #tpu.memory_space<vmem>> -> memref<1x1x50xi32, #tpu.memory_space<vmem>>
      %dma_wait3A_1139 = tpu.memref_squeeze %dma_wait3A_1138 : memref<1x1x50xi32, #tpu.memory_space<vmem>> -> memref<50xi32, #tpu.memory_space<vmem>>
      %dma_wait3A_1140 = arith.constant 0 : i32
      %dma_wait3A_1141 = arith.constant 0 : i32
      %dma_wait3A_1142 = tpu.memref_slice %arg3[%dma_wait3A_1140, %dma_wait3A_1141] : memref<4000000x32xf32, #tpu.memory_space<hbm>> -> memref<4000000x32xf32, #tpu.memory_space<hbm>>
      tpu.wait_indirect_dma semaphore(%arg7 : memref<!tpu.dma_semaphore, #tpu.memory_space<semaphore_mem>>) src(%dma_wait3A_1142 : memref<4000000x32xf32, #tpu.memory_space<hbm>>) dst(%dma_wait3A_1136 : memref<50x32xf32, #tpu.memory_space<vmem>>)
      %dma_wait3A_1143 = arith.constant 0 : i32
      %dma_wait3A_1144 = arith.constant 11 : i32
      %dma_wait3A_1145 = arith.constant 0 : i32
      %dma_wait3A_1146 = arith.constant 11 : i32
      %dma_wait3A_1147 = arith.constant 0 : i32
      %dma_wait3A_1148 = arith.constant 0 : i32
      %dma_wait3A_1149 = tpu.memref_slice %arg6[%dma_wait3A_1145, %dma_wait3A_1146, %dma_wait3A_1147, %dma_wait3A_1148] : memref<2x16x50x32xf32, #tpu.memory_space<vmem>> -> memref<1x1x50x32xf32, #tpu.memory_space<vmem>>
      %dma_wait3A_1150 = tpu.memref_squeeze %dma_wait3A_1149 : memref<1x1x50x32xf32, #tpu.memory_space<vmem>> -> memref<50x32xf32, #tpu.memory_space<vmem>>
      %dma_wait3A_1151 = arith.constant 0 : i32
      %dma_wait3A_1152 = tpu.memref_slice %arg5[%dma_wait3A_1143, %dma_wait3A_1144, %dma_wait3A_1151] : memref<2x16x50xi32, #tpu.memory_space<vmem>> -> memref<1x1x50xi32, #tpu.memory_space<vmem>>
      %dma_wait3A_1153 = tpu.memref_squeeze %dma_wait3A_1152 : memref<1x1x50xi32, #tpu.memory_space<vmem>> -> memref<50xi32, #tpu.memory_space<vmem>>
      %dma_wait3A_1154 = arith.constant 0 : i32
      %dma_wait3A_1155 = arith.constant 0 : i32
      %dma_wait3A_1156 = tpu.memref_slice %arg3[%dma_wait3A_1154, %dma_wait3A_1155] : memref<4000000x32xf32, #tpu.memory_space<hbm>> -> memref<4000000x32xf32, #tpu.memory_space<hbm>>
      tpu.wait_indirect_dma semaphore(%arg7 : memref<!tpu.dma_semaphore, #tpu.memory_space<semaphore_mem>>) src(%dma_wait3A_1156 : memref<4000000x32xf32, #tpu.memory_space<hbm>>) dst(%dma_wait3A_1150 : memref<50x32xf32, #tpu.memory_space<vmem>>)
      %dma_wait3A_1157 = arith.constant 0 : i32
      %dma_wait3A_1158 = arith.constant 12 : i32
      %dma_wait3A_1159 = arith.constant 0 : i32
      %dma_wait3A_1160 = arith.constant 12 : i32
      %dma_wait3A_1161 = arith.constant 0 : i32
      %dma_wait3A_1162 = arith.constant 0 : i32
      %dma_wait3A_1163 = tpu.memref_slice %arg6[%dma_wait3A_1159, %dma_wait3A_1160, %dma_wait3A_1161, %dma_wait3A_1162] : memref<2x16x50x32xf32, #tpu.memory_space<vmem>> -> memref<1x1x50x32xf32, #tpu.memory_space<vmem>>
      %dma_wait3A_1164 = tpu.memref_squeeze %dma_wait3A_1163 : memref<1x1x50x32xf32, #tpu.memory_space<vmem>> -> memref<50x32xf32, #tpu.memory_space<vmem>>
      %dma_wait3A_1165 = arith.constant 0 : i32
      %dma_wait3A_1166 = tpu.memref_slice %arg5[%dma_wait3A_1157, %dma_wait3A_1158, %dma_wait3A_1165] : memref<2x16x50xi32, #tpu.memory_space<vmem>> -> memref<1x1x50xi32, #tpu.memory_space<vmem>>
      %dma_wait3A_1167 = tpu.memref_squeeze %dma_wait3A_1166 : memref<1x1x50xi32, #tpu.memory_space<vmem>> -> memref<50xi32, #tpu.memory_space<vmem>>
      %dma_wait3A_1168 = arith.constant 0 : i32
      %dma_wait3A_1169 = arith.constant 0 : i32
      %dma_wait3A_1170 = tpu.memref_slice %arg3[%dma_wait3A_1168, %dma_wait3A_1169] : memref<4000000x32xf32, #tpu.memory_space<hbm>> -> memref<4000000x32xf32, #tpu.memory_space<hbm>>
      tpu.wait_indirect_dma semaphore(%arg7 : memref<!tpu.dma_semaphore, #tpu.memory_space<semaphore_mem>>) src(%dma_wait3A_1170 : memref<4000000x32xf32, #tpu.memory_space<hbm>>) dst(%dma_wait3A_1164 : memref<50x32xf32, #tpu.memory_space<vmem>>)
      %dma_wait3A_1171 = arith.constant 0 : i32
      %dma_wait3A_1172 = arith.constant 13 : i32
      %dma_wait3A_1173 = arith.constant 0 : i32
      %dma_wait3A_1174 = arith.constant 13 : i32
      %dma_wait3A_1175 = arith.constant 0 : i32
      %dma_wait3A_1176 = arith.constant 0 : i32
      %dma_wait3A_1177 = tpu.memref_slice %arg6[%dma_wait3A_1173, %dma_wait3A_1174, %dma_wait3A_1175, %dma_wait3A_1176] : memref<2x16x50x32xf32, #tpu.memory_space<vmem>> -> memref<1x1x50x32xf32, #tpu.memory_space<vmem>>
      %dma_wait3A_1178 = tpu.memref_squeeze %dma_wait3A_1177 : memref<1x1x50x32xf32, #tpu.memory_space<vmem>> -> memref<50x32xf32, #tpu.memory_space<vmem>>
      %dma_wait3A_1179 = arith.constant 0 : i32
      %dma_wait3A_1180 = tpu.memref_slice %arg5[%dma_wait3A_1171, %dma_wait3A_1172, %dma_wait3A_1179] : memref<2x16x50xi32, #tpu.memory_space<vmem>> -> memref<1x1x50xi32, #tpu.memory_space<vmem>>
      %dma_wait3A_1181 = tpu.memref_squeeze %dma_wait3A_1180 : memref<1x1x50xi32, #tpu.memory_space<vmem>> -> memref<50xi32, #tpu.memory_space<vmem>>
      %dma_wait3A_1182 = arith.constant 0 : i32
      %dma_wait3A_1183 = arith.constant 0 : i32
      %dma_wait3A_1184 = tpu.memref_slice %arg3[%dma_wait3A_1182, %dma_wait3A_1183] : memref<4000000x32xf32, #tpu.memory_space<hbm>> -> memref<4000000x32xf32, #tpu.memory_space<hbm>>
      tpu.wait_indirect_dma semaphore(%arg7 : memref<!tpu.dma_semaphore, #tpu.memory_space<semaphore_mem>>) src(%dma_wait3A_1184 : memref<4000000x32xf32, #tpu.memory_space<hbm>>) dst(%dma_wait3A_1178 : memref<50x32xf32, #tpu.memory_space<vmem>>)
      %dma_wait3A_1185 = arith.constant 0 : i32
      %dma_wait3A_1186 = arith.constant 14 : i32
      %dma_wait3A_1187 = arith.constant 0 : i32
      %dma_wait3A_1188 = arith.constant 14 : i32
      %dma_wait3A_1189 = arith.constant 0 : i32
      %dma_wait3A_1190 = arith.constant 0 : i32
      %dma_wait3A_1191 = tpu.memref_slice %arg6[%dma_wait3A_1187, %dma_wait3A_1188, %dma_wait3A_1189, %dma_wait3A_1190] : memref<2x16x50x32xf32, #tpu.memory_space<vmem>> -> memref<1x1x50x32xf32, #tpu.memory_space<vmem>>
      %dma_wait3A_1192 = tpu.memref_squeeze %dma_wait3A_1191 : memref<1x1x50x32xf32, #tpu.memory_space<vmem>> -> memref<50x32xf32, #tpu.memory_space<vmem>>
      %dma_wait3A_1193 = arith.constant 0 : i32
      %dma_wait3A_1194 = tpu.memref_slice %arg5[%dma_wait3A_1185, %dma_wait3A_1186, %dma_wait3A_1193] : memref<2x16x50xi32, #tpu.memory_space<vmem>> -> memref<1x1x50xi32, #tpu.memory_space<vmem>>
      %dma_wait3A_1195 = tpu.memref_squeeze %dma_wait3A_1194 : memref<1x1x50xi32, #tpu.memory_space<vmem>> -> memref<50xi32, #tpu.memory_space<vmem>>
      %dma_wait3A_1196 = arith.constant 0 : i32
      %dma_wait3A_1197 = arith.constant 0 : i32
      %dma_wait3A_1198 = tpu.memref_slice %arg3[%dma_wait3A_1196, %dma_wait3A_1197] : memref<4000000x32xf32, #tpu.memory_space<hbm>> -> memref<4000000x32xf32, #tpu.memory_space<hbm>>
      tpu.wait_indirect_dma semaphore(%arg7 : memref<!tpu.dma_semaphore, #tpu.memory_space<semaphore_mem>>) src(%dma_wait3A_1198 : memref<4000000x32xf32, #tpu.memory_space<hbm>>) dst(%dma_wait3A_1192 : memref<50x32xf32, #tpu.memory_space<vmem>>)
      %dma_wait3A_1199 = arith.constant 0 : i32
      %dma_wait3A_1200 = arith.constant 15 : i32
      %dma_wait3A_1201 = arith.constant 0 : i32
      %dma_wait3A_1202 = arith.constant 15 : i32
      %dma_wait3A_1203 = arith.constant 0 : i32
      %dma_wait3A_1204 = arith.constant 0 : i32
      %dma_wait3A_1205 = tpu.memref_slice %arg6[%dma_wait3A_1201, %dma_wait3A_1202, %dma_wait3A_1203, %dma_wait3A_1204] : memref<2x16x50x32xf32, #tpu.memory_space<vmem>> -> memref<1x1x50x32xf32, #tpu.memory_space<vmem>>
      %dma_wait3A_1206 = tpu.memref_squeeze %dma_wait3A_1205 : memref<1x1x50x32xf32, #tpu.memory_space<vmem>> -> memref<50x32xf32, #tpu.memory_space<vmem>>
      %dma_wait3A_1207 = arith.constant 0 : i32
      %dma_wait3A_1208 = tpu.memref_slice %arg5[%dma_wait3A_1199, %dma_wait3A_1200, %dma_wait3A_1207] : memref<2x16x50xi32, #tpu.memory_space<vmem>> -> memref<1x1x50xi32, #tpu.memory_space<vmem>>
      %dma_wait3A_1209 = tpu.memref_squeeze %dma_wait3A_1208 : memref<1x1x50xi32, #tpu.memory_space<vmem>> -> memref<50xi32, #tpu.memory_space<vmem>>
      %dma_wait3A_1210 = arith.constant 0 : i32
      %dma_wait3A_1211 = arith.constant 0 : i32
      %dma_wait3A_1212 = tpu.memref_slice %arg3[%dma_wait3A_1210, %dma_wait3A_1211] : memref<4000000x32xf32, #tpu.memory_space<hbm>> -> memref<4000000x32xf32, #tpu.memory_space<hbm>>
      tpu.wait_indirect_dma semaphore(%arg7 : memref<!tpu.dma_semaphore, #tpu.memory_space<semaphore_mem>>) src(%dma_wait3A_1212 : memref<4000000x32xf32, #tpu.memory_space<hbm>>) dst(%dma_wait3A_1206 : memref<50x32xf32, #tpu.memory_space<vmem>>)
      %mul3A_1213 = arith.constant 16 : i32
      %mul3A_1214 = arith.muli %add3A_988, %mul3A_1213 : i32
      %add3A_1215 = arith.addi %mul3A_2, %mul3A_1214 : i32
      %dma_start3A_1216 = arith.constant 0 : i32
      %dma_start3A_1217 = arith.constant 0 : i32
      %dma_start3A_1218 = arith.constant 0 : i32
      %dma_start3A_1219 = arith.constant 0 : i32
      %dma_start3A_1220 = tpu.memref_slice %arg6[%dma_start3A_1216, %dma_start3A_1217, %dma_start3A_1218, %dma_start3A_1219] : memref<2x16x50x32xf32, #tpu.memory_space<vmem>> -> memref<1x16x50x32xf32, #tpu.memory_space<vmem>>
      %dma_start3A_1221 = tpu.memref_squeeze %dma_start3A_1220 : memref<1x16x50x32xf32, #tpu.memory_space<vmem>> -> memref<16x50x32xf32, #tpu.memory_space<vmem>>
      %dma_start3A_1222 = arith.constant 0 : i32
      %dma_start3A_1223 = arith.constant 0 : i32
      %dma_start3A_1224 = tpu.memref_slice %arg4[%add3A_1215, %dma_start3A_1222, %dma_start3A_1223] : memref<16384x50x32xf32, #tpu.memory_space<hbm>> -> memref<16x50x32xf32, #tpu.memory_space<hbm>>
      %dma_start3A_1225 = arith.constant 0 : i32
      %dma_start3A_1226 = arith.constant 0 : i32
      %dma_start3A_1227 = tpu.memref_slice %arg4[%add3A_1215, %dma_start3A_1225, %dma_start3A_1226] : memref<16384x50x32xf32, #tpu.memory_space<hbm>> -> memref<16x50x32xf32, #tpu.memory_space<hbm>>
      %dma_start3A_1228 = arith.constant 0 : i32
      %dma_start3A_1229 = arith.constant 0 : i32
      %dma_start3A_1230 = arith.constant 0 : i32
      %dma_start3A_1231 = tpu.memref_slice %arg6[%dma_start3A_1216, %dma_start3A_1228, %dma_start3A_1229, %dma_start3A_1230] : memref<2x16x50x32xf32, #tpu.memory_space<vmem>> -> memref<1x16x50x32xf32, #tpu.memory_space<vmem>>
      %dma_start3A_1232 = tpu.memref_squeeze %dma_start3A_1231 : memref<1x16x50x32xf32, #tpu.memory_space<vmem>> -> memref<16x50x32xf32, #tpu.memory_space<vmem>>
      tpu.enqueue_dma source(%dma_start3A_1232 : memref<16x50x32xf32, #tpu.memory_space<vmem>>) target(%dma_start3A_1227 : memref<16x50x32xf32, #tpu.memory_space<hbm>>) target_semaphore(%arg9 : memref<!tpu.dma_semaphore, #tpu.memory_space<semaphore_mem>>)
      %mul3A_1233 = arith.constant 16 : i32
      %mul3A_1234 = arith.muli %add3A_988, %mul3A_1233 : i32
      %add3A_1235 = arith.addi %mul3A_2, %mul3A_1234 : i32
      %dma_wait3A_1236 = arith.constant 0 : i32
      %dma_wait3A_1237 = arith.constant 0 : i32
      %dma_wait3A_1238 = arith.constant 0 : i32
      %dma_wait3A_1239 = arith.constant 0 : i32
      %dma_wait3A_1240 = tpu.memref_slice %arg6[%dma_wait3A_1236, %dma_wait3A_1237, %dma_wait3A_1238, %dma_wait3A_1239] : memref<2x16x50x32xf32, #tpu.memory_space<vmem>> -> memref<1x16x50x32xf32, #tpu.memory_space<vmem>>
      %dma_wait3A_1241 = tpu.memref_squeeze %dma_wait3A_1240 : memref<1x16x50x32xf32, #tpu.memory_space<vmem>> -> memref<16x50x32xf32, #tpu.memory_space<vmem>>
      %dma_wait3A_1242 = arith.constant 0 : i32
      %dma_wait3A_1243 = arith.constant 0 : i32
      %dma_wait3A_1244 = tpu.memref_slice %arg4[%add3A_1235, %dma_wait3A_1242, %dma_wait3A_1243] : memref<16384x50x32xf32, #tpu.memory_space<hbm>> -> memref<16x50x32xf32, #tpu.memory_space<hbm>>
      %dma_wait3A_1245 = arith.constant 0 : i32
      %dma_wait3A_1246 = arith.constant 0 : i32
      %dma_wait3A_1247 = tpu.memref_slice %arg4[%add3A_1235, %dma_wait3A_1245, %dma_wait3A_1246] : memref<16384x50x32xf32, #tpu.memory_space<hbm>> -> memref<16x50x32xf32, #tpu.memory_space<hbm>>
      %dma_wait3A_1248 = arith.constant 0 : i32
      %dma_wait3A_1249 = arith.constant 0 : i32
      %dma_wait3A_1250 = arith.constant 0 : i32
      %dma_wait3A_1251 = tpu.memref_slice %arg6[%dma_wait3A_1236, %dma_wait3A_1248, %dma_wait3A_1249, %dma_wait3A_1250] : memref<2x16x50x32xf32, #tpu.memory_space<vmem>> -> memref<1x16x50x32xf32, #tpu.memory_space<vmem>>
      %dma_wait3A_1252 = tpu.memref_squeeze %dma_wait3A_1251 : memref<1x16x50x32xf32, #tpu.memory_space<vmem>> -> memref<16x50x32xf32, #tpu.memory_space<vmem>>
      tpu.wait_dma2 semaphore(%arg9 : memref<!tpu.dma_semaphore, #tpu.memory_space<semaphore_mem>>) src(%dma_wait3A_1252 : memref<16x50x32xf32, #tpu.memory_space<vmem>>) dst(%dma_wait3A_1247 : memref<16x50x32xf32, #tpu.memory_space<hbm>>)
      %add3A_1253 = arith.constant 2 : i32
      %add3A_1254 = arith.addi %add3A_988, %add3A_1253 : i32
      %mul3A_1255 = arith.constant 16 : i32
      %mul3A_1256 = arith.muli %add3A_1254, %mul3A_1255 : i32
      %add3A_1257 = arith.addi %mul3A_2, %mul3A_1256 : i32
      %run_scoped3A_1258 = arith.constant 0 : i32
      "tpu.region"() ({
        %run_scoped3A_1979 = tpu.sem_alloc : memref<!tpu.dma_semaphore, #tpu.memory_space<semaphore_mem>>
        %dma_start3A_1980 = arith.constant 0 : i32
        %dma_start3A_1981 = arith.constant 0 : i32
        %dma_start3A_1982 = tpu.memref_slice %arg5[%run_scoped3A_1258, %dma_start3A_1980, %dma_start3A_1981] : memref<2x16x50xi32, #tpu.memory_space<vmem>> -> memref<1x16x50xi32, #tpu.memory_space<vmem>>
        %dma_start3A_1983 = tpu.memref_squeeze %dma_start3A_1982 : memref<1x16x50xi32, #tpu.memory_space<vmem>> -> memref<16x50xi32, #tpu.memory_space<vmem>>
        %dma_start3A_1984 = arith.constant 0 : i32
        %dma_start3A_1985 = tpu.memref_slice %arg2[%add3A_1257, %dma_start3A_1984] : memref<16384x50xi32, #tpu.memory_space<hbm>> -> memref<16x50xi32, #tpu.memory_space<hbm>>
        %dma_start3A_1986 = arith.constant 0 : i32
        %dma_start3A_1987 = arith.constant 0 : i32
        %dma_start3A_1988 = tpu.memref_slice %arg5[%run_scoped3A_1258, %dma_start3A_1986, %dma_start3A_1987] : memref<2x16x50xi32, #tpu.memory_space<vmem>> -> memref<1x16x50xi32, #tpu.memory_space<vmem>>
        %dma_start3A_1989 = tpu.memref_squeeze %dma_start3A_1988 : memref<1x16x50xi32, #tpu.memory_space<vmem>> -> memref<16x50xi32, #tpu.memory_space<vmem>>
        %dma_start3A_1990 = arith.constant 0 : i32
        %dma_start3A_1991 = tpu.memref_slice %arg2[%add3A_1257, %dma_start3A_1990] : memref<16384x50xi32, #tpu.memory_space<hbm>> -> memref<16x50xi32, #tpu.memory_space<hbm>>
        tpu.enqueue_dma source(%dma_start3A_1991 : memref<16x50xi32, #tpu.memory_space<hbm>>) target(%dma_start3A_1989 : memref<16x50xi32, #tpu.memory_space<vmem>>) target_semaphore(%run_scoped3A_1979 : memref<!tpu.dma_semaphore, #tpu.memory_space<semaphore_mem>>)
        %dma_wait3A_1992 = arith.constant 0 : i32
        %dma_wait3A_1993 = arith.constant 0 : i32
        %dma_wait3A_1994 = tpu.memref_slice %arg5[%run_scoped3A_1258, %dma_wait3A_1992, %dma_wait3A_1993] : memref<2x16x50xi32, #tpu.memory_space<vmem>> -> memref<1x16x50xi32, #tpu.memory_space<vmem>>
        %dma_wait3A_1995 = tpu.memref_squeeze %dma_wait3A_1994 : memref<1x16x50xi32, #tpu.memory_space<vmem>> -> memref<16x50xi32, #tpu.memory_space<vmem>>
        %dma_wait3A_1996 = arith.constant 0 : i32
        %dma_wait3A_1997 = tpu.memref_slice %arg2[%add3A_1257, %dma_wait3A_1996] : memref<16384x50xi32, #tpu.memory_space<hbm>> -> memref<16x50xi32, #tpu.memory_space<hbm>>
        %dma_wait3A_1998 = arith.constant 0 : i32
        %dma_wait3A_1999 = arith.constant 0 : i32
        %dma_wait3A_2000 = tpu.memref_slice %arg5[%run_scoped3A_1258, %dma_wait3A_1998, %dma_wait3A_1999] : memref<2x16x50xi32, #tpu.memory_space<vmem>> -> memref<1x16x50xi32, #tpu.memory_space<vmem>>
        %dma_wait3A_2001 = tpu.memref_squeeze %dma_wait3A_2000 : memref<1x16x50xi32, #tpu.memory_space<vmem>> -> memref<16x50xi32, #tpu.memory_space<vmem>>
        %dma_wait3A_2002 = arith.constant 0 : i32
        %dma_wait3A_2003 = tpu.memref_slice %arg2[%add3A_1257, %dma_wait3A_2002] : memref<16384x50xi32, #tpu.memory_space<hbm>> -> memref<16x50xi32, #tpu.memory_space<hbm>>
        tpu.wait_dma2 semaphore(%run_scoped3A_1979 : memref<!tpu.dma_semaphore, #tpu.memory_space<semaphore_mem>>) src(%dma_wait3A_2003 : memref<16x50xi32, #tpu.memory_space<hbm>>) dst(%dma_wait3A_2001 : memref<16x50xi32, #tpu.memory_space<vmem>>)
        tpu.yield
      }) : () -> ()
      %dma_start3A_1259 = arith.constant 0 : i32
      %dma_start3A_1260 = arith.constant 0 : i32
      %dma_start3A_1261 = arith.constant 0 : i32
      %dma_start3A_1262 = arith.constant 0 : i32
      %dma_start3A_1263 = arith.constant 0 : i32
      %dma_start3A_1264 = arith.constant 0 : i32
      %dma_start3A_1265 = tpu.memref_slice %arg6[%dma_start3A_1261, %dma_start3A_1262, %dma_start3A_1263, %dma_start3A_1264] : memref<2x16x50x32xf32, #tpu.memory_space<vmem>> -> memref<1x1x50x32xf32, #tpu.memory_space<vmem>>
      %dma_start3A_1266 = tpu.memref_squeeze %dma_start3A_1265 : memref<1x1x50x32xf32, #tpu.memory_space<vmem>> -> memref<50x32xf32, #tpu.memory_space<vmem>>
      %dma_start3A_1267 = arith.constant 0 : i32
      %dma_start3A_1268 = tpu.memref_slice %arg5[%dma_start3A_1259, %dma_start3A_1260, %dma_start3A_1267] : memref<2x16x50xi32, #tpu.memory_space<vmem>> -> memref<1x1x50xi32, #tpu.memory_space<vmem>>
      %dma_start3A_1269 = tpu.memref_squeeze %dma_start3A_1268 : memref<1x1x50xi32, #tpu.memory_space<vmem>> -> memref<50xi32, #tpu.memory_space<vmem>>
      %dma_start3A_1270 = arith.constant 0 : i32
      %dma_start3A_1271 = arith.constant 0 : i32
      %dma_start3A_1272 = tpu.memref_slice %arg3[%dma_start3A_1270, %dma_start3A_1271] : memref<4000000x32xf32, #tpu.memory_space<hbm>> -> memref<4000000x32xf32, #tpu.memory_space<hbm>>
      tpu.enqueue_indirect_dma source(%dma_start3A_1272 : memref<4000000x32xf32, #tpu.memory_space<hbm>>) target(%dma_start3A_1266 : memref<50x32xf32, #tpu.memory_space<vmem>>) offsets(%dma_start3A_1269 : memref<50xi32, #tpu.memory_space<vmem>>) semaphore(%arg7 : memref<!tpu.dma_semaphore, #tpu.memory_space<semaphore_mem>>)
      %dma_start3A_1273 = arith.constant 0 : i32
      %dma_start3A_1274 = arith.constant 1 : i32
      %dma_start3A_1275 = arith.constant 0 : i32
      %dma_start3A_1276 = arith.constant 1 : i32
      %dma_start3A_1277 = arith.constant 0 : i32
      %dma_start3A_1278 = arith.constant 0 : i32
      %dma_start3A_1279 = tpu.memref_slice %arg6[%dma_start3A_1275, %dma_start3A_1276, %dma_start3A_1277, %dma_start3A_1278] : memref<2x16x50x32xf32, #tpu.memory_space<vmem>> -> memref<1x1x50x32xf32, #tpu.memory_space<vmem>>
      %dma_start3A_1280 = tpu.memref_squeeze %dma_start3A_1279 : memref<1x1x50x32xf32, #tpu.memory_space<vmem>> -> memref<50x32xf32, #tpu.memory_space<vmem>>
      %dma_start3A_1281 = arith.constant 0 : i32
      %dma_start3A_1282 = tpu.memref_slice %arg5[%dma_start3A_1273, %dma_start3A_1274, %dma_start3A_1281] : memref<2x16x50xi32, #tpu.memory_space<vmem>> -> memref<1x1x50xi32, #tpu.memory_space<vmem>>
      %dma_start3A_1283 = tpu.memref_squeeze %dma_start3A_1282 : memref<1x1x50xi32, #tpu.memory_space<vmem>> -> memref<50xi32, #tpu.memory_space<vmem>>
      %dma_start3A_1284 = arith.constant 0 : i32
      %dma_start3A_1285 = arith.constant 0 : i32
      %dma_start3A_1286 = tpu.memref_slice %arg3[%dma_start3A_1284, %dma_start3A_1285] : memref<4000000x32xf32, #tpu.memory_space<hbm>> -> memref<4000000x32xf32, #tpu.memory_space<hbm>>
      tpu.enqueue_indirect_dma source(%dma_start3A_1286 : memref<4000000x32xf32, #tpu.memory_space<hbm>>) target(%dma_start3A_1280 : memref<50x32xf32, #tpu.memory_space<vmem>>) offsets(%dma_start3A_1283 : memref<50xi32, #tpu.memory_space<vmem>>) semaphore(%arg7 : memref<!tpu.dma_semaphore, #tpu.memory_space<semaphore_mem>>)
      %dma_start3A_1287 = arith.constant 0 : i32
      %dma_start3A_1288 = arith.constant 2 : i32
      %dma_start3A_1289 = arith.constant 0 : i32
      %dma_start3A_1290 = arith.constant 2 : i32
      %dma_start3A_1291 = arith.constant 0 : i32
      %dma_start3A_1292 = arith.constant 0 : i32
      %dma_start3A_1293 = tpu.memref_slice %arg6[%dma_start3A_1289, %dma_start3A_1290, %dma_start3A_1291, %dma_start3A_1292] : memref<2x16x50x32xf32, #tpu.memory_space<vmem>> -> memref<1x1x50x32xf32, #tpu.memory_space<vmem>>
      %dma_start3A_1294 = tpu.memref_squeeze %dma_start3A_1293 : memref<1x1x50x32xf32, #tpu.memory_space<vmem>> -> memref<50x32xf32, #tpu.memory_space<vmem>>
      %dma_start3A_1295 = arith.constant 0 : i32
      %dma_start3A_1296 = tpu.memref_slice %arg5[%dma_start3A_1287, %dma_start3A_1288, %dma_start3A_1295] : memref<2x16x50xi32, #tpu.memory_space<vmem>> -> memref<1x1x50xi32, #tpu.memory_space<vmem>>
      %dma_start3A_1297 = tpu.memref_squeeze %dma_start3A_1296 : memref<1x1x50xi32, #tpu.memory_space<vmem>> -> memref<50xi32, #tpu.memory_space<vmem>>
      %dma_start3A_1298 = arith.constant 0 : i32
      %dma_start3A_1299 = arith.constant 0 : i32
      %dma_start3A_1300 = tpu.memref_slice %arg3[%dma_start3A_1298, %dma_start3A_1299] : memref<4000000x32xf32, #tpu.memory_space<hbm>> -> memref<4000000x32xf32, #tpu.memory_space<hbm>>
      tpu.enqueue_indirect_dma source(%dma_start3A_1300 : memref<4000000x32xf32, #tpu.memory_space<hbm>>) target(%dma_start3A_1294 : memref<50x32xf32, #tpu.memory_space<vmem>>) offsets(%dma_start3A_1297 : memref<50xi32, #tpu.memory_space<vmem>>) semaphore(%arg7 : memref<!tpu.dma_semaphore, #tpu.memory_space<semaphore_mem>>)
      %dma_start3A_1301 = arith.constant 0 : i32
      %dma_start3A_1302 = arith.constant 3 : i32
      %dma_start3A_1303 = arith.constant 0 : i32
      %dma_start3A_1304 = arith.constant 3 : i32
      %dma_start3A_1305 = arith.constant 0 : i32
      %dma_start3A_1306 = arith.constant 0 : i32
      %dma_start3A_1307 = tpu.memref_slice %arg6[%dma_start3A_1303, %dma_start3A_1304, %dma_start3A_1305, %dma_start3A_1306] : memref<2x16x50x32xf32, #tpu.memory_space<vmem>> -> memref<1x1x50x32xf32, #tpu.memory_space<vmem>>
      %dma_start3A_1308 = tpu.memref_squeeze %dma_start3A_1307 : memref<1x1x50x32xf32, #tpu.memory_space<vmem>> -> memref<50x32xf32, #tpu.memory_space<vmem>>
      %dma_start3A_1309 = arith.constant 0 : i32
      %dma_start3A_1310 = tpu.memref_slice %arg5[%dma_start3A_1301, %dma_start3A_1302, %dma_start3A_1309] : memref<2x16x50xi32, #tpu.memory_space<vmem>> -> memref<1x1x50xi32, #tpu.memory_space<vmem>>
      %dma_start3A_1311 = tpu.memref_squeeze %dma_start3A_1310 : memref<1x1x50xi32, #tpu.memory_space<vmem>> -> memref<50xi32, #tpu.memory_space<vmem>>
      %dma_start3A_1312 = arith.constant 0 : i32
      %dma_start3A_1313 = arith.constant 0 : i32
      %dma_start3A_1314 = tpu.memref_slice %arg3[%dma_start3A_1312, %dma_start3A_1313] : memref<4000000x32xf32, #tpu.memory_space<hbm>> -> memref<4000000x32xf32, #tpu.memory_space<hbm>>
      tpu.enqueue_indirect_dma source(%dma_start3A_1314 : memref<4000000x32xf32, #tpu.memory_space<hbm>>) target(%dma_start3A_1308 : memref<50x32xf32, #tpu.memory_space<vmem>>) offsets(%dma_start3A_1311 : memref<50xi32, #tpu.memory_space<vmem>>) semaphore(%arg7 : memref<!tpu.dma_semaphore, #tpu.memory_space<semaphore_mem>>)
      %dma_start3A_1315 = arith.constant 0 : i32
      %dma_start3A_1316 = arith.constant 4 : i32
      %dma_start3A_1317 = arith.constant 0 : i32
      %dma_start3A_1318 = arith.constant 4 : i32
      %dma_start3A_1319 = arith.constant 0 : i32
      %dma_start3A_1320 = arith.constant 0 : i32
      %dma_start3A_1321 = tpu.memref_slice %arg6[%dma_start3A_1317, %dma_start3A_1318, %dma_start3A_1319, %dma_start3A_1320] : memref<2x16x50x32xf32, #tpu.memory_space<vmem>> -> memref<1x1x50x32xf32, #tpu.memory_space<vmem>>
      %dma_start3A_1322 = tpu.memref_squeeze %dma_start3A_1321 : memref<1x1x50x32xf32, #tpu.memory_space<vmem>> -> memref<50x32xf32, #tpu.memory_space<vmem>>
      %dma_start3A_1323 = arith.constant 0 : i32
      %dma_start3A_1324 = tpu.memref_slice %arg5[%dma_start3A_1315, %dma_start3A_1316, %dma_start3A_1323] : memref<2x16x50xi32, #tpu.memory_space<vmem>> -> memref<1x1x50xi32, #tpu.memory_space<vmem>>
      %dma_start3A_1325 = tpu.memref_squeeze %dma_start3A_1324 : memref<1x1x50xi32, #tpu.memory_space<vmem>> -> memref<50xi32, #tpu.memory_space<vmem>>
      %dma_start3A_1326 = arith.constant 0 : i32
      %dma_start3A_1327 = arith.constant 0 : i32
      %dma_start3A_1328 = tpu.memref_slice %arg3[%dma_start3A_1326, %dma_start3A_1327] : memref<4000000x32xf32, #tpu.memory_space<hbm>> -> memref<4000000x32xf32, #tpu.memory_space<hbm>>
      tpu.enqueue_indirect_dma source(%dma_start3A_1328 : memref<4000000x32xf32, #tpu.memory_space<hbm>>) target(%dma_start3A_1322 : memref<50x32xf32, #tpu.memory_space<vmem>>) offsets(%dma_start3A_1325 : memref<50xi32, #tpu.memory_space<vmem>>) semaphore(%arg7 : memref<!tpu.dma_semaphore, #tpu.memory_space<semaphore_mem>>)
      %dma_start3A_1329 = arith.constant 0 : i32
      %dma_start3A_1330 = arith.constant 5 : i32
      %dma_start3A_1331 = arith.constant 0 : i32
      %dma_start3A_1332 = arith.constant 5 : i32
      %dma_start3A_1333 = arith.constant 0 : i32
      %dma_start3A_1334 = arith.constant 0 : i32
      %dma_start3A_1335 = tpu.memref_slice %arg6[%dma_start3A_1331, %dma_start3A_1332, %dma_start3A_1333, %dma_start3A_1334] : memref<2x16x50x32xf32, #tpu.memory_space<vmem>> -> memref<1x1x50x32xf32, #tpu.memory_space<vmem>>
      %dma_start3A_1336 = tpu.memref_squeeze %dma_start3A_1335 : memref<1x1x50x32xf32, #tpu.memory_space<vmem>> -> memref<50x32xf32, #tpu.memory_space<vmem>>
      %dma_start3A_1337 = arith.constant 0 : i32
      %dma_start3A_1338 = tpu.memref_slice %arg5[%dma_start3A_1329, %dma_start3A_1330, %dma_start3A_1337] : memref<2x16x50xi32, #tpu.memory_space<vmem>> -> memref<1x1x50xi32, #tpu.memory_space<vmem>>
      %dma_start3A_1339 = tpu.memref_squeeze %dma_start3A_1338 : memref<1x1x50xi32, #tpu.memory_space<vmem>> -> memref<50xi32, #tpu.memory_space<vmem>>
      %dma_start3A_1340 = arith.constant 0 : i32
      %dma_start3A_1341 = arith.constant 0 : i32
      %dma_start3A_1342 = tpu.memref_slice %arg3[%dma_start3A_1340, %dma_start3A_1341] : memref<4000000x32xf32, #tpu.memory_space<hbm>> -> memref<4000000x32xf32, #tpu.memory_space<hbm>>
      tpu.enqueue_indirect_dma source(%dma_start3A_1342 : memref<4000000x32xf32, #tpu.memory_space<hbm>>) target(%dma_start3A_1336 : memref<50x32xf32, #tpu.memory_space<vmem>>) offsets(%dma_start3A_1339 : memref<50xi32, #tpu.memory_space<vmem>>) semaphore(%arg7 : memref<!tpu.dma_semaphore, #tpu.memory_space<semaphore_mem>>)
      %dma_start3A_1343 = arith.constant 0 : i32
      %dma_start3A_1344 = arith.constant 6 : i32
      %dma_start3A_1345 = arith.constant 0 : i32
      %dma_start3A_1346 = arith.constant 6 : i32
      %dma_start3A_1347 = arith.constant 0 : i32
      %dma_start3A_1348 = arith.constant 0 : i32
      %dma_start3A_1349 = tpu.memref_slice %arg6[%dma_start3A_1345, %dma_start3A_1346, %dma_start3A_1347, %dma_start3A_1348] : memref<2x16x50x32xf32, #tpu.memory_space<vmem>> -> memref<1x1x50x32xf32, #tpu.memory_space<vmem>>
      %dma_start3A_1350 = tpu.memref_squeeze %dma_start3A_1349 : memref<1x1x50x32xf32, #tpu.memory_space<vmem>> -> memref<50x32xf32, #tpu.memory_space<vmem>>
      %dma_start3A_1351 = arith.constant 0 : i32
      %dma_start3A_1352 = tpu.memref_slice %arg5[%dma_start3A_1343, %dma_start3A_1344, %dma_start3A_1351] : memref<2x16x50xi32, #tpu.memory_space<vmem>> -> memref<1x1x50xi32, #tpu.memory_space<vmem>>
      %dma_start3A_1353 = tpu.memref_squeeze %dma_start3A_1352 : memref<1x1x50xi32, #tpu.memory_space<vmem>> -> memref<50xi32, #tpu.memory_space<vmem>>
      %dma_start3A_1354 = arith.constant 0 : i32
      %dma_start3A_1355 = arith.constant 0 : i32
      %dma_start3A_1356 = tpu.memref_slice %arg3[%dma_start3A_1354, %dma_start3A_1355] : memref<4000000x32xf32, #tpu.memory_space<hbm>> -> memref<4000000x32xf32, #tpu.memory_space<hbm>>
      tpu.enqueue_indirect_dma source(%dma_start3A_1356 : memref<4000000x32xf32, #tpu.memory_space<hbm>>) target(%dma_start3A_1350 : memref<50x32xf32, #tpu.memory_space<vmem>>) offsets(%dma_start3A_1353 : memref<50xi32, #tpu.memory_space<vmem>>) semaphore(%arg7 : memref<!tpu.dma_semaphore, #tpu.memory_space<semaphore_mem>>)
      %dma_start3A_1357 = arith.constant 0 : i32
      %dma_start3A_1358 = arith.constant 7 : i32
      %dma_start3A_1359 = arith.constant 0 : i32
      %dma_start3A_1360 = arith.constant 7 : i32
      %dma_start3A_1361 = arith.constant 0 : i32
      %dma_start3A_1362 = arith.constant 0 : i32
      %dma_start3A_1363 = tpu.memref_slice %arg6[%dma_start3A_1359, %dma_start3A_1360, %dma_start3A_1361, %dma_start3A_1362] : memref<2x16x50x32xf32, #tpu.memory_space<vmem>> -> memref<1x1x50x32xf32, #tpu.memory_space<vmem>>
      %dma_start3A_1364 = tpu.memref_squeeze %dma_start3A_1363 : memref<1x1x50x32xf32, #tpu.memory_space<vmem>> -> memref<50x32xf32, #tpu.memory_space<vmem>>
      %dma_start3A_1365 = arith.constant 0 : i32
      %dma_start3A_1366 = tpu.memref_slice %arg5[%dma_start3A_1357, %dma_start3A_1358, %dma_start3A_1365] : memref<2x16x50xi32, #tpu.memory_space<vmem>> -> memref<1x1x50xi32, #tpu.memory_space<vmem>>
      %dma_start3A_1367 = tpu.memref_squeeze %dma_start3A_1366 : memref<1x1x50xi32, #tpu.memory_space<vmem>> -> memref<50xi32, #tpu.memory_space<vmem>>
      %dma_start3A_1368 = arith.constant 0 : i32
      %dma_start3A_1369 = arith.constant 0 : i32
      %dma_start3A_1370 = tpu.memref_slice %arg3[%dma_start3A_1368, %dma_start3A_1369] : memref<4000000x32xf32, #tpu.memory_space<hbm>> -> memref<4000000x32xf32, #tpu.memory_space<hbm>>
      tpu.enqueue_indirect_dma source(%dma_start3A_1370 : memref<4000000x32xf32, #tpu.memory_space<hbm>>) target(%dma_start3A_1364 : memref<50x32xf32, #tpu.memory_space<vmem>>) offsets(%dma_start3A_1367 : memref<50xi32, #tpu.memory_space<vmem>>) semaphore(%arg7 : memref<!tpu.dma_semaphore, #tpu.memory_space<semaphore_mem>>)
      %dma_start3A_1371 = arith.constant 0 : i32
      %dma_start3A_1372 = arith.constant 8 : i32
      %dma_start3A_1373 = arith.constant 0 : i32
      %dma_start3A_1374 = arith.constant 8 : i32
      %dma_start3A_1375 = arith.constant 0 : i32
      %dma_start3A_1376 = arith.constant 0 : i32
      %dma_start3A_1377 = tpu.memref_slice %arg6[%dma_start3A_1373, %dma_start3A_1374, %dma_start3A_1375, %dma_start3A_1376] : memref<2x16x50x32xf32, #tpu.memory_space<vmem>> -> memref<1x1x50x32xf32, #tpu.memory_space<vmem>>
      %dma_start3A_1378 = tpu.memref_squeeze %dma_start3A_1377 : memref<1x1x50x32xf32, #tpu.memory_space<vmem>> -> memref<50x32xf32, #tpu.memory_space<vmem>>
      %dma_start3A_1379 = arith.constant 0 : i32
      %dma_start3A_1380 = tpu.memref_slice %arg5[%dma_start3A_1371, %dma_start3A_1372, %dma_start3A_1379] : memref<2x16x50xi32, #tpu.memory_space<vmem>> -> memref<1x1x50xi32, #tpu.memory_space<vmem>>
      %dma_start3A_1381 = tpu.memref_squeeze %dma_start3A_1380 : memref<1x1x50xi32, #tpu.memory_space<vmem>> -> memref<50xi32, #tpu.memory_space<vmem>>
      %dma_start3A_1382 = arith.constant 0 : i32
      %dma_start3A_1383 = arith.constant 0 : i32
      %dma_start3A_1384 = tpu.memref_slice %arg3[%dma_start3A_1382, %dma_start3A_1383] : memref<4000000x32xf32, #tpu.memory_space<hbm>> -> memref<4000000x32xf32, #tpu.memory_space<hbm>>
      tpu.enqueue_indirect_dma source(%dma_start3A_1384 : memref<4000000x32xf32, #tpu.memory_space<hbm>>) target(%dma_start3A_1378 : memref<50x32xf32, #tpu.memory_space<vmem>>) offsets(%dma_start3A_1381 : memref<50xi32, #tpu.memory_space<vmem>>) semaphore(%arg7 : memref<!tpu.dma_semaphore, #tpu.memory_space<semaphore_mem>>)
      %dma_start3A_1385 = arith.constant 0 : i32
      %dma_start3A_1386 = arith.constant 9 : i32
      %dma_start3A_1387 = arith.constant 0 : i32
      %dma_start3A_1388 = arith.constant 9 : i32
      %dma_start3A_1389 = arith.constant 0 : i32
      %dma_start3A_1390 = arith.constant 0 : i32
      %dma_start3A_1391 = tpu.memref_slice %arg6[%dma_start3A_1387, %dma_start3A_1388, %dma_start3A_1389, %dma_start3A_1390] : memref<2x16x50x32xf32, #tpu.memory_space<vmem>> -> memref<1x1x50x32xf32, #tpu.memory_space<vmem>>
      %dma_start3A_1392 = tpu.memref_squeeze %dma_start3A_1391 : memref<1x1x50x32xf32, #tpu.memory_space<vmem>> -> memref<50x32xf32, #tpu.memory_space<vmem>>
      %dma_start3A_1393 = arith.constant 0 : i32
      %dma_start3A_1394 = tpu.memref_slice %arg5[%dma_start3A_1385, %dma_start3A_1386, %dma_start3A_1393] : memref<2x16x50xi32, #tpu.memory_space<vmem>> -> memref<1x1x50xi32, #tpu.memory_space<vmem>>
      %dma_start3A_1395 = tpu.memref_squeeze %dma_start3A_1394 : memref<1x1x50xi32, #tpu.memory_space<vmem>> -> memref<50xi32, #tpu.memory_space<vmem>>
      %dma_start3A_1396 = arith.constant 0 : i32
      %dma_start3A_1397 = arith.constant 0 : i32
      %dma_start3A_1398 = tpu.memref_slice %arg3[%dma_start3A_1396, %dma_start3A_1397] : memref<4000000x32xf32, #tpu.memory_space<hbm>> -> memref<4000000x32xf32, #tpu.memory_space<hbm>>
      tpu.enqueue_indirect_dma source(%dma_start3A_1398 : memref<4000000x32xf32, #tpu.memory_space<hbm>>) target(%dma_start3A_1392 : memref<50x32xf32, #tpu.memory_space<vmem>>) offsets(%dma_start3A_1395 : memref<50xi32, #tpu.memory_space<vmem>>) semaphore(%arg7 : memref<!tpu.dma_semaphore, #tpu.memory_space<semaphore_mem>>)
      %dma_start3A_1399 = arith.constant 0 : i32
      %dma_start3A_1400 = arith.constant 10 : i32
      %dma_start3A_1401 = arith.constant 0 : i32
      %dma_start3A_1402 = arith.constant 10 : i32
      %dma_start3A_1403 = arith.constant 0 : i32
      %dma_start3A_1404 = arith.constant 0 : i32
      %dma_start3A_1405 = tpu.memref_slice %arg6[%dma_start3A_1401, %dma_start3A_1402, %dma_start3A_1403, %dma_start3A_1404] : memref<2x16x50x32xf32, #tpu.memory_space<vmem>> -> memref<1x1x50x32xf32, #tpu.memory_space<vmem>>
      %dma_start3A_1406 = tpu.memref_squeeze %dma_start3A_1405 : memref<1x1x50x32xf32, #tpu.memory_space<vmem>> -> memref<50x32xf32, #tpu.memory_space<vmem>>
      %dma_start3A_1407 = arith.constant 0 : i32
      %dma_start3A_1408 = tpu.memref_slice %arg5[%dma_start3A_1399, %dma_start3A_1400, %dma_start3A_1407] : memref<2x16x50xi32, #tpu.memory_space<vmem>> -> memref<1x1x50xi32, #tpu.memory_space<vmem>>
      %dma_start3A_1409 = tpu.memref_squeeze %dma_start3A_1408 : memref<1x1x50xi32, #tpu.memory_space<vmem>> -> memref<50xi32, #tpu.memory_space<vmem>>
      %dma_start3A_1410 = arith.constant 0 : i32
      %dma_start3A_1411 = arith.constant 0 : i32
      %dma_start3A_1412 = tpu.memref_slice %arg3[%dma_start3A_1410, %dma_start3A_1411] : memref<4000000x32xf32, #tpu.memory_space<hbm>> -> memref<4000000x32xf32, #tpu.memory_space<hbm>>
      tpu.enqueue_indirect_dma source(%dma_start3A_1412 : memref<4000000x32xf32, #tpu.memory_space<hbm>>) target(%dma_start3A_1406 : memref<50x32xf32, #tpu.memory_space<vmem>>) offsets(%dma_start3A_1409 : memref<50xi32, #tpu.memory_space<vmem>>) semaphore(%arg7 : memref<!tpu.dma_semaphore, #tpu.memory_space<semaphore_mem>>)
      %dma_start3A_1413 = arith.constant 0 : i32
      %dma_start3A_1414 = arith.constant 11 : i32
      %dma_start3A_1415 = arith.constant 0 : i32
      %dma_start3A_1416 = arith.constant 11 : i32
      %dma_start3A_1417 = arith.constant 0 : i32
      %dma_start3A_1418 = arith.constant 0 : i32
      %dma_start3A_1419 = tpu.memref_slice %arg6[%dma_start3A_1415, %dma_start3A_1416, %dma_start3A_1417, %dma_start3A_1418] : memref<2x16x50x32xf32, #tpu.memory_space<vmem>> -> memref<1x1x50x32xf32, #tpu.memory_space<vmem>>
      %dma_start3A_1420 = tpu.memref_squeeze %dma_start3A_1419 : memref<1x1x50x32xf32, #tpu.memory_space<vmem>> -> memref<50x32xf32, #tpu.memory_space<vmem>>
      %dma_start3A_1421 = arith.constant 0 : i32
      %dma_start3A_1422 = tpu.memref_slice %arg5[%dma_start3A_1413, %dma_start3A_1414, %dma_start3A_1421] : memref<2x16x50xi32, #tpu.memory_space<vmem>> -> memref<1x1x50xi32, #tpu.memory_space<vmem>>
      %dma_start3A_1423 = tpu.memref_squeeze %dma_start3A_1422 : memref<1x1x50xi32, #tpu.memory_space<vmem>> -> memref<50xi32, #tpu.memory_space<vmem>>
      %dma_start3A_1424 = arith.constant 0 : i32
      %dma_start3A_1425 = arith.constant 0 : i32
      %dma_start3A_1426 = tpu.memref_slice %arg3[%dma_start3A_1424, %dma_start3A_1425] : memref<4000000x32xf32, #tpu.memory_space<hbm>> -> memref<4000000x32xf32, #tpu.memory_space<hbm>>
      tpu.enqueue_indirect_dma source(%dma_start3A_1426 : memref<4000000x32xf32, #tpu.memory_space<hbm>>) target(%dma_start3A_1420 : memref<50x32xf32, #tpu.memory_space<vmem>>) offsets(%dma_start3A_1423 : memref<50xi32, #tpu.memory_space<vmem>>) semaphore(%arg7 : memref<!tpu.dma_semaphore, #tpu.memory_space<semaphore_mem>>)
      %dma_start3A_1427 = arith.constant 0 : i32
      %dma_start3A_1428 = arith.constant 12 : i32
      %dma_start3A_1429 = arith.constant 0 : i32
      %dma_start3A_1430 = arith.constant 12 : i32
      %dma_start3A_1431 = arith.constant 0 : i32
      %dma_start3A_1432 = arith.constant 0 : i32
      %dma_start3A_1433 = tpu.memref_slice %arg6[%dma_start3A_1429, %dma_start3A_1430, %dma_start3A_1431, %dma_start3A_1432] : memref<2x16x50x32xf32, #tpu.memory_space<vmem>> -> memref<1x1x50x32xf32, #tpu.memory_space<vmem>>
      %dma_start3A_1434 = tpu.memref_squeeze %dma_start3A_1433 : memref<1x1x50x32xf32, #tpu.memory_space<vmem>> -> memref<50x32xf32, #tpu.memory_space<vmem>>
      %dma_start3A_1435 = arith.constant 0 : i32
      %dma_start3A_1436 = tpu.memref_slice %arg5[%dma_start3A_1427, %dma_start3A_1428, %dma_start3A_1435] : memref<2x16x50xi32, #tpu.memory_space<vmem>> -> memref<1x1x50xi32, #tpu.memory_space<vmem>>
      %dma_start3A_1437 = tpu.memref_squeeze %dma_start3A_1436 : memref<1x1x50xi32, #tpu.memory_space<vmem>> -> memref<50xi32, #tpu.memory_space<vmem>>
      %dma_start3A_1438 = arith.constant 0 : i32
      %dma_start3A_1439 = arith.constant 0 : i32
      %dma_start3A_1440 = tpu.memref_slice %arg3[%dma_start3A_1438, %dma_start3A_1439] : memref<4000000x32xf32, #tpu.memory_space<hbm>> -> memref<4000000x32xf32, #tpu.memory_space<hbm>>
      tpu.enqueue_indirect_dma source(%dma_start3A_1440 : memref<4000000x32xf32, #tpu.memory_space<hbm>>) target(%dma_start3A_1434 : memref<50x32xf32, #tpu.memory_space<vmem>>) offsets(%dma_start3A_1437 : memref<50xi32, #tpu.memory_space<vmem>>) semaphore(%arg7 : memref<!tpu.dma_semaphore, #tpu.memory_space<semaphore_mem>>)
      %dma_start3A_1441 = arith.constant 0 : i32
      %dma_start3A_1442 = arith.constant 13 : i32
      %dma_start3A_1443 = arith.constant 0 : i32
      %dma_start3A_1444 = arith.constant 13 : i32
      %dma_start3A_1445 = arith.constant 0 : i32
      %dma_start3A_1446 = arith.constant 0 : i32
      %dma_start3A_1447 = tpu.memref_slice %arg6[%dma_start3A_1443, %dma_start3A_1444, %dma_start3A_1445, %dma_start3A_1446] : memref<2x16x50x32xf32, #tpu.memory_space<vmem>> -> memref<1x1x50x32xf32, #tpu.memory_space<vmem>>
      %dma_start3A_1448 = tpu.memref_squeeze %dma_start3A_1447 : memref<1x1x50x32xf32, #tpu.memory_space<vmem>> -> memref<50x32xf32, #tpu.memory_space<vmem>>
      %dma_start3A_1449 = arith.constant 0 : i32
      %dma_start3A_1450 = tpu.memref_slice %arg5[%dma_start3A_1441, %dma_start3A_1442, %dma_start3A_1449] : memref<2x16x50xi32, #tpu.memory_space<vmem>> -> memref<1x1x50xi32, #tpu.memory_space<vmem>>
      %dma_start3A_1451 = tpu.memref_squeeze %dma_start3A_1450 : memref<1x1x50xi32, #tpu.memory_space<vmem>> -> memref<50xi32, #tpu.memory_space<vmem>>
      %dma_start3A_1452 = arith.constant 0 : i32
      %dma_start3A_1453 = arith.constant 0 : i32
      %dma_start3A_1454 = tpu.memref_slice %arg3[%dma_start3A_1452, %dma_start3A_1453] : memref<4000000x32xf32, #tpu.memory_space<hbm>> -> memref<4000000x32xf32, #tpu.memory_space<hbm>>
      tpu.enqueue_indirect_dma source(%dma_start3A_1454 : memref<4000000x32xf32, #tpu.memory_space<hbm>>) target(%dma_start3A_1448 : memref<50x32xf32, #tpu.memory_space<vmem>>) offsets(%dma_start3A_1451 : memref<50xi32, #tpu.memory_space<vmem>>) semaphore(%arg7 : memref<!tpu.dma_semaphore, #tpu.memory_space<semaphore_mem>>)
      %dma_start3A_1455 = arith.constant 0 : i32
      %dma_start3A_1456 = arith.constant 14 : i32
      %dma_start3A_1457 = arith.constant 0 : i32
      %dma_start3A_1458 = arith.constant 14 : i32
      %dma_start3A_1459 = arith.constant 0 : i32
      %dma_start3A_1460 = arith.constant 0 : i32
      %dma_start3A_1461 = tpu.memref_slice %arg6[%dma_start3A_1457, %dma_start3A_1458, %dma_start3A_1459, %dma_start3A_1460] : memref<2x16x50x32xf32, #tpu.memory_space<vmem>> -> memref<1x1x50x32xf32, #tpu.memory_space<vmem>>
      %dma_start3A_1462 = tpu.memref_squeeze %dma_start3A_1461 : memref<1x1x50x32xf32, #tpu.memory_space<vmem>> -> memref<50x32xf32, #tpu.memory_space<vmem>>
      %dma_start3A_1463 = arith.constant 0 : i32
      %dma_start3A_1464 = tpu.memref_slice %arg5[%dma_start3A_1455, %dma_start3A_1456, %dma_start3A_1463] : memref<2x16x50xi32, #tpu.memory_space<vmem>> -> memref<1x1x50xi32, #tpu.memory_space<vmem>>
      %dma_start3A_1465 = tpu.memref_squeeze %dma_start3A_1464 : memref<1x1x50xi32, #tpu.memory_space<vmem>> -> memref<50xi32, #tpu.memory_space<vmem>>
      %dma_start3A_1466 = arith.constant 0 : i32
      %dma_start3A_1467 = arith.constant 0 : i32
      %dma_start3A_1468 = tpu.memref_slice %arg3[%dma_start3A_1466, %dma_start3A_1467] : memref<4000000x32xf32, #tpu.memory_space<hbm>> -> memref<4000000x32xf32, #tpu.memory_space<hbm>>
      tpu.enqueue_indirect_dma source(%dma_start3A_1468 : memref<4000000x32xf32, #tpu.memory_space<hbm>>) target(%dma_start3A_1462 : memref<50x32xf32, #tpu.memory_space<vmem>>) offsets(%dma_start3A_1465 : memref<50xi32, #tpu.memory_space<vmem>>) semaphore(%arg7 : memref<!tpu.dma_semaphore, #tpu.memory_space<semaphore_mem>>)
      %dma_start3A_1469 = arith.constant 0 : i32
      %dma_start3A_1470 = arith.constant 15 : i32
      %dma_start3A_1471 = arith.constant 0 : i32
      %dma_start3A_1472 = arith.constant 15 : i32
      %dma_start3A_1473 = arith.constant 0 : i32
      %dma_start3A_1474 = arith.constant 0 : i32
      %dma_start3A_1475 = tpu.memref_slice %arg6[%dma_start3A_1471, %dma_start3A_1472, %dma_start3A_1473, %dma_start3A_1474] : memref<2x16x50x32xf32, #tpu.memory_space<vmem>> -> memref<1x1x50x32xf32, #tpu.memory_space<vmem>>
      %dma_start3A_1476 = tpu.memref_squeeze %dma_start3A_1475 : memref<1x1x50x32xf32, #tpu.memory_space<vmem>> -> memref<50x32xf32, #tpu.memory_space<vmem>>
      %dma_start3A_1477 = arith.constant 0 : i32
      %dma_start3A_1478 = tpu.memref_slice %arg5[%dma_start3A_1469, %dma_start3A_1470, %dma_start3A_1477] : memref<2x16x50xi32, #tpu.memory_space<vmem>> -> memref<1x1x50xi32, #tpu.memory_space<vmem>>
      %dma_start3A_1479 = tpu.memref_squeeze %dma_start3A_1478 : memref<1x1x50xi32, #tpu.memory_space<vmem>> -> memref<50xi32, #tpu.memory_space<vmem>>
      %dma_start3A_1480 = arith.constant 0 : i32
      %dma_start3A_1481 = arith.constant 0 : i32
      %dma_start3A_1482 = tpu.memref_slice %arg3[%dma_start3A_1480, %dma_start3A_1481] : memref<4000000x32xf32, #tpu.memory_space<hbm>> -> memref<4000000x32xf32, #tpu.memory_space<hbm>>
      tpu.enqueue_indirect_dma source(%dma_start3A_1482 : memref<4000000x32xf32, #tpu.memory_space<hbm>>) target(%dma_start3A_1476 : memref<50x32xf32, #tpu.memory_space<vmem>>) offsets(%dma_start3A_1479 : memref<50xi32, #tpu.memory_space<vmem>>) semaphore(%arg7 : memref<!tpu.dma_semaphore, #tpu.memory_space<semaphore_mem>>)
      %add3A_1483 = arith.constant 1 : i32
      %add3A_1484 = arith.addi %add3A_986, %add3A_1483 : i32
      %dma_wait3A_1485 = arith.constant 1 : i32
      %dma_wait3A_1486 = arith.constant 0 : i32
      %dma_wait3A_1487 = arith.constant 1 : i32
      %dma_wait3A_1488 = arith.constant 0 : i32
      %dma_wait3A_1489 = arith.constant 0 : i32
      %dma_wait3A_1490 = arith.constant 0 : i32
      %dma_wait3A_1491 = tpu.memref_slice %arg6[%dma_wait3A_1487, %dma_wait3A_1488, %dma_wait3A_1489, %dma_wait3A_1490] : memref<2x16x50x32xf32, #tpu.memory_space<vmem>> -> memref<1x1x50x32xf32, #tpu.memory_space<vmem>>
      %dma_wait3A_1492 = tpu.memref_squeeze %dma_wait3A_1491 : memref<1x1x50x32xf32, #tpu.memory_space<vmem>> -> memref<50x32xf32, #tpu.memory_space<vmem>>
      %dma_wait3A_1493 = arith.constant 0 : i32
      %dma_wait3A_1494 = tpu.memref_slice %arg5[%dma_wait3A_1485, %dma_wait3A_1486, %dma_wait3A_1493] : memref<2x16x50xi32, #tpu.memory_space<vmem>> -> memref<1x1x50xi32, #tpu.memory_space<vmem>>
      %dma_wait3A_1495 = tpu.memref_squeeze %dma_wait3A_1494 : memref<1x1x50xi32, #tpu.memory_space<vmem>> -> memref<50xi32, #tpu.memory_space<vmem>>
      %dma_wait3A_1496 = arith.constant 0 : i32
      %dma_wait3A_1497 = arith.constant 0 : i32
      %dma_wait3A_1498 = tpu.memref_slice %arg3[%dma_wait3A_1496, %dma_wait3A_1497] : memref<4000000x32xf32, #tpu.memory_space<hbm>> -> memref<4000000x32xf32, #tpu.memory_space<hbm>>
      tpu.wait_indirect_dma semaphore(%arg8 : memref<!tpu.dma_semaphore, #tpu.memory_space<semaphore_mem>>) src(%dma_wait3A_1498 : memref<4000000x32xf32, #tpu.memory_space<hbm>>) dst(%dma_wait3A_1492 : memref<50x32xf32, #tpu.memory_space<vmem>>)
      %dma_wait3A_1499 = arith.constant 1 : i32
      %dma_wait3A_1500 = arith.constant 1 : i32
      %dma_wait3A_1501 = arith.constant 1 : i32
      %dma_wait3A_1502 = arith.constant 1 : i32
      %dma_wait3A_1503 = arith.constant 0 : i32
      %dma_wait3A_1504 = arith.constant 0 : i32
      %dma_wait3A_1505 = tpu.memref_slice %arg6[%dma_wait3A_1501, %dma_wait3A_1502, %dma_wait3A_1503, %dma_wait3A_1504] : memref<2x16x50x32xf32, #tpu.memory_space<vmem>> -> memref<1x1x50x32xf32, #tpu.memory_space<vmem>>
      %dma_wait3A_1506 = tpu.memref_squeeze %dma_wait3A_1505 : memref<1x1x50x32xf32, #tpu.memory_space<vmem>> -> memref<50x32xf32, #tpu.memory_space<vmem>>
      %dma_wait3A_1507 = arith.constant 0 : i32
      %dma_wait3A_1508 = tpu.memref_slice %arg5[%dma_wait3A_1499, %dma_wait3A_1500, %dma_wait3A_1507] : memref<2x16x50xi32, #tpu.memory_space<vmem>> -> memref<1x1x50xi32, #tpu.memory_space<vmem>>
      %dma_wait3A_1509 = tpu.memref_squeeze %dma_wait3A_1508 : memref<1x1x50xi32, #tpu.memory_space<vmem>> -> memref<50xi32, #tpu.memory_space<vmem>>
      %dma_wait3A_1510 = arith.constant 0 : i32
      %dma_wait3A_1511 = arith.constant 0 : i32
      %dma_wait3A_1512 = tpu.memref_slice %arg3[%dma_wait3A_1510, %dma_wait3A_1511] : memref<4000000x32xf32, #tpu.memory_space<hbm>> -> memref<4000000x32xf32, #tpu.memory_space<hbm>>
      tpu.wait_indirect_dma semaphore(%arg8 : memref<!tpu.dma_semaphore, #tpu.memory_space<semaphore_mem>>) src(%dma_wait3A_1512 : memref<4000000x32xf32, #tpu.memory_space<hbm>>) dst(%dma_wait3A_1506 : memref<50x32xf32, #tpu.memory_space<vmem>>)
      %dma_wait3A_1513 = arith.constant 1 : i32
      %dma_wait3A_1514 = arith.constant 2 : i32
      %dma_wait3A_1515 = arith.constant 1 : i32
      %dma_wait3A_1516 = arith.constant 2 : i32
      %dma_wait3A_1517 = arith.constant 0 : i32
      %dma_wait3A_1518 = arith.constant 0 : i32
      %dma_wait3A_1519 = tpu.memref_slice %arg6[%dma_wait3A_1515, %dma_wait3A_1516, %dma_wait3A_1517, %dma_wait3A_1518] : memref<2x16x50x32xf32, #tpu.memory_space<vmem>> -> memref<1x1x50x32xf32, #tpu.memory_space<vmem>>
      %dma_wait3A_1520 = tpu.memref_squeeze %dma_wait3A_1519 : memref<1x1x50x32xf32, #tpu.memory_space<vmem>> -> memref<50x32xf32, #tpu.memory_space<vmem>>
      %dma_wait3A_1521 = arith.constant 0 : i32
      %dma_wait3A_1522 = tpu.memref_slice %arg5[%dma_wait3A_1513, %dma_wait3A_1514, %dma_wait3A_1521] : memref<2x16x50xi32, #tpu.memory_space<vmem>> -> memref<1x1x50xi32, #tpu.memory_space<vmem>>
      %dma_wait3A_1523 = tpu.memref_squeeze %dma_wait3A_1522 : memref<1x1x50xi32, #tpu.memory_space<vmem>> -> memref<50xi32, #tpu.memory_space<vmem>>
      %dma_wait3A_1524 = arith.constant 0 : i32
      %dma_wait3A_1525 = arith.constant 0 : i32
      %dma_wait3A_1526 = tpu.memref_slice %arg3[%dma_wait3A_1524, %dma_wait3A_1525] : memref<4000000x32xf32, #tpu.memory_space<hbm>> -> memref<4000000x32xf32, #tpu.memory_space<hbm>>
      tpu.wait_indirect_dma semaphore(%arg8 : memref<!tpu.dma_semaphore, #tpu.memory_space<semaphore_mem>>) src(%dma_wait3A_1526 : memref<4000000x32xf32, #tpu.memory_space<hbm>>) dst(%dma_wait3A_1520 : memref<50x32xf32, #tpu.memory_space<vmem>>)
      %dma_wait3A_1527 = arith.constant 1 : i32
      %dma_wait3A_1528 = arith.constant 3 : i32
      %dma_wait3A_1529 = arith.constant 1 : i32
      %dma_wait3A_1530 = arith.constant 3 : i32
      %dma_wait3A_1531 = arith.constant 0 : i32
      %dma_wait3A_1532 = arith.constant 0 : i32
      %dma_wait3A_1533 = tpu.memref_slice %arg6[%dma_wait3A_1529, %dma_wait3A_1530, %dma_wait3A_1531, %dma_wait3A_1532] : memref<2x16x50x32xf32, #tpu.memory_space<vmem>> -> memref<1x1x50x32xf32, #tpu.memory_space<vmem>>
      %dma_wait3A_1534 = tpu.memref_squeeze %dma_wait3A_1533 : memref<1x1x50x32xf32, #tpu.memory_space<vmem>> -> memref<50x32xf32, #tpu.memory_space<vmem>>
      %dma_wait3A_1535 = arith.constant 0 : i32
      %dma_wait3A_1536 = tpu.memref_slice %arg5[%dma_wait3A_1527, %dma_wait3A_1528, %dma_wait3A_1535] : memref<2x16x50xi32, #tpu.memory_space<vmem>> -> memref<1x1x50xi32, #tpu.memory_space<vmem>>
      %dma_wait3A_1537 = tpu.memref_squeeze %dma_wait3A_1536 : memref<1x1x50xi32, #tpu.memory_space<vmem>> -> memref<50xi32, #tpu.memory_space<vmem>>
      %dma_wait3A_1538 = arith.constant 0 : i32
      %dma_wait3A_1539 = arith.constant 0 : i32
      %dma_wait3A_1540 = tpu.memref_slice %arg3[%dma_wait3A_1538, %dma_wait3A_1539] : memref<4000000x32xf32, #tpu.memory_space<hbm>> -> memref<4000000x32xf32, #tpu.memory_space<hbm>>
      tpu.wait_indirect_dma semaphore(%arg8 : memref<!tpu.dma_semaphore, #tpu.memory_space<semaphore_mem>>) src(%dma_wait3A_1540 : memref<4000000x32xf32, #tpu.memory_space<hbm>>) dst(%dma_wait3A_1534 : memref<50x32xf32, #tpu.memory_space<vmem>>)
      %dma_wait3A_1541 = arith.constant 1 : i32
      %dma_wait3A_1542 = arith.constant 4 : i32
      %dma_wait3A_1543 = arith.constant 1 : i32
      %dma_wait3A_1544 = arith.constant 4 : i32
      %dma_wait3A_1545 = arith.constant 0 : i32
      %dma_wait3A_1546 = arith.constant 0 : i32
      %dma_wait3A_1547 = tpu.memref_slice %arg6[%dma_wait3A_1543, %dma_wait3A_1544, %dma_wait3A_1545, %dma_wait3A_1546] : memref<2x16x50x32xf32, #tpu.memory_space<vmem>> -> memref<1x1x50x32xf32, #tpu.memory_space<vmem>>
      %dma_wait3A_1548 = tpu.memref_squeeze %dma_wait3A_1547 : memref<1x1x50x32xf32, #tpu.memory_space<vmem>> -> memref<50x32xf32, #tpu.memory_space<vmem>>
      %dma_wait3A_1549 = arith.constant 0 : i32
      %dma_wait3A_1550 = tpu.memref_slice %arg5[%dma_wait3A_1541, %dma_wait3A_1542, %dma_wait3A_1549] : memref<2x16x50xi32, #tpu.memory_space<vmem>> -> memref<1x1x50xi32, #tpu.memory_space<vmem>>
      %dma_wait3A_1551 = tpu.memref_squeeze %dma_wait3A_1550 : memref<1x1x50xi32, #tpu.memory_space<vmem>> -> memref<50xi32, #tpu.memory_space<vmem>>
      %dma_wait3A_1552 = arith.constant 0 : i32
      %dma_wait3A_1553 = arith.constant 0 : i32
      %dma_wait3A_1554 = tpu.memref_slice %arg3[%dma_wait3A_1552, %dma_wait3A_1553] : memref<4000000x32xf32, #tpu.memory_space<hbm>> -> memref<4000000x32xf32, #tpu.memory_space<hbm>>
      tpu.wait_indirect_dma semaphore(%arg8 : memref<!tpu.dma_semaphore, #tpu.memory_space<semaphore_mem>>) src(%dma_wait3A_1554 : memref<4000000x32xf32, #tpu.memory_space<hbm>>) dst(%dma_wait3A_1548 : memref<50x32xf32, #tpu.memory_space<vmem>>)
      %dma_wait3A_1555 = arith.constant 1 : i32
      %dma_wait3A_1556 = arith.constant 5 : i32
      %dma_wait3A_1557 = arith.constant 1 : i32
      %dma_wait3A_1558 = arith.constant 5 : i32
      %dma_wait3A_1559 = arith.constant 0 : i32
      %dma_wait3A_1560 = arith.constant 0 : i32
      %dma_wait3A_1561 = tpu.memref_slice %arg6[%dma_wait3A_1557, %dma_wait3A_1558, %dma_wait3A_1559, %dma_wait3A_1560] : memref<2x16x50x32xf32, #tpu.memory_space<vmem>> -> memref<1x1x50x32xf32, #tpu.memory_space<vmem>>
      %dma_wait3A_1562 = tpu.memref_squeeze %dma_wait3A_1561 : memref<1x1x50x32xf32, #tpu.memory_space<vmem>> -> memref<50x32xf32, #tpu.memory_space<vmem>>
      %dma_wait3A_1563 = arith.constant 0 : i32
      %dma_wait3A_1564 = tpu.memref_slice %arg5[%dma_wait3A_1555, %dma_wait3A_1556, %dma_wait3A_1563] : memref<2x16x50xi32, #tpu.memory_space<vmem>> -> memref<1x1x50xi32, #tpu.memory_space<vmem>>
      %dma_wait3A_1565 = tpu.memref_squeeze %dma_wait3A_1564 : memref<1x1x50xi32, #tpu.memory_space<vmem>> -> memref<50xi32, #tpu.memory_space<vmem>>
      %dma_wait3A_1566 = arith.constant 0 : i32
      %dma_wait3A_1567 = arith.constant 0 : i32
      %dma_wait3A_1568 = tpu.memref_slice %arg3[%dma_wait3A_1566, %dma_wait3A_1567] : memref<4000000x32xf32, #tpu.memory_space<hbm>> -> memref<4000000x32xf32, #tpu.memory_space<hbm>>
      tpu.wait_indirect_dma semaphore(%arg8 : memref<!tpu.dma_semaphore, #tpu.memory_space<semaphore_mem>>) src(%dma_wait3A_1568 : memref<4000000x32xf32, #tpu.memory_space<hbm>>) dst(%dma_wait3A_1562 : memref<50x32xf32, #tpu.memory_space<vmem>>)
      %dma_wait3A_1569 = arith.constant 1 : i32
      %dma_wait3A_1570 = arith.constant 6 : i32
      %dma_wait3A_1571 = arith.constant 1 : i32
      %dma_wait3A_1572 = arith.constant 6 : i32
      %dma_wait3A_1573 = arith.constant 0 : i32
      %dma_wait3A_1574 = arith.constant 0 : i32
      %dma_wait3A_1575 = tpu.memref_slice %arg6[%dma_wait3A_1571, %dma_wait3A_1572, %dma_wait3A_1573, %dma_wait3A_1574] : memref<2x16x50x32xf32, #tpu.memory_space<vmem>> -> memref<1x1x50x32xf32, #tpu.memory_space<vmem>>
      %dma_wait3A_1576 = tpu.memref_squeeze %dma_wait3A_1575 : memref<1x1x50x32xf32, #tpu.memory_space<vmem>> -> memref<50x32xf32, #tpu.memory_space<vmem>>
      %dma_wait3A_1577 = arith.constant 0 : i32
      %dma_wait3A_1578 = tpu.memref_slice %arg5[%dma_wait3A_1569, %dma_wait3A_1570, %dma_wait3A_1577] : memref<2x16x50xi32, #tpu.memory_space<vmem>> -> memref<1x1x50xi32, #tpu.memory_space<vmem>>
      %dma_wait3A_1579 = tpu.memref_squeeze %dma_wait3A_1578 : memref<1x1x50xi32, #tpu.memory_space<vmem>> -> memref<50xi32, #tpu.memory_space<vmem>>
      %dma_wait3A_1580 = arith.constant 0 : i32
      %dma_wait3A_1581 = arith.constant 0 : i32
      %dma_wait3A_1582 = tpu.memref_slice %arg3[%dma_wait3A_1580, %dma_wait3A_1581] : memref<4000000x32xf32, #tpu.memory_space<hbm>> -> memref<4000000x32xf32, #tpu.memory_space<hbm>>
      tpu.wait_indirect_dma semaphore(%arg8 : memref<!tpu.dma_semaphore, #tpu.memory_space<semaphore_mem>>) src(%dma_wait3A_1582 : memref<4000000x32xf32, #tpu.memory_space<hbm>>) dst(%dma_wait3A_1576 : memref<50x32xf32, #tpu.memory_space<vmem>>)
      %dma_wait3A_1583 = arith.constant 1 : i32
      %dma_wait3A_1584 = arith.constant 7 : i32
      %dma_wait3A_1585 = arith.constant 1 : i32
      %dma_wait3A_1586 = arith.constant 7 : i32
      %dma_wait3A_1587 = arith.constant 0 : i32
      %dma_wait3A_1588 = arith.constant 0 : i32
      %dma_wait3A_1589 = tpu.memref_slice %arg6[%dma_wait3A_1585, %dma_wait3A_1586, %dma_wait3A_1587, %dma_wait3A_1588] : memref<2x16x50x32xf32, #tpu.memory_space<vmem>> -> memref<1x1x50x32xf32, #tpu.memory_space<vmem>>
      %dma_wait3A_1590 = tpu.memref_squeeze %dma_wait3A_1589 : memref<1x1x50x32xf32, #tpu.memory_space<vmem>> -> memref<50x32xf32, #tpu.memory_space<vmem>>
      %dma_wait3A_1591 = arith.constant 0 : i32
      %dma_wait3A_1592 = tpu.memref_slice %arg5[%dma_wait3A_1583, %dma_wait3A_1584, %dma_wait3A_1591] : memref<2x16x50xi32, #tpu.memory_space<vmem>> -> memref<1x1x50xi32, #tpu.memory_space<vmem>>
      %dma_wait3A_1593 = tpu.memref_squeeze %dma_wait3A_1592 : memref<1x1x50xi32, #tpu.memory_space<vmem>> -> memref<50xi32, #tpu.memory_space<vmem>>
      %dma_wait3A_1594 = arith.constant 0 : i32
      %dma_wait3A_1595 = arith.constant 0 : i32
      %dma_wait3A_1596 = tpu.memref_slice %arg3[%dma_wait3A_1594, %dma_wait3A_1595] : memref<4000000x32xf32, #tpu.memory_space<hbm>> -> memref<4000000x32xf32, #tpu.memory_space<hbm>>
      tpu.wait_indirect_dma semaphore(%arg8 : memref<!tpu.dma_semaphore, #tpu.memory_space<semaphore_mem>>) src(%dma_wait3A_1596 : memref<4000000x32xf32, #tpu.memory_space<hbm>>) dst(%dma_wait3A_1590 : memref<50x32xf32, #tpu.memory_space<vmem>>)
      %dma_wait3A_1597 = arith.constant 1 : i32
      %dma_wait3A_1598 = arith.constant 8 : i32
      %dma_wait3A_1599 = arith.constant 1 : i32
      %dma_wait3A_1600 = arith.constant 8 : i32
      %dma_wait3A_1601 = arith.constant 0 : i32
      %dma_wait3A_1602 = arith.constant 0 : i32
      %dma_wait3A_1603 = tpu.memref_slice %arg6[%dma_wait3A_1599, %dma_wait3A_1600, %dma_wait3A_1601, %dma_wait3A_1602] : memref<2x16x50x32xf32, #tpu.memory_space<vmem>> -> memref<1x1x50x32xf32, #tpu.memory_space<vmem>>
      %dma_wait3A_1604 = tpu.memref_squeeze %dma_wait3A_1603 : memref<1x1x50x32xf32, #tpu.memory_space<vmem>> -> memref<50x32xf32, #tpu.memory_space<vmem>>
      %dma_wait3A_1605 = arith.constant 0 : i32
      %dma_wait3A_1606 = tpu.memref_slice %arg5[%dma_wait3A_1597, %dma_wait3A_1598, %dma_wait3A_1605] : memref<2x16x50xi32, #tpu.memory_space<vmem>> -> memref<1x1x50xi32, #tpu.memory_space<vmem>>
      %dma_wait3A_1607 = tpu.memref_squeeze %dma_wait3A_1606 : memref<1x1x50xi32, #tpu.memory_space<vmem>> -> memref<50xi32, #tpu.memory_space<vmem>>
      %dma_wait3A_1608 = arith.constant 0 : i32
      %dma_wait3A_1609 = arith.constant 0 : i32
      %dma_wait3A_1610 = tpu.memref_slice %arg3[%dma_wait3A_1608, %dma_wait3A_1609] : memref<4000000x32xf32, #tpu.memory_space<hbm>> -> memref<4000000x32xf32, #tpu.memory_space<hbm>>
      tpu.wait_indirect_dma semaphore(%arg8 : memref<!tpu.dma_semaphore, #tpu.memory_space<semaphore_mem>>) src(%dma_wait3A_1610 : memref<4000000x32xf32, #tpu.memory_space<hbm>>) dst(%dma_wait3A_1604 : memref<50x32xf32, #tpu.memory_space<vmem>>)
      %dma_wait3A_1611 = arith.constant 1 : i32
      %dma_wait3A_1612 = arith.constant 9 : i32
      %dma_wait3A_1613 = arith.constant 1 : i32
      %dma_wait3A_1614 = arith.constant 9 : i32
      %dma_wait3A_1615 = arith.constant 0 : i32
      %dma_wait3A_1616 = arith.constant 0 : i32
      %dma_wait3A_1617 = tpu.memref_slice %arg6[%dma_wait3A_1613, %dma_wait3A_1614, %dma_wait3A_1615, %dma_wait3A_1616] : memref<2x16x50x32xf32, #tpu.memory_space<vmem>> -> memref<1x1x50x32xf32, #tpu.memory_space<vmem>>
      %dma_wait3A_1618 = tpu.memref_squeeze %dma_wait3A_1617 : memref<1x1x50x32xf32, #tpu.memory_space<vmem>> -> memref<50x32xf32, #tpu.memory_space<vmem>>
      %dma_wait3A_1619 = arith.constant 0 : i32
      %dma_wait3A_1620 = tpu.memref_slice %arg5[%dma_wait3A_1611, %dma_wait3A_1612, %dma_wait3A_1619] : memref<2x16x50xi32, #tpu.memory_space<vmem>> -> memref<1x1x50xi32, #tpu.memory_space<vmem>>
      %dma_wait3A_1621 = tpu.memref_squeeze %dma_wait3A_1620 : memref<1x1x50xi32, #tpu.memory_space<vmem>> -> memref<50xi32, #tpu.memory_space<vmem>>
      %dma_wait3A_1622 = arith.constant 0 : i32
      %dma_wait3A_1623 = arith.constant 0 : i32
      %dma_wait3A_1624 = tpu.memref_slice %arg3[%dma_wait3A_1622, %dma_wait3A_1623] : memref<4000000x32xf32, #tpu.memory_space<hbm>> -> memref<4000000x32xf32, #tpu.memory_space<hbm>>
      tpu.wait_indirect_dma semaphore(%arg8 : memref<!tpu.dma_semaphore, #tpu.memory_space<semaphore_mem>>) src(%dma_wait3A_1624 : memref<4000000x32xf32, #tpu.memory_space<hbm>>) dst(%dma_wait3A_1618 : memref<50x32xf32, #tpu.memory_space<vmem>>)
      %dma_wait3A_1625 = arith.constant 1 : i32
      %dma_wait3A_1626 = arith.constant 10 : i32
      %dma_wait3A_1627 = arith.constant 1 : i32
      %dma_wait3A_1628 = arith.constant 10 : i32
      %dma_wait3A_1629 = arith.constant 0 : i32
      %dma_wait3A_1630 = arith.constant 0 : i32
      %dma_wait3A_1631 = tpu.memref_slice %arg6[%dma_wait3A_1627, %dma_wait3A_1628, %dma_wait3A_1629, %dma_wait3A_1630] : memref<2x16x50x32xf32, #tpu.memory_space<vmem>> -> memref<1x1x50x32xf32, #tpu.memory_space<vmem>>
      %dma_wait3A_1632 = tpu.memref_squeeze %dma_wait3A_1631 : memref<1x1x50x32xf32, #tpu.memory_space<vmem>> -> memref<50x32xf32, #tpu.memory_space<vmem>>
      %dma_wait3A_1633 = arith.constant 0 : i32
      %dma_wait3A_1634 = tpu.memref_slice %arg5[%dma_wait3A_1625, %dma_wait3A_1626, %dma_wait3A_1633] : memref<2x16x50xi32, #tpu.memory_space<vmem>> -> memref<1x1x50xi32, #tpu.memory_space<vmem>>
      %dma_wait3A_1635 = tpu.memref_squeeze %dma_wait3A_1634 : memref<1x1x50xi32, #tpu.memory_space<vmem>> -> memref<50xi32, #tpu.memory_space<vmem>>
      %dma_wait3A_1636 = arith.constant 0 : i32
      %dma_wait3A_1637 = arith.constant 0 : i32
      %dma_wait3A_1638 = tpu.memref_slice %arg3[%dma_wait3A_1636, %dma_wait3A_1637] : memref<4000000x32xf32, #tpu.memory_space<hbm>> -> memref<4000000x32xf32, #tpu.memory_space<hbm>>
      tpu.wait_indirect_dma semaphore(%arg8 : memref<!tpu.dma_semaphore, #tpu.memory_space<semaphore_mem>>) src(%dma_wait3A_1638 : memref<4000000x32xf32, #tpu.memory_space<hbm>>) dst(%dma_wait3A_1632 : memref<50x32xf32, #tpu.memory_space<vmem>>)
      %dma_wait3A_1639 = arith.constant 1 : i32
      %dma_wait3A_1640 = arith.constant 11 : i32
      %dma_wait3A_1641 = arith.constant 1 : i32
      %dma_wait3A_1642 = arith.constant 11 : i32
      %dma_wait3A_1643 = arith.constant 0 : i32
      %dma_wait3A_1644 = arith.constant 0 : i32
      %dma_wait3A_1645 = tpu.memref_slice %arg6[%dma_wait3A_1641, %dma_wait3A_1642, %dma_wait3A_1643, %dma_wait3A_1644] : memref<2x16x50x32xf32, #tpu.memory_space<vmem>> -> memref<1x1x50x32xf32, #tpu.memory_space<vmem>>
      %dma_wait3A_1646 = tpu.memref_squeeze %dma_wait3A_1645 : memref<1x1x50x32xf32, #tpu.memory_space<vmem>> -> memref<50x32xf32, #tpu.memory_space<vmem>>
      %dma_wait3A_1647 = arith.constant 0 : i32
      %dma_wait3A_1648 = tpu.memref_slice %arg5[%dma_wait3A_1639, %dma_wait3A_1640, %dma_wait3A_1647] : memref<2x16x50xi32, #tpu.memory_space<vmem>> -> memref<1x1x50xi32, #tpu.memory_space<vmem>>
      %dma_wait3A_1649 = tpu.memref_squeeze %dma_wait3A_1648 : memref<1x1x50xi32, #tpu.memory_space<vmem>> -> memref<50xi32, #tpu.memory_space<vmem>>
      %dma_wait3A_1650 = arith.constant 0 : i32
      %dma_wait3A_1651 = arith.constant 0 : i32
      %dma_wait3A_1652 = tpu.memref_slice %arg3[%dma_wait3A_1650, %dma_wait3A_1651] : memref<4000000x32xf32, #tpu.memory_space<hbm>> -> memref<4000000x32xf32, #tpu.memory_space<hbm>>
      tpu.wait_indirect_dma semaphore(%arg8 : memref<!tpu.dma_semaphore, #tpu.memory_space<semaphore_mem>>) src(%dma_wait3A_1652 : memref<4000000x32xf32, #tpu.memory_space<hbm>>) dst(%dma_wait3A_1646 : memref<50x32xf32, #tpu.memory_space<vmem>>)
      %dma_wait3A_1653 = arith.constant 1 : i32
      %dma_wait3A_1654 = arith.constant 12 : i32
      %dma_wait3A_1655 = arith.constant 1 : i32
      %dma_wait3A_1656 = arith.constant 12 : i32
      %dma_wait3A_1657 = arith.constant 0 : i32
      %dma_wait3A_1658 = arith.constant 0 : i32
      %dma_wait3A_1659 = tpu.memref_slice %arg6[%dma_wait3A_1655, %dma_wait3A_1656, %dma_wait3A_1657, %dma_wait3A_1658] : memref<2x16x50x32xf32, #tpu.memory_space<vmem>> -> memref<1x1x50x32xf32, #tpu.memory_space<vmem>>
      %dma_wait3A_1660 = tpu.memref_squeeze %dma_wait3A_1659 : memref<1x1x50x32xf32, #tpu.memory_space<vmem>> -> memref<50x32xf32, #tpu.memory_space<vmem>>
      %dma_wait3A_1661 = arith.constant 0 : i32
      %dma_wait3A_1662 = tpu.memref_slice %arg5[%dma_wait3A_1653, %dma_wait3A_1654, %dma_wait3A_1661] : memref<2x16x50xi32, #tpu.memory_space<vmem>> -> memref<1x1x50xi32, #tpu.memory_space<vmem>>
      %dma_wait3A_1663 = tpu.memref_squeeze %dma_wait3A_1662 : memref<1x1x50xi32, #tpu.memory_space<vmem>> -> memref<50xi32, #tpu.memory_space<vmem>>
      %dma_wait3A_1664 = arith.constant 0 : i32
      %dma_wait3A_1665 = arith.constant 0 : i32
      %dma_wait3A_1666 = tpu.memref_slice %arg3[%dma_wait3A_1664, %dma_wait3A_1665] : memref<4000000x32xf32, #tpu.memory_space<hbm>> -> memref<4000000x32xf32, #tpu.memory_space<hbm>>
      tpu.wait_indirect_dma semaphore(%arg8 : memref<!tpu.dma_semaphore, #tpu.memory_space<semaphore_mem>>) src(%dma_wait3A_1666 : memref<4000000x32xf32, #tpu.memory_space<hbm>>) dst(%dma_wait3A_1660 : memref<50x32xf32, #tpu.memory_space<vmem>>)
      %dma_wait3A_1667 = arith.constant 1 : i32
      %dma_wait3A_1668 = arith.constant 13 : i32
      %dma_wait3A_1669 = arith.constant 1 : i32
      %dma_wait3A_1670 = arith.constant 13 : i32
      %dma_wait3A_1671 = arith.constant 0 : i32
      %dma_wait3A_1672 = arith.constant 0 : i32
      %dma_wait3A_1673 = tpu.memref_slice %arg6[%dma_wait3A_1669, %dma_wait3A_1670, %dma_wait3A_1671, %dma_wait3A_1672] : memref<2x16x50x32xf32, #tpu.memory_space<vmem>> -> memref<1x1x50x32xf32, #tpu.memory_space<vmem>>
      %dma_wait3A_1674 = tpu.memref_squeeze %dma_wait3A_1673 : memref<1x1x50x32xf32, #tpu.memory_space<vmem>> -> memref<50x32xf32, #tpu.memory_space<vmem>>
      %dma_wait3A_1675 = arith.constant 0 : i32
      %dma_wait3A_1676 = tpu.memref_slice %arg5[%dma_wait3A_1667, %dma_wait3A_1668, %dma_wait3A_1675] : memref<2x16x50xi32, #tpu.memory_space<vmem>> -> memref<1x1x50xi32, #tpu.memory_space<vmem>>
      %dma_wait3A_1677 = tpu.memref_squeeze %dma_wait3A_1676 : memref<1x1x50xi32, #tpu.memory_space<vmem>> -> memref<50xi32, #tpu.memory_space<vmem>>
      %dma_wait3A_1678 = arith.constant 0 : i32
      %dma_wait3A_1679 = arith.constant 0 : i32
      %dma_wait3A_1680 = tpu.memref_slice %arg3[%dma_wait3A_1678, %dma_wait3A_1679] : memref<4000000x32xf32, #tpu.memory_space<hbm>> -> memref<4000000x32xf32, #tpu.memory_space<hbm>>
      tpu.wait_indirect_dma semaphore(%arg8 : memref<!tpu.dma_semaphore, #tpu.memory_space<semaphore_mem>>) src(%dma_wait3A_1680 : memref<4000000x32xf32, #tpu.memory_space<hbm>>) dst(%dma_wait3A_1674 : memref<50x32xf32, #tpu.memory_space<vmem>>)
      %dma_wait3A_1681 = arith.constant 1 : i32
      %dma_wait3A_1682 = arith.constant 14 : i32
      %dma_wait3A_1683 = arith.constant 1 : i32
      %dma_wait3A_1684 = arith.constant 14 : i32
      %dma_wait3A_1685 = arith.constant 0 : i32
      %dma_wait3A_1686 = arith.constant 0 : i32
      %dma_wait3A_1687 = tpu.memref_slice %arg6[%dma_wait3A_1683, %dma_wait3A_1684, %dma_wait3A_1685, %dma_wait3A_1686] : memref<2x16x50x32xf32, #tpu.memory_space<vmem>> -> memref<1x1x50x32xf32, #tpu.memory_space<vmem>>
      %dma_wait3A_1688 = tpu.memref_squeeze %dma_wait3A_1687 : memref<1x1x50x32xf32, #tpu.memory_space<vmem>> -> memref<50x32xf32, #tpu.memory_space<vmem>>
      %dma_wait3A_1689 = arith.constant 0 : i32
      %dma_wait3A_1690 = tpu.memref_slice %arg5[%dma_wait3A_1681, %dma_wait3A_1682, %dma_wait3A_1689] : memref<2x16x50xi32, #tpu.memory_space<vmem>> -> memref<1x1x50xi32, #tpu.memory_space<vmem>>
      %dma_wait3A_1691 = tpu.memref_squeeze %dma_wait3A_1690 : memref<1x1x50xi32, #tpu.memory_space<vmem>> -> memref<50xi32, #tpu.memory_space<vmem>>
      %dma_wait3A_1692 = arith.constant 0 : i32
      %dma_wait3A_1693 = arith.constant 0 : i32
      %dma_wait3A_1694 = tpu.memref_slice %arg3[%dma_wait3A_1692, %dma_wait3A_1693] : memref<4000000x32xf32, #tpu.memory_space<hbm>> -> memref<4000000x32xf32, #tpu.memory_space<hbm>>
      tpu.wait_indirect_dma semaphore(%arg8 : memref<!tpu.dma_semaphore, #tpu.memory_space<semaphore_mem>>) src(%dma_wait3A_1694 : memref<4000000x32xf32, #tpu.memory_space<hbm>>) dst(%dma_wait3A_1688 : memref<50x32xf32, #tpu.memory_space<vmem>>)
      %dma_wait3A_1695 = arith.constant 1 : i32
      %dma_wait3A_1696 = arith.constant 15 : i32
      %dma_wait3A_1697 = arith.constant 1 : i32
      %dma_wait3A_1698 = arith.constant 15 : i32
      %dma_wait3A_1699 = arith.constant 0 : i32
      %dma_wait3A_1700 = arith.constant 0 : i32
      %dma_wait3A_1701 = tpu.memref_slice %arg6[%dma_wait3A_1697, %dma_wait3A_1698, %dma_wait3A_1699, %dma_wait3A_1700] : memref<2x16x50x32xf32, #tpu.memory_space<vmem>> -> memref<1x1x50x32xf32, #tpu.memory_space<vmem>>
      %dma_wait3A_1702 = tpu.memref_squeeze %dma_wait3A_1701 : memref<1x1x50x32xf32, #tpu.memory_space<vmem>> -> memref<50x32xf32, #tpu.memory_space<vmem>>
      %dma_wait3A_1703 = arith.constant 0 : i32
      %dma_wait3A_1704 = tpu.memref_slice %arg5[%dma_wait3A_1695, %dma_wait3A_1696, %dma_wait3A_1703] : memref<2x16x50xi32, #tpu.memory_space<vmem>> -> memref<1x1x50xi32, #tpu.memory_space<vmem>>
      %dma_wait3A_1705 = tpu.memref_squeeze %dma_wait3A_1704 : memref<1x1x50xi32, #tpu.memory_space<vmem>> -> memref<50xi32, #tpu.memory_space<vmem>>
      %dma_wait3A_1706 = arith.constant 0 : i32
      %dma_wait3A_1707 = arith.constant 0 : i32
      %dma_wait3A_1708 = tpu.memref_slice %arg3[%dma_wait3A_1706, %dma_wait3A_1707] : memref<4000000x32xf32, #tpu.memory_space<hbm>> -> memref<4000000x32xf32, #tpu.memory_space<hbm>>
      tpu.wait_indirect_dma semaphore(%arg8 : memref<!tpu.dma_semaphore, #tpu.memory_space<semaphore_mem>>) src(%dma_wait3A_1708 : memref<4000000x32xf32, #tpu.memory_space<hbm>>) dst(%dma_wait3A_1702 : memref<50x32xf32, #tpu.memory_space<vmem>>)
      %mul3A_1709 = arith.constant 16 : i32
      %mul3A_1710 = arith.muli %add3A_1484, %mul3A_1709 : i32
      %add3A_1711 = arith.addi %mul3A_2, %mul3A_1710 : i32
      %dma_start3A_1712 = arith.constant 1 : i32
      %dma_start3A_1713 = arith.constant 0 : i32
      %dma_start3A_1714 = arith.constant 0 : i32
      %dma_start3A_1715 = arith.constant 0 : i32
      %dma_start3A_1716 = tpu.memref_slice %arg6[%dma_start3A_1712, %dma_start3A_1713, %dma_start3A_1714, %dma_start3A_1715] : memref<2x16x50x32xf32, #tpu.memory_space<vmem>> -> memref<1x16x50x32xf32, #tpu.memory_space<vmem>>
      %dma_start3A_1717 = tpu.memref_squeeze %dma_start3A_1716 : memref<1x16x50x32xf32, #tpu.memory_space<vmem>> -> memref<16x50x32xf32, #tpu.memory_space<vmem>>
      %dma_start3A_1718 = arith.constant 0 : i32
      %dma_start3A_1719 = arith.constant 0 : i32
      %dma_start3A_1720 = tpu.memref_slice %arg4[%add3A_1711, %dma_start3A_1718, %dma_start3A_1719] : memref<16384x50x32xf32, #tpu.memory_space<hbm>> -> memref<16x50x32xf32, #tpu.memory_space<hbm>>
      %dma_start3A_1721 = arith.constant 0 : i32
      %dma_start3A_1722 = arith.constant 0 : i32
      %dma_start3A_1723 = tpu.memref_slice %arg4[%add3A_1711, %dma_start3A_1721, %dma_start3A_1722] : memref<16384x50x32xf32, #tpu.memory_space<hbm>> -> memref<16x50x32xf32, #tpu.memory_space<hbm>>
      %dma_start3A_1724 = arith.constant 0 : i32
      %dma_start3A_1725 = arith.constant 0 : i32
      %dma_start3A_1726 = arith.constant 0 : i32
      %dma_start3A_1727 = tpu.memref_slice %arg6[%dma_start3A_1712, %dma_start3A_1724, %dma_start3A_1725, %dma_start3A_1726] : memref<2x16x50x32xf32, #tpu.memory_space<vmem>> -> memref<1x16x50x32xf32, #tpu.memory_space<vmem>>
      %dma_start3A_1728 = tpu.memref_squeeze %dma_start3A_1727 : memref<1x16x50x32xf32, #tpu.memory_space<vmem>> -> memref<16x50x32xf32, #tpu.memory_space<vmem>>
      tpu.enqueue_dma source(%dma_start3A_1728 : memref<16x50x32xf32, #tpu.memory_space<vmem>>) target(%dma_start3A_1723 : memref<16x50x32xf32, #tpu.memory_space<hbm>>) target_semaphore(%arg10 : memref<!tpu.dma_semaphore, #tpu.memory_space<semaphore_mem>>)
      %mul3A_1729 = arith.constant 16 : i32
      %mul3A_1730 = arith.muli %add3A_1484, %mul3A_1729 : i32
      %add3A_1731 = arith.addi %mul3A_2, %mul3A_1730 : i32
      %dma_wait3A_1732 = arith.constant 1 : i32
      %dma_wait3A_1733 = arith.constant 0 : i32
      %dma_wait3A_1734 = arith.constant 0 : i32
      %dma_wait3A_1735 = arith.constant 0 : i32
      %dma_wait3A_1736 = tpu.memref_slice %arg6[%dma_wait3A_1732, %dma_wait3A_1733, %dma_wait3A_1734, %dma_wait3A_1735] : memref<2x16x50x32xf32, #tpu.memory_space<vmem>> -> memref<1x16x50x32xf32, #tpu.memory_space<vmem>>
      %dma_wait3A_1737 = tpu.memref_squeeze %dma_wait3A_1736 : memref<1x16x50x32xf32, #tpu.memory_space<vmem>> -> memref<16x50x32xf32, #tpu.memory_space<vmem>>
      %dma_wait3A_1738 = arith.constant 0 : i32
      %dma_wait3A_1739 = arith.constant 0 : i32
      %dma_wait3A_1740 = tpu.memref_slice %arg4[%add3A_1731, %dma_wait3A_1738, %dma_wait3A_1739] : memref<16384x50x32xf32, #tpu.memory_space<hbm>> -> memref<16x50x32xf32, #tpu.memory_space<hbm>>
      %dma_wait3A_1741 = arith.constant 0 : i32
      %dma_wait3A_1742 = arith.constant 0 : i32
      %dma_wait3A_1743 = tpu.memref_slice %arg4[%add3A_1731, %dma_wait3A_1741, %dma_wait3A_1742] : memref<16384x50x32xf32, #tpu.memory_space<hbm>> -> memref<16x50x32xf32, #tpu.memory_space<hbm>>
      %dma_wait3A_1744 = arith.constant 0 : i32
      %dma_wait3A_1745 = arith.constant 0 : i32
      %dma_wait3A_1746 = arith.constant 0 : i32
      %dma_wait3A_1747 = tpu.memref_slice %arg6[%dma_wait3A_1732, %dma_wait3A_1744, %dma_wait3A_1745, %dma_wait3A_1746] : memref<2x16x50x32xf32, #tpu.memory_space<vmem>> -> memref<1x16x50x32xf32, #tpu.memory_space<vmem>>
      %dma_wait3A_1748 = tpu.memref_squeeze %dma_wait3A_1747 : memref<1x16x50x32xf32, #tpu.memory_space<vmem>> -> memref<16x50x32xf32, #tpu.memory_space<vmem>>
      tpu.wait_dma2 semaphore(%arg10 : memref<!tpu.dma_semaphore, #tpu.memory_space<semaphore_mem>>) src(%dma_wait3A_1748 : memref<16x50x32xf32, #tpu.memory_space<vmem>>) dst(%dma_wait3A_1743 : memref<16x50x32xf32, #tpu.memory_space<hbm>>)
      %add3A_1749 = arith.constant 2 : i32
      %add3A_1750 = arith.addi %add3A_1484, %add3A_1749 : i32
      %mul3A_1751 = arith.constant 16 : i32
      %mul3A_1752 = arith.muli %add3A_1750, %mul3A_1751 : i32
      %add3A_1753 = arith.addi %mul3A_2, %mul3A_1752 : i32
      %run_scoped3A_1754 = arith.constant 1 : i32
      "tpu.region"() ({
        %run_scoped3A_1979 = tpu.sem_alloc : memref<!tpu.dma_semaphore, #tpu.memory_space<semaphore_mem>>
        %dma_start3A_1980 = arith.constant 0 : i32
        %dma_start3A_1981 = arith.constant 0 : i32
        %dma_start3A_1982 = tpu.memref_slice %arg5[%run_scoped3A_1754, %dma_start3A_1980, %dma_start3A_1981] : memref<2x16x50xi32, #tpu.memory_space<vmem>> -> memref<1x16x50xi32, #tpu.memory_space<vmem>>
        %dma_start3A_1983 = tpu.memref_squeeze %dma_start3A_1982 : memref<1x16x50xi32, #tpu.memory_space<vmem>> -> memref<16x50xi32, #tpu.memory_space<vmem>>
        %dma_start3A_1984 = arith.constant 0 : i32
        %dma_start3A_1985 = tpu.memref_slice %arg2[%add3A_1753, %dma_start3A_1984] : memref<16384x50xi32, #tpu.memory_space<hbm>> -> memref<16x50xi32, #tpu.memory_space<hbm>>
        %dma_start3A_1986 = arith.constant 0 : i32
        %dma_start3A_1987 = arith.constant 0 : i32
        %dma_start3A_1988 = tpu.memref_slice %arg5[%run_scoped3A_1754, %dma_start3A_1986, %dma_start3A_1987] : memref<2x16x50xi32, #tpu.memory_space<vmem>> -> memref<1x16x50xi32, #tpu.memory_space<vmem>>
        %dma_start3A_1989 = tpu.memref_squeeze %dma_start3A_1988 : memref<1x16x50xi32, #tpu.memory_space<vmem>> -> memref<16x50xi32, #tpu.memory_space<vmem>>
        %dma_start3A_1990 = arith.constant 0 : i32
        %dma_start3A_1991 = tpu.memref_slice %arg2[%add3A_1753, %dma_start3A_1990] : memref<16384x50xi32, #tpu.memory_space<hbm>> -> memref<16x50xi32, #tpu.memory_space<hbm>>
        tpu.enqueue_dma source(%dma_start3A_1991 : memref<16x50xi32, #tpu.memory_space<hbm>>) target(%dma_start3A_1989 : memref<16x50xi32, #tpu.memory_space<vmem>>) target_semaphore(%run_scoped3A_1979 : memref<!tpu.dma_semaphore, #tpu.memory_space<semaphore_mem>>)
        %dma_wait3A_1992 = arith.constant 0 : i32
        %dma_wait3A_1993 = arith.constant 0 : i32
        %dma_wait3A_1994 = tpu.memref_slice %arg5[%run_scoped3A_1754, %dma_wait3A_1992, %dma_wait3A_1993] : memref<2x16x50xi32, #tpu.memory_space<vmem>> -> memref<1x16x50xi32, #tpu.memory_space<vmem>>
        %dma_wait3A_1995 = tpu.memref_squeeze %dma_wait3A_1994 : memref<1x16x50xi32, #tpu.memory_space<vmem>> -> memref<16x50xi32, #tpu.memory_space<vmem>>
        %dma_wait3A_1996 = arith.constant 0 : i32
        %dma_wait3A_1997 = tpu.memref_slice %arg2[%add3A_1753, %dma_wait3A_1996] : memref<16384x50xi32, #tpu.memory_space<hbm>> -> memref<16x50xi32, #tpu.memory_space<hbm>>
        %dma_wait3A_1998 = arith.constant 0 : i32
        %dma_wait3A_1999 = arith.constant 0 : i32
        %dma_wait3A_2000 = tpu.memref_slice %arg5[%run_scoped3A_1754, %dma_wait3A_1998, %dma_wait3A_1999] : memref<2x16x50xi32, #tpu.memory_space<vmem>> -> memref<1x16x50xi32, #tpu.memory_space<vmem>>
        %dma_wait3A_2001 = tpu.memref_squeeze %dma_wait3A_2000 : memref<1x16x50xi32, #tpu.memory_space<vmem>> -> memref<16x50xi32, #tpu.memory_space<vmem>>
        %dma_wait3A_2002 = arith.constant 0 : i32
        %dma_wait3A_2003 = tpu.memref_slice %arg2[%add3A_1753, %dma_wait3A_2002] : memref<16384x50xi32, #tpu.memory_space<hbm>> -> memref<16x50xi32, #tpu.memory_space<hbm>>
        tpu.wait_dma2 semaphore(%run_scoped3A_1979 : memref<!tpu.dma_semaphore, #tpu.memory_space<semaphore_mem>>) src(%dma_wait3A_2003 : memref<16x50xi32, #tpu.memory_space<hbm>>) dst(%dma_wait3A_2001 : memref<16x50xi32, #tpu.memory_space<vmem>>)
        tpu.yield
      }) : () -> ()
      %dma_start3A_1755 = arith.constant 1 : i32
      %dma_start3A_1756 = arith.constant 0 : i32
      %dma_start3A_1757 = arith.constant 1 : i32
      %dma_start3A_1758 = arith.constant 0 : i32
      %dma_start3A_1759 = arith.constant 0 : i32
      %dma_start3A_1760 = arith.constant 0 : i32
      %dma_start3A_1761 = tpu.memref_slice %arg6[%dma_start3A_1757, %dma_start3A_1758, %dma_start3A_1759, %dma_start3A_1760] : memref<2x16x50x32xf32, #tpu.memory_space<vmem>> -> memref<1x1x50x32xf32, #tpu.memory_space<vmem>>
      %dma_start3A_1762 = tpu.memref_squeeze %dma_start3A_1761 : memref<1x1x50x32xf32, #tpu.memory_space<vmem>> -> memref<50x32xf32, #tpu.memory_space<vmem>>
      %dma_start3A_1763 = arith.constant 0 : i32
      %dma_start3A_1764 = tpu.memref_slice %arg5[%dma_start3A_1755, %dma_start3A_1756, %dma_start3A_1763] : memref<2x16x50xi32, #tpu.memory_space<vmem>> -> memref<1x1x50xi32, #tpu.memory_space<vmem>>
      %dma_start3A_1765 = tpu.memref_squeeze %dma_start3A_1764 : memref<1x1x50xi32, #tpu.memory_space<vmem>> -> memref<50xi32, #tpu.memory_space<vmem>>
      %dma_start3A_1766 = arith.constant 0 : i32
      %dma_start3A_1767 = arith.constant 0 : i32
      %dma_start3A_1768 = tpu.memref_slice %arg3[%dma_start3A_1766, %dma_start3A_1767] : memref<4000000x32xf32, #tpu.memory_space<hbm>> -> memref<4000000x32xf32, #tpu.memory_space<hbm>>
      tpu.enqueue_indirect_dma source(%dma_start3A_1768 : memref<4000000x32xf32, #tpu.memory_space<hbm>>) target(%dma_start3A_1762 : memref<50x32xf32, #tpu.memory_space<vmem>>) offsets(%dma_start3A_1765 : memref<50xi32, #tpu.memory_space<vmem>>) semaphore(%arg8 : memref<!tpu.dma_semaphore, #tpu.memory_space<semaphore_mem>>)
      %dma_start3A_1769 = arith.constant 1 : i32
      %dma_start3A_1770 = arith.constant 1 : i32
      %dma_start3A_1771 = arith.constant 1 : i32
      %dma_start3A_1772 = arith.constant 1 : i32
      %dma_start3A_1773 = arith.constant 0 : i32
      %dma_start3A_1774 = arith.constant 0 : i32
      %dma_start3A_1775 = tpu.memref_slice %arg6[%dma_start3A_1771, %dma_start3A_1772, %dma_start3A_1773, %dma_start3A_1774] : memref<2x16x50x32xf32, #tpu.memory_space<vmem>> -> memref<1x1x50x32xf32, #tpu.memory_space<vmem>>
      %dma_start3A_1776 = tpu.memref_squeeze %dma_start3A_1775 : memref<1x1x50x32xf32, #tpu.memory_space<vmem>> -> memref<50x32xf32, #tpu.memory_space<vmem>>
      %dma_start3A_1777 = arith.constant 0 : i32
      %dma_start3A_1778 = tpu.memref_slice %arg5[%dma_start3A_1769, %dma_start3A_1770, %dma_start3A_1777] : memref<2x16x50xi32, #tpu.memory_space<vmem>> -> memref<1x1x50xi32, #tpu.memory_space<vmem>>
      %dma_start3A_1779 = tpu.memref_squeeze %dma_start3A_1778 : memref<1x1x50xi32, #tpu.memory_space<vmem>> -> memref<50xi32, #tpu.memory_space<vmem>>
      %dma_start3A_1780 = arith.constant 0 : i32
      %dma_start3A_1781 = arith.constant 0 : i32
      %dma_start3A_1782 = tpu.memref_slice %arg3[%dma_start3A_1780, %dma_start3A_1781] : memref<4000000x32xf32, #tpu.memory_space<hbm>> -> memref<4000000x32xf32, #tpu.memory_space<hbm>>
      tpu.enqueue_indirect_dma source(%dma_start3A_1782 : memref<4000000x32xf32, #tpu.memory_space<hbm>>) target(%dma_start3A_1776 : memref<50x32xf32, #tpu.memory_space<vmem>>) offsets(%dma_start3A_1779 : memref<50xi32, #tpu.memory_space<vmem>>) semaphore(%arg8 : memref<!tpu.dma_semaphore, #tpu.memory_space<semaphore_mem>>)
      %dma_start3A_1783 = arith.constant 1 : i32
      %dma_start3A_1784 = arith.constant 2 : i32
      %dma_start3A_1785 = arith.constant 1 : i32
      %dma_start3A_1786 = arith.constant 2 : i32
      %dma_start3A_1787 = arith.constant 0 : i32
      %dma_start3A_1788 = arith.constant 0 : i32
      %dma_start3A_1789 = tpu.memref_slice %arg6[%dma_start3A_1785, %dma_start3A_1786, %dma_start3A_1787, %dma_start3A_1788] : memref<2x16x50x32xf32, #tpu.memory_space<vmem>> -> memref<1x1x50x32xf32, #tpu.memory_space<vmem>>
      %dma_start3A_1790 = tpu.memref_squeeze %dma_start3A_1789 : memref<1x1x50x32xf32, #tpu.memory_space<vmem>> -> memref<50x32xf32, #tpu.memory_space<vmem>>
      %dma_start3A_1791 = arith.constant 0 : i32
      %dma_start3A_1792 = tpu.memref_slice %arg5[%dma_start3A_1783, %dma_start3A_1784, %dma_start3A_1791] : memref<2x16x50xi32, #tpu.memory_space<vmem>> -> memref<1x1x50xi32, #tpu.memory_space<vmem>>
      %dma_start3A_1793 = tpu.memref_squeeze %dma_start3A_1792 : memref<1x1x50xi32, #tpu.memory_space<vmem>> -> memref<50xi32, #tpu.memory_space<vmem>>
      %dma_start3A_1794 = arith.constant 0 : i32
      %dma_start3A_1795 = arith.constant 0 : i32
      %dma_start3A_1796 = tpu.memref_slice %arg3[%dma_start3A_1794, %dma_start3A_1795] : memref<4000000x32xf32, #tpu.memory_space<hbm>> -> memref<4000000x32xf32, #tpu.memory_space<hbm>>
      tpu.enqueue_indirect_dma source(%dma_start3A_1796 : memref<4000000x32xf32, #tpu.memory_space<hbm>>) target(%dma_start3A_1790 : memref<50x32xf32, #tpu.memory_space<vmem>>) offsets(%dma_start3A_1793 : memref<50xi32, #tpu.memory_space<vmem>>) semaphore(%arg8 : memref<!tpu.dma_semaphore, #tpu.memory_space<semaphore_mem>>)
      %dma_start3A_1797 = arith.constant 1 : i32
      %dma_start3A_1798 = arith.constant 3 : i32
      %dma_start3A_1799 = arith.constant 1 : i32
      %dma_start3A_1800 = arith.constant 3 : i32
      %dma_start3A_1801 = arith.constant 0 : i32
      %dma_start3A_1802 = arith.constant 0 : i32
      %dma_start3A_1803 = tpu.memref_slice %arg6[%dma_start3A_1799, %dma_start3A_1800, %dma_start3A_1801, %dma_start3A_1802] : memref<2x16x50x32xf32, #tpu.memory_space<vmem>> -> memref<1x1x50x32xf32, #tpu.memory_space<vmem>>
      %dma_start3A_1804 = tpu.memref_squeeze %dma_start3A_1803 : memref<1x1x50x32xf32, #tpu.memory_space<vmem>> -> memref<50x32xf32, #tpu.memory_space<vmem>>
      %dma_start3A_1805 = arith.constant 0 : i32
      %dma_start3A_1806 = tpu.memref_slice %arg5[%dma_start3A_1797, %dma_start3A_1798, %dma_start3A_1805] : memref<2x16x50xi32, #tpu.memory_space<vmem>> -> memref<1x1x50xi32, #tpu.memory_space<vmem>>
      %dma_start3A_1807 = tpu.memref_squeeze %dma_start3A_1806 : memref<1x1x50xi32, #tpu.memory_space<vmem>> -> memref<50xi32, #tpu.memory_space<vmem>>
      %dma_start3A_1808 = arith.constant 0 : i32
      %dma_start3A_1809 = arith.constant 0 : i32
      %dma_start3A_1810 = tpu.memref_slice %arg3[%dma_start3A_1808, %dma_start3A_1809] : memref<4000000x32xf32, #tpu.memory_space<hbm>> -> memref<4000000x32xf32, #tpu.memory_space<hbm>>
      tpu.enqueue_indirect_dma source(%dma_start3A_1810 : memref<4000000x32xf32, #tpu.memory_space<hbm>>) target(%dma_start3A_1804 : memref<50x32xf32, #tpu.memory_space<vmem>>) offsets(%dma_start3A_1807 : memref<50xi32, #tpu.memory_space<vmem>>) semaphore(%arg8 : memref<!tpu.dma_semaphore, #tpu.memory_space<semaphore_mem>>)
      %dma_start3A_1811 = arith.constant 1 : i32
      %dma_start3A_1812 = arith.constant 4 : i32
      %dma_start3A_1813 = arith.constant 1 : i32
      %dma_start3A_1814 = arith.constant 4 : i32
      %dma_start3A_1815 = arith.constant 0 : i32
      %dma_start3A_1816 = arith.constant 0 : i32
      %dma_start3A_1817 = tpu.memref_slice %arg6[%dma_start3A_1813, %dma_start3A_1814, %dma_start3A_1815, %dma_start3A_1816] : memref<2x16x50x32xf32, #tpu.memory_space<vmem>> -> memref<1x1x50x32xf32, #tpu.memory_space<vmem>>
      %dma_start3A_1818 = tpu.memref_squeeze %dma_start3A_1817 : memref<1x1x50x32xf32, #tpu.memory_space<vmem>> -> memref<50x32xf32, #tpu.memory_space<vmem>>
      %dma_start3A_1819 = arith.constant 0 : i32
      %dma_start3A_1820 = tpu.memref_slice %arg5[%dma_start3A_1811, %dma_start3A_1812, %dma_start3A_1819] : memref<2x16x50xi32, #tpu.memory_space<vmem>> -> memref<1x1x50xi32, #tpu.memory_space<vmem>>
      %dma_start3A_1821 = tpu.memref_squeeze %dma_start3A_1820 : memref<1x1x50xi32, #tpu.memory_space<vmem>> -> memref<50xi32, #tpu.memory_space<vmem>>
      %dma_start3A_1822 = arith.constant 0 : i32
      %dma_start3A_1823 = arith.constant 0 : i32
      %dma_start3A_1824 = tpu.memref_slice %arg3[%dma_start3A_1822, %dma_start3A_1823] : memref<4000000x32xf32, #tpu.memory_space<hbm>> -> memref<4000000x32xf32, #tpu.memory_space<hbm>>
      tpu.enqueue_indirect_dma source(%dma_start3A_1824 : memref<4000000x32xf32, #tpu.memory_space<hbm>>) target(%dma_start3A_1818 : memref<50x32xf32, #tpu.memory_space<vmem>>) offsets(%dma_start3A_1821 : memref<50xi32, #tpu.memory_space<vmem>>) semaphore(%arg8 : memref<!tpu.dma_semaphore, #tpu.memory_space<semaphore_mem>>)
      %dma_start3A_1825 = arith.constant 1 : i32
      %dma_start3A_1826 = arith.constant 5 : i32
      %dma_start3A_1827 = arith.constant 1 : i32
      %dma_start3A_1828 = arith.constant 5 : i32
      %dma_start3A_1829 = arith.constant 0 : i32
      %dma_start3A_1830 = arith.constant 0 : i32
      %dma_start3A_1831 = tpu.memref_slice %arg6[%dma_start3A_1827, %dma_start3A_1828, %dma_start3A_1829, %dma_start3A_1830] : memref<2x16x50x32xf32, #tpu.memory_space<vmem>> -> memref<1x1x50x32xf32, #tpu.memory_space<vmem>>
      %dma_start3A_1832 = tpu.memref_squeeze %dma_start3A_1831 : memref<1x1x50x32xf32, #tpu.memory_space<vmem>> -> memref<50x32xf32, #tpu.memory_space<vmem>>
      %dma_start3A_1833 = arith.constant 0 : i32
      %dma_start3A_1834 = tpu.memref_slice %arg5[%dma_start3A_1825, %dma_start3A_1826, %dma_start3A_1833] : memref<2x16x50xi32, #tpu.memory_space<vmem>> -> memref<1x1x50xi32, #tpu.memory_space<vmem>>
      %dma_start3A_1835 = tpu.memref_squeeze %dma_start3A_1834 : memref<1x1x50xi32, #tpu.memory_space<vmem>> -> memref<50xi32, #tpu.memory_space<vmem>>
      %dma_start3A_1836 = arith.constant 0 : i32
      %dma_start3A_1837 = arith.constant 0 : i32
      %dma_start3A_1838 = tpu.memref_slice %arg3[%dma_start3A_1836, %dma_start3A_1837] : memref<4000000x32xf32, #tpu.memory_space<hbm>> -> memref<4000000x32xf32, #tpu.memory_space<hbm>>
      tpu.enqueue_indirect_dma source(%dma_start3A_1838 : memref<4000000x32xf32, #tpu.memory_space<hbm>>) target(%dma_start3A_1832 : memref<50x32xf32, #tpu.memory_space<vmem>>) offsets(%dma_start3A_1835 : memref<50xi32, #tpu.memory_space<vmem>>) semaphore(%arg8 : memref<!tpu.dma_semaphore, #tpu.memory_space<semaphore_mem>>)
      %dma_start3A_1839 = arith.constant 1 : i32
      %dma_start3A_1840 = arith.constant 6 : i32
      %dma_start3A_1841 = arith.constant 1 : i32
      %dma_start3A_1842 = arith.constant 6 : i32
      %dma_start3A_1843 = arith.constant 0 : i32
      %dma_start3A_1844 = arith.constant 0 : i32
      %dma_start3A_1845 = tpu.memref_slice %arg6[%dma_start3A_1841, %dma_start3A_1842, %dma_start3A_1843, %dma_start3A_1844] : memref<2x16x50x32xf32, #tpu.memory_space<vmem>> -> memref<1x1x50x32xf32, #tpu.memory_space<vmem>>
      %dma_start3A_1846 = tpu.memref_squeeze %dma_start3A_1845 : memref<1x1x50x32xf32, #tpu.memory_space<vmem>> -> memref<50x32xf32, #tpu.memory_space<vmem>>
      %dma_start3A_1847 = arith.constant 0 : i32
      %dma_start3A_1848 = tpu.memref_slice %arg5[%dma_start3A_1839, %dma_start3A_1840, %dma_start3A_1847] : memref<2x16x50xi32, #tpu.memory_space<vmem>> -> memref<1x1x50xi32, #tpu.memory_space<vmem>>
      %dma_start3A_1849 = tpu.memref_squeeze %dma_start3A_1848 : memref<1x1x50xi32, #tpu.memory_space<vmem>> -> memref<50xi32, #tpu.memory_space<vmem>>
      %dma_start3A_1850 = arith.constant 0 : i32
      %dma_start3A_1851 = arith.constant 0 : i32
      %dma_start3A_1852 = tpu.memref_slice %arg3[%dma_start3A_1850, %dma_start3A_1851] : memref<4000000x32xf32, #tpu.memory_space<hbm>> -> memref<4000000x32xf32, #tpu.memory_space<hbm>>
      tpu.enqueue_indirect_dma source(%dma_start3A_1852 : memref<4000000x32xf32, #tpu.memory_space<hbm>>) target(%dma_start3A_1846 : memref<50x32xf32, #tpu.memory_space<vmem>>) offsets(%dma_start3A_1849 : memref<50xi32, #tpu.memory_space<vmem>>) semaphore(%arg8 : memref<!tpu.dma_semaphore, #tpu.memory_space<semaphore_mem>>)
      %dma_start3A_1853 = arith.constant 1 : i32
      %dma_start3A_1854 = arith.constant 7 : i32
      %dma_start3A_1855 = arith.constant 1 : i32
      %dma_start3A_1856 = arith.constant 7 : i32
      %dma_start3A_1857 = arith.constant 0 : i32
      %dma_start3A_1858 = arith.constant 0 : i32
      %dma_start3A_1859 = tpu.memref_slice %arg6[%dma_start3A_1855, %dma_start3A_1856, %dma_start3A_1857, %dma_start3A_1858] : memref<2x16x50x32xf32, #tpu.memory_space<vmem>> -> memref<1x1x50x32xf32, #tpu.memory_space<vmem>>
      %dma_start3A_1860 = tpu.memref_squeeze %dma_start3A_1859 : memref<1x1x50x32xf32, #tpu.memory_space<vmem>> -> memref<50x32xf32, #tpu.memory_space<vmem>>
      %dma_start3A_1861 = arith.constant 0 : i32
      %dma_start3A_1862 = tpu.memref_slice %arg5[%dma_start3A_1853, %dma_start3A_1854, %dma_start3A_1861] : memref<2x16x50xi32, #tpu.memory_space<vmem>> -> memref<1x1x50xi32, #tpu.memory_space<vmem>>
      %dma_start3A_1863 = tpu.memref_squeeze %dma_start3A_1862 : memref<1x1x50xi32, #tpu.memory_space<vmem>> -> memref<50xi32, #tpu.memory_space<vmem>>
      %dma_start3A_1864 = arith.constant 0 : i32
      %dma_start3A_1865 = arith.constant 0 : i32
      %dma_start3A_1866 = tpu.memref_slice %arg3[%dma_start3A_1864, %dma_start3A_1865] : memref<4000000x32xf32, #tpu.memory_space<hbm>> -> memref<4000000x32xf32, #tpu.memory_space<hbm>>
      tpu.enqueue_indirect_dma source(%dma_start3A_1866 : memref<4000000x32xf32, #tpu.memory_space<hbm>>) target(%dma_start3A_1860 : memref<50x32xf32, #tpu.memory_space<vmem>>) offsets(%dma_start3A_1863 : memref<50xi32, #tpu.memory_space<vmem>>) semaphore(%arg8 : memref<!tpu.dma_semaphore, #tpu.memory_space<semaphore_mem>>)
      %dma_start3A_1867 = arith.constant 1 : i32
      %dma_start3A_1868 = arith.constant 8 : i32
      %dma_start3A_1869 = arith.constant 1 : i32
      %dma_start3A_1870 = arith.constant 8 : i32
      %dma_start3A_1871 = arith.constant 0 : i32
      %dma_start3A_1872 = arith.constant 0 : i32
      %dma_start3A_1873 = tpu.memref_slice %arg6[%dma_start3A_1869, %dma_start3A_1870, %dma_start3A_1871, %dma_start3A_1872] : memref<2x16x50x32xf32, #tpu.memory_space<vmem>> -> memref<1x1x50x32xf32, #tpu.memory_space<vmem>>
      %dma_start3A_1874 = tpu.memref_squeeze %dma_start3A_1873 : memref<1x1x50x32xf32, #tpu.memory_space<vmem>> -> memref<50x32xf32, #tpu.memory_space<vmem>>
      %dma_start3A_1875 = arith.constant 0 : i32
      %dma_start3A_1876 = tpu.memref_slice %arg5[%dma_start3A_1867, %dma_start3A_1868, %dma_start3A_1875] : memref<2x16x50xi32, #tpu.memory_space<vmem>> -> memref<1x1x50xi32, #tpu.memory_space<vmem>>
      %dma_start3A_1877 = tpu.memref_squeeze %dma_start3A_1876 : memref<1x1x50xi32, #tpu.memory_space<vmem>> -> memref<50xi32, #tpu.memory_space<vmem>>
      %dma_start3A_1878 = arith.constant 0 : i32
      %dma_start3A_1879 = arith.constant 0 : i32
      %dma_start3A_1880 = tpu.memref_slice %arg3[%dma_start3A_1878, %dma_start3A_1879] : memref<4000000x32xf32, #tpu.memory_space<hbm>> -> memref<4000000x32xf32, #tpu.memory_space<hbm>>
      tpu.enqueue_indirect_dma source(%dma_start3A_1880 : memref<4000000x32xf32, #tpu.memory_space<hbm>>) target(%dma_start3A_1874 : memref<50x32xf32, #tpu.memory_space<vmem>>) offsets(%dma_start3A_1877 : memref<50xi32, #tpu.memory_space<vmem>>) semaphore(%arg8 : memref<!tpu.dma_semaphore, #tpu.memory_space<semaphore_mem>>)
      %dma_start3A_1881 = arith.constant 1 : i32
      %dma_start3A_1882 = arith.constant 9 : i32
      %dma_start3A_1883 = arith.constant 1 : i32
      %dma_start3A_1884 = arith.constant 9 : i32
      %dma_start3A_1885 = arith.constant 0 : i32
      %dma_start3A_1886 = arith.constant 0 : i32
      %dma_start3A_1887 = tpu.memref_slice %arg6[%dma_start3A_1883, %dma_start3A_1884, %dma_start3A_1885, %dma_start3A_1886] : memref<2x16x50x32xf32, #tpu.memory_space<vmem>> -> memref<1x1x50x32xf32, #tpu.memory_space<vmem>>
      %dma_start3A_1888 = tpu.memref_squeeze %dma_start3A_1887 : memref<1x1x50x32xf32, #tpu.memory_space<vmem>> -> memref<50x32xf32, #tpu.memory_space<vmem>>
      %dma_start3A_1889 = arith.constant 0 : i32
      %dma_start3A_1890 = tpu.memref_slice %arg5[%dma_start3A_1881, %dma_start3A_1882, %dma_start3A_1889] : memref<2x16x50xi32, #tpu.memory_space<vmem>> -> memref<1x1x50xi32, #tpu.memory_space<vmem>>
      %dma_start3A_1891 = tpu.memref_squeeze %dma_start3A_1890 : memref<1x1x50xi32, #tpu.memory_space<vmem>> -> memref<50xi32, #tpu.memory_space<vmem>>
      %dma_start3A_1892 = arith.constant 0 : i32
      %dma_start3A_1893 = arith.constant 0 : i32
      %dma_start3A_1894 = tpu.memref_slice %arg3[%dma_start3A_1892, %dma_start3A_1893] : memref<4000000x32xf32, #tpu.memory_space<hbm>> -> memref<4000000x32xf32, #tpu.memory_space<hbm>>
      tpu.enqueue_indirect_dma source(%dma_start3A_1894 : memref<4000000x32xf32, #tpu.memory_space<hbm>>) target(%dma_start3A_1888 : memref<50x32xf32, #tpu.memory_space<vmem>>) offsets(%dma_start3A_1891 : memref<50xi32, #tpu.memory_space<vmem>>) semaphore(%arg8 : memref<!tpu.dma_semaphore, #tpu.memory_space<semaphore_mem>>)
      %dma_start3A_1895 = arith.constant 1 : i32
      %dma_start3A_1896 = arith.constant 10 : i32
      %dma_start3A_1897 = arith.constant 1 : i32
      %dma_start3A_1898 = arith.constant 10 : i32
      %dma_start3A_1899 = arith.constant 0 : i32
      %dma_start3A_1900 = arith.constant 0 : i32
      %dma_start3A_1901 = tpu.memref_slice %arg6[%dma_start3A_1897, %dma_start3A_1898, %dma_start3A_1899, %dma_start3A_1900] : memref<2x16x50x32xf32, #tpu.memory_space<vmem>> -> memref<1x1x50x32xf32, #tpu.memory_space<vmem>>
      %dma_start3A_1902 = tpu.memref_squeeze %dma_start3A_1901 : memref<1x1x50x32xf32, #tpu.memory_space<vmem>> -> memref<50x32xf32, #tpu.memory_space<vmem>>
      %dma_start3A_1903 = arith.constant 0 : i32
      %dma_start3A_1904 = tpu.memref_slice %arg5[%dma_start3A_1895, %dma_start3A_1896, %dma_start3A_1903] : memref<2x16x50xi32, #tpu.memory_space<vmem>> -> memref<1x1x50xi32, #tpu.memory_space<vmem>>
      %dma_start3A_1905 = tpu.memref_squeeze %dma_start3A_1904 : memref<1x1x50xi32, #tpu.memory_space<vmem>> -> memref<50xi32, #tpu.memory_space<vmem>>
      %dma_start3A_1906 = arith.constant 0 : i32
      %dma_start3A_1907 = arith.constant 0 : i32
      %dma_start3A_1908 = tpu.memref_slice %arg3[%dma_start3A_1906, %dma_start3A_1907] : memref<4000000x32xf32, #tpu.memory_space<hbm>> -> memref<4000000x32xf32, #tpu.memory_space<hbm>>
      tpu.enqueue_indirect_dma source(%dma_start3A_1908 : memref<4000000x32xf32, #tpu.memory_space<hbm>>) target(%dma_start3A_1902 : memref<50x32xf32, #tpu.memory_space<vmem>>) offsets(%dma_start3A_1905 : memref<50xi32, #tpu.memory_space<vmem>>) semaphore(%arg8 : memref<!tpu.dma_semaphore, #tpu.memory_space<semaphore_mem>>)
      %dma_start3A_1909 = arith.constant 1 : i32
      %dma_start3A_1910 = arith.constant 11 : i32
      %dma_start3A_1911 = arith.constant 1 : i32
      %dma_start3A_1912 = arith.constant 11 : i32
      %dma_start3A_1913 = arith.constant 0 : i32
      %dma_start3A_1914 = arith.constant 0 : i32
      %dma_start3A_1915 = tpu.memref_slice %arg6[%dma_start3A_1911, %dma_start3A_1912, %dma_start3A_1913, %dma_start3A_1914] : memref<2x16x50x32xf32, #tpu.memory_space<vmem>> -> memref<1x1x50x32xf32, #tpu.memory_space<vmem>>
      %dma_start3A_1916 = tpu.memref_squeeze %dma_start3A_1915 : memref<1x1x50x32xf32, #tpu.memory_space<vmem>> -> memref<50x32xf32, #tpu.memory_space<vmem>>
      %dma_start3A_1917 = arith.constant 0 : i32
      %dma_start3A_1918 = tpu.memref_slice %arg5[%dma_start3A_1909, %dma_start3A_1910, %dma_start3A_1917] : memref<2x16x50xi32, #tpu.memory_space<vmem>> -> memref<1x1x50xi32, #tpu.memory_space<vmem>>
      %dma_start3A_1919 = tpu.memref_squeeze %dma_start3A_1918 : memref<1x1x50xi32, #tpu.memory_space<vmem>> -> memref<50xi32, #tpu.memory_space<vmem>>
      %dma_start3A_1920 = arith.constant 0 : i32
      %dma_start3A_1921 = arith.constant 0 : i32
      %dma_start3A_1922 = tpu.memref_slice %arg3[%dma_start3A_1920, %dma_start3A_1921] : memref<4000000x32xf32, #tpu.memory_space<hbm>> -> memref<4000000x32xf32, #tpu.memory_space<hbm>>
      tpu.enqueue_indirect_dma source(%dma_start3A_1922 : memref<4000000x32xf32, #tpu.memory_space<hbm>>) target(%dma_start3A_1916 : memref<50x32xf32, #tpu.memory_space<vmem>>) offsets(%dma_start3A_1919 : memref<50xi32, #tpu.memory_space<vmem>>) semaphore(%arg8 : memref<!tpu.dma_semaphore, #tpu.memory_space<semaphore_mem>>)
      %dma_start3A_1923 = arith.constant 1 : i32
      %dma_start3A_1924 = arith.constant 12 : i32
      %dma_start3A_1925 = arith.constant 1 : i32
      %dma_start3A_1926 = arith.constant 12 : i32
      %dma_start3A_1927 = arith.constant 0 : i32
      %dma_start3A_1928 = arith.constant 0 : i32
      %dma_start3A_1929 = tpu.memref_slice %arg6[%dma_start3A_1925, %dma_start3A_1926, %dma_start3A_1927, %dma_start3A_1928] : memref<2x16x50x32xf32, #tpu.memory_space<vmem>> -> memref<1x1x50x32xf32, #tpu.memory_space<vmem>>
      %dma_start3A_1930 = tpu.memref_squeeze %dma_start3A_1929 : memref<1x1x50x32xf32, #tpu.memory_space<vmem>> -> memref<50x32xf32, #tpu.memory_space<vmem>>
      %dma_start3A_1931 = arith.constant 0 : i32
      %dma_start3A_1932 = tpu.memref_slice %arg5[%dma_start3A_1923, %dma_start3A_1924, %dma_start3A_1931] : memref<2x16x50xi32, #tpu.memory_space<vmem>> -> memref<1x1x50xi32, #tpu.memory_space<vmem>>
      %dma_start3A_1933 = tpu.memref_squeeze %dma_start3A_1932 : memref<1x1x50xi32, #tpu.memory_space<vmem>> -> memref<50xi32, #tpu.memory_space<vmem>>
      %dma_start3A_1934 = arith.constant 0 : i32
      %dma_start3A_1935 = arith.constant 0 : i32
      %dma_start3A_1936 = tpu.memref_slice %arg3[%dma_start3A_1934, %dma_start3A_1935] : memref<4000000x32xf32, #tpu.memory_space<hbm>> -> memref<4000000x32xf32, #tpu.memory_space<hbm>>
      tpu.enqueue_indirect_dma source(%dma_start3A_1936 : memref<4000000x32xf32, #tpu.memory_space<hbm>>) target(%dma_start3A_1930 : memref<50x32xf32, #tpu.memory_space<vmem>>) offsets(%dma_start3A_1933 : memref<50xi32, #tpu.memory_space<vmem>>) semaphore(%arg8 : memref<!tpu.dma_semaphore, #tpu.memory_space<semaphore_mem>>)
      %dma_start3A_1937 = arith.constant 1 : i32
      %dma_start3A_1938 = arith.constant 13 : i32
      %dma_start3A_1939 = arith.constant 1 : i32
      %dma_start3A_1940 = arith.constant 13 : i32
      %dma_start3A_1941 = arith.constant 0 : i32
      %dma_start3A_1942 = arith.constant 0 : i32
      %dma_start3A_1943 = tpu.memref_slice %arg6[%dma_start3A_1939, %dma_start3A_1940, %dma_start3A_1941, %dma_start3A_1942] : memref<2x16x50x32xf32, #tpu.memory_space<vmem>> -> memref<1x1x50x32xf32, #tpu.memory_space<vmem>>
      %dma_start3A_1944 = tpu.memref_squeeze %dma_start3A_1943 : memref<1x1x50x32xf32, #tpu.memory_space<vmem>> -> memref<50x32xf32, #tpu.memory_space<vmem>>
      %dma_start3A_1945 = arith.constant 0 : i32
      %dma_start3A_1946 = tpu.memref_slice %arg5[%dma_start3A_1937, %dma_start3A_1938, %dma_start3A_1945] : memref<2x16x50xi32, #tpu.memory_space<vmem>> -> memref<1x1x50xi32, #tpu.memory_space<vmem>>
      %dma_start3A_1947 = tpu.memref_squeeze %dma_start3A_1946 : memref<1x1x50xi32, #tpu.memory_space<vmem>> -> memref<50xi32, #tpu.memory_space<vmem>>
      %dma_start3A_1948 = arith.constant 0 : i32
      %dma_start3A_1949 = arith.constant 0 : i32
      %dma_start3A_1950 = tpu.memref_slice %arg3[%dma_start3A_1948, %dma_start3A_1949] : memref<4000000x32xf32, #tpu.memory_space<hbm>> -> memref<4000000x32xf32, #tpu.memory_space<hbm>>
      tpu.enqueue_indirect_dma source(%dma_start3A_1950 : memref<4000000x32xf32, #tpu.memory_space<hbm>>) target(%dma_start3A_1944 : memref<50x32xf32, #tpu.memory_space<vmem>>) offsets(%dma_start3A_1947 : memref<50xi32, #tpu.memory_space<vmem>>) semaphore(%arg8 : memref<!tpu.dma_semaphore, #tpu.memory_space<semaphore_mem>>)
      %dma_start3A_1951 = arith.constant 1 : i32
      %dma_start3A_1952 = arith.constant 14 : i32
      %dma_start3A_1953 = arith.constant 1 : i32
      %dma_start3A_1954 = arith.constant 14 : i32
      %dma_start3A_1955 = arith.constant 0 : i32
      %dma_start3A_1956 = arith.constant 0 : i32
      %dma_start3A_1957 = tpu.memref_slice %arg6[%dma_start3A_1953, %dma_start3A_1954, %dma_start3A_1955, %dma_start3A_1956] : memref<2x16x50x32xf32, #tpu.memory_space<vmem>> -> memref<1x1x50x32xf32, #tpu.memory_space<vmem>>
      %dma_start3A_1958 = tpu.memref_squeeze %dma_start3A_1957 : memref<1x1x50x32xf32, #tpu.memory_space<vmem>> -> memref<50x32xf32, #tpu.memory_space<vmem>>
      %dma_start3A_1959 = arith.constant 0 : i32
      %dma_start3A_1960 = tpu.memref_slice %arg5[%dma_start3A_1951, %dma_start3A_1952, %dma_start3A_1959] : memref<2x16x50xi32, #tpu.memory_space<vmem>> -> memref<1x1x50xi32, #tpu.memory_space<vmem>>
      %dma_start3A_1961 = tpu.memref_squeeze %dma_start3A_1960 : memref<1x1x50xi32, #tpu.memory_space<vmem>> -> memref<50xi32, #tpu.memory_space<vmem>>
      %dma_start3A_1962 = arith.constant 0 : i32
      %dma_start3A_1963 = arith.constant 0 : i32
      %dma_start3A_1964 = tpu.memref_slice %arg3[%dma_start3A_1962, %dma_start3A_1963] : memref<4000000x32xf32, #tpu.memory_space<hbm>> -> memref<4000000x32xf32, #tpu.memory_space<hbm>>
      tpu.enqueue_indirect_dma source(%dma_start3A_1964 : memref<4000000x32xf32, #tpu.memory_space<hbm>>) target(%dma_start3A_1958 : memref<50x32xf32, #tpu.memory_space<vmem>>) offsets(%dma_start3A_1961 : memref<50xi32, #tpu.memory_space<vmem>>) semaphore(%arg8 : memref<!tpu.dma_semaphore, #tpu.memory_space<semaphore_mem>>)
      %dma_start3A_1965 = arith.constant 1 : i32
      %dma_start3A_1966 = arith.constant 15 : i32
      %dma_start3A_1967 = arith.constant 1 : i32
      %dma_start3A_1968 = arith.constant 15 : i32
      %dma_start3A_1969 = arith.constant 0 : i32
      %dma_start3A_1970 = arith.constant 0 : i32
      %dma_start3A_1971 = tpu.memref_slice %arg6[%dma_start3A_1967, %dma_start3A_1968, %dma_start3A_1969, %dma_start3A_1970] : memref<2x16x50x32xf32, #tpu.memory_space<vmem>> -> memref<1x1x50x32xf32, #tpu.memory_space<vmem>>
      %dma_start3A_1972 = tpu.memref_squeeze %dma_start3A_1971 : memref<1x1x50x32xf32, #tpu.memory_space<vmem>> -> memref<50x32xf32, #tpu.memory_space<vmem>>
      %dma_start3A_1973 = arith.constant 0 : i32
      %dma_start3A_1974 = tpu.memref_slice %arg5[%dma_start3A_1965, %dma_start3A_1966, %dma_start3A_1973] : memref<2x16x50xi32, #tpu.memory_space<vmem>> -> memref<1x1x50xi32, #tpu.memory_space<vmem>>
      %dma_start3A_1975 = tpu.memref_squeeze %dma_start3A_1974 : memref<1x1x50xi32, #tpu.memory_space<vmem>> -> memref<50xi32, #tpu.memory_space<vmem>>
      %dma_start3A_1976 = arith.constant 0 : i32
      %dma_start3A_1977 = arith.constant 0 : i32
      %dma_start3A_1978 = tpu.memref_slice %arg3[%dma_start3A_1976, %dma_start3A_1977] : memref<4000000x32xf32, #tpu.memory_space<hbm>> -> memref<4000000x32xf32, #tpu.memory_space<hbm>>
      tpu.enqueue_indirect_dma source(%dma_start3A_1978 : memref<4000000x32xf32, #tpu.memory_space<hbm>>) target(%dma_start3A_1972 : memref<50x32xf32, #tpu.memory_space<vmem>>) offsets(%dma_start3A_1975 : memref<50xi32, #tpu.memory_space<vmem>>) semaphore(%arg8 : memref<!tpu.dma_semaphore, #tpu.memory_space<semaphore_mem>>)
    }
    %scan3A_458 = arith.constant 15 : i32
    %dma_wait3A = arith.constant 0 : i32
    %dma_wait3A_459 = arith.constant 0 : i32
    %dma_wait3A_460 = arith.constant 0 : i32
    %dma_wait3A_461 = arith.constant 0 : i32
    %dma_wait3A_462 = arith.constant 0 : i32
    %dma_wait3A_463 = arith.constant 0 : i32
    %dma_wait3A_464 = tpu.memref_slice %arg6[%dma_wait3A_460, %dma_wait3A_461, %dma_wait3A_462, %dma_wait3A_463] : memref<2x16x50x32xf32, #tpu.memory_space<vmem>> -> memref<1x1x50x32xf32, #tpu.memory_space<vmem>>
    %dma_wait3A_465 = tpu.memref_squeeze %dma_wait3A_464 : memref<1x1x50x32xf32, #tpu.memory_space<vmem>> -> memref<50x32xf32, #tpu.memory_space<vmem>>
    %dma_wait3A_466 = arith.constant 0 : i32
    %dma_wait3A_467 = tpu.memref_slice %arg5[%dma_wait3A, %dma_wait3A_459, %dma_wait3A_466] : memref<2x16x50xi32, #tpu.memory_space<vmem>> -> memref<1x1x50xi32, #tpu.memory_space<vmem>>
    %dma_wait3A_468 = tpu.memref_squeeze %dma_wait3A_467 : memref<1x1x50xi32, #tpu.memory_space<vmem>> -> memref<50xi32, #tpu.memory_space<vmem>>
    %dma_wait3A_469 = arith.constant 0 : i32
    %dma_wait3A_470 = arith.constant 0 : i32
    %dma_wait3A_471 = tpu.memref_slice %arg3[%dma_wait3A_469, %dma_wait3A_470] : memref<4000000x32xf32, #tpu.memory_space<hbm>> -> memref<4000000x32xf32, #tpu.memory_space<hbm>>
    tpu.wait_indirect_dma semaphore(%arg7 : memref<!tpu.dma_semaphore, #tpu.memory_space<semaphore_mem>>) src(%dma_wait3A_471 : memref<4000000x32xf32, #tpu.memory_space<hbm>>) dst(%dma_wait3A_465 : memref<50x32xf32, #tpu.memory_space<vmem>>)
    %dma_wait3A_472 = arith.constant 0 : i32
    %dma_wait3A_473 = arith.constant 1 : i32
    %dma_wait3A_474 = arith.constant 0 : i32
    %dma_wait3A_475 = arith.constant 1 : i32
    %dma_wait3A_476 = arith.constant 0 : i32
    %dma_wait3A_477 = arith.constant 0 : i32
    %dma_wait3A_478 = tpu.memref_slice %arg6[%dma_wait3A_474, %dma_wait3A_475, %dma_wait3A_476, %dma_wait3A_477] : memref<2x16x50x32xf32, #tpu.memory_space<vmem>> -> memref<1x1x50x32xf32, #tpu.memory_space<vmem>>
    %dma_wait3A_479 = tpu.memref_squeeze %dma_wait3A_478 : memref<1x1x50x32xf32, #tpu.memory_space<vmem>> -> memref<50x32xf32, #tpu.memory_space<vmem>>
    %dma_wait3A_480 = arith.constant 0 : i32
    %dma_wait3A_481 = tpu.memref_slice %arg5[%dma_wait3A_472, %dma_wait3A_473, %dma_wait3A_480] : memref<2x16x50xi32, #tpu.memory_space<vmem>> -> memref<1x1x50xi32, #tpu.memory_space<vmem>>
    %dma_wait3A_482 = tpu.memref_squeeze %dma_wait3A_481 : memref<1x1x50xi32, #tpu.memory_space<vmem>> -> memref<50xi32, #tpu.memory_space<vmem>>
    %dma_wait3A_483 = arith.constant 0 : i32
    %dma_wait3A_484 = arith.constant 0 : i32
    %dma_wait3A_485 = tpu.memref_slice %arg3[%dma_wait3A_483, %dma_wait3A_484] : memref<4000000x32xf32, #tpu.memory_space<hbm>> -> memref<4000000x32xf32, #tpu.memory_space<hbm>>
    tpu.wait_indirect_dma semaphore(%arg7 : memref<!tpu.dma_semaphore, #tpu.memory_space<semaphore_mem>>) src(%dma_wait3A_485 : memref<4000000x32xf32, #tpu.memory_space<hbm>>) dst(%dma_wait3A_479 : memref<50x32xf32, #tpu.memory_space<vmem>>)
    %dma_wait3A_486 = arith.constant 0 : i32
    %dma_wait3A_487 = arith.constant 2 : i32
    %dma_wait3A_488 = arith.constant 0 : i32
    %dma_wait3A_489 = arith.constant 2 : i32
    %dma_wait3A_490 = arith.constant 0 : i32
    %dma_wait3A_491 = arith.constant 0 : i32
    %dma_wait3A_492 = tpu.memref_slice %arg6[%dma_wait3A_488, %dma_wait3A_489, %dma_wait3A_490, %dma_wait3A_491] : memref<2x16x50x32xf32, #tpu.memory_space<vmem>> -> memref<1x1x50x32xf32, #tpu.memory_space<vmem>>
    %dma_wait3A_493 = tpu.memref_squeeze %dma_wait3A_492 : memref<1x1x50x32xf32, #tpu.memory_space<vmem>> -> memref<50x32xf32, #tpu.memory_space<vmem>>
    %dma_wait3A_494 = arith.constant 0 : i32
    %dma_wait3A_495 = tpu.memref_slice %arg5[%dma_wait3A_486, %dma_wait3A_487, %dma_wait3A_494] : memref<2x16x50xi32, #tpu.memory_space<vmem>> -> memref<1x1x50xi32, #tpu.memory_space<vmem>>
    %dma_wait3A_496 = tpu.memref_squeeze %dma_wait3A_495 : memref<1x1x50xi32, #tpu.memory_space<vmem>> -> memref<50xi32, #tpu.memory_space<vmem>>
    %dma_wait3A_497 = arith.constant 0 : i32
    %dma_wait3A_498 = arith.constant 0 : i32
    %dma_wait3A_499 = tpu.memref_slice %arg3[%dma_wait3A_497, %dma_wait3A_498] : memref<4000000x32xf32, #tpu.memory_space<hbm>> -> memref<4000000x32xf32, #tpu.memory_space<hbm>>
    tpu.wait_indirect_dma semaphore(%arg7 : memref<!tpu.dma_semaphore, #tpu.memory_space<semaphore_mem>>) src(%dma_wait3A_499 : memref<4000000x32xf32, #tpu.memory_space<hbm>>) dst(%dma_wait3A_493 : memref<50x32xf32, #tpu.memory_space<vmem>>)
    %dma_wait3A_500 = arith.constant 0 : i32
    %dma_wait3A_501 = arith.constant 3 : i32
    %dma_wait3A_502 = arith.constant 0 : i32
    %dma_wait3A_503 = arith.constant 3 : i32
    %dma_wait3A_504 = arith.constant 0 : i32
    %dma_wait3A_505 = arith.constant 0 : i32
    %dma_wait3A_506 = tpu.memref_slice %arg6[%dma_wait3A_502, %dma_wait3A_503, %dma_wait3A_504, %dma_wait3A_505] : memref<2x16x50x32xf32, #tpu.memory_space<vmem>> -> memref<1x1x50x32xf32, #tpu.memory_space<vmem>>
    %dma_wait3A_507 = tpu.memref_squeeze %dma_wait3A_506 : memref<1x1x50x32xf32, #tpu.memory_space<vmem>> -> memref<50x32xf32, #tpu.memory_space<vmem>>
    %dma_wait3A_508 = arith.constant 0 : i32
    %dma_wait3A_509 = tpu.memref_slice %arg5[%dma_wait3A_500, %dma_wait3A_501, %dma_wait3A_508] : memref<2x16x50xi32, #tpu.memory_space<vmem>> -> memref<1x1x50xi32, #tpu.memory_space<vmem>>
    %dma_wait3A_510 = tpu.memref_squeeze %dma_wait3A_509 : memref<1x1x50xi32, #tpu.memory_space<vmem>> -> memref<50xi32, #tpu.memory_space<vmem>>
    %dma_wait3A_511 = arith.constant 0 : i32
    %dma_wait3A_512 = arith.constant 0 : i32
    %dma_wait3A_513 = tpu.memref_slice %arg3[%dma_wait3A_511, %dma_wait3A_512] : memref<4000000x32xf32, #tpu.memory_space<hbm>> -> memref<4000000x32xf32, #tpu.memory_space<hbm>>
    tpu.wait_indirect_dma semaphore(%arg7 : memref<!tpu.dma_semaphore, #tpu.memory_space<semaphore_mem>>) src(%dma_wait3A_513 : memref<4000000x32xf32, #tpu.memory_space<hbm>>) dst(%dma_wait3A_507 : memref<50x32xf32, #tpu.memory_space<vmem>>)
    %dma_wait3A_514 = arith.constant 0 : i32
    %dma_wait3A_515 = arith.constant 4 : i32
    %dma_wait3A_516 = arith.constant 0 : i32
    %dma_wait3A_517 = arith.constant 4 : i32
    %dma_wait3A_518 = arith.constant 0 : i32
    %dma_wait3A_519 = arith.constant 0 : i32
    %dma_wait3A_520 = tpu.memref_slice %arg6[%dma_wait3A_516, %dma_wait3A_517, %dma_wait3A_518, %dma_wait3A_519] : memref<2x16x50x32xf32, #tpu.memory_space<vmem>> -> memref<1x1x50x32xf32, #tpu.memory_space<vmem>>
    %dma_wait3A_521 = tpu.memref_squeeze %dma_wait3A_520 : memref<1x1x50x32xf32, #tpu.memory_space<vmem>> -> memref<50x32xf32, #tpu.memory_space<vmem>>
    %dma_wait3A_522 = arith.constant 0 : i32
    %dma_wait3A_523 = tpu.memref_slice %arg5[%dma_wait3A_514, %dma_wait3A_515, %dma_wait3A_522] : memref<2x16x50xi32, #tpu.memory_space<vmem>> -> memref<1x1x50xi32, #tpu.memory_space<vmem>>
    %dma_wait3A_524 = tpu.memref_squeeze %dma_wait3A_523 : memref<1x1x50xi32, #tpu.memory_space<vmem>> -> memref<50xi32, #tpu.memory_space<vmem>>
    %dma_wait3A_525 = arith.constant 0 : i32
    %dma_wait3A_526 = arith.constant 0 : i32
    %dma_wait3A_527 = tpu.memref_slice %arg3[%dma_wait3A_525, %dma_wait3A_526] : memref<4000000x32xf32, #tpu.memory_space<hbm>> -> memref<4000000x32xf32, #tpu.memory_space<hbm>>
    tpu.wait_indirect_dma semaphore(%arg7 : memref<!tpu.dma_semaphore, #tpu.memory_space<semaphore_mem>>) src(%dma_wait3A_527 : memref<4000000x32xf32, #tpu.memory_space<hbm>>) dst(%dma_wait3A_521 : memref<50x32xf32, #tpu.memory_space<vmem>>)
    %dma_wait3A_528 = arith.constant 0 : i32
    %dma_wait3A_529 = arith.constant 5 : i32
    %dma_wait3A_530 = arith.constant 0 : i32
    %dma_wait3A_531 = arith.constant 5 : i32
    %dma_wait3A_532 = arith.constant 0 : i32
    %dma_wait3A_533 = arith.constant 0 : i32
    %dma_wait3A_534 = tpu.memref_slice %arg6[%dma_wait3A_530, %dma_wait3A_531, %dma_wait3A_532, %dma_wait3A_533] : memref<2x16x50x32xf32, #tpu.memory_space<vmem>> -> memref<1x1x50x32xf32, #tpu.memory_space<vmem>>
    %dma_wait3A_535 = tpu.memref_squeeze %dma_wait3A_534 : memref<1x1x50x32xf32, #tpu.memory_space<vmem>> -> memref<50x32xf32, #tpu.memory_space<vmem>>
    %dma_wait3A_536 = arith.constant 0 : i32
    %dma_wait3A_537 = tpu.memref_slice %arg5[%dma_wait3A_528, %dma_wait3A_529, %dma_wait3A_536] : memref<2x16x50xi32, #tpu.memory_space<vmem>> -> memref<1x1x50xi32, #tpu.memory_space<vmem>>
    %dma_wait3A_538 = tpu.memref_squeeze %dma_wait3A_537 : memref<1x1x50xi32, #tpu.memory_space<vmem>> -> memref<50xi32, #tpu.memory_space<vmem>>
    %dma_wait3A_539 = arith.constant 0 : i32
    %dma_wait3A_540 = arith.constant 0 : i32
    %dma_wait3A_541 = tpu.memref_slice %arg3[%dma_wait3A_539, %dma_wait3A_540] : memref<4000000x32xf32, #tpu.memory_space<hbm>> -> memref<4000000x32xf32, #tpu.memory_space<hbm>>
    tpu.wait_indirect_dma semaphore(%arg7 : memref<!tpu.dma_semaphore, #tpu.memory_space<semaphore_mem>>) src(%dma_wait3A_541 : memref<4000000x32xf32, #tpu.memory_space<hbm>>) dst(%dma_wait3A_535 : memref<50x32xf32, #tpu.memory_space<vmem>>)
    %dma_wait3A_542 = arith.constant 0 : i32
    %dma_wait3A_543 = arith.constant 6 : i32
    %dma_wait3A_544 = arith.constant 0 : i32
    %dma_wait3A_545 = arith.constant 6 : i32
    %dma_wait3A_546 = arith.constant 0 : i32
    %dma_wait3A_547 = arith.constant 0 : i32
    %dma_wait3A_548 = tpu.memref_slice %arg6[%dma_wait3A_544, %dma_wait3A_545, %dma_wait3A_546, %dma_wait3A_547] : memref<2x16x50x32xf32, #tpu.memory_space<vmem>> -> memref<1x1x50x32xf32, #tpu.memory_space<vmem>>
    %dma_wait3A_549 = tpu.memref_squeeze %dma_wait3A_548 : memref<1x1x50x32xf32, #tpu.memory_space<vmem>> -> memref<50x32xf32, #tpu.memory_space<vmem>>
    %dma_wait3A_550 = arith.constant 0 : i32
    %dma_wait3A_551 = tpu.memref_slice %arg5[%dma_wait3A_542, %dma_wait3A_543, %dma_wait3A_550] : memref<2x16x50xi32, #tpu.memory_space<vmem>> -> memref<1x1x50xi32, #tpu.memory_space<vmem>>
    %dma_wait3A_552 = tpu.memref_squeeze %dma_wait3A_551 : memref<1x1x50xi32, #tpu.memory_space<vmem>> -> memref<50xi32, #tpu.memory_space<vmem>>
    %dma_wait3A_553 = arith.constant 0 : i32
    %dma_wait3A_554 = arith.constant 0 : i32
    %dma_wait3A_555 = tpu.memref_slice %arg3[%dma_wait3A_553, %dma_wait3A_554] : memref<4000000x32xf32, #tpu.memory_space<hbm>> -> memref<4000000x32xf32, #tpu.memory_space<hbm>>
    tpu.wait_indirect_dma semaphore(%arg7 : memref<!tpu.dma_semaphore, #tpu.memory_space<semaphore_mem>>) src(%dma_wait3A_555 : memref<4000000x32xf32, #tpu.memory_space<hbm>>) dst(%dma_wait3A_549 : memref<50x32xf32, #tpu.memory_space<vmem>>)
    %dma_wait3A_556 = arith.constant 0 : i32
    %dma_wait3A_557 = arith.constant 7 : i32
    %dma_wait3A_558 = arith.constant 0 : i32
    %dma_wait3A_559 = arith.constant 7 : i32
    %dma_wait3A_560 = arith.constant 0 : i32
    %dma_wait3A_561 = arith.constant 0 : i32
    %dma_wait3A_562 = tpu.memref_slice %arg6[%dma_wait3A_558, %dma_wait3A_559, %dma_wait3A_560, %dma_wait3A_561] : memref<2x16x50x32xf32, #tpu.memory_space<vmem>> -> memref<1x1x50x32xf32, #tpu.memory_space<vmem>>
    %dma_wait3A_563 = tpu.memref_squeeze %dma_wait3A_562 : memref<1x1x50x32xf32, #tpu.memory_space<vmem>> -> memref<50x32xf32, #tpu.memory_space<vmem>>
    %dma_wait3A_564 = arith.constant 0 : i32
    %dma_wait3A_565 = tpu.memref_slice %arg5[%dma_wait3A_556, %dma_wait3A_557, %dma_wait3A_564] : memref<2x16x50xi32, #tpu.memory_space<vmem>> -> memref<1x1x50xi32, #tpu.memory_space<vmem>>
    %dma_wait3A_566 = tpu.memref_squeeze %dma_wait3A_565 : memref<1x1x50xi32, #tpu.memory_space<vmem>> -> memref<50xi32, #tpu.memory_space<vmem>>
    %dma_wait3A_567 = arith.constant 0 : i32
    %dma_wait3A_568 = arith.constant 0 : i32
    %dma_wait3A_569 = tpu.memref_slice %arg3[%dma_wait3A_567, %dma_wait3A_568] : memref<4000000x32xf32, #tpu.memory_space<hbm>> -> memref<4000000x32xf32, #tpu.memory_space<hbm>>
    tpu.wait_indirect_dma semaphore(%arg7 : memref<!tpu.dma_semaphore, #tpu.memory_space<semaphore_mem>>) src(%dma_wait3A_569 : memref<4000000x32xf32, #tpu.memory_space<hbm>>) dst(%dma_wait3A_563 : memref<50x32xf32, #tpu.memory_space<vmem>>)
    %dma_wait3A_570 = arith.constant 0 : i32
    %dma_wait3A_571 = arith.constant 8 : i32
    %dma_wait3A_572 = arith.constant 0 : i32
    %dma_wait3A_573 = arith.constant 8 : i32
    %dma_wait3A_574 = arith.constant 0 : i32
    %dma_wait3A_575 = arith.constant 0 : i32
    %dma_wait3A_576 = tpu.memref_slice %arg6[%dma_wait3A_572, %dma_wait3A_573, %dma_wait3A_574, %dma_wait3A_575] : memref<2x16x50x32xf32, #tpu.memory_space<vmem>> -> memref<1x1x50x32xf32, #tpu.memory_space<vmem>>
    %dma_wait3A_577 = tpu.memref_squeeze %dma_wait3A_576 : memref<1x1x50x32xf32, #tpu.memory_space<vmem>> -> memref<50x32xf32, #tpu.memory_space<vmem>>
    %dma_wait3A_578 = arith.constant 0 : i32
    %dma_wait3A_579 = tpu.memref_slice %arg5[%dma_wait3A_570, %dma_wait3A_571, %dma_wait3A_578] : memref<2x16x50xi32, #tpu.memory_space<vmem>> -> memref<1x1x50xi32, #tpu.memory_space<vmem>>
    %dma_wait3A_580 = tpu.memref_squeeze %dma_wait3A_579 : memref<1x1x50xi32, #tpu.memory_space<vmem>> -> memref<50xi32, #tpu.memory_space<vmem>>
    %dma_wait3A_581 = arith.constant 0 : i32
    %dma_wait3A_582 = arith.constant 0 : i32
    %dma_wait3A_583 = tpu.memref_slice %arg3[%dma_wait3A_581, %dma_wait3A_582] : memref<4000000x32xf32, #tpu.memory_space<hbm>> -> memref<4000000x32xf32, #tpu.memory_space<hbm>>
    tpu.wait_indirect_dma semaphore(%arg7 : memref<!tpu.dma_semaphore, #tpu.memory_space<semaphore_mem>>) src(%dma_wait3A_583 : memref<4000000x32xf32, #tpu.memory_space<hbm>>) dst(%dma_wait3A_577 : memref<50x32xf32, #tpu.memory_space<vmem>>)
    %dma_wait3A_584 = arith.constant 0 : i32
    %dma_wait3A_585 = arith.constant 9 : i32
    %dma_wait3A_586 = arith.constant 0 : i32
    %dma_wait3A_587 = arith.constant 9 : i32
    %dma_wait3A_588 = arith.constant 0 : i32
    %dma_wait3A_589 = arith.constant 0 : i32
    %dma_wait3A_590 = tpu.memref_slice %arg6[%dma_wait3A_586, %dma_wait3A_587, %dma_wait3A_588, %dma_wait3A_589] : memref<2x16x50x32xf32, #tpu.memory_space<vmem>> -> memref<1x1x50x32xf32, #tpu.memory_space<vmem>>
    %dma_wait3A_591 = tpu.memref_squeeze %dma_wait3A_590 : memref<1x1x50x32xf32, #tpu.memory_space<vmem>> -> memref<50x32xf32, #tpu.memory_space<vmem>>
    %dma_wait3A_592 = arith.constant 0 : i32
    %dma_wait3A_593 = tpu.memref_slice %arg5[%dma_wait3A_584, %dma_wait3A_585, %dma_wait3A_592] : memref<2x16x50xi32, #tpu.memory_space<vmem>> -> memref<1x1x50xi32, #tpu.memory_space<vmem>>
    %dma_wait3A_594 = tpu.memref_squeeze %dma_wait3A_593 : memref<1x1x50xi32, #tpu.memory_space<vmem>> -> memref<50xi32, #tpu.memory_space<vmem>>
    %dma_wait3A_595 = arith.constant 0 : i32
    %dma_wait3A_596 = arith.constant 0 : i32
    %dma_wait3A_597 = tpu.memref_slice %arg3[%dma_wait3A_595, %dma_wait3A_596] : memref<4000000x32xf32, #tpu.memory_space<hbm>> -> memref<4000000x32xf32, #tpu.memory_space<hbm>>
    tpu.wait_indirect_dma semaphore(%arg7 : memref<!tpu.dma_semaphore, #tpu.memory_space<semaphore_mem>>) src(%dma_wait3A_597 : memref<4000000x32xf32, #tpu.memory_space<hbm>>) dst(%dma_wait3A_591 : memref<50x32xf32, #tpu.memory_space<vmem>>)
    %dma_wait3A_598 = arith.constant 0 : i32
    %dma_wait3A_599 = arith.constant 10 : i32
    %dma_wait3A_600 = arith.constant 0 : i32
    %dma_wait3A_601 = arith.constant 10 : i32
    %dma_wait3A_602 = arith.constant 0 : i32
    %dma_wait3A_603 = arith.constant 0 : i32
    %dma_wait3A_604 = tpu.memref_slice %arg6[%dma_wait3A_600, %dma_wait3A_601, %dma_wait3A_602, %dma_wait3A_603] : memref<2x16x50x32xf32, #tpu.memory_space<vmem>> -> memref<1x1x50x32xf32, #tpu.memory_space<vmem>>
    %dma_wait3A_605 = tpu.memref_squeeze %dma_wait3A_604 : memref<1x1x50x32xf32, #tpu.memory_space<vmem>> -> memref<50x32xf32, #tpu.memory_space<vmem>>
    %dma_wait3A_606 = arith.constant 0 : i32
    %dma_wait3A_607 = tpu.memref_slice %arg5[%dma_wait3A_598, %dma_wait3A_599, %dma_wait3A_606] : memref<2x16x50xi32, #tpu.memory_space<vmem>> -> memref<1x1x50xi32, #tpu.memory_space<vmem>>
    %dma_wait3A_608 = tpu.memref_squeeze %dma_wait3A_607 : memref<1x1x50xi32, #tpu.memory_space<vmem>> -> memref<50xi32, #tpu.memory_space<vmem>>
    %dma_wait3A_609 = arith.constant 0 : i32
    %dma_wait3A_610 = arith.constant 0 : i32
    %dma_wait3A_611 = tpu.memref_slice %arg3[%dma_wait3A_609, %dma_wait3A_610] : memref<4000000x32xf32, #tpu.memory_space<hbm>> -> memref<4000000x32xf32, #tpu.memory_space<hbm>>
    tpu.wait_indirect_dma semaphore(%arg7 : memref<!tpu.dma_semaphore, #tpu.memory_space<semaphore_mem>>) src(%dma_wait3A_611 : memref<4000000x32xf32, #tpu.memory_space<hbm>>) dst(%dma_wait3A_605 : memref<50x32xf32, #tpu.memory_space<vmem>>)
    %dma_wait3A_612 = arith.constant 0 : i32
    %dma_wait3A_613 = arith.constant 11 : i32
    %dma_wait3A_614 = arith.constant 0 : i32
    %dma_wait3A_615 = arith.constant 11 : i32
    %dma_wait3A_616 = arith.constant 0 : i32
    %dma_wait3A_617 = arith.constant 0 : i32
    %dma_wait3A_618 = tpu.memref_slice %arg6[%dma_wait3A_614, %dma_wait3A_615, %dma_wait3A_616, %dma_wait3A_617] : memref<2x16x50x32xf32, #tpu.memory_space<vmem>> -> memref<1x1x50x32xf32, #tpu.memory_space<vmem>>
    %dma_wait3A_619 = tpu.memref_squeeze %dma_wait3A_618 : memref<1x1x50x32xf32, #tpu.memory_space<vmem>> -> memref<50x32xf32, #tpu.memory_space<vmem>>
    %dma_wait3A_620 = arith.constant 0 : i32
    %dma_wait3A_621 = tpu.memref_slice %arg5[%dma_wait3A_612, %dma_wait3A_613, %dma_wait3A_620] : memref<2x16x50xi32, #tpu.memory_space<vmem>> -> memref<1x1x50xi32, #tpu.memory_space<vmem>>
    %dma_wait3A_622 = tpu.memref_squeeze %dma_wait3A_621 : memref<1x1x50xi32, #tpu.memory_space<vmem>> -> memref<50xi32, #tpu.memory_space<vmem>>
    %dma_wait3A_623 = arith.constant 0 : i32
    %dma_wait3A_624 = arith.constant 0 : i32
    %dma_wait3A_625 = tpu.memref_slice %arg3[%dma_wait3A_623, %dma_wait3A_624] : memref<4000000x32xf32, #tpu.memory_space<hbm>> -> memref<4000000x32xf32, #tpu.memory_space<hbm>>
    tpu.wait_indirect_dma semaphore(%arg7 : memref<!tpu.dma_semaphore, #tpu.memory_space<semaphore_mem>>) src(%dma_wait3A_625 : memref<4000000x32xf32, #tpu.memory_space<hbm>>) dst(%dma_wait3A_619 : memref<50x32xf32, #tpu.memory_space<vmem>>)
    %dma_wait3A_626 = arith.constant 0 : i32
    %dma_wait3A_627 = arith.constant 12 : i32
    %dma_wait3A_628 = arith.constant 0 : i32
    %dma_wait3A_629 = arith.constant 12 : i32
    %dma_wait3A_630 = arith.constant 0 : i32
    %dma_wait3A_631 = arith.constant 0 : i32
    %dma_wait3A_632 = tpu.memref_slice %arg6[%dma_wait3A_628, %dma_wait3A_629, %dma_wait3A_630, %dma_wait3A_631] : memref<2x16x50x32xf32, #tpu.memory_space<vmem>> -> memref<1x1x50x32xf32, #tpu.memory_space<vmem>>
    %dma_wait3A_633 = tpu.memref_squeeze %dma_wait3A_632 : memref<1x1x50x32xf32, #tpu.memory_space<vmem>> -> memref<50x32xf32, #tpu.memory_space<vmem>>
    %dma_wait3A_634 = arith.constant 0 : i32
    %dma_wait3A_635 = tpu.memref_slice %arg5[%dma_wait3A_626, %dma_wait3A_627, %dma_wait3A_634] : memref<2x16x50xi32, #tpu.memory_space<vmem>> -> memref<1x1x50xi32, #tpu.memory_space<vmem>>
    %dma_wait3A_636 = tpu.memref_squeeze %dma_wait3A_635 : memref<1x1x50xi32, #tpu.memory_space<vmem>> -> memref<50xi32, #tpu.memory_space<vmem>>
    %dma_wait3A_637 = arith.constant 0 : i32
    %dma_wait3A_638 = arith.constant 0 : i32
    %dma_wait3A_639 = tpu.memref_slice %arg3[%dma_wait3A_637, %dma_wait3A_638] : memref<4000000x32xf32, #tpu.memory_space<hbm>> -> memref<4000000x32xf32, #tpu.memory_space<hbm>>
    tpu.wait_indirect_dma semaphore(%arg7 : memref<!tpu.dma_semaphore, #tpu.memory_space<semaphore_mem>>) src(%dma_wait3A_639 : memref<4000000x32xf32, #tpu.memory_space<hbm>>) dst(%dma_wait3A_633 : memref<50x32xf32, #tpu.memory_space<vmem>>)
    %dma_wait3A_640 = arith.constant 0 : i32
    %dma_wait3A_641 = arith.constant 13 : i32
    %dma_wait3A_642 = arith.constant 0 : i32
    %dma_wait3A_643 = arith.constant 13 : i32
    %dma_wait3A_644 = arith.constant 0 : i32
    %dma_wait3A_645 = arith.constant 0 : i32
    %dma_wait3A_646 = tpu.memref_slice %arg6[%dma_wait3A_642, %dma_wait3A_643, %dma_wait3A_644, %dma_wait3A_645] : memref<2x16x50x32xf32, #tpu.memory_space<vmem>> -> memref<1x1x50x32xf32, #tpu.memory_space<vmem>>
    %dma_wait3A_647 = tpu.memref_squeeze %dma_wait3A_646 : memref<1x1x50x32xf32, #tpu.memory_space<vmem>> -> memref<50x32xf32, #tpu.memory_space<vmem>>
    %dma_wait3A_648 = arith.constant 0 : i32
    %dma_wait3A_649 = tpu.memref_slice %arg5[%dma_wait3A_640, %dma_wait3A_641, %dma_wait3A_648] : memref<2x16x50xi32, #tpu.memory_space<vmem>> -> memref<1x1x50xi32, #tpu.memory_space<vmem>>
    %dma_wait3A_650 = tpu.memref_squeeze %dma_wait3A_649 : memref<1x1x50xi32, #tpu.memory_space<vmem>> -> memref<50xi32, #tpu.memory_space<vmem>>
    %dma_wait3A_651 = arith.constant 0 : i32
    %dma_wait3A_652 = arith.constant 0 : i32
    %dma_wait3A_653 = tpu.memref_slice %arg3[%dma_wait3A_651, %dma_wait3A_652] : memref<4000000x32xf32, #tpu.memory_space<hbm>> -> memref<4000000x32xf32, #tpu.memory_space<hbm>>
    tpu.wait_indirect_dma semaphore(%arg7 : memref<!tpu.dma_semaphore, #tpu.memory_space<semaphore_mem>>) src(%dma_wait3A_653 : memref<4000000x32xf32, #tpu.memory_space<hbm>>) dst(%dma_wait3A_647 : memref<50x32xf32, #tpu.memory_space<vmem>>)
    %dma_wait3A_654 = arith.constant 0 : i32
    %dma_wait3A_655 = arith.constant 14 : i32
    %dma_wait3A_656 = arith.constant 0 : i32
    %dma_wait3A_657 = arith.constant 14 : i32
    %dma_wait3A_658 = arith.constant 0 : i32
    %dma_wait3A_659 = arith.constant 0 : i32
    %dma_wait3A_660 = tpu.memref_slice %arg6[%dma_wait3A_656, %dma_wait3A_657, %dma_wait3A_658, %dma_wait3A_659] : memref<2x16x50x32xf32, #tpu.memory_space<vmem>> -> memref<1x1x50x32xf32, #tpu.memory_space<vmem>>
    %dma_wait3A_661 = tpu.memref_squeeze %dma_wait3A_660 : memref<1x1x50x32xf32, #tpu.memory_space<vmem>> -> memref<50x32xf32, #tpu.memory_space<vmem>>
    %dma_wait3A_662 = arith.constant 0 : i32
    %dma_wait3A_663 = tpu.memref_slice %arg5[%dma_wait3A_654, %dma_wait3A_655, %dma_wait3A_662] : memref<2x16x50xi32, #tpu.memory_space<vmem>> -> memref<1x1x50xi32, #tpu.memory_space<vmem>>
    %dma_wait3A_664 = tpu.memref_squeeze %dma_wait3A_663 : memref<1x1x50xi32, #tpu.memory_space<vmem>> -> memref<50xi32, #tpu.memory_space<vmem>>
    %dma_wait3A_665 = arith.constant 0 : i32
    %dma_wait3A_666 = arith.constant 0 : i32
    %dma_wait3A_667 = tpu.memref_slice %arg3[%dma_wait3A_665, %dma_wait3A_666] : memref<4000000x32xf32, #tpu.memory_space<hbm>> -> memref<4000000x32xf32, #tpu.memory_space<hbm>>
    tpu.wait_indirect_dma semaphore(%arg7 : memref<!tpu.dma_semaphore, #tpu.memory_space<semaphore_mem>>) src(%dma_wait3A_667 : memref<4000000x32xf32, #tpu.memory_space<hbm>>) dst(%dma_wait3A_661 : memref<50x32xf32, #tpu.memory_space<vmem>>)
    %dma_wait3A_668 = arith.constant 0 : i32
    %dma_wait3A_669 = arith.constant 15 : i32
    %dma_wait3A_670 = arith.constant 0 : i32
    %dma_wait3A_671 = arith.constant 15 : i32
    %dma_wait3A_672 = arith.constant 0 : i32
    %dma_wait3A_673 = arith.constant 0 : i32
    %dma_wait3A_674 = tpu.memref_slice %arg6[%dma_wait3A_670, %dma_wait3A_671, %dma_wait3A_672, %dma_wait3A_673] : memref<2x16x50x32xf32, #tpu.memory_space<vmem>> -> memref<1x1x50x32xf32, #tpu.memory_space<vmem>>
    %dma_wait3A_675 = tpu.memref_squeeze %dma_wait3A_674 : memref<1x1x50x32xf32, #tpu.memory_space<vmem>> -> memref<50x32xf32, #tpu.memory_space<vmem>>
    %dma_wait3A_676 = arith.constant 0 : i32
    %dma_wait3A_677 = tpu.memref_slice %arg5[%dma_wait3A_668, %dma_wait3A_669, %dma_wait3A_676] : memref<2x16x50xi32, #tpu.memory_space<vmem>> -> memref<1x1x50xi32, #tpu.memory_space<vmem>>
    %dma_wait3A_678 = tpu.memref_squeeze %dma_wait3A_677 : memref<1x1x50xi32, #tpu.memory_space<vmem>> -> memref<50xi32, #tpu.memory_space<vmem>>
    %dma_wait3A_679 = arith.constant 0 : i32
    %dma_wait3A_680 = arith.constant 0 : i32
    %dma_wait3A_681 = tpu.memref_slice %arg3[%dma_wait3A_679, %dma_wait3A_680] : memref<4000000x32xf32, #tpu.memory_space<hbm>> -> memref<4000000x32xf32, #tpu.memory_space<hbm>>
    tpu.wait_indirect_dma semaphore(%arg7 : memref<!tpu.dma_semaphore, #tpu.memory_space<semaphore_mem>>) src(%dma_wait3A_681 : memref<4000000x32xf32, #tpu.memory_space<hbm>>) dst(%dma_wait3A_675 : memref<50x32xf32, #tpu.memory_space<vmem>>)
    %add3A_682 = arith.constant 480 : i32
    %add3A_683 = arith.addi %mul3A_2, %add3A_682 : i32
    %dma_start3A_684 = arith.constant 0 : i32
    %dma_start3A_685 = arith.constant 0 : i32
    %dma_start3A_686 = arith.constant 0 : i32
    %dma_start3A_687 = arith.constant 0 : i32
    %dma_start3A_688 = tpu.memref_slice %arg6[%dma_start3A_684, %dma_start3A_685, %dma_start3A_686, %dma_start3A_687] : memref<2x16x50x32xf32, #tpu.memory_space<vmem>> -> memref<1x16x50x32xf32, #tpu.memory_space<vmem>>
    %dma_start3A_689 = tpu.memref_squeeze %dma_start3A_688 : memref<1x16x50x32xf32, #tpu.memory_space<vmem>> -> memref<16x50x32xf32, #tpu.memory_space<vmem>>
    %dma_start3A_690 = arith.constant 0 : i32
    %dma_start3A_691 = arith.constant 0 : i32
    %dma_start3A_692 = tpu.memref_slice %arg4[%add3A_683, %dma_start3A_690, %dma_start3A_691] : memref<16384x50x32xf32, #tpu.memory_space<hbm>> -> memref<16x50x32xf32, #tpu.memory_space<hbm>>
    %dma_start3A_693 = arith.constant 0 : i32
    %dma_start3A_694 = arith.constant 0 : i32
    %dma_start3A_695 = tpu.memref_slice %arg4[%add3A_683, %dma_start3A_693, %dma_start3A_694] : memref<16384x50x32xf32, #tpu.memory_space<hbm>> -> memref<16x50x32xf32, #tpu.memory_space<hbm>>
    %dma_start3A_696 = arith.constant 0 : i32
    %dma_start3A_697 = arith.constant 0 : i32
    %dma_start3A_698 = arith.constant 0 : i32
    %dma_start3A_699 = tpu.memref_slice %arg6[%dma_start3A_684, %dma_start3A_696, %dma_start3A_697, %dma_start3A_698] : memref<2x16x50x32xf32, #tpu.memory_space<vmem>> -> memref<1x16x50x32xf32, #tpu.memory_space<vmem>>
    %dma_start3A_700 = tpu.memref_squeeze %dma_start3A_699 : memref<1x16x50x32xf32, #tpu.memory_space<vmem>> -> memref<16x50x32xf32, #tpu.memory_space<vmem>>
    tpu.enqueue_dma source(%dma_start3A_700 : memref<16x50x32xf32, #tpu.memory_space<vmem>>) target(%dma_start3A_695 : memref<16x50x32xf32, #tpu.memory_space<hbm>>) target_semaphore(%arg9 : memref<!tpu.dma_semaphore, #tpu.memory_space<semaphore_mem>>)
    %dma_wait3A_701 = arith.constant 1 : i32
    %dma_wait3A_702 = arith.constant 0 : i32
    %dma_wait3A_703 = arith.constant 1 : i32
    %dma_wait3A_704 = arith.constant 0 : i32
    %dma_wait3A_705 = arith.constant 0 : i32
    %dma_wait3A_706 = arith.constant 0 : i32
    %dma_wait3A_707 = tpu.memref_slice %arg6[%dma_wait3A_703, %dma_wait3A_704, %dma_wait3A_705, %dma_wait3A_706] : memref<2x16x50x32xf32, #tpu.memory_space<vmem>> -> memref<1x1x50x32xf32, #tpu.memory_space<vmem>>
    %dma_wait3A_708 = tpu.memref_squeeze %dma_wait3A_707 : memref<1x1x50x32xf32, #tpu.memory_space<vmem>> -> memref<50x32xf32, #tpu.memory_space<vmem>>
    %dma_wait3A_709 = arith.constant 0 : i32
    %dma_wait3A_710 = tpu.memref_slice %arg5[%dma_wait3A_701, %dma_wait3A_702, %dma_wait3A_709] : memref<2x16x50xi32, #tpu.memory_space<vmem>> -> memref<1x1x50xi32, #tpu.memory_space<vmem>>
    %dma_wait3A_711 = tpu.memref_squeeze %dma_wait3A_710 : memref<1x1x50xi32, #tpu.memory_space<vmem>> -> memref<50xi32, #tpu.memory_space<vmem>>
    %dma_wait3A_712 = arith.constant 0 : i32
    %dma_wait3A_713 = arith.constant 0 : i32
    %dma_wait3A_714 = tpu.memref_slice %arg3[%dma_wait3A_712, %dma_wait3A_713] : memref<4000000x32xf32, #tpu.memory_space<hbm>> -> memref<4000000x32xf32, #tpu.memory_space<hbm>>
    tpu.wait_indirect_dma semaphore(%arg8 : memref<!tpu.dma_semaphore, #tpu.memory_space<semaphore_mem>>) src(%dma_wait3A_714 : memref<4000000x32xf32, #tpu.memory_space<hbm>>) dst(%dma_wait3A_708 : memref<50x32xf32, #tpu.memory_space<vmem>>)
    %dma_wait3A_715 = arith.constant 1 : i32
    %dma_wait3A_716 = arith.constant 1 : i32
    %dma_wait3A_717 = arith.constant 1 : i32
    %dma_wait3A_718 = arith.constant 1 : i32
    %dma_wait3A_719 = arith.constant 0 : i32
    %dma_wait3A_720 = arith.constant 0 : i32
    %dma_wait3A_721 = tpu.memref_slice %arg6[%dma_wait3A_717, %dma_wait3A_718, %dma_wait3A_719, %dma_wait3A_720] : memref<2x16x50x32xf32, #tpu.memory_space<vmem>> -> memref<1x1x50x32xf32, #tpu.memory_space<vmem>>
    %dma_wait3A_722 = tpu.memref_squeeze %dma_wait3A_721 : memref<1x1x50x32xf32, #tpu.memory_space<vmem>> -> memref<50x32xf32, #tpu.memory_space<vmem>>
    %dma_wait3A_723 = arith.constant 0 : i32
    %dma_wait3A_724 = tpu.memref_slice %arg5[%dma_wait3A_715, %dma_wait3A_716, %dma_wait3A_723] : memref<2x16x50xi32, #tpu.memory_space<vmem>> -> memref<1x1x50xi32, #tpu.memory_space<vmem>>
    %dma_wait3A_725 = tpu.memref_squeeze %dma_wait3A_724 : memref<1x1x50xi32, #tpu.memory_space<vmem>> -> memref<50xi32, #tpu.memory_space<vmem>>
    %dma_wait3A_726 = arith.constant 0 : i32
    %dma_wait3A_727 = arith.constant 0 : i32
    %dma_wait3A_728 = tpu.memref_slice %arg3[%dma_wait3A_726, %dma_wait3A_727] : memref<4000000x32xf32, #tpu.memory_space<hbm>> -> memref<4000000x32xf32, #tpu.memory_space<hbm>>
    tpu.wait_indirect_dma semaphore(%arg8 : memref<!tpu.dma_semaphore, #tpu.memory_space<semaphore_mem>>) src(%dma_wait3A_728 : memref<4000000x32xf32, #tpu.memory_space<hbm>>) dst(%dma_wait3A_722 : memref<50x32xf32, #tpu.memory_space<vmem>>)
    %dma_wait3A_729 = arith.constant 1 : i32
    %dma_wait3A_730 = arith.constant 2 : i32
    %dma_wait3A_731 = arith.constant 1 : i32
    %dma_wait3A_732 = arith.constant 2 : i32
    %dma_wait3A_733 = arith.constant 0 : i32
    %dma_wait3A_734 = arith.constant 0 : i32
    %dma_wait3A_735 = tpu.memref_slice %arg6[%dma_wait3A_731, %dma_wait3A_732, %dma_wait3A_733, %dma_wait3A_734] : memref<2x16x50x32xf32, #tpu.memory_space<vmem>> -> memref<1x1x50x32xf32, #tpu.memory_space<vmem>>
    %dma_wait3A_736 = tpu.memref_squeeze %dma_wait3A_735 : memref<1x1x50x32xf32, #tpu.memory_space<vmem>> -> memref<50x32xf32, #tpu.memory_space<vmem>>
    %dma_wait3A_737 = arith.constant 0 : i32
    %dma_wait3A_738 = tpu.memref_slice %arg5[%dma_wait3A_729, %dma_wait3A_730, %dma_wait3A_737] : memref<2x16x50xi32, #tpu.memory_space<vmem>> -> memref<1x1x50xi32, #tpu.memory_space<vmem>>
    %dma_wait3A_739 = tpu.memref_squeeze %dma_wait3A_738 : memref<1x1x50xi32, #tpu.memory_space<vmem>> -> memref<50xi32, #tpu.memory_space<vmem>>
    %dma_wait3A_740 = arith.constant 0 : i32
    %dma_wait3A_741 = arith.constant 0 : i32
    %dma_wait3A_742 = tpu.memref_slice %arg3[%dma_wait3A_740, %dma_wait3A_741] : memref<4000000x32xf32, #tpu.memory_space<hbm>> -> memref<4000000x32xf32, #tpu.memory_space<hbm>>
    tpu.wait_indirect_dma semaphore(%arg8 : memref<!tpu.dma_semaphore, #tpu.memory_space<semaphore_mem>>) src(%dma_wait3A_742 : memref<4000000x32xf32, #tpu.memory_space<hbm>>) dst(%dma_wait3A_736 : memref<50x32xf32, #tpu.memory_space<vmem>>)
    %dma_wait3A_743 = arith.constant 1 : i32
    %dma_wait3A_744 = arith.constant 3 : i32
    %dma_wait3A_745 = arith.constant 1 : i32
    %dma_wait3A_746 = arith.constant 3 : i32
    %dma_wait3A_747 = arith.constant 0 : i32
    %dma_wait3A_748 = arith.constant 0 : i32
    %dma_wait3A_749 = tpu.memref_slice %arg6[%dma_wait3A_745, %dma_wait3A_746, %dma_wait3A_747, %dma_wait3A_748] : memref<2x16x50x32xf32, #tpu.memory_space<vmem>> -> memref<1x1x50x32xf32, #tpu.memory_space<vmem>>
    %dma_wait3A_750 = tpu.memref_squeeze %dma_wait3A_749 : memref<1x1x50x32xf32, #tpu.memory_space<vmem>> -> memref<50x32xf32, #tpu.memory_space<vmem>>
    %dma_wait3A_751 = arith.constant 0 : i32
    %dma_wait3A_752 = tpu.memref_slice %arg5[%dma_wait3A_743, %dma_wait3A_744, %dma_wait3A_751] : memref<2x16x50xi32, #tpu.memory_space<vmem>> -> memref<1x1x50xi32, #tpu.memory_space<vmem>>
    %dma_wait3A_753 = tpu.memref_squeeze %dma_wait3A_752 : memref<1x1x50xi32, #tpu.memory_space<vmem>> -> memref<50xi32, #tpu.memory_space<vmem>>
    %dma_wait3A_754 = arith.constant 0 : i32
    %dma_wait3A_755 = arith.constant 0 : i32
    %dma_wait3A_756 = tpu.memref_slice %arg3[%dma_wait3A_754, %dma_wait3A_755] : memref<4000000x32xf32, #tpu.memory_space<hbm>> -> memref<4000000x32xf32, #tpu.memory_space<hbm>>
    tpu.wait_indirect_dma semaphore(%arg8 : memref<!tpu.dma_semaphore, #tpu.memory_space<semaphore_mem>>) src(%dma_wait3A_756 : memref<4000000x32xf32, #tpu.memory_space<hbm>>) dst(%dma_wait3A_750 : memref<50x32xf32, #tpu.memory_space<vmem>>)
    %dma_wait3A_757 = arith.constant 1 : i32
    %dma_wait3A_758 = arith.constant 4 : i32
    %dma_wait3A_759 = arith.constant 1 : i32
    %dma_wait3A_760 = arith.constant 4 : i32
    %dma_wait3A_761 = arith.constant 0 : i32
    %dma_wait3A_762 = arith.constant 0 : i32
    %dma_wait3A_763 = tpu.memref_slice %arg6[%dma_wait3A_759, %dma_wait3A_760, %dma_wait3A_761, %dma_wait3A_762] : memref<2x16x50x32xf32, #tpu.memory_space<vmem>> -> memref<1x1x50x32xf32, #tpu.memory_space<vmem>>
    %dma_wait3A_764 = tpu.memref_squeeze %dma_wait3A_763 : memref<1x1x50x32xf32, #tpu.memory_space<vmem>> -> memref<50x32xf32, #tpu.memory_space<vmem>>
    %dma_wait3A_765 = arith.constant 0 : i32
    %dma_wait3A_766 = tpu.memref_slice %arg5[%dma_wait3A_757, %dma_wait3A_758, %dma_wait3A_765] : memref<2x16x50xi32, #tpu.memory_space<vmem>> -> memref<1x1x50xi32, #tpu.memory_space<vmem>>
    %dma_wait3A_767 = tpu.memref_squeeze %dma_wait3A_766 : memref<1x1x50xi32, #tpu.memory_space<vmem>> -> memref<50xi32, #tpu.memory_space<vmem>>
    %dma_wait3A_768 = arith.constant 0 : i32
    %dma_wait3A_769 = arith.constant 0 : i32
    %dma_wait3A_770 = tpu.memref_slice %arg3[%dma_wait3A_768, %dma_wait3A_769] : memref<4000000x32xf32, #tpu.memory_space<hbm>> -> memref<4000000x32xf32, #tpu.memory_space<hbm>>
    tpu.wait_indirect_dma semaphore(%arg8 : memref<!tpu.dma_semaphore, #tpu.memory_space<semaphore_mem>>) src(%dma_wait3A_770 : memref<4000000x32xf32, #tpu.memory_space<hbm>>) dst(%dma_wait3A_764 : memref<50x32xf32, #tpu.memory_space<vmem>>)
    %dma_wait3A_771 = arith.constant 1 : i32
    %dma_wait3A_772 = arith.constant 5 : i32
    %dma_wait3A_773 = arith.constant 1 : i32
    %dma_wait3A_774 = arith.constant 5 : i32
    %dma_wait3A_775 = arith.constant 0 : i32
    %dma_wait3A_776 = arith.constant 0 : i32
    %dma_wait3A_777 = tpu.memref_slice %arg6[%dma_wait3A_773, %dma_wait3A_774, %dma_wait3A_775, %dma_wait3A_776] : memref<2x16x50x32xf32, #tpu.memory_space<vmem>> -> memref<1x1x50x32xf32, #tpu.memory_space<vmem>>
    %dma_wait3A_778 = tpu.memref_squeeze %dma_wait3A_777 : memref<1x1x50x32xf32, #tpu.memory_space<vmem>> -> memref<50x32xf32, #tpu.memory_space<vmem>>
    %dma_wait3A_779 = arith.constant 0 : i32
    %dma_wait3A_780 = tpu.memref_slice %arg5[%dma_wait3A_771, %dma_wait3A_772, %dma_wait3A_779] : memref<2x16x50xi32, #tpu.memory_space<vmem>> -> memref<1x1x50xi32, #tpu.memory_space<vmem>>
    %dma_wait3A_781 = tpu.memref_squeeze %dma_wait3A_780 : memref<1x1x50xi32, #tpu.memory_space<vmem>> -> memref<50xi32, #tpu.memory_space<vmem>>
    %dma_wait3A_782 = arith.constant 0 : i32
    %dma_wait3A_783 = arith.constant 0 : i32
    %dma_wait3A_784 = tpu.memref_slice %arg3[%dma_wait3A_782, %dma_wait3A_783] : memref<4000000x32xf32, #tpu.memory_space<hbm>> -> memref<4000000x32xf32, #tpu.memory_space<hbm>>
    tpu.wait_indirect_dma semaphore(%arg8 : memref<!tpu.dma_semaphore, #tpu.memory_space<semaphore_mem>>) src(%dma_wait3A_784 : memref<4000000x32xf32, #tpu.memory_space<hbm>>) dst(%dma_wait3A_778 : memref<50x32xf32, #tpu.memory_space<vmem>>)
    %dma_wait3A_785 = arith.constant 1 : i32
    %dma_wait3A_786 = arith.constant 6 : i32
    %dma_wait3A_787 = arith.constant 1 : i32
    %dma_wait3A_788 = arith.constant 6 : i32
    %dma_wait3A_789 = arith.constant 0 : i32
    %dma_wait3A_790 = arith.constant 0 : i32
    %dma_wait3A_791 = tpu.memref_slice %arg6[%dma_wait3A_787, %dma_wait3A_788, %dma_wait3A_789, %dma_wait3A_790] : memref<2x16x50x32xf32, #tpu.memory_space<vmem>> -> memref<1x1x50x32xf32, #tpu.memory_space<vmem>>
    %dma_wait3A_792 = tpu.memref_squeeze %dma_wait3A_791 : memref<1x1x50x32xf32, #tpu.memory_space<vmem>> -> memref<50x32xf32, #tpu.memory_space<vmem>>
    %dma_wait3A_793 = arith.constant 0 : i32
    %dma_wait3A_794 = tpu.memref_slice %arg5[%dma_wait3A_785, %dma_wait3A_786, %dma_wait3A_793] : memref<2x16x50xi32, #tpu.memory_space<vmem>> -> memref<1x1x50xi32, #tpu.memory_space<vmem>>
    %dma_wait3A_795 = tpu.memref_squeeze %dma_wait3A_794 : memref<1x1x50xi32, #tpu.memory_space<vmem>> -> memref<50xi32, #tpu.memory_space<vmem>>
    %dma_wait3A_796 = arith.constant 0 : i32
    %dma_wait3A_797 = arith.constant 0 : i32
    %dma_wait3A_798 = tpu.memref_slice %arg3[%dma_wait3A_796, %dma_wait3A_797] : memref<4000000x32xf32, #tpu.memory_space<hbm>> -> memref<4000000x32xf32, #tpu.memory_space<hbm>>
    tpu.wait_indirect_dma semaphore(%arg8 : memref<!tpu.dma_semaphore, #tpu.memory_space<semaphore_mem>>) src(%dma_wait3A_798 : memref<4000000x32xf32, #tpu.memory_space<hbm>>) dst(%dma_wait3A_792 : memref<50x32xf32, #tpu.memory_space<vmem>>)
    %dma_wait3A_799 = arith.constant 1 : i32
    %dma_wait3A_800 = arith.constant 7 : i32
    %dma_wait3A_801 = arith.constant 1 : i32
    %dma_wait3A_802 = arith.constant 7 : i32
    %dma_wait3A_803 = arith.constant 0 : i32
    %dma_wait3A_804 = arith.constant 0 : i32
    %dma_wait3A_805 = tpu.memref_slice %arg6[%dma_wait3A_801, %dma_wait3A_802, %dma_wait3A_803, %dma_wait3A_804] : memref<2x16x50x32xf32, #tpu.memory_space<vmem>> -> memref<1x1x50x32xf32, #tpu.memory_space<vmem>>
    %dma_wait3A_806 = tpu.memref_squeeze %dma_wait3A_805 : memref<1x1x50x32xf32, #tpu.memory_space<vmem>> -> memref<50x32xf32, #tpu.memory_space<vmem>>
    %dma_wait3A_807 = arith.constant 0 : i32
    %dma_wait3A_808 = tpu.memref_slice %arg5[%dma_wait3A_799, %dma_wait3A_800, %dma_wait3A_807] : memref<2x16x50xi32, #tpu.memory_space<vmem>> -> memref<1x1x50xi32, #tpu.memory_space<vmem>>
    %dma_wait3A_809 = tpu.memref_squeeze %dma_wait3A_808 : memref<1x1x50xi32, #tpu.memory_space<vmem>> -> memref<50xi32, #tpu.memory_space<vmem>>
    %dma_wait3A_810 = arith.constant 0 : i32
    %dma_wait3A_811 = arith.constant 0 : i32
    %dma_wait3A_812 = tpu.memref_slice %arg3[%dma_wait3A_810, %dma_wait3A_811] : memref<4000000x32xf32, #tpu.memory_space<hbm>> -> memref<4000000x32xf32, #tpu.memory_space<hbm>>
    tpu.wait_indirect_dma semaphore(%arg8 : memref<!tpu.dma_semaphore, #tpu.memory_space<semaphore_mem>>) src(%dma_wait3A_812 : memref<4000000x32xf32, #tpu.memory_space<hbm>>) dst(%dma_wait3A_806 : memref<50x32xf32, #tpu.memory_space<vmem>>)
    %dma_wait3A_813 = arith.constant 1 : i32
    %dma_wait3A_814 = arith.constant 8 : i32
    %dma_wait3A_815 = arith.constant 1 : i32
    %dma_wait3A_816 = arith.constant 8 : i32
    %dma_wait3A_817 = arith.constant 0 : i32
    %dma_wait3A_818 = arith.constant 0 : i32
    %dma_wait3A_819 = tpu.memref_slice %arg6[%dma_wait3A_815, %dma_wait3A_816, %dma_wait3A_817, %dma_wait3A_818] : memref<2x16x50x32xf32, #tpu.memory_space<vmem>> -> memref<1x1x50x32xf32, #tpu.memory_space<vmem>>
    %dma_wait3A_820 = tpu.memref_squeeze %dma_wait3A_819 : memref<1x1x50x32xf32, #tpu.memory_space<vmem>> -> memref<50x32xf32, #tpu.memory_space<vmem>>
    %dma_wait3A_821 = arith.constant 0 : i32
    %dma_wait3A_822 = tpu.memref_slice %arg5[%dma_wait3A_813, %dma_wait3A_814, %dma_wait3A_821] : memref<2x16x50xi32, #tpu.memory_space<vmem>> -> memref<1x1x50xi32, #tpu.memory_space<vmem>>
    %dma_wait3A_823 = tpu.memref_squeeze %dma_wait3A_822 : memref<1x1x50xi32, #tpu.memory_space<vmem>> -> memref<50xi32, #tpu.memory_space<vmem>>
    %dma_wait3A_824 = arith.constant 0 : i32
    %dma_wait3A_825 = arith.constant 0 : i32
    %dma_wait3A_826 = tpu.memref_slice %arg3[%dma_wait3A_824, %dma_wait3A_825] : memref<4000000x32xf32, #tpu.memory_space<hbm>> -> memref<4000000x32xf32, #tpu.memory_space<hbm>>
    tpu.wait_indirect_dma semaphore(%arg8 : memref<!tpu.dma_semaphore, #tpu.memory_space<semaphore_mem>>) src(%dma_wait3A_826 : memref<4000000x32xf32, #tpu.memory_space<hbm>>) dst(%dma_wait3A_820 : memref<50x32xf32, #tpu.memory_space<vmem>>)
    %dma_wait3A_827 = arith.constant 1 : i32
    %dma_wait3A_828 = arith.constant 9 : i32
    %dma_wait3A_829 = arith.constant 1 : i32
    %dma_wait3A_830 = arith.constant 9 : i32
    %dma_wait3A_831 = arith.constant 0 : i32
    %dma_wait3A_832 = arith.constant 0 : i32
    %dma_wait3A_833 = tpu.memref_slice %arg6[%dma_wait3A_829, %dma_wait3A_830, %dma_wait3A_831, %dma_wait3A_832] : memref<2x16x50x32xf32, #tpu.memory_space<vmem>> -> memref<1x1x50x32xf32, #tpu.memory_space<vmem>>
    %dma_wait3A_834 = tpu.memref_squeeze %dma_wait3A_833 : memref<1x1x50x32xf32, #tpu.memory_space<vmem>> -> memref<50x32xf32, #tpu.memory_space<vmem>>
    %dma_wait3A_835 = arith.constant 0 : i32
    %dma_wait3A_836 = tpu.memref_slice %arg5[%dma_wait3A_827, %dma_wait3A_828, %dma_wait3A_835] : memref<2x16x50xi32, #tpu.memory_space<vmem>> -> memref<1x1x50xi32, #tpu.memory_space<vmem>>
    %dma_wait3A_837 = tpu.memref_squeeze %dma_wait3A_836 : memref<1x1x50xi32, #tpu.memory_space<vmem>> -> memref<50xi32, #tpu.memory_space<vmem>>
    %dma_wait3A_838 = arith.constant 0 : i32
    %dma_wait3A_839 = arith.constant 0 : i32
    %dma_wait3A_840 = tpu.memref_slice %arg3[%dma_wait3A_838, %dma_wait3A_839] : memref<4000000x32xf32, #tpu.memory_space<hbm>> -> memref<4000000x32xf32, #tpu.memory_space<hbm>>
    tpu.wait_indirect_dma semaphore(%arg8 : memref<!tpu.dma_semaphore, #tpu.memory_space<semaphore_mem>>) src(%dma_wait3A_840 : memref<4000000x32xf32, #tpu.memory_space<hbm>>) dst(%dma_wait3A_834 : memref<50x32xf32, #tpu.memory_space<vmem>>)
    %dma_wait3A_841 = arith.constant 1 : i32
    %dma_wait3A_842 = arith.constant 10 : i32
    %dma_wait3A_843 = arith.constant 1 : i32
    %dma_wait3A_844 = arith.constant 10 : i32
    %dma_wait3A_845 = arith.constant 0 : i32
    %dma_wait3A_846 = arith.constant 0 : i32
    %dma_wait3A_847 = tpu.memref_slice %arg6[%dma_wait3A_843, %dma_wait3A_844, %dma_wait3A_845, %dma_wait3A_846] : memref<2x16x50x32xf32, #tpu.memory_space<vmem>> -> memref<1x1x50x32xf32, #tpu.memory_space<vmem>>
    %dma_wait3A_848 = tpu.memref_squeeze %dma_wait3A_847 : memref<1x1x50x32xf32, #tpu.memory_space<vmem>> -> memref<50x32xf32, #tpu.memory_space<vmem>>
    %dma_wait3A_849 = arith.constant 0 : i32
    %dma_wait3A_850 = tpu.memref_slice %arg5[%dma_wait3A_841, %dma_wait3A_842, %dma_wait3A_849] : memref<2x16x50xi32, #tpu.memory_space<vmem>> -> memref<1x1x50xi32, #tpu.memory_space<vmem>>
    %dma_wait3A_851 = tpu.memref_squeeze %dma_wait3A_850 : memref<1x1x50xi32, #tpu.memory_space<vmem>> -> memref<50xi32, #tpu.memory_space<vmem>>
    %dma_wait3A_852 = arith.constant 0 : i32
    %dma_wait3A_853 = arith.constant 0 : i32
    %dma_wait3A_854 = tpu.memref_slice %arg3[%dma_wait3A_852, %dma_wait3A_853] : memref<4000000x32xf32, #tpu.memory_space<hbm>> -> memref<4000000x32xf32, #tpu.memory_space<hbm>>
    tpu.wait_indirect_dma semaphore(%arg8 : memref<!tpu.dma_semaphore, #tpu.memory_space<semaphore_mem>>) src(%dma_wait3A_854 : memref<4000000x32xf32, #tpu.memory_space<hbm>>) dst(%dma_wait3A_848 : memref<50x32xf32, #tpu.memory_space<vmem>>)
    %dma_wait3A_855 = arith.constant 1 : i32
    %dma_wait3A_856 = arith.constant 11 : i32
    %dma_wait3A_857 = arith.constant 1 : i32
    %dma_wait3A_858 = arith.constant 11 : i32
    %dma_wait3A_859 = arith.constant 0 : i32
    %dma_wait3A_860 = arith.constant 0 : i32
    %dma_wait3A_861 = tpu.memref_slice %arg6[%dma_wait3A_857, %dma_wait3A_858, %dma_wait3A_859, %dma_wait3A_860] : memref<2x16x50x32xf32, #tpu.memory_space<vmem>> -> memref<1x1x50x32xf32, #tpu.memory_space<vmem>>
    %dma_wait3A_862 = tpu.memref_squeeze %dma_wait3A_861 : memref<1x1x50x32xf32, #tpu.memory_space<vmem>> -> memref<50x32xf32, #tpu.memory_space<vmem>>
    %dma_wait3A_863 = arith.constant 0 : i32
    %dma_wait3A_864 = tpu.memref_slice %arg5[%dma_wait3A_855, %dma_wait3A_856, %dma_wait3A_863] : memref<2x16x50xi32, #tpu.memory_space<vmem>> -> memref<1x1x50xi32, #tpu.memory_space<vmem>>
    %dma_wait3A_865 = tpu.memref_squeeze %dma_wait3A_864 : memref<1x1x50xi32, #tpu.memory_space<vmem>> -> memref<50xi32, #tpu.memory_space<vmem>>
    %dma_wait3A_866 = arith.constant 0 : i32
    %dma_wait3A_867 = arith.constant 0 : i32
    %dma_wait3A_868 = tpu.memref_slice %arg3[%dma_wait3A_866, %dma_wait3A_867] : memref<4000000x32xf32, #tpu.memory_space<hbm>> -> memref<4000000x32xf32, #tpu.memory_space<hbm>>
    tpu.wait_indirect_dma semaphore(%arg8 : memref<!tpu.dma_semaphore, #tpu.memory_space<semaphore_mem>>) src(%dma_wait3A_868 : memref<4000000x32xf32, #tpu.memory_space<hbm>>) dst(%dma_wait3A_862 : memref<50x32xf32, #tpu.memory_space<vmem>>)
    %dma_wait3A_869 = arith.constant 1 : i32
    %dma_wait3A_870 = arith.constant 12 : i32
    %dma_wait3A_871 = arith.constant 1 : i32
    %dma_wait3A_872 = arith.constant 12 : i32
    %dma_wait3A_873 = arith.constant 0 : i32
    %dma_wait3A_874 = arith.constant 0 : i32
    %dma_wait3A_875 = tpu.memref_slice %arg6[%dma_wait3A_871, %dma_wait3A_872, %dma_wait3A_873, %dma_wait3A_874] : memref<2x16x50x32xf32, #tpu.memory_space<vmem>> -> memref<1x1x50x32xf32, #tpu.memory_space<vmem>>
    %dma_wait3A_876 = tpu.memref_squeeze %dma_wait3A_875 : memref<1x1x50x32xf32, #tpu.memory_space<vmem>> -> memref<50x32xf32, #tpu.memory_space<vmem>>
    %dma_wait3A_877 = arith.constant 0 : i32
    %dma_wait3A_878 = tpu.memref_slice %arg5[%dma_wait3A_869, %dma_wait3A_870, %dma_wait3A_877] : memref<2x16x50xi32, #tpu.memory_space<vmem>> -> memref<1x1x50xi32, #tpu.memory_space<vmem>>
    %dma_wait3A_879 = tpu.memref_squeeze %dma_wait3A_878 : memref<1x1x50xi32, #tpu.memory_space<vmem>> -> memref<50xi32, #tpu.memory_space<vmem>>
    %dma_wait3A_880 = arith.constant 0 : i32
    %dma_wait3A_881 = arith.constant 0 : i32
    %dma_wait3A_882 = tpu.memref_slice %arg3[%dma_wait3A_880, %dma_wait3A_881] : memref<4000000x32xf32, #tpu.memory_space<hbm>> -> memref<4000000x32xf32, #tpu.memory_space<hbm>>
    tpu.wait_indirect_dma semaphore(%arg8 : memref<!tpu.dma_semaphore, #tpu.memory_space<semaphore_mem>>) src(%dma_wait3A_882 : memref<4000000x32xf32, #tpu.memory_space<hbm>>) dst(%dma_wait3A_876 : memref<50x32xf32, #tpu.memory_space<vmem>>)
    %dma_wait3A_883 = arith.constant 1 : i32
    %dma_wait3A_884 = arith.constant 13 : i32
    %dma_wait3A_885 = arith.constant 1 : i32
    %dma_wait3A_886 = arith.constant 13 : i32
    %dma_wait3A_887 = arith.constant 0 : i32
    %dma_wait3A_888 = arith.constant 0 : i32
    %dma_wait3A_889 = tpu.memref_slice %arg6[%dma_wait3A_885, %dma_wait3A_886, %dma_wait3A_887, %dma_wait3A_888] : memref<2x16x50x32xf32, #tpu.memory_space<vmem>> -> memref<1x1x50x32xf32, #tpu.memory_space<vmem>>
    %dma_wait3A_890 = tpu.memref_squeeze %dma_wait3A_889 : memref<1x1x50x32xf32, #tpu.memory_space<vmem>> -> memref<50x32xf32, #tpu.memory_space<vmem>>
    %dma_wait3A_891 = arith.constant 0 : i32
    %dma_wait3A_892 = tpu.memref_slice %arg5[%dma_wait3A_883, %dma_wait3A_884, %dma_wait3A_891] : memref<2x16x50xi32, #tpu.memory_space<vmem>> -> memref<1x1x50xi32, #tpu.memory_space<vmem>>
    %dma_wait3A_893 = tpu.memref_squeeze %dma_wait3A_892 : memref<1x1x50xi32, #tpu.memory_space<vmem>> -> memref<50xi32, #tpu.memory_space<vmem>>
    %dma_wait3A_894 = arith.constant 0 : i32
    %dma_wait3A_895 = arith.constant 0 : i32
    %dma_wait3A_896 = tpu.memref_slice %arg3[%dma_wait3A_894, %dma_wait3A_895] : memref<4000000x32xf32, #tpu.memory_space<hbm>> -> memref<4000000x32xf32, #tpu.memory_space<hbm>>
    tpu.wait_indirect_dma semaphore(%arg8 : memref<!tpu.dma_semaphore, #tpu.memory_space<semaphore_mem>>) src(%dma_wait3A_896 : memref<4000000x32xf32, #tpu.memory_space<hbm>>) dst(%dma_wait3A_890 : memref<50x32xf32, #tpu.memory_space<vmem>>)
    %dma_wait3A_897 = arith.constant 1 : i32
    %dma_wait3A_898 = arith.constant 14 : i32
    %dma_wait3A_899 = arith.constant 1 : i32
    %dma_wait3A_900 = arith.constant 14 : i32
    %dma_wait3A_901 = arith.constant 0 : i32
    %dma_wait3A_902 = arith.constant 0 : i32
    %dma_wait3A_903 = tpu.memref_slice %arg6[%dma_wait3A_899, %dma_wait3A_900, %dma_wait3A_901, %dma_wait3A_902] : memref<2x16x50x32xf32, #tpu.memory_space<vmem>> -> memref<1x1x50x32xf32, #tpu.memory_space<vmem>>
    %dma_wait3A_904 = tpu.memref_squeeze %dma_wait3A_903 : memref<1x1x50x32xf32, #tpu.memory_space<vmem>> -> memref<50x32xf32, #tpu.memory_space<vmem>>
    %dma_wait3A_905 = arith.constant 0 : i32
    %dma_wait3A_906 = tpu.memref_slice %arg5[%dma_wait3A_897, %dma_wait3A_898, %dma_wait3A_905] : memref<2x16x50xi32, #tpu.memory_space<vmem>> -> memref<1x1x50xi32, #tpu.memory_space<vmem>>
    %dma_wait3A_907 = tpu.memref_squeeze %dma_wait3A_906 : memref<1x1x50xi32, #tpu.memory_space<vmem>> -> memref<50xi32, #tpu.memory_space<vmem>>
    %dma_wait3A_908 = arith.constant 0 : i32
    %dma_wait3A_909 = arith.constant 0 : i32
    %dma_wait3A_910 = tpu.memref_slice %arg3[%dma_wait3A_908, %dma_wait3A_909] : memref<4000000x32xf32, #tpu.memory_space<hbm>> -> memref<4000000x32xf32, #tpu.memory_space<hbm>>
    tpu.wait_indirect_dma semaphore(%arg8 : memref<!tpu.dma_semaphore, #tpu.memory_space<semaphore_mem>>) src(%dma_wait3A_910 : memref<4000000x32xf32, #tpu.memory_space<hbm>>) dst(%dma_wait3A_904 : memref<50x32xf32, #tpu.memory_space<vmem>>)
    %dma_wait3A_911 = arith.constant 1 : i32
    %dma_wait3A_912 = arith.constant 15 : i32
    %dma_wait3A_913 = arith.constant 1 : i32
    %dma_wait3A_914 = arith.constant 15 : i32
    %dma_wait3A_915 = arith.constant 0 : i32
    %dma_wait3A_916 = arith.constant 0 : i32
    %dma_wait3A_917 = tpu.memref_slice %arg6[%dma_wait3A_913, %dma_wait3A_914, %dma_wait3A_915, %dma_wait3A_916] : memref<2x16x50x32xf32, #tpu.memory_space<vmem>> -> memref<1x1x50x32xf32, #tpu.memory_space<vmem>>
    %dma_wait3A_918 = tpu.memref_squeeze %dma_wait3A_917 : memref<1x1x50x32xf32, #tpu.memory_space<vmem>> -> memref<50x32xf32, #tpu.memory_space<vmem>>
    %dma_wait3A_919 = arith.constant 0 : i32
    %dma_wait3A_920 = tpu.memref_slice %arg5[%dma_wait3A_911, %dma_wait3A_912, %dma_wait3A_919] : memref<2x16x50xi32, #tpu.memory_space<vmem>> -> memref<1x1x50xi32, #tpu.memory_space<vmem>>
    %dma_wait3A_921 = tpu.memref_squeeze %dma_wait3A_920 : memref<1x1x50xi32, #tpu.memory_space<vmem>> -> memref<50xi32, #tpu.memory_space<vmem>>
    %dma_wait3A_922 = arith.constant 0 : i32
    %dma_wait3A_923 = arith.constant 0 : i32
    %dma_wait3A_924 = tpu.memref_slice %arg3[%dma_wait3A_922, %dma_wait3A_923] : memref<4000000x32xf32, #tpu.memory_space<hbm>> -> memref<4000000x32xf32, #tpu.memory_space<hbm>>
    tpu.wait_indirect_dma semaphore(%arg8 : memref<!tpu.dma_semaphore, #tpu.memory_space<semaphore_mem>>) src(%dma_wait3A_924 : memref<4000000x32xf32, #tpu.memory_space<hbm>>) dst(%dma_wait3A_918 : memref<50x32xf32, #tpu.memory_space<vmem>>)
    %add3A_925 = arith.constant 496 : i32
    %add3A_926 = arith.addi %mul3A_2, %add3A_925 : i32
    %dma_start3A_927 = arith.constant 1 : i32
    %dma_start3A_928 = arith.constant 0 : i32
    %dma_start3A_929 = arith.constant 0 : i32
    %dma_start3A_930 = arith.constant 0 : i32
    %dma_start3A_931 = tpu.memref_slice %arg6[%dma_start3A_927, %dma_start3A_928, %dma_start3A_929, %dma_start3A_930] : memref<2x16x50x32xf32, #tpu.memory_space<vmem>> -> memref<1x16x50x32xf32, #tpu.memory_space<vmem>>
    %dma_start3A_932 = tpu.memref_squeeze %dma_start3A_931 : memref<1x16x50x32xf32, #tpu.memory_space<vmem>> -> memref<16x50x32xf32, #tpu.memory_space<vmem>>
    %dma_start3A_933 = arith.constant 0 : i32
    %dma_start3A_934 = arith.constant 0 : i32
    %dma_start3A_935 = tpu.memref_slice %arg4[%add3A_926, %dma_start3A_933, %dma_start3A_934] : memref<16384x50x32xf32, #tpu.memory_space<hbm>> -> memref<16x50x32xf32, #tpu.memory_space<hbm>>
    %dma_start3A_936 = arith.constant 0 : i32
    %dma_start3A_937 = arith.constant 0 : i32
    %dma_start3A_938 = tpu.memref_slice %arg4[%add3A_926, %dma_start3A_936, %dma_start3A_937] : memref<16384x50x32xf32, #tpu.memory_space<hbm>> -> memref<16x50x32xf32, #tpu.memory_space<hbm>>
    %dma_start3A_939 = arith.constant 0 : i32
    %dma_start3A_940 = arith.constant 0 : i32
    %dma_start3A_941 = arith.constant 0 : i32
    %dma_start3A_942 = tpu.memref_slice %arg6[%dma_start3A_927, %dma_start3A_939, %dma_start3A_940, %dma_start3A_941] : memref<2x16x50x32xf32, #tpu.memory_space<vmem>> -> memref<1x16x50x32xf32, #tpu.memory_space<vmem>>
    %dma_start3A_943 = tpu.memref_squeeze %dma_start3A_942 : memref<1x16x50x32xf32, #tpu.memory_space<vmem>> -> memref<16x50x32xf32, #tpu.memory_space<vmem>>
    tpu.enqueue_dma source(%dma_start3A_943 : memref<16x50x32xf32, #tpu.memory_space<vmem>>) target(%dma_start3A_938 : memref<16x50x32xf32, #tpu.memory_space<hbm>>) target_semaphore(%arg10 : memref<!tpu.dma_semaphore, #tpu.memory_space<semaphore_mem>>)
    %add3A_944 = arith.constant 480 : i32
    %add3A_945 = arith.addi %mul3A_2, %add3A_944 : i32
    %dma_wait3A_946 = arith.constant 0 : i32
    %dma_wait3A_947 = arith.constant 0 : i32
    %dma_wait3A_948 = arith.constant 0 : i32
    %dma_wait3A_949 = arith.constant 0 : i32
    %dma_wait3A_950 = tpu.memref_slice %arg6[%dma_wait3A_946, %dma_wait3A_947, %dma_wait3A_948, %dma_wait3A_949] : memref<2x16x50x32xf32, #tpu.memory_space<vmem>> -> memref<1x16x50x32xf32, #tpu.memory_space<vmem>>
    %dma_wait3A_951 = tpu.memref_squeeze %dma_wait3A_950 : memref<1x16x50x32xf32, #tpu.memory_space<vmem>> -> memref<16x50x32xf32, #tpu.memory_space<vmem>>
    %dma_wait3A_952 = arith.constant 0 : i32
    %dma_wait3A_953 = arith.constant 0 : i32
    %dma_wait3A_954 = tpu.memref_slice %arg4[%add3A_945, %dma_wait3A_952, %dma_wait3A_953] : memref<16384x50x32xf32, #tpu.memory_space<hbm>> -> memref<16x50x32xf32, #tpu.memory_space<hbm>>
    %dma_wait3A_955 = arith.constant 0 : i32
    %dma_wait3A_956 = arith.constant 0 : i32
    %dma_wait3A_957 = tpu.memref_slice %arg4[%add3A_945, %dma_wait3A_955, %dma_wait3A_956] : memref<16384x50x32xf32, #tpu.memory_space<hbm>> -> memref<16x50x32xf32, #tpu.memory_space<hbm>>
    %dma_wait3A_958 = arith.constant 0 : i32
    %dma_wait3A_959 = arith.constant 0 : i32
    %dma_wait3A_960 = arith.constant 0 : i32
    %dma_wait3A_961 = tpu.memref_slice %arg6[%dma_wait3A_946, %dma_wait3A_958, %dma_wait3A_959, %dma_wait3A_960] : memref<2x16x50x32xf32, #tpu.memory_space<vmem>> -> memref<1x16x50x32xf32, #tpu.memory_space<vmem>>
    %dma_wait3A_962 = tpu.memref_squeeze %dma_wait3A_961 : memref<1x16x50x32xf32, #tpu.memory_space<vmem>> -> memref<16x50x32xf32, #tpu.memory_space<vmem>>
    tpu.wait_dma2 semaphore(%arg9 : memref<!tpu.dma_semaphore, #tpu.memory_space<semaphore_mem>>) src(%dma_wait3A_962 : memref<16x50x32xf32, #tpu.memory_space<vmem>>) dst(%dma_wait3A_957 : memref<16x50x32xf32, #tpu.memory_space<hbm>>)
    %add3A_963 = arith.constant 496 : i32
    %add3A_964 = arith.addi %mul3A_2, %add3A_963 : i32
    %dma_wait3A_965 = arith.constant 1 : i32
    %dma_wait3A_966 = arith.constant 0 : i32
    %dma_wait3A_967 = arith.constant 0 : i32
    %dma_wait3A_968 = arith.constant 0 : i32
    %dma_wait3A_969 = tpu.memref_slice %arg6[%dma_wait3A_965, %dma_wait3A_966, %dma_wait3A_967, %dma_wait3A_968] : memref<2x16x50x32xf32, #tpu.memory_space<vmem>> -> memref<1x16x50x32xf32, #tpu.memory_space<vmem>>
    %dma_wait3A_970 = tpu.memref_squeeze %dma_wait3A_969 : memref<1x16x50x32xf32, #tpu.memory_space<vmem>> -> memref<16x50x32xf32, #tpu.memory_space<vmem>>
    %dma_wait3A_971 = arith.constant 0 : i32
    %dma_wait3A_972 = arith.constant 0 : i32
    %dma_wait3A_973 = tpu.memref_slice %arg4[%add3A_964, %dma_wait3A_971, %dma_wait3A_972] : memref<16384x50x32xf32, #tpu.memory_space<hbm>> -> memref<16x50x32xf32, #tpu.memory_space<hbm>>
    %dma_wait3A_974 = arith.constant 0 : i32
    %dma_wait3A_975 = arith.constant 0 : i32
    %dma_wait3A_976 = tpu.memref_slice %arg4[%add3A_964, %dma_wait3A_974, %dma_wait3A_975] : memref<16384x50x32xf32, #tpu.memory_space<hbm>> -> memref<16x50x32xf32, #tpu.memory_space<hbm>>
    %dma_wait3A_977 = arith.constant 0 : i32
    %dma_wait3A_978 = arith.constant 0 : i32
    %dma_wait3A_979 = arith.constant 0 : i32
    %dma_wait3A_980 = tpu.memref_slice %arg6[%dma_wait3A_965, %dma_wait3A_977, %dma_wait3A_978, %dma_wait3A_979] : memref<2x16x50x32xf32, #tpu.memory_space<vmem>> -> memref<1x16x50x32xf32, #tpu.memory_space<vmem>>
    %dma_wait3A_981 = tpu.memref_squeeze %dma_wait3A_980 : memref<1x16x50x32xf32, #tpu.memory_space<vmem>> -> memref<16x50x32xf32, #tpu.memory_space<vmem>>
    tpu.wait_dma2 semaphore(%arg10 : memref<!tpu.dma_semaphore, #tpu.memory_space<semaphore_mem>>) src(%dma_wait3A_981 : memref<16x50x32xf32, #tpu.memory_space<vmem>>) dst(%dma_wait3A_976 : memref<16x50x32xf32, #tpu.memory_space<hbm>>)
    return
  }
}

</mosaic_0001>

<sc_bundles>
// kernel: kernel.3.cloned.1.call-start
scs
__scs_entry_jumppad:
0x0: {  	(pc) =	sbr.rel $0x88, $3  }
0x1: {  	(tag) =	ssettag $0x0;
	lr =	simm.s32 $0x1  }
0x2: {  	[smem:$0x3F9F] =	sst lr;
	_ =	strace $0xD0000000  }
0x3: {  	_ = 	snop  }
0x4: {  	_ = 	snop  }
0x5: {  	_ = 	snop  }
0x6: {  	_ = 	snop  }
0x7: {  	_ = 	snop  }
__scs_overlays_trampoline_lowered:
0x8: {  	[smem:$0x3FAE] =	sst s0  }
0x9: {  	[smem:$0x3FAF] =	sst s1  }
0xa: {  	[smem:$0x3FB0] =	sst s2  }
0xb: {  	[smem:$0x3FB1] =	sst s3  }
0xc: {  	[smem:$0x3FB2] =	sst s4  }
0xd: {  	[smem:$0x3FB3] =	sst s5  }
0xe: {  	[smem:$0x3FB4] =	sst s6  }
0xf: {  	[smem:$0x3FB5] =	sst s7  }
0x10: {  	[smem:$0x3FB6] =	sst s8  }
0x11: {  	[smem:$0x3FB7] =	sst s9;
	s0 =	simm.s32 @!p0 $0x0  }
0x12: {  	s1 =	sld [smem:$0x3F9D];
	s0 =	simm.s32 @p0 $0x1  }
0x13: {  	[smem:$0x3FB8] =	sst s0;
	s0 =	simm.s32 @!p1 $0x0  }
0x14: {  	s2 =	sld [smem:$0x3F9C];
	s0 =	simm.s32 @p1 $0x1  }
0x15: {  	[smem:$0x3FB9] =	sst s0;
	s0 =	simm.s32 @!p2 $0x0  }
0x16: {  	s3 =	sld [smem:$0x3FDB];
	s0 =	simm.s32 @p2 $0x1  }
0x17: {  	s4 =	simm.s32 $0x1BF5;
	[smem:$0x3FBB] =	sst s0  }
0x18: {  	s0 =	sld [smem:$0x3F9E];
	_ =	swait.ge [sflag:s4], $0x0  }
0x19: {  	s7 =	sld [smem:$0x3F9F]  }
0x1a: {  	s8 =	sadd.s32 $0xFFFFE003, lr  }
0x1b: {  	s9 =	sadd.s32 $0xFFFFFEF7, lr;
	s5 =	simm.s32 $0xFFFFFFFF;
	p2 =	slt.u32 s8, $0xFFFFF086  }
0x1c: {  	p1 =	slt.u32 s9, $0xF7A;
	s5 =	simm.s32 @!p2 $0x0  }
0x1d: {  	s5 =	simm.s32 @p1 $0x1;
	p0 =	seq.s32 s7, s2  }
0x1e: {  	s7 =	smul.u32 @!p0 $0xF7A, s2;
	p2 =	seq.s32 @!p0 s5, $0x0  }
0x1f: {  	s9 =	smul.u32 $0xF7A, s1;
	s8 =	simm.s32 @!p0 $0x1BF5;
	p2 =	por !p2, p0  }
0x20: {  	[sflag:s8] =	ssyncset.s32 @!p0 $0xFFFFF086;
	s6 =	sadd.s32 @!p0 s3, s7;
	s7 =	simm.s32 @!p0 $0x108  }
0x21: {  	s3 =	sadd.s32 s3, s9;
	s6 =	sadd.s32 @!p0 $0x88, s6;
	s7 =	simm.s32 @p2 $0x1082  }
0x22: {  	[simem:s7], [sflag:s8] =	dma.local @!p0 [hbm:s6], $0xF7A  }
0x23: {  	s9 =	sor.u32 $0xD0000000, s2;
	s6 =	simm.s32 $0x108;
	_ =	swait.ge @!p0 [sflag:s8], $0x0  }
0x24: {  	s3 =	sadd.s32 $0x88, s3;
	s6 =	simm.s32 @!p1 $0x1082;
	[sflag:s4] =	ssyncset.s32 $0xFFFFF086  }
0x25: {  	[simem:s6], [sflag:s4] =	dma.local [hbm:s3], $0xF7A  }
0x26: {  	[smem:$0x3F9F] =	sst s1;
	(tag) =	ssettag s2;
	_ =	strace s9  }
0x27: {  	s1 =	sld [smem:$0x3FAF]  }
0x28: {  	s2 =	sld [smem:$0x3FB0]  }
0x29: {  	s4 =	sld [smem:$0x3FB2]  }
0x2a: {  	p0 =	seq.s32 s5, $0x0;
	s5 =	sld [smem:$0x3FB3]  }
0x2b: {  	s6 =	sld [smem:$0x3FB4]  }
0x2c: {  	s7 =	sld [smem:$0x3FB5]  }
0x2d: {  	s3 =	simm.s32 $0x108;
	s8 =	sld [smem:$0x3FB6]  }
0x2e: {  	s3 =	simm.s32 @!p0 $0x1082;
	s9 =	sld [smem:$0x3FB7]  }
0x2f: {  	lr =	sadd.s32 s0, s3;
	s0 =	sld [smem:$0x3FAE]  }
0x30: {  	s3 =	sld [smem:$0x3FB1]  }
0x31: {  	[smem:$0x3FBA] =	sst s10  }
0x32: {  	s10 =	sld [smem:$0x3FB8];
	_ =	sdelay $0x3  }
0x33: {  	p0 =	seq.s32 s10, $0x1;
	s10 =	sld [smem:$0x3FBA];
	_ =	sdelay $0x3  }
0x34: {  	[smem:$0x3FBA] =	sst s10  }
0x35: {  	s10 =	sld [smem:$0x3FB9];
	_ =	sdelay $0x3  }
0x36: {  	p1 =	seq.s32 s10, $0x1;
	s10 =	sld [smem:$0x3FBA];
	_ =	sdelay $0x3  }
0x37: {  	[smem:$0x3FBA] =	sst s10  }
0x38: {  	s10 =	sld [smem:$0x3FBB]  }
0x39: {  	_ = 	snop;
	(pc) =	sbr.ind lr, $3  }
0x3a: {  	_ = 	snop  }
0x3b: {  	_ = 	snop  }
0x3c: {  	p2 =	seq.s32 s10, $0x1;
	s10 =	sld [smem:$0x3FBA]  }
0x3d: {  	_ =	shalt  }
0x3e: {  	_ =	shalt  }
0x3f: {  	_ =	shalt  }
0x40: {  	_ =	shalt  }
0x41: {  	_ =	shalt  }
0x42: {  	_ =	shalt  }
0x43: {  	_ =	shalt  }
0x44: {  	_ =	shalt  }
0x45: {  	_ =	shalt  }
0x46: {  	_ =	shalt  }
0x47: {  	_ =	shalt  }
0x48: {  	_ =	shalt  }
0x49: {  	_ =	shalt  }
0x4a: {  	_ =	shalt  }
0x4b: {  	_ =	shalt  }
0x4c: {  	_ =	shalt  }
0x4d: {  	_ =	shalt  }
0x4e: {  	_ =	shalt  }
0x4f: {  	_ =	shalt  }
0x50: {  	_ =	shalt  }
0x51: {  	_ =	shalt  }
0x52: {  	_ =	shalt  }
0x53: {  	_ =	shalt  }
0x54: {  	_ =	shalt  }
0x55: {  	_ =	shalt  }
0x56: {  	_ =	shalt  }
0x57: {  	_ =	shalt  }
0x58: {  	_ =	shalt  }
0x59: {  	_ =	shalt  }
0x5a: {  	_ =	shalt  }
0x5b: {  	_ =	shalt  }
0x5c: {  	_ =	shalt  }
0x5d: {  	_ =	shalt  }
0x5e: {  	_ =	shalt  }
0x5f: {  	_ =	shalt  }
0x60: {  	_ =	shalt  }
0x61: {  	_ =	shalt  }
0x62: {  	_ =	shalt  }
0x63: {  	_ =	shalt  }
0x64: {  	_ =	shalt  }
0x65: {  	_ =	shalt  }
0x66: {  	_ =	shalt  }
0x67: {  	_ =	shalt  }
0x68: {  	_ =	shalt  }
0x69: {  	_ =	shalt  }
0x6a: {  	_ =	shalt  }
0x6b: {  	_ =	shalt  }
0x6c: {  	_ =	shalt  }
0x6d: {  	_ =	shalt  }
0x6e: {  	_ =	shalt  }
0x6f: {  	_ =	shalt  }
0x70: {  	_ =	shalt  }
0x71: {  	_ =	shalt  }
0x72: {  	_ =	shalt  }
0x73: {  	_ =	shalt  }
0x74: {  	_ =	shalt  }
0x75: {  	_ =	shalt  }
0x76: {  	_ =	shalt  }
0x77: {  	_ =	shalt  }
0x78: {  	_ =	shalt  }
0x79: {  	_ =	shalt  }
0x7a: {  	_ =	shalt  }
0x7b: {  	_ =	shalt  }
0x7c: {  	_ =	shalt  }
0x7d: {  	_ =	shalt  }
0x7e: {  	_ =	shalt  }
0x7f: {  	_ =	shalt  }
0x80: {  	_ =	shalt  }
0x81: {  	_ =	shalt  }
0x82: {  	_ =	shalt  }
0x83: {  	_ =	shalt  }
0x84: {  	_ =	shalt  }
0x85: {  	_ =	shalt  }
0x86: {  	_ =	shalt  }
0x87: {  	_ =	shalt  }
.Lfunc_end0:
.L_simem_size_0:
called_computation.2_lowered:
.L_overlay_start_0:
0x88: {  	s2 =	sld [smem:$0x3FD9]  }
0x89: {  	s3 =	sld [smem:$0x3FFE];
	_ =	sdelay $0x1  }
0x8a: {  	s1 =	srdreg.scid  }
0x8b: {  	s0 =	sand.u32 $0x1, s1  }
0x8c: {  	s17 =	sshll.u32 s0, $0xA;
	s2 =	sadd.s32 s3, s2  }
0x8d: {  	s2 =	sadd.s32 s2, s17  }
0x8e: {  	[smem:$0x3FC6] =	sst s2  }
0x8f: {  	_ = 	snop  }
0x90: {  	s2 =	sld [smem:$0x3FD0];
	(tm) =	ssettm $0x1  }
0x91: {  	s18 =	sld [smem:$0x3FFB];
	_ =	sdelay $0x3  }
0x92: {  	_ =	strace s18  }
0x93: {  	s3 =	sld [smem:$0x3FFC];
	_ =	sdelay $0x3  }
0x94: {  	_ =	strace s3  }
0x95: {  	s3 =	sld [smem:$0x3FFD];
	_ =	sdelay $0x3  }
0x96: {  	_ =	strace s3  }
0x97: {  	_ =	strace $0x8FFFFFFF  }
0x98: {  	s19 =	sld [smem:$0x3FDB];
	_ =	sdelay $0x1  }
0x99: {  	s4 =	simm.s32 $_scs_section_size  }
0x9a: {  	s5 =	simm.s32 $_size__tile_overlayer_lowered;
	s6 =	simm.s32 $_tile_overlayer_lowered  }
0x9b: {  	s22 =	simm.s32 $0x1BFF;
	s21 =	sshll.u32 s6, $0x1;
	s3 =	sadd.s32 s4, s19  }
0x9c: {  	s7 =	simm.s32 $0x0;
	s20 =	sshll.u32 s5, $0x1;
	s5 =	sadd.s32 s21, s3  }
0x9d: {  	[timem:s7], [sflag:s22] =	dma.local [hbm:s5], s20  }
0x9e: {  	_ =	swait.ge [sflag:s22], s20  }
0x9f: {  	s4 =	ssub.s32 $0x0, s20;
	[sflag:s22] =	ssyncset.done $0x0  }
0xa0: {  	[sflag:s22] =	ssyncadd.s32 s4;
	_ =	sdelay $0x1  }
0xa1: {  	s23 =	simm.s32 $0x1B8B  }
0xa2: {  	_ =	swait.ge [sflag:s23], $0x1  }
0xa3: {  	[sflag:s23] =	ssyncset.done $0x0  }
0xa4: {  	s25 =	simm.s32 $0x1B8E;
	s24 =	sld [smem:$0x3FFE];
	[sflag:s23] =	ssyncadd.s32 $0xFFFFFFFF  }
0xa5: {  	s26 =	simm.s32 $execute0_lowered;
	[smem:$0x3FD2] =	sst s25  }
0xa6: {  	s5 =	sshll.u32 s26, $0x1;
	_ =	strace $0x80000049;
	[dreg:$0x1] =	wrdreg $0xFFFFFFFF  }
0xa7: {  	s28 =	simm.s32 $_size_execute0_lowered;
	s3 =	sadd.s32 s3, s5;
	[dreg:$0x0] =	wrdreg $0x0  }
0xa8: {  	s5 =	sshll.u32 s28, $0x1;
	[dreg:$0x2] =	wrdreg s3  }
0xa9: {  	[dreg:$0x3] =	wrdreg s5  }
0xaa: {  	[dreg:$0x4] =	wrdreg $0xC0  }
0xab: {  	_ =	task [dreg:s7], $0x5FFFF  }
0xac: {  	[dreg:$0x1] =	wrdreg $0xFFFFFFFF  }
0xad: {  	[dreg:$0x0] =	wrdreg $0x60  }
0xae: {  	[dreg:$0x2] =	wrdreg s24  }
0xaf: {  	[dreg:$0x3] =	wrdreg s2  }
0xb0: {  	[dreg:$0x4] =	wrdreg $0x9  }
0xb1: {  	_ =	task.clear_ibuf [dreg:s7], $0x5FFFF;
	_ =	strace $0x90000049  }
0xb2: {  	s29 =	simm.s32 $0x9;
	_ =	strace $0x8000004B  }
0xb3: {  	_ =	swait.ge [sflag:s29], $0x1  }
0xb4: {  	[sflag:s29] =	ssyncadd.s32 $0xFFFFFFFF  }
0xb5: {  	_ =	strace $0x9000004B  }
0xb6: {  	_ =	sfence  }
0xb7: {  	s30 =	sld [smem:$0x0];
	_ =	sdelay $0x2  }
0xb8: {  	s31 =	sshll.u32 s1, $0xD;
	s1 =	sshrl.u32 s1, $0x2  }
0xb9: {  	s3 =	sand.u32 $0x4000, s31;
	s1 =	sadd.s32 s1, s30  }
0xba: {  	s0 =	sor.u32 s3, s0;
	s1 =	sshll.u32 s1, $0x11  }
0xbb: {  	s0 =	sor.u32 s1, s0  }
0xbc: {  	s0 =	sadd.s32 $0x8F2B, s0  }
0xbd: {  	[sflag:s0] =	ssyncadd.remote.s32 $0x1  }
0xbe: {  	_ =	sfence.sel $0xFFFF  }
0xbf: {  	[dreg:$0x0] =	wrdreg $0xFFFFFFFF;
	(pc) =	sbr.abs _section_cstart, $3  }
0xc0: {  	[dreg:$0x1] =	wrdreg $0xFFFFFFFF  }
0xc1: {  	_ =	task.clear_ibuf [dreg:s7], $0x2FFFF;
	_ =	strace $0x9FFFFFFF  }
0xc2: {  	(tm) =	ssettm $0x7FFFFFFF  }
0xc3: {  	_ =	shalt  }
tec
execute0_lowered:
.L_overlay_start_1:
0x0: {  	(tag) =	ssettag $0x1  }
0x1: {  	s0 =	rddreg [dreg:$0x0]  }
0x2: {  	s1 =	rddreg [dreg:$0x1]  }
0x3: {  	s3 =	srdreg.scid;
	s2 =	simm.s32 $0x0;
	s9 =	stileid.u32  }
0x4: {  	s11 =	simm.s32 $0x32;
	s13 =	simm.s32 $0xE0;
	s14 =	simm.s32 $0x2000  }
0x5: {  	s15 =	simm.s32 $0x118;
	s16 =	simm.s32 $0x2640;
	s12 =	simm.s32 $0x1F8  }
0x6: {  	s30 =	simm.s32 $0x230;
	s28 =	simm.s32 $0x2;
	s29 =	simm.s32 $0x4  }
0x7: {  	s31 =	simm.s32 $0x0;
	s4 =	sand.u32 $0x1, s3;
	[smem:$0x7FF] =	sst s2  }
0x8: {  	s17 =	sshll.u32 s9, $0xA;
	s6 =	sadd.s32 $0xF43200, s0;
	s20 =	smul.u32 $0x1C00, s9  }
0x9: {  	s3 =	sadd.s32 $0xF5F200, s0;
	s9 =	smul.u32 $0x32000, s9;
	s5 =	sshll.u32 s4, $0x9  }
0xa: {  	_ =	strace $0x8000004A;
	s7 =	ssub.s32 $0x2, s4;
	s22 =	smul.u32 $0xE00, s4  }
0xb: {  	s4 =	smul.u32 $0x19000, s4;
	s5 =	sor.u32 s5, s17;
	s18 =	sshrl.u32 s7, $0x1  }
0xc: {  	s24 =	sadd.s32 s20, s6;
	s20 =	simm.s32 $0x2C80;
	s8 =	smul.u32 $0x640, s5  }
0xd: {  	s17 =	simm.s32 $0x380;
	s5 =	smul.u32 $0x7, s5;
	s0 =	ssub.s32 s7, s18  }
0xe: {  	s25 =	sadd.s32 s22, s24;
	s7 =	simm.s32 $0x70;
	s22 =	simm.s32 $0x32C0  }
0xf: {  	s24 =	simm.s32 $0x3900;
	s18 =	simm.s32 $0x6B00;
	s0 =	smax.u32 s0, $0x1  }
0x10: {  	[dreg:$0x3] =	wrdreg s25;
	s25 =	simm.s32 $0x1;
	s19 =	sshrl.u32 s8, $0x3  }
0x11: {  	s10 =	sadd.s32 s6, s5;
	[dreg:$0x8] =	wrdreg s0;
	s6 =	simm.s32 $0xD40  }
0x12: {  	s8 =	simm.s32 $0x1380;
	s21 =	sadd.s32 s1, s19;
	[dreg:$0x4] =	wrdreg s10  }
0x13: {  	s10 =	sadd.s32 $0x70, s10;
	s1 =	sadd.s32 s9, s1;
	s9 =	simm.s32 $0x19C0  }
0x14: {  	s19 =	simm.s32 $0x150;
	[dreg:$0x5] =	wrdreg s10;
	s23 =	sadd.s32 $0x17700, s21  }
0x15: {  	s5 =	sadd.s32 $0x18380, s21;
	s26 =	sadd.s32 s4, s1;
	[dreg:$0x6] =	wrdreg s23  }
0x16: {  	s10 =	simm.s32 $0x5;
	s4 =	simm.s32 $0xA8;
	[dreg:$0x7] =	wrdreg s5  }
0x17: {  	s21 =	simm.s32 $0x188;
	s1 =	simm.s32 $0x3F40;
	[dreg:$0x9] =	wrdreg s26  }
0x18: {  	s5 =	simm.s32 $0x38;
	s23 =	simm.s32 $0x1C0;
	s26 =	simm.s32 $0x3  }
.LBB2_1:
0x19: {  	[dreg:$0xa] =	wrdreg s31  }
0x1a: {  	s0 =	rddreg [dreg:$0x4]  }
0x1b: {  	[tilespmem:s2], [sflag:$0x5] =	stream.linear.gather [hbm4b:s0+s2], $0x380, $0x38;
	[tilespmem:$0xCF00] =	vst v63  }
0x1c: {  	_ =	swait.ge [sflag:s10], $0x380  }
0x1d: {  	[sflag:s10] =	ssyncset.done $0x0  }
0x1e: {  	s0 =	simm.s32 $0x700;
	[sflag:s10] =	ssyncadd.s32 $0xFFFFFC80  }
0x1f: {  	[tilespmem:s0], [sflag:$0x1] =	stream.indirect.gather [hbm4b:s3+s11], $0x20, s2, s11, $0xb8;
	[tilespmem:$0xCF00] =	vst v63  }
0x20: {  	_ = 	snop  }
0x21: {  	[tilespmem:s6], [sflag:$0x1] =	stream.indirect.gather [hbm4b:s3+s11], $0x20, s5, s11, $0xb8;
	[tilespmem:$0xCF00] =	vst v63  }
0x22: {  	_ = 	snop  }
0x23: {  	[tilespmem:s8], [sflag:$0x1] =	stream.indirect.gather [hbm4b:s3+s11], $0x20, s7, s11, $0xb8;
	[tilespmem:$0xCF00] =	vst v63  }
0x24: {  	_ = 	snop  }
0x25: {  	[tilespmem:s9], [sflag:$0x1] =	stream.indirect.gather [hbm4b:s3+s11], $0x20, s4, s11, $0xb8;
	[tilespmem:$0xCF00] =	vst v63  }
0x26: {  	_ = 	snop  }
0x27: {  	[tilespmem:s14], [sflag:$0x1] =	stream.indirect.gather [hbm4b:s3+s11], $0x20, s13, s11, $0xb8;
	[tilespmem:$0xCF00] =	vst v63  }
0x28: {  	_ = 	snop  }
0x29: {  	[tilespmem:s16], [sflag:$0x1] =	stream.indirect.gather [hbm4b:s3+s11], $0x20, s15, s11, $0xb8;
	[tilespmem:$0xCF00] =	vst v63  }
0x2a: {  	_ = 	snop  }
0x2b: {  	[tilespmem:s20], [sflag:$0x1] =	stream.indirect.gather [hbm4b:s3+s11], $0x20, s19, s11, $0xb8;
	[tilespmem:$0xCF00] =	vst v63  }
0x2c: {  	_ = 	snop  }
0x2d: {  	[tilespmem:s22], [sflag:$0x1] =	stream.indirect.gather [hbm4b:s3+s11], $0x20, s21, s11, $0xb8;
	[tilespmem:$0xCF00] =	vst v63  }
0x2e: {  	_ = 	snop  }
0x2f: {  	[tilespmem:s24], [sflag:$0x1] =	stream.indirect.gather [hbm4b:s3+s11], $0x20, s23, s11, $0xb8;
	[tilespmem:$0xCF00] =	vst v63  }
0x30: {  	_ = 	snop  }
0x31: {  	[tilespmem:s1], [sflag:$0x1] =	stream.indirect.gather [hbm4b:s3+s11], $0x20, s12, s11, $0xb8;
	[tilespmem:$0xCF00] =	vst v63  }
0x32: {  	s1 =	simm.s32 $0x4580  }
0x33: {  	[tilespmem:s1], [sflag:$0x1] =	stream.indirect.gather [hbm4b:s3+s11], $0x20, s30, s11, $0xb8;
	[tilespmem:$0xCF00] =	vst v63  }
0x34: {  	s5 =	simm.s32 $0x4BC0;
	s4 =	simm.s32 $0x268  }
0x35: {  	[tilespmem:s5], [sflag:$0x1] =	stream.indirect.gather [hbm4b:s3+s11], $0x20, s4, s11, $0xb8;
	[tilespmem:$0xCF00] =	vst v63  }
0x36: {  	s6 =	simm.s32 $0x2A0;
	s7 =	simm.s32 $0x5200  }
0x37: {  	[tilespmem:s7], [sflag:$0x1] =	stream.indirect.gather [hbm4b:s3+s11], $0x20, s6, s11, $0xb8;
	[tilespmem:$0xCF00] =	vst v63  }
0x38: {  	s4 =	simm.s32 $0x2D8;
	s5 =	simm.s32 $0x5840  }
0x39: {  	[tilespmem:s5], [sflag:$0x1] =	stream.indirect.gather [hbm4b:s3+s11], $0x20, s4, s11, $0xb8;
	[tilespmem:$0xCF00] =	vst v63  }
0x3a: {  	s6 =	simm.s32 $0x310;
	s7 =	simm.s32 $0x5E80  }
0x3b: {  	[tilespmem:s7], [sflag:$0x1] =	stream.indirect.gather [hbm4b:s3+s11], $0x20, s6, s11, $0xb8;
	[tilespmem:$0xCF00] =	vst v63  }
0x3c: {  	s1 =	simm.s32 $0x348;
	s4 =	simm.s32 $0x64C0  }
0x3d: {  	[tilespmem:s4], [sflag:$0x1] =	stream.indirect.gather [hbm4b:s3+s11], $0x20, s1, s11, $0xb8;
	[tilespmem:$0xCF00] =	vst v63  }
0x3e: {  	s5 =	rddreg [dreg:$0x5]  }
0x3f: {  	[tilespmem:s17], [sflag:$0x5] =	stream.linear.gather [hbm4b:s5+s2], $0x380, $0x38;
	[tilespmem:$0xCF00] =	vst v63  }
0x40: {  	_ =	swait.ge [sflag:s10], $0x380  }
0x41: {  	[sflag:s10] =	ssyncset.done $0x0  }
0x42: {  	[sflag:s10] =	ssyncadd.s32 $0xFFFFFC80  }
0x43: {  	[tilespmem:s18], [sflag:$0x2] =	stream.indirect.gather [hbm4b:s3+s11], $0x20, s17, s11, $0xb8;
	[tilespmem:$0xCF00] =	vst v63  }
0x44: {  	s6 =	simm.s32 $0x3B8;
	s7 =	simm.s32 $0x7140  }
0x45: {  	[tilespmem:s7], [sflag:$0x2] =	stream.indirect.gather [hbm4b:s3+s11], $0x20, s6, s11, $0xb8;
	[tilespmem:$0xCF00] =	vst v63  }
0x46: {  	s4 =	simm.s32 $0x3F0;
	s5 =	simm.s32 $0x7780  }
0x47: {  	[tilespmem:s5], [sflag:$0x2] =	stream.indirect.gather [hbm4b:s3+s11], $0x20, s4, s11, $0xb8;
	[tilespmem:$0xCF00] =	vst v63  }
0x48: {  	s6 =	simm.s32 $0x428;
	s7 =	simm.s32 $0x7DC0  }
0x49: {  	[tilespmem:s7], [sflag:$0x2] =	stream.indirect.gather [hbm4b:s3+s11], $0x20, s6, s11, $0xb8;
	[tilespmem:$0xCF00] =	vst v63  }
0x4a: {  	s4 =	simm.s32 $0x460;
	s5 =	simm.s32 $0x8400  }
0x4b: {  	[tilespmem:s5], [sflag:$0x2] =	stream.indirect.gather [hbm4b:s3+s11], $0x20, s4, s11, $0xb8;
	[tilespmem:$0xCF00] =	vst v63  }
0x4c: {  	s6 =	simm.s32 $0x498;
	s7 =	simm.s32 $0x8A40  }
0x4d: {  	[tilespmem:s7], [sflag:$0x2] =	stream.indirect.gather [hbm4b:s3+s11], $0x20, s6, s11, $0xb8;
	[tilespmem:$0xCF00] =	vst v63  }
0x4e: {  	s4 =	simm.s32 $0x4D0;
	s5 =	simm.s32 $0x9080  }
0x4f: {  	[tilespmem:s5], [sflag:$0x2] =	stream.indirect.gather [hbm4b:s3+s11], $0x20, s4, s11, $0xb8;
	[tilespmem:$0xCF00] =	vst v63  }
0x50: {  	s6 =	simm.s32 $0x508;
	s7 =	simm.s32 $0x96C0  }
0x51: {  	[tilespmem:s7], [sflag:$0x2] =	stream.indirect.gather [hbm4b:s3+s11], $0x20, s6, s11, $0xb8;
	[tilespmem:$0xCF00] =	vst v63  }
0x52: {  	s4 =	simm.s32 $0x540;
	s5 =	simm.s32 $0x9D00  }
0x53: {  	[tilespmem:s5], [sflag:$0x2] =	stream.indirect.gather [hbm4b:s3+s11], $0x20, s4, s11, $0xb8;
	[tilespmem:$0xCF00] =	vst v63  }
0x54: {  	s6 =	simm.s32 $0x578;
	s7 =	simm.s32 $0xA340  }
0x55: {  	[tilespmem:s7], [sflag:$0x2] =	stream.indirect.gather [hbm4b:s3+s11], $0x20, s6, s11, $0xb8;
	[tilespmem:$0xCF00] =	vst v63  }
0x56: {  	s4 =	simm.s32 $0x5B0;
	s5 =	simm.s32 $0xA980  }
0x57: {  	[tilespmem:s5], [sflag:$0x2] =	stream.indirect.gather [hbm4b:s3+s11], $0x20, s4, s11, $0xb8;
	[tilespmem:$0xCF00] =	vst v63  }
0x58: {  	s6 =	simm.s32 $0x5E8;
	s7 =	simm.s32 $0xAFC0  }
0x59: {  	[tilespmem:s7], [sflag:$0x2] =	stream.indirect.gather [hbm4b:s3+s11], $0x20, s6, s11, $0xb8;
	[tilespmem:$0xCF00] =	vst v63  }
0x5a: {  	s4 =	simm.s32 $0x620;
	s5 =	simm.s32 $0xB600  }
0x5b: {  	[tilespmem:s5], [sflag:$0x2] =	stream.indirect.gather [hbm4b:s3+s11], $0x20, s4, s11, $0xb8;
	[tilespmem:$0xCF00] =	vst v63  }
0x5c: {  	s6 =	simm.s32 $0x658;
	s7 =	simm.s32 $0xBC40  }
0x5d: {  	[tilespmem:s7], [sflag:$0x2] =	stream.indirect.gather [hbm4b:s3+s11], $0x20, s6, s11, $0xb8;
	[tilespmem:$0xCF00] =	vst v63  }
0x5e: {  	s4 =	simm.s32 $0x690;
	s5 =	simm.s32 $0xC280  }
0x5f: {  	[tilespmem:s5], [sflag:$0x2] =	stream.indirect.gather [hbm4b:s3+s11], $0x20, s4, s11, $0xb8;
	[tilespmem:$0xCF00] =	vst v63  }
0x60: {  	s6 =	simm.s32 $0x6C8;
	s7 =	simm.s32 $0xC8C0  }
0x61: {  	[tilespmem:s7], [sflag:$0x2] =	stream.indirect.gather [hbm4b:s3+s11], $0x20, s6, s11, $0xb8;
	[tilespmem:$0xCF00] =	vst v63  }
0x62: {  	_ =	swait.ge [sflag:s25], $0x640  }
0x63: {  	[sflag:s25] =	ssyncset.done $0x0  }
0x64: {  	[sflag:s25] =	ssyncadd.s32 $0xFFFFF9C0  }
0x65: {  	_ =	swait.ge [sflag:s25], $0x640  }
0x66: {  	[sflag:s25] =	ssyncset.done $0x0  }
0x67: {  	[sflag:s25] =	ssyncadd.s32 $0xFFFFF9C0  }
0x68: {  	_ =	swait.ge [sflag:s25], $0x640  }
0x69: {  	[sflag:s25] =	ssyncset.done $0x0  }
0x6a: {  	[sflag:s25] =	ssyncadd.s32 $0xFFFFF9C0  }
0x6b: {  	_ =	swait.ge [sflag:s25], $0x640  }
0x6c: {  	[sflag:s25] =	ssyncset.done $0x0  }
0x6d: {  	[sflag:s25] =	ssyncadd.s32 $0xFFFFF9C0  }
0x6e: {  	_ =	swait.ge [sflag:s25], $0x640  }
0x6f: {  	[sflag:s25] =	ssyncset.done $0x0  }
0x70: {  	[sflag:s25] =	ssyncadd.s32 $0xFFFFF9C0  }
0x71: {  	_ =	swait.ge [sflag:s25], $0x640  }
0x72: {  	[sflag:s25] =	ssyncset.done $0x0  }
0x73: {  	[sflag:s25] =	ssyncadd.s32 $0xFFFFF9C0  }
0x74: {  	_ =	swait.ge [sflag:s25], $0x640  }
0x75: {  	[sflag:s25] =	ssyncset.done $0x0  }
0x76: {  	[sflag:s25] =	ssyncadd.s32 $0xFFFFF9C0  }
0x77: {  	_ =	swait.ge [sflag:s25], $0x640  }
0x78: {  	[sflag:s25] =	ssyncset.done $0x0  }
0x79: {  	[sflag:s25] =	ssyncadd.s32 $0xFFFFF9C0  }
0x7a: {  	_ =	swait.ge [sflag:s25], $0x640  }
0x7b: {  	[sflag:s25] =	ssyncset.done $0x0  }
0x7c: {  	[sflag:s25] =	ssyncadd.s32 $0xFFFFF9C0  }
0x7d: {  	_ =	swait.ge [sflag:s25], $0x640  }
0x7e: {  	[sflag:s25] =	ssyncset.done $0x0  }
0x7f: {  	[sflag:s25] =	ssyncadd.s32 $0xFFFFF9C0  }
0x80: {  	_ =	swait.ge [sflag:s25], $0x640  }
0x81: {  	[sflag:s25] =	ssyncset.done $0x0  }
0x82: {  	[sflag:s25] =	ssyncadd.s32 $0xFFFFF9C0  }
0x83: {  	_ =	swait.ge [sflag:s25], $0x640  }
0x84: {  	[sflag:s25] =	ssyncset.done $0x0  }
0x85: {  	[sflag:s25] =	ssyncadd.s32 $0xFFFFF9C0  }
0x86: {  	_ =	swait.ge [sflag:s25], $0x640  }
0x87: {  	[sflag:s25] =	ssyncset.done $0x0  }
0x88: {  	[sflag:s25] =	ssyncadd.s32 $0xFFFFF9C0  }
0x89: {  	_ =	swait.ge [sflag:s25], $0x640  }
0x8a: {  	[sflag:s25] =	ssyncset.done $0x0  }
0x8b: {  	[sflag:s25] =	ssyncadd.s32 $0xFFFFF9C0  }
0x8c: {  	_ =	swait.ge [sflag:s25], $0x640  }
0x8d: {  	[sflag:s25] =	ssyncset.done $0x0  }
0x8e: {  	[sflag:s25] =	ssyncadd.s32 $0xFFFFF9C0  }
0x8f: {  	_ =	swait.ge [sflag:s25], $0x640  }
0x90: {  	[sflag:s25] =	ssyncset.done $0x0  }
0x91: {  	s5 =	simm.s32 $0x700;
	s1 =	rddreg [dreg:$0x9];
	[sflag:s25] =	ssyncadd.s32 $0xFFFFF9C0  }
0x92: {  	[hbm4b:s1+s2] =	stream.linear.scatter [tilespmem:s5], [sflag:$0x3], $0x6400, $0x38;
	[tilespmem:$0xCF00] =	vst v63  }
0x93: {  	_ =	swait.ge [sflag:s26], $0x6400  }
0x94: {  	s0 =	rddreg [dreg:$0x3]  }
0x95: {  	[sflag:s26] =	ssyncset.done $0x0;
	s0 =	sadd.s32 $0x0, s0  }
0x96: {  	[sflag:s26] =	ssyncadd.s32 $0xFFFF9C00;
	s30 =	sadd.s32 $0xE0, s0  }
0x97: {  	[tilespmem:s2], [sflag:$0x5] =	stream.linear.gather [hbm4b:s30+s2], $0x380, $0x38;
	[tilespmem:$0xCF00] =	vst v63  }
0x98: {  	_ =	swait.ge [sflag:s10], $0x380  }
0x99: {  	[sflag:s10] =	ssyncset.done $0x0  }
0x9a: {  	[sflag:s10] =	ssyncadd.s32 $0xFFFFFC80  }
0x9b: {  	[tilespmem:s5], [sflag:$0x1] =	stream.indirect.gather [hbm4b:s3+s11], $0x20, s2, s11, $0xb8;
	[tilespmem:$0xCF00] =	vst v63  }
0x9c: {  	s7 =	simm.s32 $0xD40;
	s6 =	simm.s32 $0x38  }
0x9d: {  	[tilespmem:s7], [sflag:$0x1] =	stream.indirect.gather [hbm4b:s3+s11], $0x20, s6, s11, $0xb8;
	[tilespmem:$0xCF00] =	vst v63  }
0x9e: {  	s4 =	simm.s32 $0x70  }
0x9f: {  	[tilespmem:s8], [sflag:$0x1] =	stream.indirect.gather [hbm4b:s3+s11], $0x20, s4, s11, $0xb8;
	[tilespmem:$0xCF00] =	vst v63  }
0xa0: {  	s31 =	simm.s32 $0xA8  }
0xa1: {  	[tilespmem:s9], [sflag:$0x1] =	stream.indirect.gather [hbm4b:s3+s11], $0x20, s31, s11, $0xb8;
	[tilespmem:$0xCF00] =	vst v63  }
0xa2: {  	_ = 	snop  }
0xa3: {  	[tilespmem:s14], [sflag:$0x1] =	stream.indirect.gather [hbm4b:s3+s11], $0x20, s13, s11, $0xb8;
	[tilespmem:$0xCF00] =	vst v63  }
0xa4: {  	_ = 	snop  }
0xa5: {  	[tilespmem:s16], [sflag:$0x1] =	stream.indirect.gather [hbm4b:s3+s11], $0x20, s15, s11, $0xb8;
	[tilespmem:$0xCF00] =	vst v63  }
0xa6: {  	_ = 	snop  }
0xa7: {  	[tilespmem:s20], [sflag:$0x1] =	stream.indirect.gather [hbm4b:s3+s11], $0x20, s19, s11, $0xb8;
	[tilespmem:$0xCF00] =	vst v63  }
0xa8: {  	_ = 	snop  }
0xa9: {  	[tilespmem:s22], [sflag:$0x1] =	stream.indirect.gather [hbm4b:s3+s11], $0x20, s21, s11, $0xb8;
	[tilespmem:$0xCF00] =	vst v63  }
0xaa: {  	_ = 	snop  }
0xab: {  	[tilespmem:s24], [sflag:$0x1] =	stream.indirect.gather [hbm4b:s3+s11], $0x20, s23, s11, $0xb8;
	[tilespmem:$0xCF00] =	vst v63  }
0xac: {  	s14 =	simm.s32 $0x3F40  }
0xad: {  	[tilespmem:s14], [sflag:$0x1] =	stream.indirect.gather [hbm4b:s3+s11], $0x20, s12, s11, $0xb8;
	[tilespmem:$0xCF00] =	vst v63  }
0xae: {  	s15 =	simm.s32 $0x4580;
	s16 =	simm.s32 $0x230  }
0xaf: {  	[tilespmem:s15], [sflag:$0x1] =	stream.indirect.gather [hbm4b:s3+s11], $0x20, s16, s11, $0xb8;
	[tilespmem:$0xCF00] =	vst v63  }
0xb0: {  	s19 =	simm.s32 $0x268;
	s20 =	simm.s32 $0x4BC0  }
0xb1: {  	[tilespmem:s20], [sflag:$0x1] =	stream.indirect.gather [hbm4b:s3+s11], $0x20, s19, s11, $0xb8;
	[tilespmem:$0xCF00] =	vst v63  }
0xb2: {  	s21 =	simm.s32 $0x2A0;
	s22 =	simm.s32 $0x5200  }
0xb3: {  	[tilespmem:s22], [sflag:$0x1] =	stream.indirect.gather [hbm4b:s3+s11], $0x20, s21, s11, $0xb8;
	[tilespmem:$0xCF00] =	vst v63  }
0xb4: {  	s23 =	simm.s32 $0x2D8;
	s24 =	simm.s32 $0x5840  }
0xb5: {  	[tilespmem:s24], [sflag:$0x1] =	stream.indirect.gather [hbm4b:s3+s11], $0x20, s23, s11, $0xb8;
	[tilespmem:$0xCF00] =	vst v63  }
0xb6: {  	s5 =	simm.s32 $0x310;
	s6 =	simm.s32 $0x5E80  }
0xb7: {  	[tilespmem:s6], [sflag:$0x1] =	stream.indirect.gather [hbm4b:s3+s11], $0x20, s5, s11, $0xb8;
	[tilespmem:$0xCF00] =	vst v63  }
0xb8: {  	s7 =	simm.s32 $0x348;
	s8 =	simm.s32 $0x64C0  }
0xb9: {  	[tilespmem:s8], [sflag:$0x1] =	stream.indirect.gather [hbm4b:s3+s11], $0x20, s7, s11, $0xb8;
	[tilespmem:$0xCF00] =	vst v63  }
0xba: {  	_ =	swait.ge [sflag:s28], $0x640  }
0xbb: {  	[sflag:s28] =	ssyncset.done $0x0  }
0xbc: {  	[sflag:s28] =	ssyncadd.s32 $0xFFFFF9C0  }
0xbd: {  	_ =	swait.ge [sflag:s28], $0x640  }
0xbe: {  	[sflag:s28] =	ssyncset.done $0x0  }
0xbf: {  	[sflag:s28] =	ssyncadd.s32 $0xFFFFF9C0  }
0xc0: {  	_ =	swait.ge [sflag:s28], $0x640  }
0xc1: {  	[sflag:s28] =	ssyncset.done $0x0  }
0xc2: {  	[sflag:s28] =	ssyncadd.s32 $0xFFFFF9C0  }
0xc3: {  	_ =	swait.ge [sflag:s28], $0x640  }
0xc4: {  	[sflag:s28] =	ssyncset.done $0x0  }
0xc5: {  	[sflag:s28] =	ssyncadd.s32 $0xFFFFF9C0  }
0xc6: {  	_ =	swait.ge [sflag:s28], $0x640  }
0xc7: {  	[sflag:s28] =	ssyncset.done $0x0  }
0xc8: {  	[sflag:s28] =	ssyncadd.s32 $0xFFFFF9C0  }
0xc9: {  	_ =	swait.ge [sflag:s28], $0x640  }
0xca: {  	[sflag:s28] =	ssyncset.done $0x0  }
0xcb: {  	[sflag:s28] =	ssyncadd.s32 $0xFFFFF9C0  }
0xcc: {  	_ =	swait.ge [sflag:s28], $0x640  }
0xcd: {  	[sflag:s28] =	ssyncset.done $0x0  }
0xce: {  	[sflag:s28] =	ssyncadd.s32 $0xFFFFF9C0  }
0xcf: {  	_ =	swait.ge [sflag:s28], $0x640  }
0xd0: {  	[sflag:s28] =	ssyncset.done $0x0  }
0xd1: {  	[sflag:s28] =	ssyncadd.s32 $0xFFFFF9C0  }
0xd2: {  	_ =	swait.ge [sflag:s28], $0x640  }
0xd3: {  	[sflag:s28] =	ssyncset.done $0x0  }
0xd4: {  	[sflag:s28] =	ssyncadd.s32 $0xFFFFF9C0  }
0xd5: {  	_ =	swait.ge [sflag:s28], $0x640  }
0xd6: {  	[sflag:s28] =	ssyncset.done $0x0  }
0xd7: {  	[sflag:s28] =	ssyncadd.s32 $0xFFFFF9C0  }
0xd8: {  	_ =	swait.ge [sflag:s28], $0x640  }
0xd9: {  	[sflag:s28] =	ssyncset.done $0x0  }
0xda: {  	[sflag:s28] =	ssyncadd.s32 $0xFFFFF9C0  }
0xdb: {  	_ =	swait.ge [sflag:s28], $0x640  }
0xdc: {  	[sflag:s28] =	ssyncset.done $0x0  }
0xdd: {  	[sflag:s28] =	ssyncadd.s32 $0xFFFFF9C0  }
0xde: {  	_ =	swait.ge [sflag:s28], $0x640  }
0xdf: {  	[sflag:s28] =	ssyncset.done $0x0  }
0xe0: {  	[sflag:s28] =	ssyncadd.s32 $0xFFFFF9C0  }
0xe1: {  	_ =	swait.ge [sflag:s28], $0x640  }
0xe2: {  	[sflag:s28] =	ssyncset.done $0x0  }
0xe3: {  	[sflag:s28] =	ssyncadd.s32 $0xFFFFF9C0  }
0xe4: {  	_ =	swait.ge [sflag:s28], $0x640  }
0xe5: {  	[sflag:s28] =	ssyncset.done $0x0  }
0xe6: {  	[sflag:s28] =	ssyncadd.s32 $0xFFFFF9C0  }
0xe7: {  	_ =	swait.ge [sflag:s28], $0x640  }
0xe8: {  	[sflag:s28] =	ssyncset.done $0x0  }
0xe9: {  	s30 =	sadd.s32 $0xC80, s1;
	[sflag:s28] =	ssyncadd.s32 $0xFFFFF9C0  }
0xea: {  	[hbm4b:s30+s2] =	stream.linear.scatter [tilespmem:s18], [sflag:$0x4], $0x6400, $0x38;
	[tilespmem:$0xCF00] =	vst v63  }
0xeb: {  	_ =	swait.ge [sflag:s29], $0x6400  }
0xec: {  	[sflag:s29] =	ssyncset.done $0x0  }
0xed: {  	s0 =	sadd.s32 $0x150, s0;
	[sflag:s29] =	ssyncadd.s32 $0xFFFF9C00  }
0xee: {  	[tilespmem:s17], [sflag:$0x5] =	stream.linear.gather [hbm4b:s0+s2], $0x380, $0x38;
	[tilespmem:$0xCF00] =	vst v63  }
0xef: {  	_ =	swait.ge [sflag:s10], $0x380  }
0xf0: {  	[sflag:s10] =	ssyncset.done $0x0  }
0xf1: {  	[sflag:s10] =	ssyncadd.s32 $0xFFFFFC80  }
0xf2: {  	[tilespmem:s18], [sflag:$0x2] =	stream.indirect.gather [hbm4b:s3+s11], $0x20, s17, s11, $0xb8;
	[tilespmem:$0xCF00] =	vst v63  }
0xf3: {  	s4 =	simm.s32 $0xA8;
	s9 =	simm.s32 $0x3B8;
	s12 =	simm.s32 $0x7140  }
0xf4: {  	[tilespmem:s12], [sflag:$0x2] =	stream.indirect.gather [hbm4b:s3+s11], $0x20, s9, s11, $0xb8;
	[tilespmem:$0xCF00] =	vst v63  }
0xf5: {  	s31 =	sadd.s32 $0x1900, s1;
	s13 =	simm.s32 $0x3F0;
	s14 =	simm.s32 $0x7780  }
0xf6: {  	[tilespmem:s14], [sflag:$0x2] =	stream.indirect.gather [hbm4b:s3+s11], $0x20, s13, s11, $0xb8;
	[tilespmem:$0xCF00] =	vst v63  }
0xf7: {  	s15 =	simm.s32 $0x428;
	s16 =	simm.s32 $0x7DC0;
	s19 =	simm.s32 $0x460  }
0xf8: {  	[tilespmem:s16], [sflag:$0x2] =	stream.indirect.gather [hbm4b:s3+s11], $0x20, s15, s11, $0xb8;
	[tilespmem:$0xCF00] =	vst v63  }
0xf9: {  	s20 =	simm.s32 $0x8400;
	s21 =	simm.s32 $0x498;
	s22 =	simm.s32 $0x8A40  }
0xfa: {  	[tilespmem:s20], [sflag:$0x2] =	stream.indirect.gather [hbm4b:s3+s11], $0x20, s19, s11, $0xb8;
	[tilespmem:$0xCF00] =	vst v63  }
0xfb: {  	s23 =	simm.s32 $0x4D0;
	s24 =	simm.s32 $0x9080;
	s5 =	simm.s32 $0x508  }
0xfc: {  	[tilespmem:s22], [sflag:$0x2] =	stream.indirect.gather [hbm4b:s3+s11], $0x20, s21, s11, $0xb8;
	[tilespmem:$0xCF00] =	vst v63  }
0xfd: {  	s6 =	simm.s32 $0x96C0;
	s7 =	simm.s32 $0x540;
	s8 =	simm.s32 $0x9D00  }
0xfe: {  	[tilespmem:s24], [sflag:$0x2] =	stream.indirect.gather [hbm4b:s3+s11], $0x20, s23, s11, $0xb8;
	[tilespmem:$0xCF00] =	vst v63  }
0xff: {  	s30 =	simm.s32 $0xE0;
	s9 =	simm.s32 $0x578;
	s12 =	simm.s32 $0xA340  }
0x100: {  	[tilespmem:s6], [sflag:$0x2] =	stream.indirect.gather [hbm4b:s3+s11], $0x20, s5, s11, $0xb8;
	[tilespmem:$0xCF00] =	vst v63  }
0x101: {  	s13 =	simm.s32 $0x5B0;
	s14 =	simm.s32 $0xA980;
	s15 =	simm.s32 $0x5E8  }
0x102: {  	[tilespmem:s8], [sflag:$0x2] =	stream.indirect.gather [hbm4b:s3+s11], $0x20, s7, s11, $0xb8;
	[tilespmem:$0xCF00] =	vst v63  }
0x103: {  	s16 =	simm.s32 $0xAFC0;
	s19 =	simm.s32 $0x620;
	s20 =	simm.s32 $0xB600  }
0x104: {  	[tilespmem:s12], [sflag:$0x2] =	stream.indirect.gather [hbm4b:s3+s11], $0x20, s9, s11, $0xb8;
	[tilespmem:$0xCF00] =	vst v63  }
0x105: {  	s21 =	simm.s32 $0x658;
	s22 =	simm.s32 $0xBC40;
	s23 =	simm.s32 $0x690  }
0x106: {  	[tilespmem:s14], [sflag:$0x2] =	stream.indirect.gather [hbm4b:s3+s11], $0x20, s13, s11, $0xb8;
	[tilespmem:$0xCF00] =	vst v63  }
0x107: {  	s24 =	simm.s32 $0xC280;
	s7 =	simm.s32 $0x70;
	s8 =	simm.s32 $0x1380  }
0x108: {  	[tilespmem:s16], [sflag:$0x2] =	stream.indirect.gather [hbm4b:s3+s11], $0x20, s15, s11, $0xb8;
	[tilespmem:$0xCF00] =	vst v63  }
0x109: {  	s9 =	simm.s32 $0x19C0;
	s12 =	simm.s32 $0x1F8;
	s13 =	simm.s32 $0xE0  }
0x10a: {  	[tilespmem:s20], [sflag:$0x2] =	stream.indirect.gather [hbm4b:s3+s11], $0x20, s19, s11, $0xb8;
	[tilespmem:$0xCF00] =	vst v63  }
0x10b: {  	s14 =	simm.s32 $0x2000;
	s15 =	simm.s32 $0x118;
	s16 =	simm.s32 $0x2640  }
0x10c: {  	[tilespmem:s22], [sflag:$0x2] =	stream.indirect.gather [hbm4b:s3+s11], $0x20, s21, s11, $0xb8;
	[tilespmem:$0xCF00] =	vst v63  }
0x10d: {  	s19 =	simm.s32 $0x150;
	s20 =	simm.s32 $0x2C80;
	s21 =	simm.s32 $0x188  }
0x10e: {  	[tilespmem:s24], [sflag:$0x2] =	stream.indirect.gather [hbm4b:s3+s11], $0x20, s23, s11, $0xb8;
	[tilespmem:$0xCF00] =	vst v63  }
0x10f: {  	s22 =	simm.s32 $0x32C0;
	s23 =	simm.s32 $0x1C0;
	s24 =	simm.s32 $0x3900  }
.LBB2_2:
0x110: {  	s0 =	simm.s32 $0x6C8;
	s1 =	simm.s32 $0xC8C0  }
0x111: {  	[tilespmem:s1], [sflag:$0x2] =	stream.indirect.gather [hbm4b:s3+s11], $0x20, s0, s11, $0xb8;
	[tilespmem:$0xCF00] =	vst v63  }
0x112: {  	_ =	swait.ge [sflag:s25], $0x640  }
0x113: {  	[sflag:s25] =	ssyncset.done $0x0  }
0x114: {  	[sflag:s25] =	ssyncadd.s32 $0xFFFFF9C0  }
0x115: {  	_ =	swait.ge [sflag:s25], $0x640  }
0x116: {  	[sflag:s25] =	ssyncset.done $0x0  }
0x117: {  	[sflag:s25] =	ssyncadd.s32 $0xFFFFF9C0  }
0x118: {  	_ =	swait.ge [sflag:s25], $0x640  }
0x119: {  	[sflag:s25] =	ssyncset.done $0x0  }
0x11a: {  	[sflag:s25] =	ssyncadd.s32 $0xFFFFF9C0  }
0x11b: {  	_ =	swait.ge [sflag:s25], $0x640  }
0x11c: {  	[sflag:s25] =	ssyncset.done $0x0  }
0x11d: {  	[sflag:s25] =	ssyncadd.s32 $0xFFFFF9C0  }
0x11e: {  	_ =	swait.ge [sflag:s25], $0x640  }
0x11f: {  	[sflag:s25] =	ssyncset.done $0x0  }
0x120: {  	[sflag:s25] =	ssyncadd.s32 $0xFFFFF9C0  }
0x121: {  	_ =	swait.ge [sflag:s25], $0x640  }
0x122: {  	[sflag:s25] =	ssyncset.done $0x0  }
0x123: {  	[sflag:s25] =	ssyncadd.s32 $0xFFFFF9C0  }
0x124: {  	_ =	swait.ge [sflag:s25], $0x640  }
0x125: {  	[sflag:s25] =	ssyncset.done $0x0  }
0x126: {  	[sflag:s25] =	ssyncadd.s32 $0xFFFFF9C0  }
0x127: {  	_ =	swait.ge [sflag:s25], $0x640  }
0x128: {  	[sflag:s25] =	ssyncset.done $0x0  }
0x129: {  	[sflag:s25] =	ssyncadd.s32 $0xFFFFF9C0  }
0x12a: {  	_ =	swait.ge [sflag:s25], $0x640  }
0x12b: {  	[sflag:s25] =	ssyncset.done $0x0  }
0x12c: {  	[sflag:s25] =	ssyncadd.s32 $0xFFFFF9C0  }
0x12d: {  	_ =	swait.ge [sflag:s25], $0x640  }
0x12e: {  	[sflag:s25] =	ssyncset.done $0x0  }
0x12f: {  	[sflag:s25] =	ssyncadd.s32 $0xFFFFF9C0  }
0x130: {  	_ =	swait.ge [sflag:s25], $0x640  }
0x131: {  	[sflag:s25] =	ssyncset.done $0x0  }
0x132: {  	[sflag:s25] =	ssyncadd.s32 $0xFFFFF9C0  }
0x133: {  	_ =	swait.ge [sflag:s25], $0x640  }
0x134: {  	[sflag:s25] =	ssyncset.done $0x0  }
0x135: {  	[sflag:s25] =	ssyncadd.s32 $0xFFFFF9C0  }
0x136: {  	_ =	swait.ge [sflag:s25], $0x640  }
0x137: {  	[sflag:s25] =	ssyncset.done $0x0  }
0x138: {  	[sflag:s25] =	ssyncadd.s32 $0xFFFFF9C0  }
0x139: {  	_ =	swait.ge [sflag:s25], $0x640  }
0x13a: {  	[sflag:s25] =	ssyncset.done $0x0  }
0x13b: {  	[sflag:s25] =	ssyncadd.s32 $0xFFFFF9C0  }
0x13c: {  	_ =	swait.ge [sflag:s25], $0x640  }
0x13d: {  	[sflag:s25] =	ssyncset.done $0x0  }
0x13e: {  	[sflag:s25] =	ssyncadd.s32 $0xFFFFF9C0  }
0x13f: {  	_ =	swait.ge [sflag:s25], $0x640  }
0x140: {  	[sflag:s25] =	ssyncset.done $0x0  }
0x141: {  	s6 =	simm.s32 $0x700;
	[sflag:s25] =	ssyncadd.s32 $0xFFFFF9C0  }
0x142: {  	[hbm4b:s31+s2] =	stream.linear.scatter [tilespmem:s6], [sflag:$0x3], $0x6400, $0x38;
	[tilespmem:$0xCF00] =	vst v63  }
0x143: {  	_ =	swait.ge [sflag:s26], $0x6400  }
0x144: {  	s1 =	smov.u32 s30;
	s5 =	rddreg [dreg:$0x3]  }
0x145: {  	[sflag:s26] =	ssyncset.done $0x0;
	s0 =	sadd.s32 s1, s5  }
0x146: {  	[sflag:s26] =	ssyncadd.s32 $0xFFFF9C00;
	s1 =	sadd.s32 $0xE0, s0  }
0x147: {  	[tilespmem:s2], [sflag:$0x5] =	stream.linear.gather [hbm4b:s1+s2], $0x380, $0x38;
	[tilespmem:$0xCF00] =	vst v63  }
0x148: {  	_ =	swait.ge [sflag:s10], $0x380  }
0x149: {  	[sflag:s10] =	ssyncset.done $0x0  }
0x14a: {  	[sflag:s10] =	ssyncadd.s32 $0xFFFFFC80  }
0x14b: {  	[tilespmem:s6], [sflag:$0x1] =	stream.indirect.gather [hbm4b:s3+s11], $0x20, s2, s11, $0xb8;
	[tilespmem:$0xCF00] =	vst v63  }
0x14c: {  	s1 =	simm.s32 $0x38;
	s6 =	simm.s32 $0xD40  }
0x14d: {  	[tilespmem:s6], [sflag:$0x1] =	stream.indirect.gather [hbm4b:s3+s11], $0x20, s1, s11, $0xb8;
	[tilespmem:$0xCF00] =	vst v63  }
0x14e: {  	_ = 	snop  }
0x14f: {  	[tilespmem:s8], [sflag:$0x1] =	stream.indirect.gather [hbm4b:s3+s11], $0x20, s7, s11, $0xb8;
	[tilespmem:$0xCF00] =	vst v63  }
0x150: {  	_ = 	snop  }
0x151: {  	[tilespmem:s9], [sflag:$0x1] =	stream.indirect.gather [hbm4b:s3+s11], $0x20, s4, s11, $0xb8;
	[tilespmem:$0xCF00] =	vst v63  }
0x152: {  	_ = 	snop  }
0x153: {  	[tilespmem:s14], [sflag:$0x1] =	stream.indirect.gather [hbm4b:s3+s11], $0x20, s13, s11, $0xb8;
	[tilespmem:$0xCF00] =	vst v63  }
0x154: {  	_ = 	snop  }
0x155: {  	[tilespmem:s16], [sflag:$0x1] =	stream.indirect.gather [hbm4b:s3+s11], $0x20, s15, s11, $0xb8;
	[tilespmem:$0xCF00] =	vst v63  }
0x156: {  	_ = 	snop  }
0x157: {  	[tilespmem:s20], [sflag:$0x1] =	stream.indirect.gather [hbm4b:s3+s11], $0x20, s19, s11, $0xb8;
	[tilespmem:$0xCF00] =	vst v63  }
0x158: {  	_ = 	snop  }
0x159: {  	[tilespmem:s22], [sflag:$0x1] =	stream.indirect.gather [hbm4b:s3+s11], $0x20, s21, s11, $0xb8;
	[tilespmem:$0xCF00] =	vst v63  }
0x15a: {  	_ = 	snop  }
0x15b: {  	[tilespmem:s24], [sflag:$0x1] =	stream.indirect.gather [hbm4b:s3+s11], $0x20, s23, s11, $0xb8;
	[tilespmem:$0xCF00] =	vst v63  }
0x15c: {  	s6 =	simm.s32 $0x3F40  }
0x15d: {  	[tilespmem:s6], [sflag:$0x1] =	stream.indirect.gather [hbm4b:s3+s11], $0x20, s12, s11, $0xb8;
	[tilespmem:$0xCF00] =	vst v63  }
0x15e: {  	s1 =	simm.s32 $0x4580;
	s6 =	simm.s32 $0x230  }
0x15f: {  	[tilespmem:s1], [sflag:$0x1] =	stream.indirect.gather [hbm4b:s3+s11], $0x20, s6, s11, $0xb8;
	[tilespmem:$0xCF00] =	vst v63  }
0x160: {  	s1 =	simm.s32 $0x268;
	s6 =	simm.s32 $0x4BC0  }
0x161: {  	[tilespmem:s6], [sflag:$0x1] =	stream.indirect.gather [hbm4b:s3+s11], $0x20, s1, s11, $0xb8;
	[tilespmem:$0xCF00] =	vst v63  }
0x162: {  	s1 =	simm.s32 $0x2A0;
	s6 =	simm.s32 $0x5200  }
0x163: {  	[tilespmem:s6], [sflag:$0x1] =	stream.indirect.gather [hbm4b:s3+s11], $0x20, s1, s11, $0xb8;
	[tilespmem:$0xCF00] =	vst v63  }
0x164: {  	s1 =	simm.s32 $0x2D8;
	s6 =	simm.s32 $0x5840  }
0x165: {  	[tilespmem:s6], [sflag:$0x1] =	stream.indirect.gather [hbm4b:s3+s11], $0x20, s1, s11, $0xb8;
	[tilespmem:$0xCF00] =	vst v63  }
0x166: {  	s1 =	simm.s32 $0x310;
	s6 =	simm.s32 $0x5E80  }
0x167: {  	[tilespmem:s6], [sflag:$0x1] =	stream.indirect.gather [hbm4b:s3+s11], $0x20, s1, s11, $0xb8;
	[tilespmem:$0xCF00] =	vst v63  }
0x168: {  	s1 =	simm.s32 $0x348;
	s6 =	simm.s32 $0x64C0  }
0x169: {  	[tilespmem:s6], [sflag:$0x1] =	stream.indirect.gather [hbm4b:s3+s11], $0x20, s1, s11, $0xb8;
	[tilespmem:$0xCF00] =	vst v63  }
0x16a: {  	_ =	swait.ge [sflag:s28], $0x640  }
0x16b: {  	[sflag:s28] =	ssyncset.done $0x0  }
0x16c: {  	[sflag:s28] =	ssyncadd.s32 $0xFFFFF9C0  }
0x16d: {  	_ =	swait.ge [sflag:s28], $0x640  }
0x16e: {  	[sflag:s28] =	ssyncset.done $0x0  }
0x16f: {  	[sflag:s28] =	ssyncadd.s32 $0xFFFFF9C0  }
0x170: {  	_ =	swait.ge [sflag:s28], $0x640  }
0x171: {  	[sflag:s28] =	ssyncset.done $0x0  }
0x172: {  	[sflag:s28] =	ssyncadd.s32 $0xFFFFF9C0  }
0x173: {  	_ =	swait.ge [sflag:s28], $0x640  }
0x174: {  	[sflag:s28] =	ssyncset.done $0x0  }
0x175: {  	[sflag:s28] =	ssyncadd.s32 $0xFFFFF9C0  }
0x176: {  	_ =	swait.ge [sflag:s28], $0x640  }
0x177: {  	[sflag:s28] =	ssyncset.done $0x0  }
0x178: {  	[sflag:s28] =	ssyncadd.s32 $0xFFFFF9C0  }
0x179: {  	_ =	swait.ge [sflag:s28], $0x640  }
0x17a: {  	[sflag:s28] =	ssyncset.done $0x0  }
0x17b: {  	[sflag:s28] =	ssyncadd.s32 $0xFFFFF9C0  }
0x17c: {  	_ =	swait.ge [sflag:s28], $0x640  }
0x17d: {  	[sflag:s28] =	ssyncset.done $0x0  }
0x17e: {  	[sflag:s28] =	ssyncadd.s32 $0xFFFFF9C0  }
0x17f: {  	_ =	swait.ge [sflag:s28], $0x640  }
0x180: {  	[sflag:s28] =	ssyncset.done $0x0  }
0x181: {  	[sflag:s28] =	ssyncadd.s32 $0xFFFFF9C0  }
0x182: {  	_ =	swait.ge [sflag:s28], $0x640  }
0x183: {  	[sflag:s28] =	ssyncset.done $0x0  }
0x184: {  	[sflag:s28] =	ssyncadd.s32 $0xFFFFF9C0  }
0x185: {  	_ =	swait.ge [sflag:s28], $0x640  }
0x186: {  	[sflag:s28] =	ssyncset.done $0x0  }
0x187: {  	[sflag:s28] =	ssyncadd.s32 $0xFFFFF9C0  }
0x188: {  	_ =	swait.ge [sflag:s28], $0x640  }
0x189: {  	[sflag:s28] =	ssyncset.done $0x0  }
0x18a: {  	[sflag:s28] =	ssyncadd.s32 $0xFFFFF9C0  }
0x18b: {  	_ =	swait.ge [sflag:s28], $0x640  }
0x18c: {  	[sflag:s28] =	ssyncset.done $0x0  }
0x18d: {  	[sflag:s28] =	ssyncadd.s32 $0xFFFFF9C0  }
0x18e: {  	_ =	swait.ge [sflag:s28], $0x640  }
0x18f: {  	[sflag:s28] =	ssyncset.done $0x0  }
0x190: {  	[sflag:s28] =	ssyncadd.s32 $0xFFFFF9C0  }
0x191: {  	_ =	swait.ge [sflag:s28], $0x640  }
0x192: {  	[sflag:s28] =	ssyncset.done $0x0  }
0x193: {  	[sflag:s28] =	ssyncadd.s32 $0xFFFFF9C0  }
0x194: {  	_ =	swait.ge [sflag:s28], $0x640  }
0x195: {  	[sflag:s28] =	ssyncset.done $0x0  }
0x196: {  	[sflag:s28] =	ssyncadd.s32 $0xFFFFF9C0  }
0x197: {  	_ =	swait.ge [sflag:s28], $0x640  }
0x198: {  	[sflag:s28] =	ssyncset.done $0x0  }
0x199: {  	s6 =	sadd.s32 $0xC80, s31;
	[sflag:s28] =	ssyncadd.s32 $0xFFFFF9C0  }
0x19a: {  	[hbm4b:s6+s2] =	stream.linear.scatter [tilespmem:s18], [sflag:$0x4], $0x6400, $0x38;
	[tilespmem:$0xCF00] =	vst v63  }
0x19b: {  	_ =	swait.ge [sflag:s29], $0x6400  }
0x19c: {  	[sflag:s29] =	ssyncset.done $0x0  }
0x19d: {  	s0 =	sadd.s32 $0x150, s0;
	[sflag:s29] =	ssyncadd.s32 $0xFFFF9C00  }
0x19e: {  	[tilespmem:s17], [sflag:$0x5] =	stream.linear.gather [hbm4b:s0+s2], $0x380, $0x38;
	[tilespmem:$0xCF00] =	vst v63  }
0x19f: {  	_ =	swait.ge [sflag:s10], $0x380  }
0x1a0: {  	[sflag:s10] =	ssyncset.done $0x0  }
0x1a1: {  	[sflag:s10] =	ssyncadd.s32 $0xFFFFFC80  }
0x1a2: {  	[tilespmem:s18], [sflag:$0x2] =	stream.indirect.gather [hbm4b:s3+s11], $0x20, s17, s11, $0xb8;
	[tilespmem:$0xCF00] =	vst v63  }
0x1a3: {  	s1 =	simm.s32 $0x3B8;
	s6 =	simm.s32 $0x7140  }
0x1a4: {  	[tilespmem:s6], [sflag:$0x2] =	stream.indirect.gather [hbm4b:s3+s11], $0x20, s1, s11, $0xb8;
	[tilespmem:$0xCF00] =	vst v63  }
0x1a5: {  	s1 =	simm.s32 $0x3F0;
	s6 =	simm.s32 $0x7780  }
0x1a6: {  	[tilespmem:s6], [sflag:$0x2] =	stream.indirect.gather [hbm4b:s3+s11], $0x20, s1, s11, $0xb8;
	[tilespmem:$0xCF00] =	vst v63  }
0x1a7: {  	s1 =	simm.s32 $0x428;
	s6 =	simm.s32 $0x7DC0  }
0x1a8: {  	[tilespmem:s6], [sflag:$0x2] =	stream.indirect.gather [hbm4b:s3+s11], $0x20, s1, s11, $0xb8;
	[tilespmem:$0xCF00] =	vst v63  }
0x1a9: {  	s1 =	simm.s32 $0x460;
	s6 =	simm.s32 $0x8400  }
0x1aa: {  	[tilespmem:s6], [sflag:$0x2] =	stream.indirect.gather [hbm4b:s3+s11], $0x20, s1, s11, $0xb8;
	[tilespmem:$0xCF00] =	vst v63  }
0x1ab: {  	s1 =	simm.s32 $0x498;
	s6 =	simm.s32 $0x8A40  }
0x1ac: {  	[tilespmem:s6], [sflag:$0x2] =	stream.indirect.gather [hbm4b:s3+s11], $0x20, s1, s11, $0xb8;
	[tilespmem:$0xCF00] =	vst v63  }
0x1ad: {  	s1 =	simm.s32 $0x4D0;
	s6 =	simm.s32 $0x9080  }
0x1ae: {  	[tilespmem:s6], [sflag:$0x2] =	stream.indirect.gather [hbm4b:s3+s11], $0x20, s1, s11, $0xb8;
	[tilespmem:$0xCF00] =	vst v63  }
0x1af: {  	s1 =	simm.s32 $0x508;
	s6 =	simm.s32 $0x96C0  }
0x1b0: {  	[tilespmem:s6], [sflag:$0x2] =	stream.indirect.gather [hbm4b:s3+s11], $0x20, s1, s11, $0xb8;
	[tilespmem:$0xCF00] =	vst v63  }
0x1b1: {  	s1 =	simm.s32 $0x540;
	s6 =	simm.s32 $0x9D00  }
0x1b2: {  	[tilespmem:s6], [sflag:$0x2] =	stream.indirect.gather [hbm4b:s3+s11], $0x20, s1, s11, $0xb8;
	[tilespmem:$0xCF00] =	vst v63  }
0x1b3: {  	s1 =	simm.s32 $0x578;
	s6 =	simm.s32 $0xA340  }
0x1b4: {  	[tilespmem:s6], [sflag:$0x2] =	stream.indirect.gather [hbm4b:s3+s11], $0x20, s1, s11, $0xb8;
	[tilespmem:$0xCF00] =	vst v63  }
0x1b5: {  	s1 =	simm.s32 $0x5B0;
	s6 =	simm.s32 $0xA980  }
0x1b6: {  	[tilespmem:s6], [sflag:$0x2] =	stream.indirect.gather [hbm4b:s3+s11], $0x20, s1, s11, $0xb8;
	[tilespmem:$0xCF00] =	vst v63  }
0x1b7: {  	s1 =	simm.s32 $0x5E8;
	s6 =	simm.s32 $0xAFC0  }
0x1b8: {  	[tilespmem:s6], [sflag:$0x2] =	stream.indirect.gather [hbm4b:s3+s11], $0x20, s1, s11, $0xb8;
	[tilespmem:$0xCF00] =	vst v63  }
0x1b9: {  	p0 =	sne.s32 s30, $0xC40;
	s1 =	simm.s32 $0x620;
	s6 =	simm.s32 $0xB600  }
0x1ba: {  	[tilespmem:s6], [sflag:$0x2] =	stream.indirect.gather [hbm4b:s3+s11], $0x20, s1, s11, $0xb8;
	[tilespmem:$0xCF00] =	vst v63  }
.Ltmp0:
0x1bb: {  	s30 =	sadd.s32 $0xE0, s30;
	(pc) =	sbr.rel @p0 .LBB2_2-.Ltmp0, $4  }
0x1bc: {  	s5 =	simm.s32 $0x700;
	s1 =	simm.s32 $0x658;
	s6 =	simm.s32 $0xBC40  }
0x1bd: {  	[tilespmem:s6], [sflag:$0x2] =	stream.indirect.gather [hbm4b:s3+s11], $0x20, s1, s11, $0xb8;
	[tilespmem:$0xCF00] =	vst v63  }
0x1be: {  	s31 =	sadd.s32 $0x1900, s31;
	s1 =	simm.s32 $0x690;
	s6 =	simm.s32 $0xC280  }
0x1bf: {  	[tilespmem:s6], [sflag:$0x2] =	stream.indirect.gather [hbm4b:s3+s11], $0x20, s1, s11, $0xb8;
	[tilespmem:$0xCF00] =	vst v63  }
0x1c0: {  	s0 =	simm.s32 $0x6C8;
	s1 =	simm.s32 $0xC8C0  }
0x1c1: {  	[tilespmem:s1], [sflag:$0x2] =	stream.indirect.gather [hbm4b:s3+s11], $0x20, s0, s11, $0xb8;
	[tilespmem:$0xCF00] =	vst v63  }
0x1c2: {  	_ =	swait.ge [sflag:s25], $0x640  }
0x1c3: {  	[sflag:s25] =	ssyncset.done $0x0  }
0x1c4: {  	[sflag:s25] =	ssyncadd.s32 $0xFFFFF9C0  }
0x1c5: {  	_ =	swait.ge [sflag:s25], $0x640  }
0x1c6: {  	[sflag:s25] =	ssyncset.done $0x0  }
0x1c7: {  	[sflag:s25] =	ssyncadd.s32 $0xFFFFF9C0  }
0x1c8: {  	_ =	swait.ge [sflag:s25], $0x640  }
0x1c9: {  	[sflag:s25] =	ssyncset.done $0x0  }
0x1ca: {  	[sflag:s25] =	ssyncadd.s32 $0xFFFFF9C0  }
0x1cb: {  	_ =	swait.ge [sflag:s25], $0x640  }
0x1cc: {  	[sflag:s25] =	ssyncset.done $0x0  }
0x1cd: {  	[sflag:s25] =	ssyncadd.s32 $0xFFFFF9C0  }
0x1ce: {  	_ =	swait.ge [sflag:s25], $0x640  }
0x1cf: {  	[sflag:s25] =	ssyncset.done $0x0  }
0x1d0: {  	[sflag:s25] =	ssyncadd.s32 $0xFFFFF9C0  }
0x1d1: {  	_ =	swait.ge [sflag:s25], $0x640  }
0x1d2: {  	[sflag:s25] =	ssyncset.done $0x0  }
0x1d3: {  	[sflag:s25] =	ssyncadd.s32 $0xFFFFF9C0  }
0x1d4: {  	_ =	swait.ge [sflag:s25], $0x640  }
0x1d5: {  	[sflag:s25] =	ssyncset.done $0x0  }
0x1d6: {  	[sflag:s25] =	ssyncadd.s32 $0xFFFFF9C0  }
0x1d7: {  	_ =	swait.ge [sflag:s25], $0x640  }
0x1d8: {  	[sflag:s25] =	ssyncset.done $0x0  }
0x1d9: {  	[sflag:s25] =	ssyncadd.s32 $0xFFFFF9C0  }
0x1da: {  	_ =	swait.ge [sflag:s25], $0x640  }
0x1db: {  	[sflag:s25] =	ssyncset.done $0x0  }
0x1dc: {  	[sflag:s25] =	ssyncadd.s32 $0xFFFFF9C0  }
0x1dd: {  	_ =	swait.ge [sflag:s25], $0x640  }
0x1de: {  	[sflag:s25] =	ssyncset.done $0x0  }
0x1df: {  	[sflag:s25] =	ssyncadd.s32 $0xFFFFF9C0  }
0x1e0: {  	_ =	swait.ge [sflag:s25], $0x640  }
0x1e1: {  	[sflag:s25] =	ssyncset.done $0x0  }
0x1e2: {  	[sflag:s25] =	ssyncadd.s32 $0xFFFFF9C0  }
0x1e3: {  	_ =	swait.ge [sflag:s25], $0x640  }
0x1e4: {  	[sflag:s25] =	ssyncset.done $0x0  }
0x1e5: {  	[sflag:s25] =	ssyncadd.s32 $0xFFFFF9C0  }
0x1e6: {  	_ =	swait.ge [sflag:s25], $0x640  }
0x1e7: {  	[sflag:s25] =	ssyncset.done $0x0  }
0x1e8: {  	[sflag:s25] =	ssyncadd.s32 $0xFFFFF9C0  }
0x1e9: {  	_ =	swait.ge [sflag:s25], $0x640  }
0x1ea: {  	[sflag:s25] =	ssyncset.done $0x0  }
0x1eb: {  	[sflag:s25] =	ssyncadd.s32 $0xFFFFF9C0  }
0x1ec: {  	_ =	swait.ge [sflag:s25], $0x640  }
0x1ed: {  	[sflag:s25] =	ssyncset.done $0x0  }
0x1ee: {  	[sflag:s25] =	ssyncadd.s32 $0xFFFFF9C0  }
0x1ef: {  	_ =	swait.ge [sflag:s25], $0x640  }
0x1f0: {  	[sflag:s25] =	ssyncset.done $0x0  }
0x1f1: {  	s22 =	rddreg [dreg:$0x6];
	[sflag:s25] =	ssyncadd.s32 $0xFFFFF9C0  }
0x1f2: {  	[hbm4b:s22+s2] =	stream.linear.scatter [tilespmem:s5], [sflag:$0x3], $0x6400, $0x38;
	[tilespmem:$0xCF00] =	vst v63  }
0x1f3: {  	_ =	swait.ge [sflag:s28], $0x640  }
0x1f4: {  	[sflag:s28] =	ssyncset.done $0x0  }
0x1f5: {  	[sflag:s28] =	ssyncadd.s32 $0xFFFFF9C0  }
0x1f6: {  	_ =	swait.ge [sflag:s28], $0x640  }
0x1f7: {  	[sflag:s28] =	ssyncset.done $0x0  }
0x1f8: {  	[sflag:s28] =	ssyncadd.s32 $0xFFFFF9C0  }
0x1f9: {  	_ =	swait.ge [sflag:s28], $0x640  }
0x1fa: {  	[sflag:s28] =	ssyncset.done $0x0  }
0x1fb: {  	[sflag:s28] =	ssyncadd.s32 $0xFFFFF9C0  }
0x1fc: {  	_ =	swait.ge [sflag:s28], $0x640  }
0x1fd: {  	[sflag:s28] =	ssyncset.done $0x0  }
0x1fe: {  	[sflag:s28] =	ssyncadd.s32 $0xFFFFF9C0  }
0x1ff: {  	_ =	swait.ge [sflag:s28], $0x640  }
0x200: {  	[sflag:s28] =	ssyncset.done $0x0  }
0x201: {  	[sflag:s28] =	ssyncadd.s32 $0xFFFFF9C0  }
0x202: {  	_ =	swait.ge [sflag:s28], $0x640  }
0x203: {  	[sflag:s28] =	ssyncset.done $0x0  }
0x204: {  	[sflag:s28] =	ssyncadd.s32 $0xFFFFF9C0  }
0x205: {  	_ =	swait.ge [sflag:s28], $0x640  }
0x206: {  	[sflag:s28] =	ssyncset.done $0x0  }
0x207: {  	[sflag:s28] =	ssyncadd.s32 $0xFFFFF9C0  }
0x208: {  	_ =	swait.ge [sflag:s28], $0x640  }
0x209: {  	[sflag:s28] =	ssyncset.done $0x0  }
0x20a: {  	[sflag:s28] =	ssyncadd.s32 $0xFFFFF9C0  }
0x20b: {  	_ =	swait.ge [sflag:s28], $0x640  }
0x20c: {  	[sflag:s28] =	ssyncset.done $0x0  }
0x20d: {  	[sflag:s28] =	ssyncadd.s32 $0xFFFFF9C0  }
0x20e: {  	_ =	swait.ge [sflag:s28], $0x640  }
0x20f: {  	[sflag:s28] =	ssyncset.done $0x0  }
0x210: {  	[sflag:s28] =	ssyncadd.s32 $0xFFFFF9C0  }
0x211: {  	_ =	swait.ge [sflag:s28], $0x640  }
0x212: {  	[sflag:s28] =	ssyncset.done $0x0  }
0x213: {  	[sflag:s28] =	ssyncadd.s32 $0xFFFFF9C0  }
0x214: {  	_ =	swait.ge [sflag:s28], $0x640  }
0x215: {  	[sflag:s28] =	ssyncset.done $0x0  }
0x216: {  	[sflag:s28] =	ssyncadd.s32 $0xFFFFF9C0  }
0x217: {  	_ =	swait.ge [sflag:s28], $0x640  }
0x218: {  	[sflag:s28] =	ssyncset.done $0x0  }
0x219: {  	[sflag:s28] =	ssyncadd.s32 $0xFFFFF9C0  }
0x21a: {  	_ =	swait.ge [sflag:s28], $0x640  }
0x21b: {  	[sflag:s28] =	ssyncset.done $0x0  }
0x21c: {  	[sflag:s28] =	ssyncadd.s32 $0xFFFFF9C0  }
0x21d: {  	_ =	swait.ge [sflag:s28], $0x640  }
0x21e: {  	[sflag:s28] =	ssyncset.done $0x0  }
0x21f: {  	[sflag:s28] =	ssyncadd.s32 $0xFFFFF9C0  }
0x220: {  	_ =	swait.ge [sflag:s28], $0x640  }
0x221: {  	[sflag:s28] =	ssyncset.done $0x0  }
0x222: {  	s23 =	rddreg [dreg:$0x7];
	[sflag:s28] =	ssyncadd.s32 $0xFFFFF9C0  }
0x223: {  	[hbm4b:s23+s2] =	stream.linear.scatter [tilespmem:s18], [sflag:$0x4], $0x6400, $0x38;
	[tilespmem:$0xCF00] =	vst v63  }
0x224: {  	_ =	swait.ge [sflag:s26], $0x6400  }
0x225: {  	[sflag:s26] =	ssyncset.done $0x0  }
0x226: {  	[sflag:s26] =	ssyncadd.s32 $0xFFFF9C00  }
0x227: {  	s6 =	simm.s32 $0xD40;
	s7 =	simm.s32 $0x70;
	_ =	swait.ge [sflag:s29], $0x6400  }
0x228: {  	s8 =	simm.s32 $0x1380;
	s4 =	simm.s32 $0xA8;
	s31 =	rddreg [dreg:$0xa]  }
0x229: {  	s9 =	simm.s32 $0x19C0;
	s24 =	rddreg [dreg:$0x8];
	s31 =	sadd.s32 $0x1, s31  }
0x22a: {  	s13 =	simm.s32 $0xE0;
	s14 =	simm.s32 $0x2000;
	p0 =	sne.s32 s31, s24  }
.Ltmp1:
0x22b: {  	s15 =	simm.s32 $0x118;
	s16 =	simm.s32 $0x2640;
	(pc) =	sbr.rel @p0 .LBB2_1-.Ltmp1, $4  }
0x22c: {  	s19 =	simm.s32 $0x150;
	s20 =	simm.s32 $0x2C80;
	s21 =	simm.s32 $0x188  }
0x22d: {  	s12 =	simm.s32 $0x1F8;
	s30 =	simm.s32 $0x230;
	s1 =	simm.s32 $0x3F40  }
0x22e: {  	s5 =	simm.s32 $0x38;
	s22 =	simm.s32 $0x32C0;
	[sflag:s29] =	ssyncset.done $0x0  }
0x22f: {  	s23 =	simm.s32 $0x1C0;
	[sflag:s29] =	ssyncadd.s32 $0xFFFF9C00;
	s24 =	simm.s32 $0x3900  }
0x230: {  	_ =	sfence.sel $0x180000  }
0x231: {  	[bflag:$0x0] =	sbarrier.arrive $0xFFFF  }
0x232: {  	_ =	strace $0x9000004A  }
0x233: {  	s0 =	stileid.u32;
	[bflag:$0x2] =	sbarrier.arrive $0xFFFF  }
0x234: {  	p0 =	sne.s32 s0, $0x0;
	s0 =	rddreg [dreg:$0x2]  }
0x235: {  	s0 =	sadd.s32 @!p0 $0x100000, s0  }
0x236: {  	[sflag:s0] =	ssyncadd.tile.s32 @!p0 $0x1;
	_ =	shalt  }
.Lfunc_end2:
_tile_overlayer_lowered:
.L_overlay_start_2:
0x237: {  	(tag) =	ssettag $0x2  }
0x238: {  	s0 =	rddreg [dreg:$0x0];
	s2 =	stileid.u32  }
0x239: {  	s1 =	rddreg [dreg:$0x1];
	p0 =	sne.s32 s2, $0x0  }
0x23a: {  	s3 =	rddreg [dreg:$0x2];
	[bflag:$0x3] =	sbarrier.arrive $0xFFFF;
	s2 =	simm.s32 @!p0 $0x1C05  }
0x23b: {  	[timem:s3], [sflag:s2] =	dma.local @!p0 [hbm:s0], s1  }
0x23c: {  	s0 =	simm.s32 @!p0 $0x5  }
0x23d: {  	_ =	swait.ge @!p0 [sflag:s0], s1  }
0x23e: {  	s1 =	ssub.s32 @!p0 $0x0, s1;
	[sflag:s0] =	ssyncset.done @!p0 $0x0  }
0x23f: {  	[sflag:s0] =	ssyncadd.s32 @!p0 s1  }
0x240: {  	[bflag:$0x3] =	sbarrier.arrive $0xFFFF  }
0x241: {  	_ =	shalt  }

// kernel: sparse-core-data-format-call.1.cloned.1.call-start
scs
called_computation.1_lowered:
.L_overlay_start_0:
0x0: {  	s2 =	sld [smem:$0x3FD9]  }
0x1: {  	s3 =	sld [smem:$0x3FFE];
	_ =	sdelay $0x1  }
0x2: {  	s1 =	srdreg.scid  }
0x3: {  	s0 =	sand.u32 $0x1, s1  }
0x4: {  	s18 =	sshll.u32 s0, $0xA;
	s2 =	sadd.s32 s3, s2  }
0x5: {  	s2 =	sadd.s32 s2, s18  }
0x6: {  	[smem:$0x3FC6] =	sst s2  }
0x7: {  	_ = 	snop  }
0x8: {  	s2 =	sld [smem:$0x3FC8];
	(tm) =	ssettm $0x1  }
0x9: {  	s19 =	sld [smem:$0x3FFB];
	_ =	sdelay $0x3  }
0xa: {  	_ =	strace s19  }
0xb: {  	s3 =	sld [smem:$0x3FFC];
	_ =	sdelay $0x3  }
0xc: {  	_ =	strace s3  }
0xd: {  	s3 =	sld [smem:$0x3FFD];
	_ =	sdelay $0x3  }
0xe: {  	_ =	strace s3  }
0xf: {  	_ =	strace $0x8FFFFFFF  }
0x10: {  	s20 =	sld [smem:$0x3FDB];
	_ =	sdelay $0x1  }
0x11: {  	s4 =	simm.s32 $_scs_section_size  }
0x12: {  	s5 =	simm.s32 $_size__tile_overlayer_lowered;
	s6 =	simm.s32 $_tile_overlayer_lowered  }
0x13: {  	s23 =	simm.s32 $0x1BFF;
	s22 =	sshll.u32 s6, $0x1;
	s3 =	sadd.s32 s4, s20  }
0x14: {  	s7 =	simm.s32 $0x0;
	s21 =	sshll.u32 s5, $0x1;
	s5 =	sadd.s32 s22, s3  }
0x15: {  	[timem:s7], [sflag:s23] =	dma.local [hbm:s5], s21  }
0x16: {  	_ =	swait.ge [sflag:s23], s21  }
0x17: {  	s4 =	ssub.s32 $0x0, s21;
	[sflag:s23] =	ssyncset.done $0x0  }
0x18: {  	[sflag:s23] =	ssyncadd.s32 s4;
	_ =	sdelay $0x1  }
0x19: {  	s24 =	simm.s32 $0x1B8B  }
0x1a: {  	_ =	swait.ge [sflag:s24], $0x1  }
0x1b: {  	[sflag:s24] =	ssyncset.done $0x0  }
0x1c: {  	s26 =	simm.s32 $0x1B8E;
	s25 =	sld [smem:$0x3FFE];
	[sflag:s24] =	ssyncadd.s32 $0xFFFFFFFF  }
0x1d: {  	s27 =	simm.s32 $execute0_lowered;
	[smem:$0x3FD2] =	sst s26  }
0x1e: {  	s5 =	sshll.u32 s27, $0x1;
	_ =	strace $0x80000046;
	[dreg:$0x1] =	wrdreg $0xFFFFFFFF  }
0x1f: {  	s28 =	simm.s32 $_size_execute0_lowered;
	s3 =	sadd.s32 s3, s5;
	[dreg:$0x0] =	wrdreg $0x0  }
0x20: {  	s5 =	sshll.u32 s28, $0x1;
	[dreg:$0x2] =	wrdreg s3  }
0x21: {  	[dreg:$0x3] =	wrdreg s5  }
0x22: {  	[dreg:$0x4] =	wrdreg $0xC0  }
0x23: {  	_ =	task [dreg:s7], $0x5FFFF  }
0x24: {  	[dreg:$0x1] =	wrdreg $0xFFFFFFFF  }
0x25: {  	[dreg:$0x0] =	wrdreg $0x60  }
0x26: {  	[dreg:$0x2] =	wrdreg s2  }
0x27: {  	[dreg:$0x3] =	wrdreg s25  }
0x28: {  	[dreg:$0x4] =	wrdreg $0x9  }
0x29: {  	_ =	task.clear_ibuf [dreg:s7], $0x5FFFF;
	_ =	strace $0x90000046  }
0x2a: {  	s29 =	simm.s32 $0x9;
	_ =	strace $0x80000048  }
0x2b: {  	_ =	swait.ge [sflag:s29], $0x1  }
0x2c: {  	[sflag:s29] =	ssyncadd.s32 $0xFFFFFFFF  }
0x2d: {  	_ =	strace $0x90000048  }
0x2e: {  	_ =	sfence  }
0x2f: {  	s30 =	sld [smem:$0x0];
	_ =	sdelay $0x2  }
0x30: {  	s31 =	sshll.u32 s1, $0xD;
	s1 =	sshrl.u32 s1, $0x2  }
0x31: {  	s3 =	sand.u32 $0x4000, s31;
	s1 =	sadd.s32 s1, s30  }
0x32: {  	s0 =	sor.u32 s3, s0;
	s1 =	sshll.u32 s1, $0x11  }
0x33: {  	s0 =	sor.u32 s1, s0  }
0x34: {  	s0 =	sadd.s32 $0x8F2B, s0  }
0x35: {  	[sflag:s0] =	ssyncadd.remote.s32 $0x1  }
0x36: {  	_ =	sfence.sel $0xFFFF  }
0x37: {  	[dreg:$0x0] =	wrdreg $0xFFFFFFFF;
	(pc) =	sbr.abs _section_cstart, $3  }
0x38: {  	[dreg:$0x1] =	wrdreg $0xFFFFFFFF  }
0x39: {  	_ =	task.clear_ibuf [dreg:s7], $0x2FFFF;
	_ =	strace $0x9FFFFFFF  }
0x3a: {  	(tm) =	ssettm $0x7FFFFFFF  }
0x3b: {  	_ =	shalt  }
tec
execute0_lowered:
.L_overlay_start_1:
0x0: {  	(tag) =	ssettag $0x1  }
0x1: {  	s0 =	srdreg.scid;
	s2 =	rddreg [dreg:$0x0]  }
0x2: {  	s5 =	rddreg [dreg:$0x1];
	s1 =	stileid.u32  }
0x3: {  	s4 =	simm.s32 $0x1;
	s6 =	simm.s32 $0x2;
	s15 =	simm.s32 $0x0  }
0x4: {  	p0 =	por $0x0, $0x0;
	s8 =	simm.s32 $0x80;
	s0 =	sshll.u32 s0, $0x4  }
0x5: {  	s14 =	simm.s32 $0x0;
	s9 =	simm.s32 $0x0;
	s3 =	sand.u32 $0x10, s0  }
.Ltmp0:
0x6: {  	s10 =	simm.s32 $0x0;
	s3 =	sor.u32 s1, s3;
	(pc) =	sbr.rel .LBB1_1-.Ltmp0, $4  }
0x7: {  	s0 =	rddreg [dreg:$0x2];
	_ =	strace $0x80000047;
	s3 =	sshll.u32 s3, $0x7  }
0x8: {  	s12 =	simm.s32 $0x0;
	[sflag:s4] =	ssyncpa.u1 $0x0;
	s7 =	ssub.s32 $0xF4200, s3  }
0x9: {  	s13 =	simm.s32 $0x0;
	[sflag:s6] =	ssyncpa.u1 $0x0;
	s6 =	sshrl.u32 s7, $0xC  }
0xa: {  	s5 =	sadd.s32 $0xE00, s5;
	s11 =	smov.u32 s3;
	s7 =	sadd.s32 $0x2, s6  }
.LBB1_5:
0xb: {  	p1 =	slt.u32 s13, $0x2  }
0xc: {  	s17 =	smov.u32 s15;
	p2 =	sgt.s32 @!p1 s15, $0xF41C0;
	s16 =	sshra.s32 @!p1 s15, $0x1F  }
0xd: {  	p3 =	sgt.s32 @!p1 s14, $0x60;
	s18 =	sshra.s32 @!p1 s14, $0x1F;
	p2 =	por !p2, p1  }
0xe: {  	s15 =	sand.u32 @!p1 s16, s15;
	p3 =	por !p3, p1;
	s16 =	smov.u32 s14  }
0xf: {  	s14 =	sand.u32 @!p1 s18, s14;
	s17 =	simm.s32 @p2 $0xF41C0;
	s16 =	simm.s32 @p3 $0x60  }
0x10: {  	s15 =	ssub.s32 @!p1 s17, s15;
	s14 =	ssub.s32 @!p1 s16, s14  }
0x11: {  	s18 =	smov.u32 s12;
	s16 =	sadd.s32 @!p1 $0xFFF0BE40, s15;
	s17 =	sadd.s32 @!p1 $0xFFFFFFA0, s14  }
0x12: {  	s15 =	ssub.s32 @!p1 $0xF4240, s15;
	p2 =	sgt.s32 @!p1 s16, $0x7F;
	p3 =	sgt.s32 @!p1 s17, $0x1F  }
0x13: {  	s14 =	ssub.s32 @!p1 $0x80, s14;
	p2 =	por !p2, p1;
	p3 =	por !p3, p1  }
0x14: {  	s16 =	sadd.s32 $0x1000, s11;
	s15 =	simm.s32 @!p2 $0x0;
	s14 =	simm.s32 @!p3 $0x0  }
0x15: {  	p2 =	sgt.s32 s16, $0xF423F;
	s14 =	smul.u32 @!p1 s14, s15;
	s15 =	sadd.s32 $0x20, s12  }
0x16: {  	s18 =	smov.u32 @p2 s15  }
0x17: {  	s16 =	smov.u32 @p2 s3;
	p2 =	sgt.s32 s18, $0x1F  }
0x18: {  	s18 =	simm.s32 @p2 $0x0;
	p2 =	sne.s32 s13, s7  }
.Ltmp1:
0x19: {  	p0 =	por !p0, !p0;
	s17 =	simm.s32 @!p1 $0x2;
	(pc) =	sbr.rel @!p2 .LBB1_6-.Ltmp1, $4  }
0x1a: {  	s15 =	smov.u32 s9;
	s9 =	smov.u32 s11;
	s14 =	sand.u32 @!p1 $0x3FFFFFFF, s14  }
0x1b: {  	s11 =	smov.u32 s16;
	_ =	swait.ge @!p1 [sflag:s17], s14;
	s19 =	ssub.s32 @!p1 $0x0, s14  }
0x1c: {  	s14 =	smov.u32 s10;
	s13 =	sadd.s32 $0x1, s13;
	[sflag:s17] =	ssyncset.done @!p1 $0x0  }
0x1d: {  	s10 =	smov.u32 s12;
	s12 =	smov.u32 s18;
	[sflag:s17] =	ssyncadd.s32 @!p1 s19  }
.LBB1_1:
0x1e: {  	p1 =	sgt.u32 s13, s6  }
0x1f: {  	s16 =	sshrl.u32 @!p1 s12, $0x3  }
0x20: {  	s17 =	sshll.u32 @!p1 s11, $0x3;
	s16 =	smul.u32 @!p1 $0x7A1400, s16  }
0x21: {  	s18 =	sshll.u32 @!p1 s12, $0x7;
	s17 =	sand.u32 @!p1 $0xFFFFFC00, s17  }
0x22: {  	s16 =	sadd.s32 @!p1 s16, s17;
	s17 =	sand.u32 @!p1 $0x380, s18  }
0x23: {  	s18 =	sand.u32 @!p1 $0x7F, s11;
	s16 =	sor.u32 @!p1 s17, s16  }
0x24: {  	s17 =	sor.u32 @!p1 s18, s16  }
0x25: {  	s18 =	smulhi.u32 @!p1 $0x218D6287, s17;
	_ =	sdelay $0x1  }
0x26: {  	s16 =	smulhi.u32 @!p1 $0x218D6287, s16;
	s18 =	sshrl.u32 @!p1 s18, $0x11  }
0x27: {  	s18 =	smul.u32 @!p1 $0xF4280, s18  }
0x28: {  	s19 =	sxor.u32 @!p1 $0xFFFFFFFF, s13;
	s16 =	sshrl.u32 @!p1 s16, $0x11  }
0x29: {  	s19 =	sshll.u32 @!p1 s19, $0xC;
	s16 =	sand.u32 @!p1 $0x1F, s16;
	s17 =	ssub.s32 @!p1 s17, s18  }
0x2a: {  	s16 =	smul.u32 @!p1 $0x1E850, s16;
	s18 =	sshrl.u32 @!p1 s17, $0x3;
	s17 =	sand.u32 @!p1 $0x7, s17  }
0x2b: {  	s19 =	sand.u32 @!p1 $0x1000, s19;
	s18 =	sadd.s32 @!p1 s2, s18;
	s17 =	sshll.u32 @!p1 s17, $0x12  }
0x2c: {  	s16 =	sadd.s32 @!p1 s16, s18;
	s17 =	sor.u32 @!p1 $0x400, s17;
	s18 =	simm.s32 @!p1 $0x7A1400  }
0x2d: {  	[tilespmem:s19], [sflag:$0x1] =	stream.strided.gather @!p1 [hbm4b:s16+s17], $0x1000, s18, s17, $0x38;
	[tilespmem:$0x4100] =	vst v63  }
0x2e: {  	p1 =	seq.s32 s13, $0x0  }
0x2f: {  	p2 =	sge.u32 @!p1 s13, s7  }
0x30: {  	p1 =	por p1, p2  }
.Ltmp2:
0x31: {  	_ = 	snop;
	(pc) =	sbr.rel @p1 .LBB1_5-.Ltmp2, $1  }
0x32: {  	_ =	sdelay $0x3  }
0x33: {  	s16 =	simm.s32 $0x1  }
0x34: {  	_ =	swait.ge [sflag:s4], $0x1000;
	s16 =	simm.s32 @!p0 $0x0  }
0x35: {  	[sflag:s4] =	ssyncset.done $0x0;
	s17 =	sshll.u32 s16, $0xC  }
0x36: {  	[sflag:s4] =	ssyncadd.s32 $0xFFFFF000;
	s17 =	sor.u32 $0x40, s17  }
0x37: {  	s16 =	smul.u32 $0x4200, s16;
	v0 =	vld [tilespmem:s17+$0x30]  }
0x38: {  	v1 =	vld [tilespmem:s17+$0xFFFFFFD0]  }
0x39: {  	s16 =	sshrl.u32 s16, $0x2;
	v5 =	vld [tilespmem:s17+$0xFFFFFFE0]  }
0x3a: {  	v6 =	vld [tilespmem:s17+$0xFFFFFFF0];
	s19 =	sor.u32 $0x2000, s16  }
0x3b: {  	s31 =	sand.u32 $0x1, s13;
	v4 =	vld [tilespmem:s17+$0x0];
	s18 =	sadd.s32 $0x0, s19  }
0x3c: {  	v3 =	vld [tilespmem:s17+$0x10];
	s16 =	smul.u32 $0x4200, s31;
	[tilespmem:s18+$0xE70 ss:$0x21] =	vst.msk $0xffff, v0  }
0x3d: {  	v2 =	vld [tilespmem:s17+$0x20];
	[tilespmem:s18+$0x210 ss:$0x21] =	vst.msk $0xffff, v1  }
0x3e: {  	s16 =	sshrl.u32 s16, $0x2;
	v1 =	vld [tilespmem:s17+$0xFFFFFFC0];
	[tilespmem:s18+$0x420 ss:$0x21] =	vst.msk $0xffff, v5;
	s17 =	sadd.s32 $0x80, s17  }
0x3f: {  	s20 =	simm.s32 $0x4;
	s21 =	simm.s32 $0x8;
	s16 =	sor.u32 $0x2000, s16;
	[tilespmem:s18+$0x630 ss:$0x21] =	vst.msk $0xffff, v6;
	v0 =	vld [tilespmem:s17+$0x30]  }
.LBB1_3:
0x40: {  	p1 =	sne.s32 s21, $0x7C;
	v5 =	vld [tilespmem:s17+$0xFFFFFFD0];
	[tilespmem:s18+$0x840 ss:$0x21] =	vst.msk $0xffff, v4  }
0x41: {  	v6 =	vld [tilespmem:s17+$0xFFFFFFE0];
	[tilespmem:s18+$0xA50 ss:$0x21] =	vst.msk $0xffff, v3  }
0x42: {  	s22 =	sshra.s32 s20, $0x2;
	s20 =	smov.u32 s21;
	v7 =	vld [tilespmem:s17+$0xFFFFFFF0];
	[tilespmem:s18+$0xC60 ss:$0x21] =	vst.msk $0xffff, v2  }
.Ltmp3:
0x43: {  	v4 =	vld [tilespmem:s17+$0x0];
	[tilespmem:s18+$0x0 ss:$0x21] =	vst.msk $0xffff, v1;
	s18 =	sadd.s32 s22, s19;
	(pc) =	sbr.rel @p1 .LBB1_3-.Ltmp3, $4  }
0x44: {  	v3 =	vld [tilespmem:s17+$0x10];
	[tilespmem:s18+$0xE70 ss:$0x21] =	vst.msk $0xffff, v0  }
0x45: {  	[tilespmem:s18+$0x210 ss:$0x21] =	vst.msk $0xffff, v5;
	v2 =	vld [tilespmem:s17+$0x20]  }
0x46: {  	v1 =	vld [tilespmem:s17+$0xFFFFFFC0];
	[tilespmem:s18+$0x420 ss:$0x21] =	vst.msk $0xffff, v6;
	s17 =	sadd.s32 $0x80, s17  }
0x47: {  	s21 =	sadd.s32 $0x4, s21;
	v0 =	vld [tilespmem:s17+$0x30];
	[tilespmem:s18+$0x630 ss:$0x21] =	vst.msk $0xffff, v7  }
0x48: {  	s21 =	sshll.u32 s9, $0x7;
	s22 =	sshll.u32 s10, $0x3;
	s20 =	sshra.s32 s20, $0x2  }
0x49: {  	p1 =	sgt.s32 s9, $0xF41C0;
	s30 =	sshra.s32 s9, $0x1F;
	s25 =	sshra.s32 s10, $0x1F  }
0x4a: {  	v5 =	vld [tilespmem:s17+$0xFFFFFFD0];
	s28 =	sshrl.u32 s10, $0x3;
	s23 =	sand.u32 $0xFFFFFC00, s21;
	s22 =	sand.u32 $0xFFFFFC00, s22  }
0x4b: {  	[tilespmem:s18+$0x840 ss:$0x21] =	vst.msk $0xffff, v4;
	v58 =	vld [tilespmem:s17+$0xFFFFFFE0];
	s21 =	sand.u32 $0x380, s21;
	s19 =	sadd.s32 s20, s19;
	s22 =	sadd.s32 s22, s23  }
0x4c: {  	v59 =	vld [tilespmem:s17+$0xFFFFFFF0];
	[tilespmem:s18+$0xA50 ss:$0x21] =	vst.msk $0xffff, v3;
	s29 =	sor.u32 s21, s22;
	s21 =	smov.u32 s9;
	s22 =	sand.u32 s30, s9  }
0x4d: {  	v60 =	vld [tilespmem:s17+$0x0];
	[tilespmem:s18+$0xC60 ss:$0x21] =	vst.msk $0xffff, v2;
	s30 =	sand.u32 $0x7, s10;
	s20 =	sshrl.u32 s29, $0x7;
	s21 =	simm.s32 @!p1 $0xF41C0  }
0x4e: {  	v61 =	vld [tilespmem:s17+$0x10];
	[tilespmem:s18+$0x0 ss:$0x21] =	vst.msk $0xffff, v1;
	p1 =	sgt.s32 s10, $0x60;
	s24 =	ssub.s32 s21, s22;
	s21 =	smov.u32 s10  }
0x4f: {  	v62 =	vld [tilespmem:s17+$0x20];
	[tilespmem:s19+$0xE70 ss:$0x21] =	vst.msk $0xffff, v0;
	s31 =	smulhi.u32 $0x218DEF5, s20;
	s22 =	sand.u32 s25, s10;
	s21 =	simm.s32 @!p1 $0x60  }
0x50: {  	v63 =	vld [tilespmem:s17+$0xFFFFFFC0];
	[tilespmem:s19+$0x210 ss:$0x21] =	vst.msk $0xffff, v5;
	s26 =	sadd.s32 $0xFFF0BE40, s24;
	s17 =	ssub.s32 $0xF4240, s24;
	s21 =	ssub.s32 s21, s22  }
0x51: {  	[tilespmem:s19+$0x420 ss:$0x21] =	vst.msk $0xffff, v58;
	s23 =	sshrl.u32 s31, $0xD;
	p1 =	sgt.s32 s26, $0x7F;
	s27 =	sadd.s32 $0xFFFFFFA0, s21  }
0x52: {  	[tilespmem:s19+$0x630 ss:$0x21] =	vst.msk $0xffff, v59;
	s23 =	smul.u32 $0xF4240, s23;
	s18 =	ssub.s32 $0x80, s21;
	p2 =	sgt.s32 s27, $0x1F  }
.Ltmp4:
0x53: {  	[tilespmem:s19+$0x840 ss:$0x21] =	vst.msk $0xffff, v60;
	s17 =	simm.s32 @p1 $0x0;
	s18 =	simm.s32 @p2 $0x0;
	(pc) =	sbr.rel .LBB1_5-.Ltmp4, $4  }
0x54: {  	s29 =	sand.u32 $0xF, s28;
	[tilespmem:s19+$0xA50 ss:$0x21] =	vst.msk $0xffff, v61;
	s20 =	ssub.s32 s20, s23;
	s17 =	smul.u32 s18, s17  }
0x55: {  	[tilespmem:s19+$0xC60 ss:$0x21] =	vst.msk $0xffff, v62;
	s21 =	sshll.u32 s30, $0x12;
	s20 =	sshll.u32 s20, $0x4;
	s18 =	sadd.s32 s5, s29  }
0x56: {  	[tilespmem:s19+$0x0 ss:$0x21] =	vst.msk $0xffff, v63;
	s31 =	sor.u32 $0x20, s21;
	s18 =	sadd.s32 s20, s18;
	s17 =	sand.u32 $0x3FFFFFFF, s17  }
0x57: {  	[hbm4b:s18+s31] =	stream.strided.scatter [tilespmem:s16], [sflag:$0x2], s17, s8, s31, $0x10;
	[tilespmem:$0x4100] =	vst v63  }
.LBB1_6:
0x58: {  	_ =	sfence.sel $0x180000  }
0x59: {  	s2 =	simm.s32 $0x1;
	[bflag:$0x0] =	sbarrier.arrive $0xFFFF  }
0x5a: {  	s31 =	simm.s32 $0x2;
	[sflag:s2] =	ssyncpa.u1 $0x1  }
0x5b: {  	[sflag:s31] =	ssyncpa.u1 $0x1  }
0x5c: {  	p0 =	sne.s32 s1, $0x0;
	_ =	strace $0x90000047  }
0x5d: {  	s0 =	sadd.s32 @!p0 $0x100000, s0;
	[bflag:$0x2] =	sbarrier.arrive $0xFFFF  }
0x5e: {  	[sflag:s0] =	ssyncadd.tile.s32 @!p0 $0x1;
	_ =	shalt  }
.Lfunc_end1:
_tile_overlayer_lowered:
.L_overlay_start_2:
0x5f: {  	(tag) =	ssettag $0x2  }
0x60: {  	s0 =	rddreg [dreg:$0x0];
	s2 =	stileid.u32  }
0x61: {  	s1 =	rddreg [dreg:$0x1];
	p0 =	sne.s32 s2, $0x0  }
0x62: {  	s3 =	rddreg [dreg:$0x2];
	[bflag:$0x3] =	sbarrier.arrive $0xFFFF;
	s2 =	simm.s32 @!p0 $0x1C01  }
0x63: {  	[timem:s3], [sflag:s2] =	dma.local @!p0 [hbm:s0], s1  }
0x64: {  	s0 =	simm.s32 @!p0 $0x1  }
0x65: {  	_ =	swait.ge @!p0 [sflag:s0], s1  }
0x66: {  	s1 =	ssub.s32 @!p0 $0x0, s1;
	[sflag:s0] =	ssyncset.done @!p0 $0x0  }
0x67: {  	[sflag:s0] =	ssyncadd.s32 @!p0 s1  }
0x68: {  	[bflag:$0x3] =	sbarrier.arrive $0xFFFF  }
0x69: {  	_ =	shalt  }

// kernel: sparse-core-data-format-call.cloned.1.call-start
scs
called_computation_lowered:
.L_overlay_start_0:
0x0: {  	s2 =	sld [smem:$0x3FD9]  }
0x1: {  	s3 =	sld [smem:$0x3FFE];
	_ =	sdelay $0x1  }
0x2: {  	s1 =	srdreg.scid  }
0x3: {  	s0 =	sand.u32 $0x1, s1  }
0x4: {  	s18 =	sshll.u32 s0, $0xA;
	s2 =	sadd.s32 s3, s2  }
0x5: {  	s2 =	sadd.s32 s2, s18  }
0x6: {  	[smem:$0x3FC6] =	sst s2  }
0x7: {  	_ = 	snop  }
0x8: {  	s2 =	sld [smem:$0x3FD0];
	(tm) =	ssettm $0x1  }
0x9: {  	s19 =	sld [smem:$0x3FFB];
	_ =	sdelay $0x3  }
0xa: {  	_ =	strace s19  }
0xb: {  	s3 =	sld [smem:$0x3FFC];
	_ =	sdelay $0x3  }
0xc: {  	_ =	strace s3  }
0xd: {  	s3 =	sld [smem:$0x3FFD];
	_ =	sdelay $0x3  }
0xe: {  	_ =	strace s3  }
0xf: {  	_ =	strace $0x8FFFFFFF  }
0x10: {  	s20 =	sld [smem:$0x3FDB];
	_ =	sdelay $0x1  }
0x11: {  	s4 =	simm.s32 $_scs_section_size  }
0x12: {  	s5 =	simm.s32 $_size__tile_overlayer_lowered;
	s6 =	simm.s32 $_tile_overlayer_lowered  }
0x13: {  	s23 =	simm.s32 $0x1BFF;
	s22 =	sshll.u32 s6, $0x1;
	s3 =	sadd.s32 s4, s20  }
0x14: {  	s7 =	simm.s32 $0x0;
	s21 =	sshll.u32 s5, $0x1;
	s5 =	sadd.s32 s22, s3  }
0x15: {  	[timem:s7], [sflag:s23] =	dma.local [hbm:s5], s21  }
0x16: {  	_ =	swait.ge [sflag:s23], s21  }
0x17: {  	s4 =	ssub.s32 $0x0, s21;
	[sflag:s23] =	ssyncset.done $0x0  }
0x18: {  	[sflag:s23] =	ssyncadd.s32 s4;
	_ =	sdelay $0x1  }
0x19: {  	s24 =	simm.s32 $0x1B8B  }
0x1a: {  	_ =	swait.ge [sflag:s24], $0x1  }
0x1b: {  	[sflag:s24] =	ssyncset.done $0x0  }
0x1c: {  	s26 =	simm.s32 $0x1B8E;
	s25 =	sld [smem:$0x3FFE];
	[sflag:s24] =	ssyncadd.s32 $0xFFFFFFFF  }
0x1d: {  	s27 =	simm.s32 $execute0_lowered;
	[smem:$0x3FD2] =	sst s26  }
0x1e: {  	s5 =	sshll.u32 s27, $0x1;
	_ =	strace $0x8000004C;
	[dreg:$0x1] =	wrdreg $0xFFFFFFFF  }
0x1f: {  	s28 =	simm.s32 $_size_execute0_lowered;
	s3 =	sadd.s32 s3, s5;
	[dreg:$0x0] =	wrdreg $0x0  }
0x20: {  	s5 =	sshll.u32 s28, $0x1;
	[dreg:$0x2] =	wrdreg s3  }
0x21: {  	[dreg:$0x3] =	wrdreg s5  }
0x22: {  	[dreg:$0x4] =	wrdreg $0xC0  }
0x23: {  	_ =	task [dreg:s7], $0x5FFFF  }
0x24: {  	[dreg:$0x1] =	wrdreg $0xFFFFFFFF  }
0x25: {  	[dreg:$0x0] =	wrdreg $0x60  }
0x26: {  	[dreg:$0x2] =	wrdreg s25  }
0x27: {  	[dreg:$0x3] =	wrdreg s2  }
0x28: {  	[dreg:$0x4] =	wrdreg $0x9  }
0x29: {  	_ =	task.clear_ibuf [dreg:s7], $0x5FFFF;
	_ =	strace $0x9000004C  }
0x2a: {  	s29 =	simm.s32 $0x9;
	_ =	strace $0x8000004E  }
0x2b: {  	_ =	swait.ge [sflag:s29], $0x1  }
0x2c: {  	[sflag:s29] =	ssyncadd.s32 $0xFFFFFFFF  }
0x2d: {  	_ =	strace $0x9000004E  }
0x2e: {  	_ =	sfence  }
0x2f: {  	s30 =	sld [smem:$0x0];
	_ =	sdelay $0x2  }
0x30: {  	s31 =	sshll.u32 s1, $0xD;
	s1 =	sshrl.u32 s1, $0x2  }
0x31: {  	s3 =	sand.u32 $0x4000, s31;
	s1 =	sadd.s32 s1, s30  }
0x32: {  	s0 =	sor.u32 s3, s0;
	s1 =	sshll.u32 s1, $0x11  }
0x33: {  	s0 =	sor.u32 s1, s0  }
0x34: {  	s0 =	sadd.s32 $0x8F2B, s0  }
0x35: {  	[sflag:s0] =	ssyncadd.remote.s32 $0x1  }
0x36: {  	_ =	sfence.sel $0xFFFF  }
0x37: {  	[dreg:$0x0] =	wrdreg $0xFFFFFFFF;
	(pc) =	sbr.abs _section_cstart, $3  }
0x38: {  	[dreg:$0x1] =	wrdreg $0xFFFFFFFF  }
0x39: {  	_ =	task.clear_ibuf [dreg:s7], $0x2FFFF;
	_ =	strace $0x9FFFFFFF  }
0x3a: {  	(tm) =	ssettm $0x7FFFFFFF  }
0x3b: {  	_ =	shalt  }
tec
execute0_lowered:
.L_overlay_start_1:
0x0: {  	(tag) =	ssettag $0x1  }
0x1: {  	s0 =	srdreg.scid  }
0x2: {  	s1 =	sshll.u32 s0, $0x4  }
0x3: {  	s0 =	stileid.u32;
	s1 =	sand.u32 $0x10, s1  }
0x4: {  	s1 =	sor.u32 s0, s1  }
0x5: {  	s6 =	rddreg [dreg:$0x0];
	s4 =	simm.s32 $0x1;
	s2 =	sshll.u32 s1, $0x7  }
0x6: {  	s7 =	simm.s32 $0x2;
	s12 =	simm.s32 $0x0;
	s1 =	ssub.s32 $0x4000, s2  }
0x7: {  	s8 =	simm.s32 $0x20000;
	s13 =	simm.s32 $0x0;
	s3 =	sand.u32 $0xF80, s1  }
0x8: {  	s9 =	simm.s32 $0x0;
	s5 =	sshrl.u32 s1, $0xC;
	p0 =	sne.s32 s3, $0x0  }
.Ltmp0:
0x9: {  	s1 =	rddreg [dreg:$0x2];
	s4 =	simm.s32 @!p0 $0x0;
	(pc) =	sbr.rel .LBB1_1-.Ltmp0, $4  }
0xa: {  	s11 =	simm.s32 $0x0;
	s3 =	rddreg [dreg:$0x1];
	s5 =	sadd.s32 s4, s5  }
0xb: {  	_ =	strace $0x8000004D;
	s4 =	simm.s32 $0x1;
	s5 =	smul.u32 $0x32, s5  }
0xc: {  	s6 =	sadd.s32 $0xE00, s6;
	s10 =	smov.u32 s2;
	[sflag:s4] =	ssyncpa.u1 $0x0  }
0xd: {  	p0 =	por $0x0, $0x0;
	[sflag:s7] =	ssyncpa.u1 $0x0;
	s7 =	sor.u32 $0x1, s5  }
.LBB1_4:
0xe: {  	s16 =	sshll.u32 s13, $0x3;
	s17 =	sand.u32 $0x78, s13  }
0xf: {  	s30 =	sand.u32 $0xF800, s13;
	s12 =	sshll.u32 s12, $0x10;
	s16 =	sand.u32 $0x3C00, s16  }
0x10: {  	s31 =	sand.u32 $0x7, s13;
	s16 =	sor.u32 s17, s16;
	s17 =	sadd.s32 s3, s30  }
0x11: {  	s13 =	sshll.u32 s31, $0x12;
	s16 =	sshrl.u32 s16, $0x3;
	s12 =	sadd.s32 s12, s17  }
0x12: {  	[tilespmem:s15+$0x0 ss:$0x81] =	vst.msk $0xffff, v0;
	s13 =	sor.u32 $0x400, s13;
	s12 =	sadd.s32 s16, s12  }
0x13: {  	[hbm4b:s12+s13] =	stream.strided.scatter [tilespmem:s14], [sflag:$0x2], $0x1000, s8, s13, $0x20;
	[tilespmem:$0x4040] =	vst v63  }
.LBB1_5:
0x14: {  	s14 =	sadd.s32 $0x1, s9  }
0x15: {  	s12 =	sadd.s32 $0x1000, s10;
	s16 =	smov.u32 s10;
	p2 =	sgt.s32 s14, $0x31  }
0x16: {  	s16 =	smov.u32 @p2 s12  }
0x17: {  	s14 =	simm.s32 @p2 $0x0;
	p2 =	sgt.s32 s16, $0x3FFF  }
0x18: {  	s16 =	smov.u32 @p2 s2;
	p2 =	sne.s32 s11, s7  }
.Ltmp1:
0x19: {  	p1 =	slt.u32 s11, $0x2;
	(pc) =	sbr.rel @!p2 .LBB1_6-.Ltmp1, $4  }
0x1a: {  	s15 =	simm.s32 @!p1 $0x2  }
0x1b: {  	s13 =	smov.u32 s10;
	p0 =	por !p0, !p0;
	_ =	swait.ge @!p1 [sflag:s15], $0x1000  }
0x1c: {  	s12 =	smov.u32 s9;
	[sflag:s15] =	ssyncset.done @!p1 $0x0;
	s9 =	smov.u32 s14  }
0x1d: {  	s11 =	sadd.s32 $0x1, s11;
	[sflag:s15] =	ssyncadd.s32 @!p1 $0xFFFFF000;
	s10 =	smov.u32 s16  }
.LBB1_1:
0x1e: {  	p1 =	sge.u32 s11, s5  }
0x1f: {  	s14 =	sand.u32 @!p1 $0x1FFFFFF, s9  }
0x20: {  	s15 =	smulhi.u32 @!p1 $0x4924925, s14;
	_ =	sdelay $0x1  }
0x21: {  	s15 =	smul.u32 @!p1 $0x38, s15  }
0x22: {  	s16 =	sxor.u32 @!p1 $0xFFFFFFFF, s11;
	s17 =	smul.u32 @!p1 $0x380, s10  }
0x23: {  	s31 =	sadd.s32 $0xFFFFFFFF, s11;
	s16 =	sshll.u32 @!p1 s16, $0xC;
	s14 =	ssub.s32 @!p1 s14, s15  }
0x24: {  	s15 =	sand.u32 @!p1 $0x1000, s16;
	s16 =	sadd.s32 @!p1 s6, s17;
	s14 =	sshll.u32 @!p1 s14, $0x4  }
0x25: {  	s17 =	simm.s32 @!p1 $0x1C00;
	s14 =	sadd.s32 @!p1 s14, s16;
	s16 =	simm.s32 @!p1 $0x20  }
0x26: {  	[tilespmem:s15], [sflag:$0x1] =	stream.strided.gather @!p1 [hbm4b:s14+s16], $0x1000, s17, s16, $0x38;
	[tilespmem:$0x4040] =	vst v63  }
0x27: {  	p1 =	sge.u32 s31, s5  }
.Ltmp2:
0x28: {  	_ = 	snop;
	(pc) =	sbr.rel @p1 .LBB1_5-.Ltmp2, $1  }
0x29: {  	_ =	sdelay $0x3  }
0x2a: {  	s14 =	simm.s32 $0x1  }
0x2b: {  	_ =	swait.ge [sflag:s4], $0x1000;
	s14 =	simm.s32 @!p0 $0x0  }
0x2c: {  	[sflag:s4] =	ssyncset.done $0x0;
	s15 =	sshll.u32 s14, $0xC  }
0x2d: {  	[sflag:s4] =	ssyncadd.s32 $0xFFFFF000;
	s18 =	sor.u32 $0x10, s15  }
0x2e: {  	s14 =	smul.u32 $0x4080, s14;
	v1 =	vld [tilespmem:s18+$0x0]  }
0x2f: {  	s30 =	sand.u32 $0x1, s11;
	v0 =	vld [tilespmem:s18+$0xFFFFFFF0]  }
0x30: {  	s15 =	smul.u32 $0x4080, s30;
	s14 =	sshrl.u32 s14, $0x2  }
0x31: {  	s16 =	sor.u32 $0x2000, s14  }
0x32: {  	s31 =	sshrl.u32 s15, $0x2;
	s15 =	sadd.s32 $0x0, s16  }
0x33: {  	s17 =	simm.s32 $0x4;
	s18 =	sadd.s32 $0x20, s18;
	s14 =	sor.u32 $0x2000, s31;
	[tilespmem:s15+$0x810 ss:$0x81] =	vst.msk $0xffff, v1  }
.LBB1_3:
0x34: {  	v1 =	vld [tilespmem:s18+$0x0];
	p1 =	sne.s32 s17, $0x1FC;
	[tilespmem:s15+$0x0 ss:$0x81] =	vst.msk $0xffff, v0;
	s15 =	smov.u32 s17;
	s17 =	sadd.s32 $0x4, s17  }
.Ltmp3:
0x35: {  	v0 =	vld [tilespmem:s18+$0xFFFFFFF0];
	(pc) =	sbr.rel @p1 .LBB1_3-.Ltmp3, $4  }
0x36: {  	_ = 	snop  }
0x37: {  	s15 =	sshra.s32 s15, $0x2  }
0x38: {  	s15 =	sadd.s32 s15, s16  }
0x39: {  	s18 =	sadd.s32 $0x20, s18;
	[tilespmem:s15+$0x810 ss:$0x81] =	vst.msk $0xffff, v1  }
.Ltmp4:
0x3a: {  	_ = 	snop;
	(pc) =	sbr.rel .LBB1_4-.Ltmp4, $1  }
0x3b: {  	_ =	sdelay $0x3  }
.LBB1_6:
0x3c: {  	_ =	sfence.sel $0x180000  }
0x3d: {  	s2 =	simm.s32 $0x1;
	[bflag:$0x0] =	sbarrier.arrive $0xFFFF  }
0x3e: {  	s31 =	simm.s32 $0x2;
	[sflag:s2] =	ssyncpa.u1 $0x1  }
0x3f: {  	[sflag:s31] =	ssyncpa.u1 $0x1  }
0x40: {  	p0 =	sne.s32 s0, $0x0;
	_ =	strace $0x9000004D  }
0x41: {  	s0 =	sadd.s32 @!p0 $0x100000, s1;
	[bflag:$0x2] =	sbarrier.arrive $0xFFFF  }
0x42: {  	[sflag:s0] =	ssyncadd.tile.s32 @!p0 $0x1;
	_ =	shalt  }
.Lfunc_end1:
_tile_overlayer_lowered:
.L_overlay_start_2:
0x43: {  	(tag) =	ssettag $0x2  }
0x44: {  	s0 =	rddreg [dreg:$0x0];
	s2 =	stileid.u32  }
0x45: {  	s1 =	rddreg [dreg:$0x1];
	p0 =	sne.s32 s2, $0x0  }
0x46: {  	s3 =	rddreg [dreg:$0x2];
	[bflag:$0x3] =	sbarrier.arrive $0xFFFF;
	s2 =	simm.s32 @!p0 $0x1C01  }
0x47: {  	[timem:s3], [sflag:s2] =	dma.local @!p0 [hbm:s0], s1  }
0x48: {  	s0 =	simm.s32 @!p0 $0x1  }
0x49: {  	_ =	swait.ge @!p0 [sflag:s0], s1  }
0x4a: {  	s1 =	ssub.s32 @!p0 $0x0, s1;
	[sflag:s0] =	ssyncset.done @!p0 $0x0  }
0x4b: {  	[sflag:s0] =	ssyncadd.s32 @!p0 s1  }
0x4c: {  	[bflag:$0x3] =	sbarrier.arrive $0xFFFF  }
0x4d: {  	_ =	shalt  }

</sc_bundles>
